<compile_context>
chip_gen: v7x
topology: tpu7x:2x2x1
jax: 0.10.2.dev20260603
libtpu: 0.0.44.dev20260713+nightly
codegen_flags: <defaults>
</compile_context>

<pallas_src>
import functools

import numpy as np
import jax
import jax.numpy as jnp
from jax import lax
from jax.experimental import pallas as pl
from jax.experimental.pallas import tpu as pltpu
from jax.experimental.pallas import tpu_sc as plsc

N = 10000
NPAD = 10240
E = 320000
NG = 32
BN_EPS = 1e-5
INV_SQRT_BN = float(1.0 / np.sqrt(1.0 + BN_EPS))

NC = 2
NS = 16
CH = 125
ROWS_T = NPAD // NS

R = 2000
NB = N // R


def _sc_mesh():
    return plsc.VectorSubcoreMesh(core_axis_name="c", subcore_axis_name="s")


DEG_W = 16


def _deg_call(src3, zeros1, ones1):
    nch = E // (NC * NS) // CH

    @functools.partial(
        pl.kernel,
        mesh=_sc_mesh(),
        out_type=jax.ShapeDtypeStruct((NC, NPAD, DEG_W), jnp.float32),
        compiler_params=pltpu.CompilerParams(use_tc_tiling_on_sc=False),
        scratch_types=[
            pltpu.VMEM((nch, CH), jnp.int32),
            pltpu.VMEM((CH, DEG_W), jnp.float32),
            pltpu.VMEM_SHARED((NPAD, DEG_W), jnp.float32),
        ],
    )
    def deg_k(src_ref, z_ref, one_ref, out_ref, idx_v, ones_v, acc):
        c = lax.axis_index("c")
        s = lax.axis_index("s")
        w = c * NS + s
        pltpu.sync_copy(z_ref, acc.at[pl.ds(s * ROWS_T, ROWS_T)])
        pltpu.sync_copy(src_ref.at[w], idx_v)
        pltpu.sync_copy(one_ref, ones_v)
        plsc.subcore_barrier()

        def body(j, carry):
            pltpu.sync_copy(ones_v, acc.at[idx_v.at[j]], add=True)
            return carry

        lax.fori_loop(0, nch, body, 0)
        plsc.subcore_barrier()
        pltpu.sync_copy(acc.at[pl.ds(s * ROWS_T, ROWS_T)],
                        out_ref.at[c, pl.ds(s * ROWS_T, ROWS_T)])

    return deg_k(src3, zeros1, ones1)


def _spmm_call(tab, src3, dst3, zeros_d, d):
    nch = E // (NC * NS) // CH
    kb = 20
    nblk = nch // kb

    @functools.partial(
        pl.kernel,
        mesh=_sc_mesh(),
        out_type=jax.ShapeDtypeStruct((NC, NPAD, d), jnp.float32),
        compiler_params=pltpu.CompilerParams(use_tc_tiling_on_sc=False),
        scratch_types=[
            pltpu.VMEM((kb, CH), jnp.int32),
            pltpu.VMEM((kb, CH), jnp.int32),
            pltpu.VMEM((CH, d), jnp.float32),
            pltpu.VMEM((CH, d), jnp.float32),
            pltpu.VMEM_SHARED((NPAD, d), jnp.float32),
            pltpu.SemaphoreType.DMA,
            pltpu.SemaphoreType.DMA,
        ],
    )
    def spmm_k(tab_ref, src_ref, dst_ref, z_ref, out_ref,
               src_v, dst_v, rows_a, rows_b, acc, sem_a, sem_b):
        c = lax.axis_index("c")
        s = lax.axis_index("s")
        w = c * NS + s
        pltpu.sync_copy(z_ref, acc.at[pl.ds(s * ROWS_T, ROWS_T)])
        plsc.subcore_barrier()

        def blk_body(blk, carry):
            pltpu.sync_copy(src_ref.at[w, pl.ds(blk * kb, kb)], src_v)
            pltpu.sync_copy(dst_ref.at[w, pl.ds(blk * kb, kb)], dst_v)
            pltpu.async_copy(tab_ref.at[src_v.at[0]], rows_a, sem_a)

            def body(i, carry2):
                ja = 2 * i
                jb = ja + 1
                pltpu.async_copy(tab_ref.at[src_v.at[jb]], rows_b, sem_b)
                pltpu.make_async_copy(
                    tab_ref.at[src_v.at[ja]], rows_a, sem_a).wait()
                pltpu.sync_copy(rows_a, acc.at[dst_v.at[ja]], add=True)

                @pl.when(jb + 1 < kb)
                def _():
                    pltpu.async_copy(tab_ref.at[src_v.at[jb + 1]],
                                     rows_a, sem_a)

                pltpu.make_async_copy(
                    tab_ref.at[src_v.at[jb]], rows_b, sem_b).wait()
                pltpu.sync_copy(rows_b, acc.at[dst_v.at[jb]], add=True)
                return carry2

            lax.fori_loop(0, kb // 2, body, 0)
            return carry

        lax.fori_loop(0, nblk, blk_body, 0)
        plsc.subcore_barrier()
        pltpu.sync_copy(acc.at[pl.ds(s * ROWS_T, ROWS_T)],
                        out_ref.at[c, pl.ds(s * ROWS_T, ROWS_T)])

    return spmm_k(tab, src3, dst3, zeros_d)



def _row_spec(d, third=None):
    if third is None:
        return pl.BlockSpec((R, d), lambda i: (i, 0))
    return pl.BlockSpec((NC, R, d), lambda i: (0, i, 0))


def _full_spec(shape):
    nd = len(shape)
    return pl.BlockSpec(shape, lambda i, _n=nd: (0,) * _n)


def _prep_call(deg2, x):
    def body(deg_ref, x_ref, dinv_ref, xp_ref):
        dsum = deg_ref[0, :, 0:1] + deg_ref[1, :, 0:1]
        dinv = jnp.where(dsum > 0.0, lax.rsqrt(jnp.maximum(dsum, 1.0)), 0.0)
        dinv_ref[...] = dinv
        xp_ref[...] = x_ref[...] * dinv

    return pl.pallas_call(
        body,
        grid=(NB,),
        in_specs=[_row_spec(DEG_W, third=True), _row_spec(128)],
        out_specs=[_row_spec(1), _row_spec(128)],
        out_shape=[
            jax.ShapeDtypeStruct((N, 1), jnp.float32),
            jax.ShapeDtypeStruct((NPAD, 128), jnp.float32),
        ],
    )(deg2, x)


def _pre_call(x, w1):
    def body(x_ref, w1_ref, o0_ref):
        o0_ref[...] = jnp.dot(x_ref[...], w1_ref[0],
                              preferred_element_type=jnp.float32)

    return pl.pallas_call(
        body,
        grid=(NB,),
        in_specs=[_row_spec(128), _full_spec((3, 128, 128))],
        out_specs=_row_spec(128),
        out_shape=jax.ShapeDtypeStruct((N, 128), jnp.float32),
    )(x, w1)


def _mid1a_call(u1, dinv):
    def body(u_ref, dinv_ref, yp_ref):
        dinv = dinv_ref[...]
        yp_ref[...] = (u_ref[0] + u_ref[1]) * (-dinv * dinv)

    return pl.pallas_call(
        body,
        grid=(NB,),
        in_specs=[_row_spec(128, third=True), _row_spec(1)],
        out_specs=_row_spec(128),
        out_shape=jax.ShapeDtypeStruct((NPAD, 128), jnp.float32),
    )(u1, dinv)


def _mid1b_call(u1, dinv, o0, w1):
    def body(u_ref, dinv_ref, o0_ref, w1_ref, o1_ref):
        dinv = dinv_ref[...]
        t1 = (u_ref[0] + u_ref[1]) * (-dinv)
        o1_ref[...] = o0_ref[...] + jnp.dot(
            t1, w1_ref[1], preferred_element_type=jnp.float32)

    return pl.pallas_call(
        body,
        grid=(NB,),
        in_specs=[_row_spec(128, third=True), _row_spec(1), _row_spec(128),
                  _full_spec((3, 128, 128))],
        out_specs=_row_spec(128),
        out_shape=jax.ShapeDtypeStruct((N, 128), jnp.float32),
    )(u1, dinv, o0, w1)


def _mid2_call(u2, dinv, x, o1p, w1, b1, gam, bet, w2, b2):
    def body(u_ref, dinv_ref, x_ref, o1_ref, w1_ref, b1_ref, g_ref, be_ref,
             w2_ref, b2_ref, o2_ref, ab_ref):
        dinv = dinv_ref[...]
        t2 = (u_ref[0] + u_ref[1]) * (-2.0 * dinv) - x_ref[...]
        pre = (o1_ref[...]
               + jnp.dot(t2, w1_ref[2], preferred_element_type=jnp.float32)
               + b1_ref[...])
        h = jnp.maximum(pre, 0.0)
        h = h * (g_ref[...] * INV_SQRT_BN) + be_ref[...]
        a = jnp.dot(h, w2_ref[1], preferred_element_type=jnp.float32)
        b = jnp.dot(h, w2_ref[2], preferred_element_type=jnp.float32)
        o2_ref[...] = (
            jnp.dot(h, w2_ref[0], preferred_element_type=jnp.float32)
            - b + b2_ref[...])
        ab_ref[...] = jnp.concatenate([a, b], axis=1) * dinv

    return pl.pallas_call(
        body,
        grid=(NB,),
        in_specs=[_row_spec(128, third=True), _row_spec(1), _row_spec(128),
                  _row_spec(128), _full_spec((3, 128, 128)),
                  _full_spec((1, 128)), _full_spec((1, 128)),
                  _full_spec((1, 128)), _full_spec((3, 128, 64)),
                  _full_spec((1, 64))],
        out_specs=[_row_spec(64), _row_spec(128)],
        out_shape=[
            jax.ShapeDtypeStruct((N, 64), jnp.float32),
            jax.ShapeDtypeStruct((NPAD, 128), jnp.float32),
        ],
    )(u2, dinv, x, o1p, w1, b1, gam, bet, w2, b2)


def _mid3_call(uab, dinv, o2p):
    def body(u_ref, dinv_ref, o2_ref, o2b_ref, cp_ref):
        dinv = dinv_ref[...]
        usum = u_ref[0] + u_ref[1]
        o2b_ref[...] = o2_ref[...] - dinv * usum[:, :64]
        cp_ref[...] = -(dinv * dinv) * usum[:, 64:]

    return pl.pallas_call(
        body,
        grid=(NB,),
        in_specs=[_row_spec(128, third=True), _row_spec(1), _row_spec(64)],
        out_specs=[_row_spec(64), _row_spec(64)],
        out_shape=[
            jax.ShapeDtypeStruct((N, 64), jnp.float32),
            jax.ShapeDtypeStruct((NPAD, 64), jnp.float32),
        ],
    )(uab, dinv, o2p)


def _final_call(uc, dinv, o2b, batch2, wlin, blin):
    def body(uc_ref, dinv_ref, o2b_ref, b_ref, wl_ref, bl_ref, out_ref,
             s_ref, c_ref, m_ref):
        i = pl.program_id(0)

        @pl.when(i == 0)
        def _():
            s_ref[...] = jnp.zeros_like(s_ref)
            c_ref[...] = jnp.zeros_like(c_ref)
            m_ref[...] = jnp.full_like(m_ref, -1e30)

        dinv = dinv_ref[...]
        llb = (uc_ref[0] + uc_ref[1]) * (-2.0 * dinv)
        h2 = jnp.maximum(o2b_ref[...] + llb, 0.0)
        b = b_ref[...]
        gids = lax.broadcasted_iota(jnp.int32, (1, NG), 1)
        onehot = (b == gids).astype(jnp.float32)
        s_ref[...] += lax.dot_general(
            onehot, h2, (((0,), (0,)), ((), ())),
            preferred_element_type=jnp.float32)
        ones = jnp.ones((R, 1), jnp.float32)
        c_ref[...] += lax.dot_general(
            onehot, ones, (((0,), (0,)), ((), ())),
            preferred_element_type=jnp.float32)
        lo = b[0, 0]
        hi = b[R - 1, 0]

        def gmax(g, carry):
            vals = jnp.where(b == g, h2, -1e30)
            mg = jnp.max(vals, axis=0, keepdims=True)
            m_ref[pl.ds(g, 1), :] = jnp.maximum(m_ref[pl.ds(g, 1), :], mg)
            return carry

        lax.fori_loop(lo, hi + 1, gmax, 0)

        @pl.when(i == NB - 1)
        def _():
            s = s_ref[...]
            cnt = c_ref[...]
            mean = s / jnp.maximum(cnt, 1.0)
            mx = jnp.where(m_ref[...] > -1e29, m_ref[...], 0.0)
            pooled = jnp.concatenate([s, mean, mx], axis=1)
            out_ref[...] = (
                jnp.dot(pooled, wl_ref[...],
                        preferred_element_type=jnp.float32) + bl_ref[...])

    return pl.pallas_call(
        body,
        grid=(NB,),
        in_specs=[_row_spec(64, third=True), _row_spec(1), _row_spec(64),
                  _row_spec(1), _full_spec((192, 16)), _full_spec((1, 16))],
        out_specs=pl.BlockSpec((NG, 16), lambda i: (0, 0)),
        out_shape=jax.ShapeDtypeStruct((NG, 16), jnp.float32),
        scratch_shapes=[
            pltpu.VMEM((NG, 64), jnp.float32),
            pltpu.VMEM((NG, 1), jnp.float32),
            pltpu.VMEM((NG, 64), jnp.float32),
        ],
    )(uc, dinv, o2b, batch2, wlin, blin)


def kernel(x, edge_index, batch, W1, b1, bn_gamma, bn_beta, W2, b2, Wlin, blin):
    src = edge_index[0]
    dst = edge_index[1]
    src_d = src.reshape(NC * NS, E // (NC * NS) // CH, CH)
    dst_d = dst.reshape(NC * NS, E // (NC * NS) // CH, CH)

    zeros1 = jnp.zeros((ROWS_T, DEG_W), jnp.float32)
    ones1 = jnp.ones((CH, DEG_W), jnp.float32)
    zeros128 = jnp.zeros((ROWS_T, 128), jnp.float32)
    zeros64 = jnp.zeros((ROWS_T, 64), jnp.float32)

    o0 = _pre_call(x, W1)
    deg2 = _deg_call(src_d, zeros1, ones1)
    dinv, xp = _prep_call(deg2, x)
    u1 = _spmm_call(xp, src_d, dst_d, zeros128, 128)
    yp = _mid1a_call(u1, dinv)
    u2 = _spmm_call(yp, src_d, dst_d, zeros128, 128)
    o1p = _mid1b_call(u1, dinv, o0, W1)

    b1r = b1.reshape(1, 128)
    gam = bn_gamma.reshape(1, 128)
    bet = bn_beta.reshape(1, 128)
    b2r = b2.reshape(1, 64)
    o2p, ab = _mid2_call(u2, dinv, x, o1p, W1, b1r, gam, bet, W2, b2r)

    uab = _spmm_call(ab, src_d, dst_d, zeros128, 128)
    o2b, cp = _mid3_call(uab, dinv, o2p)
    uc = _spmm_call(cp, src_d, dst_d, zeros64, 64)

    batch2 = batch.reshape(N, 1)
    blr = blin.reshape(1, 16)
    return _final_call(uc, dinv, o2b, batch2, Wlin, blr)

# --- scband reference (transcript-rebuilt; emitter-appended) ---
"""Pipeline reference for scband-cheb-gcnn-3p-uw-81063212744712 (READ-ONLY COPY).

The authoritative reference and input builder live on the scoring server;
editing this copy changes nothing except your own understanding.
"""

import jax, jax.numpy as jnp
import numpy as np

N = 10000
E = 320000
IN_F = 128
CL1 = 128
CL2 = 64
K = 3
OUT_F = 16
NG = 32
BN_EPS = 1e-5


def setup_inputs(seed: int = 0) -> dict:
    key = jax.random.key(seed)
    ks = jax.random.split(key, 10)
    x = jax.random.normal(ks[0], (N, IN_F), dtype=jnp.float32)
    edge_index = jax.random.randint(ks[1], (2, E), 0, N, dtype=jnp.int32)
    batch = jnp.sort(jax.random.randint(ks[2], (N,), 0, NG, dtype=jnp.int32))
    W1 = jax.random.normal(ks[3], (K, IN_F, CL1), dtype=jnp.float32) * 0.05
    b1 = jnp.zeros((CL1,), dtype=jnp.float32)
    W2 = jax.random.normal(ks[4], (K, CL1, CL2), dtype=jnp.float32) * 0.05
    b2 = jnp.zeros((CL2,), dtype=jnp.float32)
    bn_gamma = jnp.ones((CL1,), dtype=jnp.float32)
    bn_beta = jnp.zeros((CL1,), dtype=jnp.float32)
    Wlin = jax.random.normal(ks[5], (CL2 * 3, OUT_F), dtype=jnp.float32) * 0.05
    blin = jnp.zeros((OUT_F,), dtype=jnp.float32)
    return {"x": x, "edge_index": edge_index, "batch": batch, "W1": W1, "b1": b1,
            "bn_gamma": bn_gamma, "bn_beta": bn_beta, "W2": W2, "b2": b2,
            "Wlin": Wlin, "blin": blin}


def _cheb_conv(x, edge_index, W, b):
    # PyG ChebConv with sym normalization, lambda_max=2.0 (default, no edge weights):
    # L_hat = 2L/lambda_max - I = -D^{-1/2} A D^{-1/2}
    src = edge_index[0]
    dst = edge_index[1]
    n = x.shape[0]
    deg = jax.ops.segment_sum(jnp.ones((src.shape[0],), x.dtype), src, num_segments=n)
    dinv = jnp.where(deg > 0, 1.0 / jnp.sqrt(jnp.maximum(deg, 1.0)), 0.0)
    w = -dinv[src] * dinv[dst]

    def lap(t):
        return jax.ops.segment_sum(w[:, None] * t[src], dst, num_segments=n)

    Tx0 = x
    out = Tx0 @ W[0]
    Tx1 = lap(x)
    out = out + Tx1 @ W[1]
    Tx2 = 2.0 * lap(Tx1) - Tx0
    out = out + Tx2 @ W[2]
    return out + b


def reference(x, edge_index, batch, W1, b1, bn_gamma, bn_beta, W2, b2, Wlin, blin):
    h = jax.nn.relu(_cheb_conv(x, edge_index, W1, b1))
    # BatchNorm1d in eval mode with running_mean=0, running_var=1; dropout is identity in eval
    h = (h / jnp.sqrt(1.0 + BN_EPS)) * bn_gamma + bn_beta
    h = jax.nn.relu(_cheb_conv(h, edge_index, W2, b2))
    s = jax.ops.segment_sum(h, batch, num_segments=NG)
    cnt = jax.ops.segment_sum(jnp.ones((h.shape[0],), h.dtype), batch, num_segments=NG)
    mean = s / jnp.maximum(cnt, 1.0)[:, None]
    mx = jax.ops.segment_max(h, batch, num_segments=NG)
    mx = jnp.where(jnp.isfinite(mx), mx, 0.0)
    pooled = jnp.concatenate([s, mean, mx], axis=-1)
    return pooled @ Wlin + blin

if __name__ == "__main__":
    import jax
    _d = setup_inputs()
    print(jax.jit(kernel)(*tuple(_d.values())))

</pallas_src>

<mosaic_0001>
#map = affine_map<(d0, d1) -> (0, 0, 0)>
#map1 = affine_map<(d0, d1) -> (0, 0)>
module attributes {stable_mosaic.version = 14 : i64} {
  func.func @deg_k(%arg0: i32, %arg1: i32, %arg2: memref<32x80x125xi32, #tpu.memory_space<hbm>>, %arg3: memref<640x16xf32, #tpu.memory_space<hbm>>, %arg4: memref<125x16xf32, #tpu.memory_space<hbm>>, %arg5: memref<2x10240x16xf32, #tpu.memory_space<hbm>>, %arg6: memref<80x125xi32, #tpu.memory_space<vmem>>, %arg7: memref<125x16xf32, #tpu.memory_space<vmem>>, %arg8: memref<10240x16xf32, #tpu.memory_space<vmem_shared>>) attributes {dimension_semantics = [#tpu.dimension_semantics<core_parallel>, #tpu.dimension_semantics<subcore_parallel>], iteration_bounds = array<i64: 2, 16>, scalar_prefetch = 0 : i64, scratch_operands = 3 : i64, tpu.core_type = #tpu.core_type<sc_vector_subcore>, window_params = [{transform_indices = #map}, {transform_indices = #map1}, {transform_indices = #map1}, {transform_indices = #map}]} {
    %mul3A = arith.constant 16 : i32
    %mul3A_0 = arith.muli %arg0, %mul3A : i32
    %add3A = arith.addi %mul3A_0, %arg1 : i32
    %mul3A_1 = arith.constant 640 : i32
    %mul3A_2 = arith.muli %arg1, %mul3A_1 : i32
    "tpu.region"() ({
      %run_scoped3A = tpu.sem_alloc : memref<!tpu.dma_semaphore, #tpu.memory_space<semaphore_mem>>
      %dma_start3A = arith.constant 0 : i32
      %dma_start3A_13 = tpu.memref_slice %arg8[%mul3A_2, %dma_start3A] : memref<10240x16xf32, #tpu.memory_space<vmem_shared>> -> memref<640x16xf32, #tpu.memory_space<vmem_shared>>
      tpu.enqueue_dma source(%arg3 : memref<640x16xf32, #tpu.memory_space<hbm>>) target(%dma_start3A_13 : memref<640x16xf32, #tpu.memory_space<vmem_shared>>) target_semaphore(%run_scoped3A : memref<!tpu.dma_semaphore, #tpu.memory_space<semaphore_mem>>)
      %dma_wait3A = arith.constant 0 : i32
      %dma_wait3A_14 = tpu.memref_slice %arg8[%mul3A_2, %dma_wait3A] : memref<10240x16xf32, #tpu.memory_space<vmem_shared>> -> memref<640x16xf32, #tpu.memory_space<vmem_shared>>
      tpu.wait_dma2 semaphore(%run_scoped3A : memref<!tpu.dma_semaphore, #tpu.memory_space<semaphore_mem>>) src(%arg3 : memref<640x16xf32, #tpu.memory_space<hbm>>) dst(%dma_wait3A_14 : memref<640x16xf32, #tpu.memory_space<vmem_shared>>)
      tpu.yield
    }) : () -> ()
    "tpu.region"() ({
      %run_scoped3A = tpu.sem_alloc : memref<!tpu.dma_semaphore, #tpu.memory_space<semaphore_mem>>
      %dma_start3A = arith.constant 0 : i32
      %dma_start3A_13 = arith.constant 0 : i32
      %dma_start3A_14 = tpu.memref_slice %arg2[%add3A, %dma_start3A, %dma_start3A_13] : memref<32x80x125xi32, #tpu.memory_space<hbm>> -> memref<1x80x125xi32, #tpu.memory_space<hbm>>
      %dma_start3A_15 = tpu.memref_squeeze %dma_start3A_14 : memref<1x80x125xi32, #tpu.memory_space<hbm>> -> memref<80x125xi32, #tpu.memory_space<hbm>>
      %dma_start3A_16 = arith.constant 0 : i32
      %dma_start3A_17 = arith.constant 0 : i32
      %dma_start3A_18 = tpu.memref_slice %arg2[%add3A, %dma_start3A_16, %dma_start3A_17] : memref<32x80x125xi32, #tpu.memory_space<hbm>> -> memref<1x80x125xi32, #tpu.memory_space<hbm>>
      %dma_start3A_19 = tpu.memref_squeeze %dma_start3A_18 : memref<1x80x125xi32, #tpu.memory_space<hbm>> -> memref<80x125xi32, #tpu.memory_space<hbm>>
      tpu.enqueue_dma source(%dma_start3A_19 : memref<80x125xi32, #tpu.memory_space<hbm>>) target(%arg6 : memref<80x125xi32, #tpu.memory_space<vmem>>) target_semaphore(%run_scoped3A : memref<!tpu.dma_semaphore, #tpu.memory_space<semaphore_mem>>)
      %dma_wait3A = arith.constant 0 : i32
      %dma_wait3A_20 = arith.constant 0 : i32
      %dma_wait3A_21 = tpu.memref_slice %arg2[%add3A, %dma_wait3A, %dma_wait3A_20] : memref<32x80x125xi32, #tpu.memory_space<hbm>> -> memref<1x80x125xi32, #tpu.memory_space<hbm>>
      %dma_wait3A_22 = tpu.memref_squeeze %dma_wait3A_21 : memref<1x80x125xi32, #tpu.memory_space<hbm>> -> memref<80x125xi32, #tpu.memory_space<hbm>>
      %dma_wait3A_23 = arith.constant 0 : i32
      %dma_wait3A_24 = arith.constant 0 : i32
      %dma_wait3A_25 = tpu.memref_slice %arg2[%add3A, %dma_wait3A_23, %dma_wait3A_24] : memref<32x80x125xi32, #tpu.memory_space<hbm>> -> memref<1x80x125xi32, #tpu.memory_space<hbm>>
      %dma_wait3A_26 = tpu.memref_squeeze %dma_wait3A_25 : memref<1x80x125xi32, #tpu.memory_space<hbm>> -> memref<80x125xi32, #tpu.memory_space<hbm>>
      tpu.wait_dma2 semaphore(%run_scoped3A : memref<!tpu.dma_semaphore, #tpu.memory_space<semaphore_mem>>) src(%dma_wait3A_26 : memref<80x125xi32, #tpu.memory_space<hbm>>) dst(%arg6 : memref<80x125xi32, #tpu.memory_space<vmem>>)
      tpu.yield
    }) : () -> ()
    "tpu.region"() ({
      %run_scoped3A = tpu.sem_alloc : memref<!tpu.dma_semaphore, #tpu.memory_space<semaphore_mem>>
      tpu.enqueue_dma source(%arg4 : memref<125x16xf32, #tpu.memory_space<hbm>>) target(%arg7 : memref<125x16xf32, #tpu.memory_space<vmem>>) target_semaphore(%run_scoped3A : memref<!tpu.dma_semaphore, #tpu.memory_space<semaphore_mem>>)
      tpu.wait_dma2 semaphore(%run_scoped3A : memref<!tpu.dma_semaphore, #tpu.memory_space<semaphore_mem>>) src(%arg4 : memref<125x16xf32, #tpu.memory_space<hbm>>) dst(%arg7 : memref<125x16xf32, #tpu.memory_space<vmem>>)
      tpu.yield
    }) : () -> ()
    %barrier3A = arith.constant 0 : index
    tpu.barrier barrier_id(%barrier3A)
    %scan3A = arith.constant 0 : i32
    %scan3A_3 = arith.constant 0 : i32
    %scan3A_4 = arith.constant 80 : i32
    %scan3A_5 = arith.addi %scan3A_3, %scan3A_4 : i32
    %scan3A_6 = arith.constant 1 : i32
    scf.for %scan3A_13 = %scan3A_3 to %scan3A_5 step %scan3A_6  : i32 {
      "tpu.region"() ({
        %run_scoped3A = tpu.sem_alloc : memref<!tpu.dma_semaphore, #tpu.memory_space<semaphore_mem>>
        %dma_start3A = arith.constant 0 : i32
        %dma_start3A_14 = tpu.memref_slice %arg6[%scan3A_13, %dma_start3A] : memref<80x125xi32, #tpu.memory_space<vmem>> -> memref<1x125xi32, #tpu.memory_space<vmem>>
        %dma_start3A_15 = tpu.memref_squeeze %dma_start3A_14 : memref<1x125xi32, #tpu.memory_space<vmem>> -> memref<125xi32, #tpu.memory_space<vmem>>
        %dma_start3A_16 = arith.constant 0 : i32
        %dma_start3A_17 = arith.constant 0 : i32
        %dma_start3A_18 = tpu.memref_slice %arg8[%dma_start3A_16, %dma_start3A_17] : memref<10240x16xf32, #tpu.memory_space<vmem_shared>> -> memref<10240x16xf32, #tpu.memory_space<vmem_shared>>
        tpu.enqueue_indirect_dma source(%arg7 : memref<125x16xf32, #tpu.memory_space<vmem>>) target(%dma_start3A_18 : memref<10240x16xf32, #tpu.memory_space<vmem_shared>>) offsets(%dma_start3A_15 : memref<125xi32, #tpu.memory_space<vmem>>) semaphore(%run_scoped3A : memref<!tpu.dma_semaphore, #tpu.memory_space<semaphore_mem>>) {add = true}
        %dma_wait3A = arith.constant 0 : i32
        %dma_wait3A_19 = tpu.memref_slice %arg6[%scan3A_13, %dma_wait3A] : memref<80x125xi32, #tpu.memory_space<vmem>> -> memref<1x125xi32, #tpu.memory_space<vmem>>
        %dma_wait3A_20 = tpu.memref_squeeze %dma_wait3A_19 : memref<1x125xi32, #tpu.memory_space<vmem>> -> memref<125xi32, #tpu.memory_space<vmem>>
        %dma_wait3A_21 = arith.constant 0 : i32
        %dma_wait3A_22 = arith.constant 0 : i32
        %dma_wait3A_23 = tpu.memref_slice %arg8[%dma_wait3A_21, %dma_wait3A_22] : memref<10240x16xf32, #tpu.memory_space<vmem_shared>> -> memref<10240x16xf32, #tpu.memory_space<vmem_shared>>
        tpu.wait_indirect_dma semaphore(%run_scoped3A : memref<!tpu.dma_semaphore, #tpu.memory_space<semaphore_mem>>) src(%arg7 : memref<125x16xf32, #tpu.memory_space<vmem>>) dst(%dma_wait3A_23 : memref<10240x16xf32, #tpu.memory_space<vmem_shared>>)
        tpu.yield
      }) : () -> ()
    }
    %scan3A_7 = arith.constant 80 : i32
    %barrier3A_8 = arith.constant 0 : index
    tpu.barrier barrier_id(%barrier3A_8)
    %mul3A_9 = arith.constant 640 : i32
    %mul3A_10 = arith.muli %arg1, %mul3A_9 : i32
    %mul3A_11 = arith.constant 640 : i32
    %mul3A_12 = arith.muli %arg1, %mul3A_11 : i32
    "tpu.region"() ({
      %run_scoped3A = tpu.sem_alloc : memref<!tpu.dma_semaphore, #tpu.memory_space<semaphore_mem>>
      %dma_start3A = arith.constant 0 : i32
      %dma_start3A_13 = tpu.memref_slice %arg5[%arg0, %mul3A_12, %dma_start3A] : memref<2x10240x16xf32, #tpu.memory_space<hbm>> -> memref<1x640x16xf32, #tpu.memory_space<hbm>>
      %dma_start3A_14 = tpu.memref_squeeze %dma_start3A_13 : memref<1x640x16xf32, #tpu.memory_space<hbm>> -> memref<640x16xf32, #tpu.memory_space<hbm>>
      %dma_start3A_15 = arith.constant 0 : i32
      %dma_start3A_16 = tpu.memref_slice %arg8[%mul3A_10, %dma_start3A_15] : memref<10240x16xf32, #tpu.memory_space<vmem_shared>> -> memref<640x16xf32, #tpu.memory_space<vmem_shared>>
      tpu.enqueue_dma source(%dma_start3A_16 : memref<640x16xf32, #tpu.memory_space<vmem_shared>>) target(%dma_start3A_14 : memref<640x16xf32, #tpu.memory_space<hbm>>) target_semaphore(%run_scoped3A : memref<!tpu.dma_semaphore, #tpu.memory_space<semaphore_mem>>)
      %dma_wait3A = arith.constant 0 : i32
      %dma_wait3A_17 = tpu.memref_slice %arg5[%arg0, %mul3A_12, %dma_wait3A] : memref<2x10240x16xf32, #tpu.memory_space<hbm>> -> memref<1x640x16xf32, #tpu.memory_space<hbm>>
      %dma_wait3A_18 = tpu.memref_squeeze %dma_wait3A_17 : memref<1x640x16xf32, #tpu.memory_space<hbm>> -> memref<640x16xf32, #tpu.memory_space<hbm>>
      %dma_wait3A_19 = arith.constant 0 : i32
      %dma_wait3A_20 = tpu.memref_slice %arg8[%mul3A_10, %dma_wait3A_19] : memref<10240x16xf32, #tpu.memory_space<vmem_shared>> -> memref<640x16xf32, #tpu.memory_space<vmem_shared>>
      tpu.wait_dma2 semaphore(%run_scoped3A : memref<!tpu.dma_semaphore, #tpu.memory_space<semaphore_mem>>) src(%dma_wait3A_20 : memref<640x16xf32, #tpu.memory_space<vmem_shared>>) dst(%dma_wait3A_18 : memref<640x16xf32, #tpu.memory_space<hbm>>)
      tpu.yield
    }) : () -> ()
    return
  }
}

#map = affine_map<(d0, d1) -> (0, 0)>
#map1 = affine_map<(d0, d1) -> (0, 0, 0)>
module attributes {stable_mosaic.version = 14 : i64} {
  func.func @spmm_k(%arg0: i32, %arg1: i32, %arg2: memref<10240x128xf32, #tpu.memory_space<hbm>>, %arg3: memref<32x80x125xi32, #tpu.memory_space<hbm>>, %arg4: memref<32x80x125xi32, #tpu.memory_space<hbm>>, %arg5: memref<640x128xf32, #tpu.memory_space<hbm>>, %arg6: memref<2x10240x128xf32, #tpu.memory_space<hbm>>, %arg7: memref<20x125xi32, #tpu.memory_space<vmem>>, %arg8: memref<20x125xi32, #tpu.memory_space<vmem>>, %arg9: memref<125x128xf32, #tpu.memory_space<vmem>>, %arg10: memref<125x128xf32, #tpu.memory_space<vmem>>, %arg11: memref<10240x128xf32, #tpu.memory_space<vmem_shared>>, %arg12: memref<!tpu.dma_semaphore, #tpu.memory_space<semaphore_mem>>, %arg13: memref<!tpu.dma_semaphore, #tpu.memory_space<semaphore_mem>>) attributes {dimension_semantics = [#tpu.dimension_semantics<core_parallel>, #tpu.dimension_semantics<subcore_parallel>], iteration_bounds = array<i64: 2, 16>, scalar_prefetch = 0 : i64, scratch_operands = 7 : i64, tpu.core_type = #tpu.core_type<sc_vector_subcore>, window_params = [{transform_indices = #map}, {transform_indices = #map1}, {transform_indices = #map1}, {transform_indices = #map}, {transform_indices = #map1}]} {
    %mul3A = arith.constant 16 : i32
    %mul3A_0 = arith.muli %arg0, %mul3A : i32
    %add3A = arith.addi %mul3A_0, %arg1 : i32
    %mul3A_1 = arith.constant 640 : i32
    %mul3A_2 = arith.muli %arg1, %mul3A_1 : i32
    "tpu.region"() ({
      %run_scoped3A = tpu.sem_alloc : memref<!tpu.dma_semaphore, #tpu.memory_space<semaphore_mem>>
      %dma_start3A = arith.constant 0 : i32
      %dma_start3A_13 = tpu.memref_slice %arg11[%mul3A_2, %dma_start3A] : memref<10240x128xf32, #tpu.memory_space<vmem_shared>> -> memref<640x128xf32, #tpu.memory_space<vmem_shared>>
      tpu.enqueue_dma source(%arg5 : memref<640x128xf32, #tpu.memory_space<hbm>>) target(%dma_start3A_13 : memref<640x128xf32, #tpu.memory_space<vmem_shared>>) target_semaphore(%run_scoped3A : memref<!tpu.dma_semaphore, #tpu.memory_space<semaphore_mem>>)
      %dma_wait3A = arith.constant 0 : i32
      %dma_wait3A_14 = tpu.memref_slice %arg11[%mul3A_2, %dma_wait3A] : memref<10240x128xf32, #tpu.memory_space<vmem_shared>> -> memref<640x128xf32, #tpu.memory_space<vmem_shared>>
      tpu.wait_dma2 semaphore(%run_scoped3A : memref<!tpu.dma_semaphore, #tpu.memory_space<semaphore_mem>>) src(%arg5 : memref<640x128xf32, #tpu.memory_space<hbm>>) dst(%dma_wait3A_14 : memref<640x128xf32, #tpu.memory_space<vmem_shared>>)
      tpu.yield
    }) : () -> ()
    %barrier3A = arith.constant 0 : index
    tpu.barrier barrier_id(%barrier3A)
    %scan3A = arith.constant 0 : i32
    %scan3A_3 = arith.constant 0 : i32
    %scan3A_4 = arith.constant 4 : i32
    %scan3A_5 = arith.addi %scan3A_3, %scan3A_4 : i32
    %scan3A_6 = arith.constant 1 : i32
    scf.for %scan3A_13 = %scan3A_3 to %scan3A_5 step %scan3A_6  : i32 {
      %mul3A_14 = arith.constant 20 : i32
      %mul3A_15 = arith.muli %scan3A_13, %mul3A_14 : i32
      "tpu.region"() ({
        %run_scoped3A = tpu.sem_alloc : memref<!tpu.dma_semaphore, #tpu.memory_space<semaphore_mem>>
        %dma_start3A_30 = arith.constant 0 : i32
        %dma_start3A_31 = tpu.memref_slice %arg3[%add3A, %mul3A_15, %dma_start3A_30] : memref<32x80x125xi32, #tpu.memory_space<hbm>> -> memref<1x20x125xi32, #tpu.memory_space<hbm>>
        %dma_start3A_32 = tpu.memref_squeeze %dma_start3A_31 : memref<1x20x125xi32, #tpu.memory_space<hbm>> -> memref<20x125xi32, #tpu.memory_space<hbm>>
        %dma_start3A_33 = arith.constant 0 : i32
        %dma_start3A_34 = tpu.memref_slice %arg3[%add3A, %mul3A_15, %dma_start3A_33] : memref<32x80x125xi32, #tpu.memory_space<hbm>> -> memref<1x20x125xi32, #tpu.memory_space<hbm>>
        %dma_start3A_35 = tpu.memref_squeeze %dma_start3A_34 : memref<1x20x125xi32, #tpu.memory_space<hbm>> -> memref<20x125xi32, #tpu.memory_space<hbm>>
        tpu.enqueue_dma source(%dma_start3A_35 : memref<20x125xi32, #tpu.memory_space<hbm>>) target(%arg7 : memref<20x125xi32, #tpu.memory_space<vmem>>) target_semaphore(%run_scoped3A : memref<!tpu.dma_semaphore, #tpu.memory_space<semaphore_mem>>)
        %dma_wait3A = arith.constant 0 : i32
        %dma_wait3A_36 = tpu.memref_slice %arg3[%add3A, %mul3A_15, %dma_wait3A] : memref<32x80x125xi32, #tpu.memory_space<hbm>> -> memref<1x20x125xi32, #tpu.memory_space<hbm>>
        %dma_wait3A_37 = tpu.memref_squeeze %dma_wait3A_36 : memref<1x20x125xi32, #tpu.memory_space<hbm>> -> memref<20x125xi32, #tpu.memory_space<hbm>>
        %dma_wait3A_38 = arith.constant 0 : i32
        %dma_wait3A_39 = tpu.memref_slice %arg3[%add3A, %mul3A_15, %dma_wait3A_38] : memref<32x80x125xi32, #tpu.memory_space<hbm>> -> memref<1x20x125xi32, #tpu.memory_space<hbm>>
        %dma_wait3A_40 = tpu.memref_squeeze %dma_wait3A_39 : memref<1x20x125xi32, #tpu.memory_space<hbm>> -> memref<20x125xi32, #tpu.memory_space<hbm>>
        tpu.wait_dma2 semaphore(%run_scoped3A : memref<!tpu.dma_semaphore, #tpu.memory_space<semaphore_mem>>) src(%dma_wait3A_40 : memref<20x125xi32, #tpu.memory_space<hbm>>) dst(%arg7 : memref<20x125xi32, #tpu.memory_space<vmem>>)
        tpu.yield
      }) : () -> ()
      %mul3A_16 = arith.constant 20 : i32
      %mul3A_17 = arith.muli %scan3A_13, %mul3A_16 : i32
      "tpu.region"() ({
        %run_scoped3A = tpu.sem_alloc : memref<!tpu.dma_semaphore, #tpu.memory_space<semaphore_mem>>
        %dma_start3A_30 = arith.constant 0 : i32
        %dma_start3A_31 = tpu.memref_slice %arg4[%add3A, %mul3A_17, %dma_start3A_30] : memref<32x80x125xi32, #tpu.memory_space<hbm>> -> memref<1x20x125xi32, #tpu.memory_space<hbm>>
        %dma_start3A_32 = tpu.memref_squeeze %dma_start3A_31 : memref<1x20x125xi32, #tpu.memory_space<hbm>> -> memref<20x125xi32, #tpu.memory_space<hbm>>
        %dma_start3A_33 = arith.constant 0 : i32
        %dma_start3A_34 = tpu.memref_slice %arg4[%add3A, %mul3A_17, %dma_start3A_33] : memref<32x80x125xi32, #tpu.memory_space<hbm>> -> memref<1x20x125xi32, #tpu.memory_space<hbm>>
        %dma_start3A_35 = tpu.memref_squeeze %dma_start3A_34 : memref<1x20x125xi32, #tpu.memory_space<hbm>> -> memref<20x125xi32, #tpu.memory_space<hbm>>
        tpu.enqueue_dma source(%dma_start3A_35 : memref<20x125xi32, #tpu.memory_space<hbm>>) target(%arg8 : memref<20x125xi32, #tpu.memory_space<vmem>>) target_semaphore(%run_scoped3A : memref<!tpu.dma_semaphore, #tpu.memory_space<semaphore_mem>>)
        %dma_wait3A = arith.constant 0 : i32
        %dma_wait3A_36 = tpu.memref_slice %arg4[%add3A, %mul3A_17, %dma_wait3A] : memref<32x80x125xi32, #tpu.memory_space<hbm>> -> memref<1x20x125xi32, #tpu.memory_space<hbm>>
        %dma_wait3A_37 = tpu.memref_squeeze %dma_wait3A_36 : memref<1x20x125xi32, #tpu.memory_space<hbm>> -> memref<20x125xi32, #tpu.memory_space<hbm>>
        %dma_wait3A_38 = arith.constant 0 : i32
        %dma_wait3A_39 = tpu.memref_slice %arg4[%add3A, %mul3A_17, %dma_wait3A_38] : memref<32x80x125xi32, #tpu.memory_space<hbm>> -> memref<1x20x125xi32, #tpu.memory_space<hbm>>
        %dma_wait3A_40 = tpu.memref_squeeze %dma_wait3A_39 : memref<1x20x125xi32, #tpu.memory_space<hbm>> -> memref<20x125xi32, #tpu.memory_space<hbm>>
        tpu.wait_dma2 semaphore(%run_scoped3A : memref<!tpu.dma_semaphore, #tpu.memory_space<semaphore_mem>>) src(%dma_wait3A_40 : memref<20x125xi32, #tpu.memory_space<hbm>>) dst(%arg8 : memref<20x125xi32, #tpu.memory_space<vmem>>)
        tpu.yield
      }) : () -> ()
      %dma_start3A = arith.constant 0 : i32
      %dma_start3A_18 = arith.constant 0 : i32
      %dma_start3A_19 = tpu.memref_slice %arg7[%dma_start3A, %dma_start3A_18] : memref<20x125xi32, #tpu.memory_space<vmem>> -> memref<1x125xi32, #tpu.memory_space<vmem>>
      %dma_start3A_20 = tpu.memref_squeeze %dma_start3A_19 : memref<1x125xi32, #tpu.memory_space<vmem>> -> memref<125xi32, #tpu.memory_space<vmem>>
      %dma_start3A_21 = arith.constant 0 : i32
      %dma_start3A_22 = arith.constant 0 : i32
      %dma_start3A_23 = tpu.memref_slice %arg2[%dma_start3A_21, %dma_start3A_22] : memref<10240x128xf32, #tpu.memory_space<hbm>> -> memref<10240x128xf32, #tpu.memory_space<hbm>>
      tpu.enqueue_indirect_dma source(%dma_start3A_23 : memref<10240x128xf32, #tpu.memory_space<hbm>>) target(%arg9 : memref<125x128xf32, #tpu.memory_space<vmem>>) offsets(%dma_start3A_20 : memref<125xi32, #tpu.memory_space<vmem>>) semaphore(%arg12 : memref<!tpu.dma_semaphore, #tpu.memory_space<semaphore_mem>>)
      %scan3A_24 = arith.constant 0 : i32
      %scan3A_25 = arith.constant 0 : i32
      %scan3A_26 = arith.constant 10 : i32
      %scan3A_27 = arith.addi %scan3A_25, %scan3A_26 : i32
      %scan3A_28 = arith.constant 1 : i32
      scf.for %scan3A_30 = %scan3A_25 to %scan3A_27 step %scan3A_28  : i32 {
        %mul3A_31 = arith.constant 2 : i32
        %mul3A_32 = arith.muli %mul3A_31, %scan3A_30 : i32
        %add3A_33 = arith.constant 1 : i32
        %add3A_34 = arith.addi %mul3A_32, %add3A_33 : i32
        %dma_start3A_35 = arith.constant 0 : i32
        %dma_start3A_36 = tpu.memref_slice %arg7[%add3A_34, %dma_start3A_35] : memref<20x125xi32, #tpu.memory_space<vmem>> -> memref<1x125xi32, #tpu.memory_space<vmem>>
        %dma_start3A_37 = tpu.memref_squeeze %dma_start3A_36 : memref<1x125xi32, #tpu.memory_space<vmem>> -> memref<125xi32, #tpu.memory_space<vmem>>
        %dma_start3A_38 = arith.constant 0 : i32
        %dma_start3A_39 = arith.constant 0 : i32
        %dma_start3A_40 = tpu.memref_slice %arg2[%dma_start3A_38, %dma_start3A_39] : memref<10240x128xf32, #tpu.memory_space<hbm>> -> memref<10240x128xf32, #tpu.memory_space<hbm>>
        tpu.enqueue_indirect_dma source(%dma_start3A_40 : memref<10240x128xf32, #tpu.memory_space<hbm>>) target(%arg10 : memref<125x128xf32, #tpu.memory_space<vmem>>) offsets(%dma_start3A_37 : memref<125xi32, #tpu.memory_space<vmem>>) semaphore(%arg13 : memref<!tpu.dma_semaphore, #tpu.memory_space<semaphore_mem>>)
        %dma_wait3A = arith.constant 0 : i32
        %dma_wait3A_41 = tpu.memref_slice %arg7[%mul3A_32, %dma_wait3A] : memref<20x125xi32, #tpu.memory_space<vmem>> -> memref<1x125xi32, #tpu.memory_space<vmem>>
        %dma_wait3A_42 = tpu.memref_squeeze %dma_wait3A_41 : memref<1x125xi32, #tpu.memory_space<vmem>> -> memref<125xi32, #tpu.memory_space<vmem>>
        %dma_wait3A_43 = arith.constant 0 : i32
        %dma_wait3A_44 = arith.constant 0 : i32
        %dma_wait3A_45 = tpu.memref_slice %arg2[%dma_wait3A_43, %dma_wait3A_44] : memref<10240x128xf32, #tpu.memory_space<hbm>> -> memref<10240x128xf32, #tpu.memory_space<hbm>>
        tpu.wait_indirect_dma semaphore(%arg12 : memref<!tpu.dma_semaphore, #tpu.memory_space<semaphore_mem>>) src(%dma_wait3A_45 : memref<10240x128xf32, #tpu.memory_space<hbm>>) dst(%arg9 : memref<125x128xf32, #tpu.memory_space<vmem>>)
        "tpu.region"() ({
          %run_scoped3A = tpu.sem_alloc : memref<!tpu.dma_semaphore, #tpu.memory_space<semaphore_mem>>
          %dma_start3A_56 = arith.constant 0 : i32
          %dma_start3A_57 = tpu.memref_slice %arg8[%mul3A_32, %dma_start3A_56] : memref<20x125xi32, #tpu.memory_space<vmem>> -> memref<1x125xi32, #tpu.memory_space<vmem>>
          %dma_start3A_58 = tpu.memref_squeeze %dma_start3A_57 : memref<1x125xi32, #tpu.memory_space<vmem>> -> memref<125xi32, #tpu.memory_space<vmem>>
          %dma_start3A_59 = arith.constant 0 : i32
          %dma_start3A_60 = arith.constant 0 : i32
          %dma_start3A_61 = tpu.memref_slice %arg11[%dma_start3A_59, %dma_start3A_60] : memref<10240x128xf32, #tpu.memory_space<vmem_shared>> -> memref<10240x128xf32, #tpu.memory_space<vmem_shared>>
          tpu.enqueue_indirect_dma source(%arg9 : memref<125x128xf32, #tpu.memory_space<vmem>>) target(%dma_start3A_61 : memref<10240x128xf32, #tpu.memory_space<vmem_shared>>) offsets(%dma_start3A_58 : memref<125xi32, #tpu.memory_space<vmem>>) semaphore(%run_scoped3A : memref<!tpu.dma_semaphore, #tpu.memory_space<semaphore_mem>>) {add = true}
          %dma_wait3A_62 = arith.constant 0 : i32
          %dma_wait3A_63 = tpu.memref_slice %arg8[%mul3A_32, %dma_wait3A_62] : memref<20x125xi32, #tpu.memory_space<vmem>> -> memref<1x125xi32, #tpu.memory_space<vmem>>
          %dma_wait3A_64 = tpu.memref_squeeze %dma_wait3A_63 : memref<1x125xi32, #tpu.memory_space<vmem>> -> memref<125xi32, #tpu.memory_space<vmem>>
          %dma_wait3A_65 = arith.constant 0 : i32
          %dma_wait3A_66 = arith.constant 0 : i32
          %dma_wait3A_67 = tpu.memref_slice %arg11[%dma_wait3A_65, %dma_wait3A_66] : memref<10240x128xf32, #tpu.memory_space<vmem_shared>> -> memref<10240x128xf32, #tpu.memory_space<vmem_shared>>
          tpu.wait_indirect_dma semaphore(%run_scoped3A : memref<!tpu.dma_semaphore, #tpu.memory_space<semaphore_mem>>) src(%arg9 : memref<125x128xf32, #tpu.memory_space<vmem>>) dst(%dma_wait3A_67 : memref<10240x128xf32, #tpu.memory_space<vmem_shared>>)
          tpu.yield
        }) : () -> ()
        %add3A_46 = arith.constant 1 : i32
        %add3A_47 = arith.addi %add3A_34, %add3A_46 : i32
        %lt3A = arith.constant 20 : i32
        %lt3A_48 = arith.cmpi slt, %add3A_47, %lt3A : i32
        %convert_element_type3A = arith.extui %lt3A_48 : i1 to i32
        %cond3A = arith.constant 0 : i32
        %cond3A_49 = arith.cmpi ne, %convert_element_type3A, %cond3A : i32
        scf.if %cond3A_49 {
          %add3A_56 = arith.constant 1 : i32
          %add3A_57 = arith.addi %add3A_34, %add3A_56 : i32
          %dma_start3A_58 = arith.constant 0 : i32
          %dma_start3A_59 = tpu.memref_slice %arg7[%add3A_57, %dma_start3A_58] : memref<20x125xi32, #tpu.memory_space<vmem>> -> memref<1x125xi32, #tpu.memory_space<vmem>>
          %dma_start3A_60 = tpu.memref_squeeze %dma_start3A_59 : memref<1x125xi32, #tpu.memory_space<vmem>> -> memref<125xi32, #tpu.memory_space<vmem>>
          %dma_start3A_61 = arith.constant 0 : i32
          %dma_start3A_62 = arith.constant 0 : i32
          %dma_start3A_63 = tpu.memref_slice %arg2[%dma_start3A_61, %dma_start3A_62] : memref<10240x128xf32, #tpu.memory_space<hbm>> -> memref<10240x128xf32, #tpu.memory_space<hbm>>
          tpu.enqueue_indirect_dma source(%dma_start3A_63 : memref<10240x128xf32, #tpu.memory_space<hbm>>) target(%arg9 : memref<125x128xf32, #tpu.memory_space<vmem>>) offsets(%dma_start3A_60 : memref<125xi32, #tpu.memory_space<vmem>>) semaphore(%arg12 : memref<!tpu.dma_semaphore, #tpu.memory_space<semaphore_mem>>)
        } else {
        }
        %dma_wait3A_50 = arith.constant 0 : i32
        %dma_wait3A_51 = tpu.memref_slice %arg7[%add3A_34, %dma_wait3A_50] : memref<20x125xi32, #tpu.memory_space<vmem>> -> memref<1x125xi32, #tpu.memory_space<vmem>>
        %dma_wait3A_52 = tpu.memref_squeeze %dma_wait3A_51 : memref<1x125xi32, #tpu.memory_space<vmem>> -> memref<125xi32, #tpu.memory_space<vmem>>
        %dma_wait3A_53 = arith.constant 0 : i32
        %dma_wait3A_54 = arith.constant 0 : i32
        %dma_wait3A_55 = tpu.memref_slice %arg2[%dma_wait3A_53, %dma_wait3A_54] : memref<10240x128xf32, #tpu.memory_space<hbm>> -> memref<10240x128xf32, #tpu.memory_space<hbm>>
        tpu.wait_indirect_dma semaphore(%arg13 : memref<!tpu.dma_semaphore, #tpu.memory_space<semaphore_mem>>) src(%dma_wait3A_55 : memref<10240x128xf32, #tpu.memory_space<hbm>>) dst(%arg10 : memref<125x128xf32, #tpu.memory_space<vmem>>)
        "tpu.region"() ({
          %run_scoped3A = tpu.sem_alloc : memref<!tpu.dma_semaphore, #tpu.memory_space<semaphore_mem>>
          %dma_start3A_56 = arith.constant 0 : i32
          %dma_start3A_57 = tpu.memref_slice %arg8[%add3A_34, %dma_start3A_56] : memref<20x125xi32, #tpu.memory_space<vmem>> -> memref<1x125xi32, #tpu.memory_space<vmem>>
          %dma_start3A_58 = tpu.memref_squeeze %dma_start3A_57 : memref<1x125xi32, #tpu.memory_space<vmem>> -> memref<125xi32, #tpu.memory_space<vmem>>
          %dma_start3A_59 = arith.constant 0 : i32
          %dma_start3A_60 = arith.constant 0 : i32
          %dma_start3A_61 = tpu.memref_slice %arg11[%dma_start3A_59, %dma_start3A_60] : memref<10240x128xf32, #tpu.memory_space<vmem_shared>> -> memref<10240x128xf32, #tpu.memory_space<vmem_shared>>
          tpu.enqueue_indirect_dma source(%arg10 : memref<125x128xf32, #tpu.memory_space<vmem>>) target(%dma_start3A_61 : memref<10240x128xf32, #tpu.memory_space<vmem_shared>>) offsets(%dma_start3A_58 : memref<125xi32, #tpu.memory_space<vmem>>) semaphore(%run_scoped3A : memref<!tpu.dma_semaphore, #tpu.memory_space<semaphore_mem>>) {add = true}
          %dma_wait3A_62 = arith.constant 0 : i32
          %dma_wait3A_63 = tpu.memref_slice %arg8[%add3A_34, %dma_wait3A_62] : memref<20x125xi32, #tpu.memory_space<vmem>> -> memref<1x125xi32, #tpu.memory_space<vmem>>
          %dma_wait3A_64 = tpu.memref_squeeze %dma_wait3A_63 : memref<1x125xi32, #tpu.memory_space<vmem>> -> memref<125xi32, #tpu.memory_space<vmem>>
          %dma_wait3A_65 = arith.constant 0 : i32
          %dma_wait3A_66 = arith.constant 0 : i32
          %dma_wait3A_67 = tpu.memref_slice %arg11[%dma_wait3A_65, %dma_wait3A_66] : memref<10240x128xf32, #tpu.memory_space<vmem_shared>> -> memref<10240x128xf32, #tpu.memory_space<vmem_shared>>
          tpu.wait_indirect_dma semaphore(%run_scoped3A : memref<!tpu.dma_semaphore, #tpu.memory_space<semaphore_mem>>) src(%arg10 : memref<125x128xf32, #tpu.memory_space<vmem>>) dst(%dma_wait3A_67 : memref<10240x128xf32, #tpu.memory_space<vmem_shared>>)
          tpu.yield
        }) : () -> ()
      }
      %scan3A_29 = arith.constant 10 : i32
    }
    %scan3A_7 = arith.constant 4 : i32
    %barrier3A_8 = arith.constant 0 : index
    tpu.barrier barrier_id(%barrier3A_8)
    %mul3A_9 = arith.constant 640 : i32
    %mul3A_10 = arith.muli %arg1, %mul3A_9 : i32
    %mul3A_11 = arith.constant 640 : i32
    %mul3A_12 = arith.muli %arg1, %mul3A_11 : i32
    "tpu.region"() ({
      %run_scoped3A = tpu.sem_alloc : memref<!tpu.dma_semaphore, #tpu.memory_space<semaphore_mem>>
      %dma_start3A = arith.constant 0 : i32
      %dma_start3A_13 = tpu.memref_slice %arg6[%arg0, %mul3A_12, %dma_start3A] : memref<2x10240x128xf32, #tpu.memory_space<hbm>> -> memref<1x640x128xf32, #tpu.memory_space<hbm>>
      %dma_start3A_14 = tpu.memref_squeeze %dma_start3A_13 : memref<1x640x128xf32, #tpu.memory_space<hbm>> -> memref<640x128xf32, #tpu.memory_space<hbm>>
      %dma_start3A_15 = arith.constant 0 : i32
      %dma_start3A_16 = tpu.memref_slice %arg11[%mul3A_10, %dma_start3A_15] : memref<10240x128xf32, #tpu.memory_space<vmem_shared>> -> memref<640x128xf32, #tpu.memory_space<vmem_shared>>
      tpu.enqueue_dma source(%dma_start3A_16 : memref<640x128xf32, #tpu.memory_space<vmem_shared>>) target(%dma_start3A_14 : memref<640x128xf32, #tpu.memory_space<hbm>>) target_semaphore(%run_scoped3A : memref<!tpu.dma_semaphore, #tpu.memory_space<semaphore_mem>>)
      %dma_wait3A = arith.constant 0 : i32
      %dma_wait3A_17 = tpu.memref_slice %arg6[%arg0, %mul3A_12, %dma_wait3A] : memref<2x10240x128xf32, #tpu.memory_space<hbm>> -> memref<1x640x128xf32, #tpu.memory_space<hbm>>
      %dma_wait3A_18 = tpu.memref_squeeze %dma_wait3A_17 : memref<1x640x128xf32, #tpu.memory_space<hbm>> -> memref<640x128xf32, #tpu.memory_space<hbm>>
      %dma_wait3A_19 = arith.constant 0 : i32
      %dma_wait3A_20 = tpu.memref_slice %arg11[%mul3A_10, %dma_wait3A_19] : memref<10240x128xf32, #tpu.memory_space<vmem_shared>> -> memref<640x128xf32, #tpu.memory_space<vmem_shared>>
      tpu.wait_dma2 semaphore(%run_scoped3A : memref<!tpu.dma_semaphore, #tpu.memory_space<semaphore_mem>>) src(%dma_wait3A_20 : memref<640x128xf32, #tpu.memory_space<vmem_shared>>) dst(%dma_wait3A_18 : memref<640x128xf32, #tpu.memory_space<hbm>>)
      tpu.yield
    }) : () -> ()
    return
  }
}

#map = affine_map<(d0, d1) -> (0, 0)>
#map1 = affine_map<(d0, d1) -> (0, 0, 0)>
module attributes {stable_mosaic.version = 14 : i64} {
  func.func @spmm_k(%arg0: i32, %arg1: i32, %arg2: memref<10240x128xf32, #tpu.memory_space<hbm>>, %arg3: memref<32x80x125xi32, #tpu.memory_space<hbm>>, %arg4: memref<32x80x125xi32, #tpu.memory_space<hbm>>, %arg5: memref<640x128xf32, #tpu.memory_space<hbm>>, %arg6: memref<2x10240x128xf32, #tpu.memory_space<hbm>>, %arg7: memref<20x125xi32, #tpu.memory_space<vmem>>, %arg8: memref<20x125xi32, #tpu.memory_space<vmem>>, %arg9: memref<125x128xf32, #tpu.memory_space<vmem>>, %arg10: memref<125x128xf32, #tpu.memory_space<vmem>>, %arg11: memref<10240x128xf32, #tpu.memory_space<vmem_shared>>, %arg12: memref<!tpu.dma_semaphore, #tpu.memory_space<semaphore_mem>>, %arg13: memref<!tpu.dma_semaphore, #tpu.memory_space<semaphore_mem>>) attributes {dimension_semantics = [#tpu.dimension_semantics<core_parallel>, #tpu.dimension_semantics<subcore_parallel>], iteration_bounds = array<i64: 2, 16>, scalar_prefetch = 0 : i64, scratch_operands = 7 : i64, tpu.core_type = #tpu.core_type<sc_vector_subcore>, window_params = [{transform_indices = #map}, {transform_indices = #map1}, {transform_indices = #map1}, {transform_indices = #map}, {transform_indices = #map1}]} {
    %mul3A = arith.constant 16 : i32
    %mul3A_0 = arith.muli %arg0, %mul3A : i32
    %add3A = arith.addi %mul3A_0, %arg1 : i32
    %mul3A_1 = arith.constant 640 : i32
    %mul3A_2 = arith.muli %arg1, %mul3A_1 : i32
    "tpu.region"() ({
      %run_scoped3A = tpu.sem_alloc : memref<!tpu.dma_semaphore, #tpu.memory_space<semaphore_mem>>
      %dma_start3A = arith.constant 0 : i32
      %dma_start3A_13 = tpu.memref_slice %arg11[%mul3A_2, %dma_start3A] : memref<10240x128xf32, #tpu.memory_space<vmem_shared>> -> memref<640x128xf32, #tpu.memory_space<vmem_shared>>
      tpu.enqueue_dma source(%arg5 : memref<640x128xf32, #tpu.memory_space<hbm>>) target(%dma_start3A_13 : memref<640x128xf32, #tpu.memory_space<vmem_shared>>) target_semaphore(%run_scoped3A : memref<!tpu.dma_semaphore, #tpu.memory_space<semaphore_mem>>)
      %dma_wait3A = arith.constant 0 : i32
      %dma_wait3A_14 = tpu.memref_slice %arg11[%mul3A_2, %dma_wait3A] : memref<10240x128xf32, #tpu.memory_space<vmem_shared>> -> memref<640x128xf32, #tpu.memory_space<vmem_shared>>
      tpu.wait_dma2 semaphore(%run_scoped3A : memref<!tpu.dma_semaphore, #tpu.memory_space<semaphore_mem>>) src(%arg5 : memref<640x128xf32, #tpu.memory_space<hbm>>) dst(%dma_wait3A_14 : memref<640x128xf32, #tpu.memory_space<vmem_shared>>)
      tpu.yield
    }) : () -> ()
    %barrier3A = arith.constant 0 : index
    tpu.barrier barrier_id(%barrier3A)
    %scan3A = arith.constant 0 : i32
    %scan3A_3 = arith.constant 0 : i32
    %scan3A_4 = arith.constant 4 : i32
    %scan3A_5 = arith.addi %scan3A_3, %scan3A_4 : i32
    %scan3A_6 = arith.constant 1 : i32
    scf.for %scan3A_13 = %scan3A_3 to %scan3A_5 step %scan3A_6  : i32 {
      %mul3A_14 = arith.constant 20 : i32
      %mul3A_15 = arith.muli %scan3A_13, %mul3A_14 : i32
      "tpu.region"() ({
        %run_scoped3A = tpu.sem_alloc : memref<!tpu.dma_semaphore, #tpu.memory_space<semaphore_mem>>
        %dma_start3A_30 = arith.constant 0 : i32
        %dma_start3A_31 = tpu.memref_slice %arg3[%add3A, %mul3A_15, %dma_start3A_30] : memref<32x80x125xi32, #tpu.memory_space<hbm>> -> memref<1x20x125xi32, #tpu.memory_space<hbm>>
        %dma_start3A_32 = tpu.memref_squeeze %dma_start3A_31 : memref<1x20x125xi32, #tpu.memory_space<hbm>> -> memref<20x125xi32, #tpu.memory_space<hbm>>
        %dma_start3A_33 = arith.constant 0 : i32
        %dma_start3A_34 = tpu.memref_slice %arg3[%add3A, %mul3A_15, %dma_start3A_33] : memref<32x80x125xi32, #tpu.memory_space<hbm>> -> memref<1x20x125xi32, #tpu.memory_space<hbm>>
        %dma_start3A_35 = tpu.memref_squeeze %dma_start3A_34 : memref<1x20x125xi32, #tpu.memory_space<hbm>> -> memref<20x125xi32, #tpu.memory_space<hbm>>
        tpu.enqueue_dma source(%dma_start3A_35 : memref<20x125xi32, #tpu.memory_space<hbm>>) target(%arg7 : memref<20x125xi32, #tpu.memory_space<vmem>>) target_semaphore(%run_scoped3A : memref<!tpu.dma_semaphore, #tpu.memory_space<semaphore_mem>>)
        %dma_wait3A = arith.constant 0 : i32
        %dma_wait3A_36 = tpu.memref_slice %arg3[%add3A, %mul3A_15, %dma_wait3A] : memref<32x80x125xi32, #tpu.memory_space<hbm>> -> memref<1x20x125xi32, #tpu.memory_space<hbm>>
        %dma_wait3A_37 = tpu.memref_squeeze %dma_wait3A_36 : memref<1x20x125xi32, #tpu.memory_space<hbm>> -> memref<20x125xi32, #tpu.memory_space<hbm>>
        %dma_wait3A_38 = arith.constant 0 : i32
        %dma_wait3A_39 = tpu.memref_slice %arg3[%add3A, %mul3A_15, %dma_wait3A_38] : memref<32x80x125xi32, #tpu.memory_space<hbm>> -> memref<1x20x125xi32, #tpu.memory_space<hbm>>
        %dma_wait3A_40 = tpu.memref_squeeze %dma_wait3A_39 : memref<1x20x125xi32, #tpu.memory_space<hbm>> -> memref<20x125xi32, #tpu.memory_space<hbm>>
        tpu.wait_dma2 semaphore(%run_scoped3A : memref<!tpu.dma_semaphore, #tpu.memory_space<semaphore_mem>>) src(%dma_wait3A_40 : memref<20x125xi32, #tpu.memory_space<hbm>>) dst(%arg7 : memref<20x125xi32, #tpu.memory_space<vmem>>)
        tpu.yield
      }) : () -> ()
      %mul3A_16 = arith.constant 20 : i32
      %mul3A_17 = arith.muli %scan3A_13, %mul3A_16 : i32
      "tpu.region"() ({
        %run_scoped3A = tpu.sem_alloc : memref<!tpu.dma_semaphore, #tpu.memory_space<semaphore_mem>>
        %dma_start3A_30 = arith.constant 0 : i32
        %dma_start3A_31 = tpu.memref_slice %arg4[%add3A, %mul3A_17, %dma_start3A_30] : memref<32x80x125xi32, #tpu.memory_space<hbm>> -> memref<1x20x125xi32, #tpu.memory_space<hbm>>
        %dma_start3A_32 = tpu.memref_squeeze %dma_start3A_31 : memref<1x20x125xi32, #tpu.memory_space<hbm>> -> memref<20x125xi32, #tpu.memory_space<hbm>>
        %dma_start3A_33 = arith.constant 0 : i32
        %dma_start3A_34 = tpu.memref_slice %arg4[%add3A, %mul3A_17, %dma_start3A_33] : memref<32x80x125xi32, #tpu.memory_space<hbm>> -> memref<1x20x125xi32, #tpu.memory_space<hbm>>
        %dma_start3A_35 = tpu.memref_squeeze %dma_start3A_34 : memref<1x20x125xi32, #tpu.memory_space<hbm>> -> memref<20x125xi32, #tpu.memory_space<hbm>>
        tpu.enqueue_dma source(%dma_start3A_35 : memref<20x125xi32, #tpu.memory_space<hbm>>) target(%arg8 : memref<20x125xi32, #tpu.memory_space<vmem>>) target_semaphore(%run_scoped3A : memref<!tpu.dma_semaphore, #tpu.memory_space<semaphore_mem>>)
        %dma_wait3A = arith.constant 0 : i32
        %dma_wait3A_36 = tpu.memref_slice %arg4[%add3A, %mul3A_17, %dma_wait3A] : memref<32x80x125xi32, #tpu.memory_space<hbm>> -> memref<1x20x125xi32, #tpu.memory_space<hbm>>
        %dma_wait3A_37 = tpu.memref_squeeze %dma_wait3A_36 : memref<1x20x125xi32, #tpu.memory_space<hbm>> -> memref<20x125xi32, #tpu.memory_space<hbm>>
        %dma_wait3A_38 = arith.constant 0 : i32
        %dma_wait3A_39 = tpu.memref_slice %arg4[%add3A, %mul3A_17, %dma_wait3A_38] : memref<32x80x125xi32, #tpu.memory_space<hbm>> -> memref<1x20x125xi32, #tpu.memory_space<hbm>>
        %dma_wait3A_40 = tpu.memref_squeeze %dma_wait3A_39 : memref<1x20x125xi32, #tpu.memory_space<hbm>> -> memref<20x125xi32, #tpu.memory_space<hbm>>
        tpu.wait_dma2 semaphore(%run_scoped3A : memref<!tpu.dma_semaphore, #tpu.memory_space<semaphore_mem>>) src(%dma_wait3A_40 : memref<20x125xi32, #tpu.memory_space<hbm>>) dst(%arg8 : memref<20x125xi32, #tpu.memory_space<vmem>>)
        tpu.yield
      }) : () -> ()
      %dma_start3A = arith.constant 0 : i32
      %dma_start3A_18 = arith.constant 0 : i32
      %dma_start3A_19 = tpu.memref_slice %arg7[%dma_start3A, %dma_start3A_18] : memref<20x125xi32, #tpu.memory_space<vmem>> -> memref<1x125xi32, #tpu.memory_space<vmem>>
      %dma_start3A_20 = tpu.memref_squeeze %dma_start3A_19 : memref<1x125xi32, #tpu.memory_space<vmem>> -> memref<125xi32, #tpu.memory_space<vmem>>
      %dma_start3A_21 = arith.constant 0 : i32
      %dma_start3A_22 = arith.constant 0 : i32
      %dma_start3A_23 = tpu.memref_slice %arg2[%dma_start3A_21, %dma_start3A_22] : memref<10240x128xf32, #tpu.memory_space<hbm>> -> memref<10240x128xf32, #tpu.memory_space<hbm>>
      tpu.enqueue_indirect_dma source(%dma_start3A_23 : memref<10240x128xf32, #tpu.memory_space<hbm>>) target(%arg9 : memref<125x128xf32, #tpu.memory_space<vmem>>) offsets(%dma_start3A_20 : memref<125xi32, #tpu.memory_space<vmem>>) semaphore(%arg12 : memref<!tpu.dma_semaphore, #tpu.memory_space<semaphore_mem>>)
      %scan3A_24 = arith.constant 0 : i32
      %scan3A_25 = arith.constant 0 : i32
      %scan3A_26 = arith.constant 10 : i32
      %scan3A_27 = arith.addi %scan3A_25, %scan3A_26 : i32
      %scan3A_28 = arith.constant 1 : i32
      scf.for %scan3A_30 = %scan3A_25 to %scan3A_27 step %scan3A_28  : i32 {
        %mul3A_31 = arith.constant 2 : i32
        %mul3A_32 = arith.muli %mul3A_31, %scan3A_30 : i32
        %add3A_33 = arith.constant 1 : i32
        %add3A_34 = arith.addi %mul3A_32, %add3A_33 : i32
        %dma_start3A_35 = arith.constant 0 : i32
        %dma_start3A_36 = tpu.memref_slice %arg7[%add3A_34, %dma_start3A_35] : memref<20x125xi32, #tpu.memory_space<vmem>> -> memref<1x125xi32, #tpu.memory_space<vmem>>
        %dma_start3A_37 = tpu.memref_squeeze %dma_start3A_36 : memref<1x125xi32, #tpu.memory_space<vmem>> -> memref<125xi32, #tpu.memory_space<vmem>>
        %dma_start3A_38 = arith.constant 0 : i32
        %dma_start3A_39 = arith.constant 0 : i32
        %dma_start3A_40 = tpu.memref_slice %arg2[%dma_start3A_38, %dma_start3A_39] : memref<10240x128xf32, #tpu.memory_space<hbm>> -> memref<10240x128xf32, #tpu.memory_space<hbm>>
        tpu.enqueue_indirect_dma source(%dma_start3A_40 : memref<10240x128xf32, #tpu.memory_space<hbm>>) target(%arg10 : memref<125x128xf32, #tpu.memory_space<vmem>>) offsets(%dma_start3A_37 : memref<125xi32, #tpu.memory_space<vmem>>) semaphore(%arg13 : memref<!tpu.dma_semaphore, #tpu.memory_space<semaphore_mem>>)
        %dma_wait3A = arith.constant 0 : i32
        %dma_wait3A_41 = tpu.memref_slice %arg7[%mul3A_32, %dma_wait3A] : memref<20x125xi32, #tpu.memory_space<vmem>> -> memref<1x125xi32, #tpu.memory_space<vmem>>
        %dma_wait3A_42 = tpu.memref_squeeze %dma_wait3A_41 : memref<1x125xi32, #tpu.memory_space<vmem>> -> memref<125xi32, #tpu.memory_space<vmem>>
        %dma_wait3A_43 = arith.constant 0 : i32
        %dma_wait3A_44 = arith.constant 0 : i32
        %dma_wait3A_45 = tpu.memref_slice %arg2[%dma_wait3A_43, %dma_wait3A_44] : memref<10240x128xf32, #tpu.memory_space<hbm>> -> memref<10240x128xf32, #tpu.memory_space<hbm>>
        tpu.wait_indirect_dma semaphore(%arg12 : memref<!tpu.dma_semaphore, #tpu.memory_space<semaphore_mem>>) src(%dma_wait3A_45 : memref<10240x128xf32, #tpu.memory_space<hbm>>) dst(%arg9 : memref<125x128xf32, #tpu.memory_space<vmem>>)
        "tpu.region"() ({
          %run_scoped3A = tpu.sem_alloc : memref<!tpu.dma_semaphore, #tpu.memory_space<semaphore_mem>>
          %dma_start3A_56 = arith.constant 0 : i32
          %dma_start3A_57 = tpu.memref_slice %arg8[%mul3A_32, %dma_start3A_56] : memref<20x125xi32, #tpu.memory_space<vmem>> -> memref<1x125xi32, #tpu.memory_space<vmem>>
          %dma_start3A_58 = tpu.memref_squeeze %dma_start3A_57 : memref<1x125xi32, #tpu.memory_space<vmem>> -> memref<125xi32, #tpu.memory_space<vmem>>
          %dma_start3A_59 = arith.constant 0 : i32
          %dma_start3A_60 = arith.constant 0 : i32
          %dma_start3A_61 = tpu.memref_slice %arg11[%dma_start3A_59, %dma_start3A_60] : memref<10240x128xf32, #tpu.memory_space<vmem_shared>> -> memref<10240x128xf32, #tpu.memory_space<vmem_shared>>
          tpu.enqueue_indirect_dma source(%arg9 : memref<125x128xf32, #tpu.memory_space<vmem>>) target(%dma_start3A_61 : memref<10240x128xf32, #tpu.memory_space<vmem_shared>>) offsets(%dma_start3A_58 : memref<125xi32, #tpu.memory_space<vmem>>) semaphore(%run_scoped3A : memref<!tpu.dma_semaphore, #tpu.memory_space<semaphore_mem>>) {add = true}
          %dma_wait3A_62 = arith.constant 0 : i32
          %dma_wait3A_63 = tpu.memref_slice %arg8[%mul3A_32, %dma_wait3A_62] : memref<20x125xi32, #tpu.memory_space<vmem>> -> memref<1x125xi32, #tpu.memory_space<vmem>>
          %dma_wait3A_64 = tpu.memref_squeeze %dma_wait3A_63 : memref<1x125xi32, #tpu.memory_space<vmem>> -> memref<125xi32, #tpu.memory_space<vmem>>
          %dma_wait3A_65 = arith.constant 0 : i32
          %dma_wait3A_66 = arith.constant 0 : i32
          %dma_wait3A_67 = tpu.memref_slice %arg11[%dma_wait3A_65, %dma_wait3A_66] : memref<10240x128xf32, #tpu.memory_space<vmem_shared>> -> memref<10240x128xf32, #tpu.memory_space<vmem_shared>>
          tpu.wait_indirect_dma semaphore(%run_scoped3A : memref<!tpu.dma_semaphore, #tpu.memory_space<semaphore_mem>>) src(%arg9 : memref<125x128xf32, #tpu.memory_space<vmem>>) dst(%dma_wait3A_67 : memref<10240x128xf32, #tpu.memory_space<vmem_shared>>)
          tpu.yield
        }) : () -> ()
        %add3A_46 = arith.constant 1 : i32
        %add3A_47 = arith.addi %add3A_34, %add3A_46 : i32
        %lt3A = arith.constant 20 : i32
        %lt3A_48 = arith.cmpi slt, %add3A_47, %lt3A : i32
        %convert_element_type3A = arith.extui %lt3A_48 : i1 to i32
        %cond3A = arith.constant 0 : i32
        %cond3A_49 = arith.cmpi ne, %convert_element_type3A, %cond3A : i32
        scf.if %cond3A_49 {
          %add3A_56 = arith.constant 1 : i32
          %add3A_57 = arith.addi %add3A_34, %add3A_56 : i32
          %dma_start3A_58 = arith.constant 0 : i32
          %dma_start3A_59 = tpu.memref_slice %arg7[%add3A_57, %dma_start3A_58] : memref<20x125xi32, #tpu.memory_space<vmem>> -> memref<1x125xi32, #tpu.memory_space<vmem>>
          %dma_start3A_60 = tpu.memref_squeeze %dma_start3A_59 : memref<1x125xi32, #tpu.memory_space<vmem>> -> memref<125xi32, #tpu.memory_space<vmem>>
          %dma_start3A_61 = arith.constant 0 : i32
          %dma_start3A_62 = arith.constant 0 : i32
          %dma_start3A_63 = tpu.memref_slice %arg2[%dma_start3A_61, %dma_start3A_62] : memref<10240x128xf32, #tpu.memory_space<hbm>> -> memref<10240x128xf32, #tpu.memory_space<hbm>>
          tpu.enqueue_indirect_dma source(%dma_start3A_63 : memref<10240x128xf32, #tpu.memory_space<hbm>>) target(%arg9 : memref<125x128xf32, #tpu.memory_space<vmem>>) offsets(%dma_start3A_60 : memref<125xi32, #tpu.memory_space<vmem>>) semaphore(%arg12 : memref<!tpu.dma_semaphore, #tpu.memory_space<semaphore_mem>>)
        } else {
        }
        %dma_wait3A_50 = arith.constant 0 : i32
        %dma_wait3A_51 = tpu.memref_slice %arg7[%add3A_34, %dma_wait3A_50] : memref<20x125xi32, #tpu.memory_space<vmem>> -> memref<1x125xi32, #tpu.memory_space<vmem>>
        %dma_wait3A_52 = tpu.memref_squeeze %dma_wait3A_51 : memref<1x125xi32, #tpu.memory_space<vmem>> -> memref<125xi32, #tpu.memory_space<vmem>>
        %dma_wait3A_53 = arith.constant 0 : i32
        %dma_wait3A_54 = arith.constant 0 : i32
        %dma_wait3A_55 = tpu.memref_slice %arg2[%dma_wait3A_53, %dma_wait3A_54] : memref<10240x128xf32, #tpu.memory_space<hbm>> -> memref<10240x128xf32, #tpu.memory_space<hbm>>
        tpu.wait_indirect_dma semaphore(%arg13 : memref<!tpu.dma_semaphore, #tpu.memory_space<semaphore_mem>>) src(%dma_wait3A_55 : memref<10240x128xf32, #tpu.memory_space<hbm>>) dst(%arg10 : memref<125x128xf32, #tpu.memory_space<vmem>>)
        "tpu.region"() ({
          %run_scoped3A = tpu.sem_alloc : memref<!tpu.dma_semaphore, #tpu.memory_space<semaphore_mem>>
          %dma_start3A_56 = arith.constant 0 : i32
          %dma_start3A_57 = tpu.memref_slice %arg8[%add3A_34, %dma_start3A_56] : memref<20x125xi32, #tpu.memory_space<vmem>> -> memref<1x125xi32, #tpu.memory_space<vmem>>
          %dma_start3A_58 = tpu.memref_squeeze %dma_start3A_57 : memref<1x125xi32, #tpu.memory_space<vmem>> -> memref<125xi32, #tpu.memory_space<vmem>>
          %dma_start3A_59 = arith.constant 0 : i32
          %dma_start3A_60 = arith.constant 0 : i32
          %dma_start3A_61 = tpu.memref_slice %arg11[%dma_start3A_59, %dma_start3A_60] : memref<10240x128xf32, #tpu.memory_space<vmem_shared>> -> memref<10240x128xf32, #tpu.memory_space<vmem_shared>>
          tpu.enqueue_indirect_dma source(%arg10 : memref<125x128xf32, #tpu.memory_space<vmem>>) target(%dma_start3A_61 : memref<10240x128xf32, #tpu.memory_space<vmem_shared>>) offsets(%dma_start3A_58 : memref<125xi32, #tpu.memory_space<vmem>>) semaphore(%run_scoped3A : memref<!tpu.dma_semaphore, #tpu.memory_space<semaphore_mem>>) {add = true}
          %dma_wait3A_62 = arith.constant 0 : i32
          %dma_wait3A_63 = tpu.memref_slice %arg8[%add3A_34, %dma_wait3A_62] : memref<20x125xi32, #tpu.memory_space<vmem>> -> memref<1x125xi32, #tpu.memory_space<vmem>>
          %dma_wait3A_64 = tpu.memref_squeeze %dma_wait3A_63 : memref<1x125xi32, #tpu.memory_space<vmem>> -> memref<125xi32, #tpu.memory_space<vmem>>
          %dma_wait3A_65 = arith.constant 0 : i32
          %dma_wait3A_66 = arith.constant 0 : i32
          %dma_wait3A_67 = tpu.memref_slice %arg11[%dma_wait3A_65, %dma_wait3A_66] : memref<10240x128xf32, #tpu.memory_space<vmem_shared>> -> memref<10240x128xf32, #tpu.memory_space<vmem_shared>>
          tpu.wait_indirect_dma semaphore(%run_scoped3A : memref<!tpu.dma_semaphore, #tpu.memory_space<semaphore_mem>>) src(%arg10 : memref<125x128xf32, #tpu.memory_space<vmem>>) dst(%dma_wait3A_67 : memref<10240x128xf32, #tpu.memory_space<vmem_shared>>)
          tpu.yield
        }) : () -> ()
      }
      %scan3A_29 = arith.constant 10 : i32
    }
    %scan3A_7 = arith.constant 4 : i32
    %barrier3A_8 = arith.constant 0 : index
    tpu.barrier barrier_id(%barrier3A_8)
    %mul3A_9 = arith.constant 640 : i32
    %mul3A_10 = arith.muli %arg1, %mul3A_9 : i32
    %mul3A_11 = arith.constant 640 : i32
    %mul3A_12 = arith.muli %arg1, %mul3A_11 : i32
    "tpu.region"() ({
      %run_scoped3A = tpu.sem_alloc : memref<!tpu.dma_semaphore, #tpu.memory_space<semaphore_mem>>
      %dma_start3A = arith.constant 0 : i32
      %dma_start3A_13 = tpu.memref_slice %arg6[%arg0, %mul3A_12, %dma_start3A] : memref<2x10240x128xf32, #tpu.memory_space<hbm>> -> memref<1x640x128xf32, #tpu.memory_space<hbm>>
      %dma_start3A_14 = tpu.memref_squeeze %dma_start3A_13 : memref<1x640x128xf32, #tpu.memory_space<hbm>> -> memref<640x128xf32, #tpu.memory_space<hbm>>
      %dma_start3A_15 = arith.constant 0 : i32
      %dma_start3A_16 = tpu.memref_slice %arg11[%mul3A_10, %dma_start3A_15] : memref<10240x128xf32, #tpu.memory_space<vmem_shared>> -> memref<640x128xf32, #tpu.memory_space<vmem_shared>>
      tpu.enqueue_dma source(%dma_start3A_16 : memref<640x128xf32, #tpu.memory_space<vmem_shared>>) target(%dma_start3A_14 : memref<640x128xf32, #tpu.memory_space<hbm>>) target_semaphore(%run_scoped3A : memref<!tpu.dma_semaphore, #tpu.memory_space<semaphore_mem>>)
      %dma_wait3A = arith.constant 0 : i32
      %dma_wait3A_17 = tpu.memref_slice %arg6[%arg0, %mul3A_12, %dma_wait3A] : memref<2x10240x128xf32, #tpu.memory_space<hbm>> -> memref<1x640x128xf32, #tpu.memory_space<hbm>>
      %dma_wait3A_18 = tpu.memref_squeeze %dma_wait3A_17 : memref<1x640x128xf32, #tpu.memory_space<hbm>> -> memref<640x128xf32, #tpu.memory_space<hbm>>
      %dma_wait3A_19 = arith.constant 0 : i32
      %dma_wait3A_20 = tpu.memref_slice %arg11[%mul3A_10, %dma_wait3A_19] : memref<10240x128xf32, #tpu.memory_space<vmem_shared>> -> memref<640x128xf32, #tpu.memory_space<vmem_shared>>
      tpu.wait_dma2 semaphore(%run_scoped3A : memref<!tpu.dma_semaphore, #tpu.memory_space<semaphore_mem>>) src(%dma_wait3A_20 : memref<640x128xf32, #tpu.memory_space<vmem_shared>>) dst(%dma_wait3A_18 : memref<640x128xf32, #tpu.memory_space<hbm>>)
      tpu.yield
    }) : () -> ()
    return
  }
}

#map = affine_map<(d0, d1) -> (0, 0)>
#map1 = affine_map<(d0, d1) -> (0, 0, 0)>
module attributes {stable_mosaic.version = 14 : i64} {
  func.func @spmm_k(%arg0: i32, %arg1: i32, %arg2: memref<10240x128xf32, #tpu.memory_space<hbm>>, %arg3: memref<32x80x125xi32, #tpu.memory_space<hbm>>, %arg4: memref<32x80x125xi32, #tpu.memory_space<hbm>>, %arg5: memref<640x128xf32, #tpu.memory_space<hbm>>, %arg6: memref<2x10240x128xf32, #tpu.memory_space<hbm>>, %arg7: memref<20x125xi32, #tpu.memory_space<vmem>>, %arg8: memref<20x125xi32, #tpu.memory_space<vmem>>, %arg9: memref<125x128xf32, #tpu.memory_space<vmem>>, %arg10: memref<125x128xf32, #tpu.memory_space<vmem>>, %arg11: memref<10240x128xf32, #tpu.memory_space<vmem_shared>>, %arg12: memref<!tpu.dma_semaphore, #tpu.memory_space<semaphore_mem>>, %arg13: memref<!tpu.dma_semaphore, #tpu.memory_space<semaphore_mem>>) attributes {dimension_semantics = [#tpu.dimension_semantics<core_parallel>, #tpu.dimension_semantics<subcore_parallel>], iteration_bounds = array<i64: 2, 16>, scalar_prefetch = 0 : i64, scratch_operands = 7 : i64, tpu.core_type = #tpu.core_type<sc_vector_subcore>, window_params = [{transform_indices = #map}, {transform_indices = #map1}, {transform_indices = #map1}, {transform_indices = #map}, {transform_indices = #map1}]} {
    %mul3A = arith.constant 16 : i32
    %mul3A_0 = arith.muli %arg0, %mul3A : i32
    %add3A = arith.addi %mul3A_0, %arg1 : i32
    %mul3A_1 = arith.constant 640 : i32
    %mul3A_2 = arith.muli %arg1, %mul3A_1 : i32
    "tpu.region"() ({
      %run_scoped3A = tpu.sem_alloc : memref<!tpu.dma_semaphore, #tpu.memory_space<semaphore_mem>>
      %dma_start3A = arith.constant 0 : i32
      %dma_start3A_13 = tpu.memref_slice %arg11[%mul3A_2, %dma_start3A] : memref<10240x128xf32, #tpu.memory_space<vmem_shared>> -> memref<640x128xf32, #tpu.memory_space<vmem_shared>>
      tpu.enqueue_dma source(%arg5 : memref<640x128xf32, #tpu.memory_space<hbm>>) target(%dma_start3A_13 : memref<640x128xf32, #tpu.memory_space<vmem_shared>>) target_semaphore(%run_scoped3A : memref<!tpu.dma_semaphore, #tpu.memory_space<semaphore_mem>>)
      %dma_wait3A = arith.constant 0 : i32
      %dma_wait3A_14 = tpu.memref_slice %arg11[%mul3A_2, %dma_wait3A] : memref<10240x128xf32, #tpu.memory_space<vmem_shared>> -> memref<640x128xf32, #tpu.memory_space<vmem_shared>>
      tpu.wait_dma2 semaphore(%run_scoped3A : memref<!tpu.dma_semaphore, #tpu.memory_space<semaphore_mem>>) src(%arg5 : memref<640x128xf32, #tpu.memory_space<hbm>>) dst(%dma_wait3A_14 : memref<640x128xf32, #tpu.memory_space<vmem_shared>>)
      tpu.yield
    }) : () -> ()
    %barrier3A = arith.constant 0 : index
    tpu.barrier barrier_id(%barrier3A)
    %scan3A = arith.constant 0 : i32
    %scan3A_3 = arith.constant 0 : i32
    %scan3A_4 = arith.constant 4 : i32
    %scan3A_5 = arith.addi %scan3A_3, %scan3A_4 : i32
    %scan3A_6 = arith.constant 1 : i32
    scf.for %scan3A_13 = %scan3A_3 to %scan3A_5 step %scan3A_6  : i32 {
      %mul3A_14 = arith.constant 20 : i32
      %mul3A_15 = arith.muli %scan3A_13, %mul3A_14 : i32
      "tpu.region"() ({
        %run_scoped3A = tpu.sem_alloc : memref<!tpu.dma_semaphore, #tpu.memory_space<semaphore_mem>>
        %dma_start3A_30 = arith.constant 0 : i32
        %dma_start3A_31 = tpu.memref_slice %arg3[%add3A, %mul3A_15, %dma_start3A_30] : memref<32x80x125xi32, #tpu.memory_space<hbm>> -> memref<1x20x125xi32, #tpu.memory_space<hbm>>
        %dma_start3A_32 = tpu.memref_squeeze %dma_start3A_31 : memref<1x20x125xi32, #tpu.memory_space<hbm>> -> memref<20x125xi32, #tpu.memory_space<hbm>>
        %dma_start3A_33 = arith.constant 0 : i32
        %dma_start3A_34 = tpu.memref_slice %arg3[%add3A, %mul3A_15, %dma_start3A_33] : memref<32x80x125xi32, #tpu.memory_space<hbm>> -> memref<1x20x125xi32, #tpu.memory_space<hbm>>
        %dma_start3A_35 = tpu.memref_squeeze %dma_start3A_34 : memref<1x20x125xi32, #tpu.memory_space<hbm>> -> memref<20x125xi32, #tpu.memory_space<hbm>>
        tpu.enqueue_dma source(%dma_start3A_35 : memref<20x125xi32, #tpu.memory_space<hbm>>) target(%arg7 : memref<20x125xi32, #tpu.memory_space<vmem>>) target_semaphore(%run_scoped3A : memref<!tpu.dma_semaphore, #tpu.memory_space<semaphore_mem>>)
        %dma_wait3A = arith.constant 0 : i32
        %dma_wait3A_36 = tpu.memref_slice %arg3[%add3A, %mul3A_15, %dma_wait3A] : memref<32x80x125xi32, #tpu.memory_space<hbm>> -> memref<1x20x125xi32, #tpu.memory_space<hbm>>
        %dma_wait3A_37 = tpu.memref_squeeze %dma_wait3A_36 : memref<1x20x125xi32, #tpu.memory_space<hbm>> -> memref<20x125xi32, #tpu.memory_space<hbm>>
        %dma_wait3A_38 = arith.constant 0 : i32
        %dma_wait3A_39 = tpu.memref_slice %arg3[%add3A, %mul3A_15, %dma_wait3A_38] : memref<32x80x125xi32, #tpu.memory_space<hbm>> -> memref<1x20x125xi32, #tpu.memory_space<hbm>>
        %dma_wait3A_40 = tpu.memref_squeeze %dma_wait3A_39 : memref<1x20x125xi32, #tpu.memory_space<hbm>> -> memref<20x125xi32, #tpu.memory_space<hbm>>
        tpu.wait_dma2 semaphore(%run_scoped3A : memref<!tpu.dma_semaphore, #tpu.memory_space<semaphore_mem>>) src(%dma_wait3A_40 : memref<20x125xi32, #tpu.memory_space<hbm>>) dst(%arg7 : memref<20x125xi32, #tpu.memory_space<vmem>>)
        tpu.yield
      }) : () -> ()
      %mul3A_16 = arith.constant 20 : i32
      %mul3A_17 = arith.muli %scan3A_13, %mul3A_16 : i32
      "tpu.region"() ({
        %run_scoped3A = tpu.sem_alloc : memref<!tpu.dma_semaphore, #tpu.memory_space<semaphore_mem>>
        %dma_start3A_30 = arith.constant 0 : i32
        %dma_start3A_31 = tpu.memref_slice %arg4[%add3A, %mul3A_17, %dma_start3A_30] : memref<32x80x125xi32, #tpu.memory_space<hbm>> -> memref<1x20x125xi32, #tpu.memory_space<hbm>>
        %dma_start3A_32 = tpu.memref_squeeze %dma_start3A_31 : memref<1x20x125xi32, #tpu.memory_space<hbm>> -> memref<20x125xi32, #tpu.memory_space<hbm>>
        %dma_start3A_33 = arith.constant 0 : i32
        %dma_start3A_34 = tpu.memref_slice %arg4[%add3A, %mul3A_17, %dma_start3A_33] : memref<32x80x125xi32, #tpu.memory_space<hbm>> -> memref<1x20x125xi32, #tpu.memory_space<hbm>>
        %dma_start3A_35 = tpu.memref_squeeze %dma_start3A_34 : memref<1x20x125xi32, #tpu.memory_space<hbm>> -> memref<20x125xi32, #tpu.memory_space<hbm>>
        tpu.enqueue_dma source(%dma_start3A_35 : memref<20x125xi32, #tpu.memory_space<hbm>>) target(%arg8 : memref<20x125xi32, #tpu.memory_space<vmem>>) target_semaphore(%run_scoped3A : memref<!tpu.dma_semaphore, #tpu.memory_space<semaphore_mem>>)
        %dma_wait3A = arith.constant 0 : i32
        %dma_wait3A_36 = tpu.memref_slice %arg4[%add3A, %mul3A_17, %dma_wait3A] : memref<32x80x125xi32, #tpu.memory_space<hbm>> -> memref<1x20x125xi32, #tpu.memory_space<hbm>>
        %dma_wait3A_37 = tpu.memref_squeeze %dma_wait3A_36 : memref<1x20x125xi32, #tpu.memory_space<hbm>> -> memref<20x125xi32, #tpu.memory_space<hbm>>
        %dma_wait3A_38 = arith.constant 0 : i32
        %dma_wait3A_39 = tpu.memref_slice %arg4[%add3A, %mul3A_17, %dma_wait3A_38] : memref<32x80x125xi32, #tpu.memory_space<hbm>> -> memref<1x20x125xi32, #tpu.memory_space<hbm>>
        %dma_wait3A_40 = tpu.memref_squeeze %dma_wait3A_39 : memref<1x20x125xi32, #tpu.memory_space<hbm>> -> memref<20x125xi32, #tpu.memory_space<hbm>>
        tpu.wait_dma2 semaphore(%run_scoped3A : memref<!tpu.dma_semaphore, #tpu.memory_space<semaphore_mem>>) src(%dma_wait3A_40 : memref<20x125xi32, #tpu.memory_space<hbm>>) dst(%arg8 : memref<20x125xi32, #tpu.memory_space<vmem>>)
        tpu.yield
      }) : () -> ()
      %dma_start3A = arith.constant 0 : i32
      %dma_start3A_18 = arith.constant 0 : i32
      %dma_start3A_19 = tpu.memref_slice %arg7[%dma_start3A, %dma_start3A_18] : memref<20x125xi32, #tpu.memory_space<vmem>> -> memref<1x125xi32, #tpu.memory_space<vmem>>
      %dma_start3A_20 = tpu.memref_squeeze %dma_start3A_19 : memref<1x125xi32, #tpu.memory_space<vmem>> -> memref<125xi32, #tpu.memory_space<vmem>>
      %dma_start3A_21 = arith.constant 0 : i32
      %dma_start3A_22 = arith.constant 0 : i32
      %dma_start3A_23 = tpu.memref_slice %arg2[%dma_start3A_21, %dma_start3A_22] : memref<10240x128xf32, #tpu.memory_space<hbm>> -> memref<10240x128xf32, #tpu.memory_space<hbm>>
      tpu.enqueue_indirect_dma source(%dma_start3A_23 : memref<10240x128xf32, #tpu.memory_space<hbm>>) target(%arg9 : memref<125x128xf32, #tpu.memory_space<vmem>>) offsets(%dma_start3A_20 : memref<125xi32, #tpu.memory_space<vmem>>) semaphore(%arg12 : memref<!tpu.dma_semaphore, #tpu.memory_space<semaphore_mem>>)
      %scan3A_24 = arith.constant 0 : i32
      %scan3A_25 = arith.constant 0 : i32
      %scan3A_26 = arith.constant 10 : i32
      %scan3A_27 = arith.addi %scan3A_25, %scan3A_26 : i32
      %scan3A_28 = arith.constant 1 : i32
      scf.for %scan3A_30 = %scan3A_25 to %scan3A_27 step %scan3A_28  : i32 {
        %mul3A_31 = arith.constant 2 : i32
        %mul3A_32 = arith.muli %mul3A_31, %scan3A_30 : i32
        %add3A_33 = arith.constant 1 : i32
        %add3A_34 = arith.addi %mul3A_32, %add3A_33 : i32
        %dma_start3A_35 = arith.constant 0 : i32
        %dma_start3A_36 = tpu.memref_slice %arg7[%add3A_34, %dma_start3A_35] : memref<20x125xi32, #tpu.memory_space<vmem>> -> memref<1x125xi32, #tpu.memory_space<vmem>>
        %dma_start3A_37 = tpu.memref_squeeze %dma_start3A_36 : memref<1x125xi32, #tpu.memory_space<vmem>> -> memref<125xi32, #tpu.memory_space<vmem>>
        %dma_start3A_38 = arith.constant 0 : i32
        %dma_start3A_39 = arith.constant 0 : i32
        %dma_start3A_40 = tpu.memref_slice %arg2[%dma_start3A_38, %dma_start3A_39] : memref<10240x128xf32, #tpu.memory_space<hbm>> -> memref<10240x128xf32, #tpu.memory_space<hbm>>
        tpu.enqueue_indirect_dma source(%dma_start3A_40 : memref<10240x128xf32, #tpu.memory_space<hbm>>) target(%arg10 : memref<125x128xf32, #tpu.memory_space<vmem>>) offsets(%dma_start3A_37 : memref<125xi32, #tpu.memory_space<vmem>>) semaphore(%arg13 : memref<!tpu.dma_semaphore, #tpu.memory_space<semaphore_mem>>)
        %dma_wait3A = arith.constant 0 : i32
        %dma_wait3A_41 = tpu.memref_slice %arg7[%mul3A_32, %dma_wait3A] : memref<20x125xi32, #tpu.memory_space<vmem>> -> memref<1x125xi32, #tpu.memory_space<vmem>>
        %dma_wait3A_42 = tpu.memref_squeeze %dma_wait3A_41 : memref<1x125xi32, #tpu.memory_space<vmem>> -> memref<125xi32, #tpu.memory_space<vmem>>
        %dma_wait3A_43 = arith.constant 0 : i32
        %dma_wait3A_44 = arith.constant 0 : i32
        %dma_wait3A_45 = tpu.memref_slice %arg2[%dma_wait3A_43, %dma_wait3A_44] : memref<10240x128xf32, #tpu.memory_space<hbm>> -> memref<10240x128xf32, #tpu.memory_space<hbm>>
        tpu.wait_indirect_dma semaphore(%arg12 : memref<!tpu.dma_semaphore, #tpu.memory_space<semaphore_mem>>) src(%dma_wait3A_45 : memref<10240x128xf32, #tpu.memory_space<hbm>>) dst(%arg9 : memref<125x128xf32, #tpu.memory_space<vmem>>)
        "tpu.region"() ({
          %run_scoped3A = tpu.sem_alloc : memref<!tpu.dma_semaphore, #tpu.memory_space<semaphore_mem>>
          %dma_start3A_56 = arith.constant 0 : i32
          %dma_start3A_57 = tpu.memref_slice %arg8[%mul3A_32, %dma_start3A_56] : memref<20x125xi32, #tpu.memory_space<vmem>> -> memref<1x125xi32, #tpu.memory_space<vmem>>
          %dma_start3A_58 = tpu.memref_squeeze %dma_start3A_57 : memref<1x125xi32, #tpu.memory_space<vmem>> -> memref<125xi32, #tpu.memory_space<vmem>>
          %dma_start3A_59 = arith.constant 0 : i32
          %dma_start3A_60 = arith.constant 0 : i32
          %dma_start3A_61 = tpu.memref_slice %arg11[%dma_start3A_59, %dma_start3A_60] : memref<10240x128xf32, #tpu.memory_space<vmem_shared>> -> memref<10240x128xf32, #tpu.memory_space<vmem_shared>>
          tpu.enqueue_indirect_dma source(%arg9 : memref<125x128xf32, #tpu.memory_space<vmem>>) target(%dma_start3A_61 : memref<10240x128xf32, #tpu.memory_space<vmem_shared>>) offsets(%dma_start3A_58 : memref<125xi32, #tpu.memory_space<vmem>>) semaphore(%run_scoped3A : memref<!tpu.dma_semaphore, #tpu.memory_space<semaphore_mem>>) {add = true}
          %dma_wait3A_62 = arith.constant 0 : i32
          %dma_wait3A_63 = tpu.memref_slice %arg8[%mul3A_32, %dma_wait3A_62] : memref<20x125xi32, #tpu.memory_space<vmem>> -> memref<1x125xi32, #tpu.memory_space<vmem>>
          %dma_wait3A_64 = tpu.memref_squeeze %dma_wait3A_63 : memref<1x125xi32, #tpu.memory_space<vmem>> -> memref<125xi32, #tpu.memory_space<vmem>>
          %dma_wait3A_65 = arith.constant 0 : i32
          %dma_wait3A_66 = arith.constant 0 : i32
          %dma_wait3A_67 = tpu.memref_slice %arg11[%dma_wait3A_65, %dma_wait3A_66] : memref<10240x128xf32, #tpu.memory_space<vmem_shared>> -> memref<10240x128xf32, #tpu.memory_space<vmem_shared>>
          tpu.wait_indirect_dma semaphore(%run_scoped3A : memref<!tpu.dma_semaphore, #tpu.memory_space<semaphore_mem>>) src(%arg9 : memref<125x128xf32, #tpu.memory_space<vmem>>) dst(%dma_wait3A_67 : memref<10240x128xf32, #tpu.memory_space<vmem_shared>>)
          tpu.yield
        }) : () -> ()
        %add3A_46 = arith.constant 1 : i32
        %add3A_47 = arith.addi %add3A_34, %add3A_46 : i32
        %lt3A = arith.constant 20 : i32
        %lt3A_48 = arith.cmpi slt, %add3A_47, %lt3A : i32
        %convert_element_type3A = arith.extui %lt3A_48 : i1 to i32
        %cond3A = arith.constant 0 : i32
        %cond3A_49 = arith.cmpi ne, %convert_element_type3A, %cond3A : i32
        scf.if %cond3A_49 {
          %add3A_56 = arith.constant 1 : i32
          %add3A_57 = arith.addi %add3A_34, %add3A_56 : i32
          %dma_start3A_58 = arith.constant 0 : i32
          %dma_start3A_59 = tpu.memref_slice %arg7[%add3A_57, %dma_start3A_58] : memref<20x125xi32, #tpu.memory_space<vmem>> -> memref<1x125xi32, #tpu.memory_space<vmem>>
          %dma_start3A_60 = tpu.memref_squeeze %dma_start3A_59 : memref<1x125xi32, #tpu.memory_space<vmem>> -> memref<125xi32, #tpu.memory_space<vmem>>
          %dma_start3A_61 = arith.constant 0 : i32
          %dma_start3A_62 = arith.constant 0 : i32
          %dma_start3A_63 = tpu.memref_slice %arg2[%dma_start3A_61, %dma_start3A_62] : memref<10240x128xf32, #tpu.memory_space<hbm>> -> memref<10240x128xf32, #tpu.memory_space<hbm>>
          tpu.enqueue_indirect_dma source(%dma_start3A_63 : memref<10240x128xf32, #tpu.memory_space<hbm>>) target(%arg9 : memref<125x128xf32, #tpu.memory_space<vmem>>) offsets(%dma_start3A_60 : memref<125xi32, #tpu.memory_space<vmem>>) semaphore(%arg12 : memref<!tpu.dma_semaphore, #tpu.memory_space<semaphore_mem>>)
        } else {
        }
        %dma_wait3A_50 = arith.constant 0 : i32
        %dma_wait3A_51 = tpu.memref_slice %arg7[%add3A_34, %dma_wait3A_50] : memref<20x125xi32, #tpu.memory_space<vmem>> -> memref<1x125xi32, #tpu.memory_space<vmem>>
        %dma_wait3A_52 = tpu.memref_squeeze %dma_wait3A_51 : memref<1x125xi32, #tpu.memory_space<vmem>> -> memref<125xi32, #tpu.memory_space<vmem>>
        %dma_wait3A_53 = arith.constant 0 : i32
        %dma_wait3A_54 = arith.constant 0 : i32
        %dma_wait3A_55 = tpu.memref_slice %arg2[%dma_wait3A_53, %dma_wait3A_54] : memref<10240x128xf32, #tpu.memory_space<hbm>> -> memref<10240x128xf32, #tpu.memory_space<hbm>>
        tpu.wait_indirect_dma semaphore(%arg13 : memref<!tpu.dma_semaphore, #tpu.memory_space<semaphore_mem>>) src(%dma_wait3A_55 : memref<10240x128xf32, #tpu.memory_space<hbm>>) dst(%arg10 : memref<125x128xf32, #tpu.memory_space<vmem>>)
        "tpu.region"() ({
          %run_scoped3A = tpu.sem_alloc : memref<!tpu.dma_semaphore, #tpu.memory_space<semaphore_mem>>
          %dma_start3A_56 = arith.constant 0 : i32
          %dma_start3A_57 = tpu.memref_slice %arg8[%add3A_34, %dma_start3A_56] : memref<20x125xi32, #tpu.memory_space<vmem>> -> memref<1x125xi32, #tpu.memory_space<vmem>>
          %dma_start3A_58 = tpu.memref_squeeze %dma_start3A_57 : memref<1x125xi32, #tpu.memory_space<vmem>> -> memref<125xi32, #tpu.memory_space<vmem>>
          %dma_start3A_59 = arith.constant 0 : i32
          %dma_start3A_60 = arith.constant 0 : i32
          %dma_start3A_61 = tpu.memref_slice %arg11[%dma_start3A_59, %dma_start3A_60] : memref<10240x128xf32, #tpu.memory_space<vmem_shared>> -> memref<10240x128xf32, #tpu.memory_space<vmem_shared>>
          tpu.enqueue_indirect_dma source(%arg10 : memref<125x128xf32, #tpu.memory_space<vmem>>) target(%dma_start3A_61 : memref<10240x128xf32, #tpu.memory_space<vmem_shared>>) offsets(%dma_start3A_58 : memref<125xi32, #tpu.memory_space<vmem>>) semaphore(%run_scoped3A : memref<!tpu.dma_semaphore, #tpu.memory_space<semaphore_mem>>) {add = true}
          %dma_wait3A_62 = arith.constant 0 : i32
          %dma_wait3A_63 = tpu.memref_slice %arg8[%add3A_34, %dma_wait3A_62] : memref<20x125xi32, #tpu.memory_space<vmem>> -> memref<1x125xi32, #tpu.memory_space<vmem>>
          %dma_wait3A_64 = tpu.memref_squeeze %dma_wait3A_63 : memref<1x125xi32, #tpu.memory_space<vmem>> -> memref<125xi32, #tpu.memory_space<vmem>>
          %dma_wait3A_65 = arith.constant 0 : i32
          %dma_wait3A_66 = arith.constant 0 : i32
          %dma_wait3A_67 = tpu.memref_slice %arg11[%dma_wait3A_65, %dma_wait3A_66] : memref<10240x128xf32, #tpu.memory_space<vmem_shared>> -> memref<10240x128xf32, #tpu.memory_space<vmem_shared>>
          tpu.wait_indirect_dma semaphore(%run_scoped3A : memref<!tpu.dma_semaphore, #tpu.memory_space<semaphore_mem>>) src(%arg10 : memref<125x128xf32, #tpu.memory_space<vmem>>) dst(%dma_wait3A_67 : memref<10240x128xf32, #tpu.memory_space<vmem_shared>>)
          tpu.yield
        }) : () -> ()
      }
      %scan3A_29 = arith.constant 10 : i32
    }
    %scan3A_7 = arith.constant 4 : i32
    %barrier3A_8 = arith.constant 0 : index
    tpu.barrier barrier_id(%barrier3A_8)
    %mul3A_9 = arith.constant 640 : i32
    %mul3A_10 = arith.muli %arg1, %mul3A_9 : i32
    %mul3A_11 = arith.constant 640 : i32
    %mul3A_12 = arith.muli %arg1, %mul3A_11 : i32
    "tpu.region"() ({
      %run_scoped3A = tpu.sem_alloc : memref<!tpu.dma_semaphore, #tpu.memory_space<semaphore_mem>>
      %dma_start3A = arith.constant 0 : i32
      %dma_start3A_13 = tpu.memref_slice %arg6[%arg0, %mul3A_12, %dma_start3A] : memref<2x10240x128xf32, #tpu.memory_space<hbm>> -> memref<1x640x128xf32, #tpu.memory_space<hbm>>
      %dma_start3A_14 = tpu.memref_squeeze %dma_start3A_13 : memref<1x640x128xf32, #tpu.memory_space<hbm>> -> memref<640x128xf32, #tpu.memory_space<hbm>>
      %dma_start3A_15 = arith.constant 0 : i32
      %dma_start3A_16 = tpu.memref_slice %arg11[%mul3A_10, %dma_start3A_15] : memref<10240x128xf32, #tpu.memory_space<vmem_shared>> -> memref<640x128xf32, #tpu.memory_space<vmem_shared>>
      tpu.enqueue_dma source(%dma_start3A_16 : memref<640x128xf32, #tpu.memory_space<vmem_shared>>) target(%dma_start3A_14 : memref<640x128xf32, #tpu.memory_space<hbm>>) target_semaphore(%run_scoped3A : memref<!tpu.dma_semaphore, #tpu.memory_space<semaphore_mem>>)
      %dma_wait3A = arith.constant 0 : i32
      %dma_wait3A_17 = tpu.memref_slice %arg6[%arg0, %mul3A_12, %dma_wait3A] : memref<2x10240x128xf32, #tpu.memory_space<hbm>> -> memref<1x640x128xf32, #tpu.memory_space<hbm>>
      %dma_wait3A_18 = tpu.memref_squeeze %dma_wait3A_17 : memref<1x640x128xf32, #tpu.memory_space<hbm>> -> memref<640x128xf32, #tpu.memory_space<hbm>>
      %dma_wait3A_19 = arith.constant 0 : i32
      %dma_wait3A_20 = tpu.memref_slice %arg11[%mul3A_10, %dma_wait3A_19] : memref<10240x128xf32, #tpu.memory_space<vmem_shared>> -> memref<640x128xf32, #tpu.memory_space<vmem_shared>>
      tpu.wait_dma2 semaphore(%run_scoped3A : memref<!tpu.dma_semaphore, #tpu.memory_space<semaphore_mem>>) src(%dma_wait3A_20 : memref<640x128xf32, #tpu.memory_space<vmem_shared>>) dst(%dma_wait3A_18 : memref<640x128xf32, #tpu.memory_space<hbm>>)
      tpu.yield
    }) : () -> ()
    return
  }
}

#map = affine_map<(d0, d1) -> (0, 0)>
#map1 = affine_map<(d0, d1) -> (0, 0, 0)>
module attributes {stable_mosaic.version = 14 : i64} {
  func.func @spmm_k(%arg0: i32, %arg1: i32, %arg2: memref<10240x64xf32, #tpu.memory_space<hbm>>, %arg3: memref<32x80x125xi32, #tpu.memory_space<hbm>>, %arg4: memref<32x80x125xi32, #tpu.memory_space<hbm>>, %arg5: memref<640x64xf32, #tpu.memory_space<hbm>>, %arg6: memref<2x10240x64xf32, #tpu.memory_space<hbm>>, %arg7: memref<20x125xi32, #tpu.memory_space<vmem>>, %arg8: memref<20x125xi32, #tpu.memory_space<vmem>>, %arg9: memref<125x64xf32, #tpu.memory_space<vmem>>, %arg10: memref<125x64xf32, #tpu.memory_space<vmem>>, %arg11: memref<10240x64xf32, #tpu.memory_space<vmem_shared>>, %arg12: memref<!tpu.dma_semaphore, #tpu.memory_space<semaphore_mem>>, %arg13: memref<!tpu.dma_semaphore, #tpu.memory_space<semaphore_mem>>) attributes {dimension_semantics = [#tpu.dimension_semantics<core_parallel>, #tpu.dimension_semantics<subcore_parallel>], iteration_bounds = array<i64: 2, 16>, scalar_prefetch = 0 : i64, scratch_operands = 7 : i64, tpu.core_type = #tpu.core_type<sc_vector_subcore>, window_params = [{transform_indices = #map}, {transform_indices = #map1}, {transform_indices = #map1}, {transform_indices = #map}, {transform_indices = #map1}]} {
    %mul3A = arith.constant 16 : i32
    %mul3A_0 = arith.muli %arg0, %mul3A : i32
    %add3A = arith.addi %mul3A_0, %arg1 : i32
    %mul3A_1 = arith.constant 640 : i32
    %mul3A_2 = arith.muli %arg1, %mul3A_1 : i32
    "tpu.region"() ({
      %run_scoped3A = tpu.sem_alloc : memref<!tpu.dma_semaphore, #tpu.memory_space<semaphore_mem>>
      %dma_start3A = arith.constant 0 : i32
      %dma_start3A_13 = tpu.memref_slice %arg11[%mul3A_2, %dma_start3A] : memref<10240x64xf32, #tpu.memory_space<vmem_shared>> -> memref<640x64xf32, #tpu.memory_space<vmem_shared>>
      tpu.enqueue_dma source(%arg5 : memref<640x64xf32, #tpu.memory_space<hbm>>) target(%dma_start3A_13 : memref<640x64xf32, #tpu.memory_space<vmem_shared>>) target_semaphore(%run_scoped3A : memref<!tpu.dma_semaphore, #tpu.memory_space<semaphore_mem>>)
      %dma_wait3A = arith.constant 0 : i32
      %dma_wait3A_14 = tpu.memref_slice %arg11[%mul3A_2, %dma_wait3A] : memref<10240x64xf32, #tpu.memory_space<vmem_shared>> -> memref<640x64xf32, #tpu.memory_space<vmem_shared>>
      tpu.wait_dma2 semaphore(%run_scoped3A : memref<!tpu.dma_semaphore, #tpu.memory_space<semaphore_mem>>) src(%arg5 : memref<640x64xf32, #tpu.memory_space<hbm>>) dst(%dma_wait3A_14 : memref<640x64xf32, #tpu.memory_space<vmem_shared>>)
      tpu.yield
    }) : () -> ()
    %barrier3A = arith.constant 0 : index
    tpu.barrier barrier_id(%barrier3A)
    %scan3A = arith.constant 0 : i32
    %scan3A_3 = arith.constant 0 : i32
    %scan3A_4 = arith.constant 4 : i32
    %scan3A_5 = arith.addi %scan3A_3, %scan3A_4 : i32
    %scan3A_6 = arith.constant 1 : i32
    scf.for %scan3A_13 = %scan3A_3 to %scan3A_5 step %scan3A_6  : i32 {
      %mul3A_14 = arith.constant 20 : i32
      %mul3A_15 = arith.muli %scan3A_13, %mul3A_14 : i32
      "tpu.region"() ({
        %run_scoped3A = tpu.sem_alloc : memref<!tpu.dma_semaphore, #tpu.memory_space<semaphore_mem>>
        %dma_start3A_30 = arith.constant 0 : i32
        %dma_start3A_31 = tpu.memref_slice %arg3[%add3A, %mul3A_15, %dma_start3A_30] : memref<32x80x125xi32, #tpu.memory_space<hbm>> -> memref<1x20x125xi32, #tpu.memory_space<hbm>>
        %dma_start3A_32 = tpu.memref_squeeze %dma_start3A_31 : memref<1x20x125xi32, #tpu.memory_space<hbm>> -> memref<20x125xi32, #tpu.memory_space<hbm>>
        %dma_start3A_33 = arith.constant 0 : i32
        %dma_start3A_34 = tpu.memref_slice %arg3[%add3A, %mul3A_15, %dma_start3A_33] : memref<32x80x125xi32, #tpu.memory_space<hbm>> -> memref<1x20x125xi32, #tpu.memory_space<hbm>>
        %dma_start3A_35 = tpu.memref_squeeze %dma_start3A_34 : memref<1x20x125xi32, #tpu.memory_space<hbm>> -> memref<20x125xi32, #tpu.memory_space<hbm>>
        tpu.enqueue_dma source(%dma_start3A_35 : memref<20x125xi32, #tpu.memory_space<hbm>>) target(%arg7 : memref<20x125xi32, #tpu.memory_space<vmem>>) target_semaphore(%run_scoped3A : memref<!tpu.dma_semaphore, #tpu.memory_space<semaphore_mem>>)
        %dma_wait3A = arith.constant 0 : i32
        %dma_wait3A_36 = tpu.memref_slice %arg3[%add3A, %mul3A_15, %dma_wait3A] : memref<32x80x125xi32, #tpu.memory_space<hbm>> -> memref<1x20x125xi32, #tpu.memory_space<hbm>>
        %dma_wait3A_37 = tpu.memref_squeeze %dma_wait3A_36 : memref<1x20x125xi32, #tpu.memory_space<hbm>> -> memref<20x125xi32, #tpu.memory_space<hbm>>
        %dma_wait3A_38 = arith.constant 0 : i32
        %dma_wait3A_39 = tpu.memref_slice %arg3[%add3A, %mul3A_15, %dma_wait3A_38] : memref<32x80x125xi32, #tpu.memory_space<hbm>> -> memref<1x20x125xi32, #tpu.memory_space<hbm>>
        %dma_wait3A_40 = tpu.memref_squeeze %dma_wait3A_39 : memref<1x20x125xi32, #tpu.memory_space<hbm>> -> memref<20x125xi32, #tpu.memory_space<hbm>>
        tpu.wait_dma2 semaphore(%run_scoped3A : memref<!tpu.dma_semaphore, #tpu.memory_space<semaphore_mem>>) src(%dma_wait3A_40 : memref<20x125xi32, #tpu.memory_space<hbm>>) dst(%arg7 : memref<20x125xi32, #tpu.memory_space<vmem>>)
        tpu.yield
      }) : () -> ()
      %mul3A_16 = arith.constant 20 : i32
      %mul3A_17 = arith.muli %scan3A_13, %mul3A_16 : i32
      "tpu.region"() ({
        %run_scoped3A = tpu.sem_alloc : memref<!tpu.dma_semaphore, #tpu.memory_space<semaphore_mem>>
        %dma_start3A_30 = arith.constant 0 : i32
        %dma_start3A_31 = tpu.memref_slice %arg4[%add3A, %mul3A_17, %dma_start3A_30] : memref<32x80x125xi32, #tpu.memory_space<hbm>> -> memref<1x20x125xi32, #tpu.memory_space<hbm>>
        %dma_start3A_32 = tpu.memref_squeeze %dma_start3A_31 : memref<1x20x125xi32, #tpu.memory_space<hbm>> -> memref<20x125xi32, #tpu.memory_space<hbm>>
        %dma_start3A_33 = arith.constant 0 : i32
        %dma_start3A_34 = tpu.memref_slice %arg4[%add3A, %mul3A_17, %dma_start3A_33] : memref<32x80x125xi32, #tpu.memory_space<hbm>> -> memref<1x20x125xi32, #tpu.memory_space<hbm>>
        %dma_start3A_35 = tpu.memref_squeeze %dma_start3A_34 : memref<1x20x125xi32, #tpu.memory_space<hbm>> -> memref<20x125xi32, #tpu.memory_space<hbm>>
        tpu.enqueue_dma source(%dma_start3A_35 : memref<20x125xi32, #tpu.memory_space<hbm>>) target(%arg8 : memref<20x125xi32, #tpu.memory_space<vmem>>) target_semaphore(%run_scoped3A : memref<!tpu.dma_semaphore, #tpu.memory_space<semaphore_mem>>)
        %dma_wait3A = arith.constant 0 : i32
        %dma_wait3A_36 = tpu.memref_slice %arg4[%add3A, %mul3A_17, %dma_wait3A] : memref<32x80x125xi32, #tpu.memory_space<hbm>> -> memref<1x20x125xi32, #tpu.memory_space<hbm>>
        %dma_wait3A_37 = tpu.memref_squeeze %dma_wait3A_36 : memref<1x20x125xi32, #tpu.memory_space<hbm>> -> memref<20x125xi32, #tpu.memory_space<hbm>>
        %dma_wait3A_38 = arith.constant 0 : i32
        %dma_wait3A_39 = tpu.memref_slice %arg4[%add3A, %mul3A_17, %dma_wait3A_38] : memref<32x80x125xi32, #tpu.memory_space<hbm>> -> memref<1x20x125xi32, #tpu.memory_space<hbm>>
        %dma_wait3A_40 = tpu.memref_squeeze %dma_wait3A_39 : memref<1x20x125xi32, #tpu.memory_space<hbm>> -> memref<20x125xi32, #tpu.memory_space<hbm>>
        tpu.wait_dma2 semaphore(%run_scoped3A : memref<!tpu.dma_semaphore, #tpu.memory_space<semaphore_mem>>) src(%dma_wait3A_40 : memref<20x125xi32, #tpu.memory_space<hbm>>) dst(%arg8 : memref<20x125xi32, #tpu.memory_space<vmem>>)
        tpu.yield
      }) : () -> ()
      %dma_start3A = arith.constant 0 : i32
      %dma_start3A_18 = arith.constant 0 : i32
      %dma_start3A_19 = tpu.memref_slice %arg7[%dma_start3A, %dma_start3A_18] : memref<20x125xi32, #tpu.memory_space<vmem>> -> memref<1x125xi32, #tpu.memory_space<vmem>>
      %dma_start3A_20 = tpu.memref_squeeze %dma_start3A_19 : memref<1x125xi32, #tpu.memory_space<vmem>> -> memref<125xi32, #tpu.memory_space<vmem>>
      %dma_start3A_21 = arith.constant 0 : i32
      %dma_start3A_22 = arith.constant 0 : i32
      %dma_start3A_23 = tpu.memref_slice %arg2[%dma_start3A_21, %dma_start3A_22] : memref<10240x64xf32, #tpu.memory_space<hbm>> -> memref<10240x64xf32, #tpu.memory_space<hbm>>
      tpu.enqueue_indirect_dma source(%dma_start3A_23 : memref<10240x64xf32, #tpu.memory_space<hbm>>) target(%arg9 : memref<125x64xf32, #tpu.memory_space<vmem>>) offsets(%dma_start3A_20 : memref<125xi32, #tpu.memory_space<vmem>>) semaphore(%arg12 : memref<!tpu.dma_semaphore, #tpu.memory_space<semaphore_mem>>)
      %scan3A_24 = arith.constant 0 : i32
      %scan3A_25 = arith.constant 0 : i32
      %scan3A_26 = arith.constant 10 : i32
      %scan3A_27 = arith.addi %scan3A_25, %scan3A_26 : i32
      %scan3A_28 = arith.constant 1 : i32
      scf.for %scan3A_30 = %scan3A_25 to %scan3A_27 step %scan3A_28  : i32 {
        %mul3A_31 = arith.constant 2 : i32
        %mul3A_32 = arith.muli %mul3A_31, %scan3A_30 : i32
        %add3A_33 = arith.constant 1 : i32
        %add3A_34 = arith.addi %mul3A_32, %add3A_33 : i32
        %dma_start3A_35 = arith.constant 0 : i32
        %dma_start3A_36 = tpu.memref_slice %arg7[%add3A_34, %dma_start3A_35] : memref<20x125xi32, #tpu.memory_space<vmem>> -> memref<1x125xi32, #tpu.memory_space<vmem>>
        %dma_start3A_37 = tpu.memref_squeeze %dma_start3A_36 : memref<1x125xi32, #tpu.memory_space<vmem>> -> memref<125xi32, #tpu.memory_space<vmem>>
        %dma_start3A_38 = arith.constant 0 : i32
        %dma_start3A_39 = arith.constant 0 : i32
        %dma_start3A_40 = tpu.memref_slice %arg2[%dma_start3A_38, %dma_start3A_39] : memref<10240x64xf32, #tpu.memory_space<hbm>> -> memref<10240x64xf32, #tpu.memory_space<hbm>>
        tpu.enqueue_indirect_dma source(%dma_start3A_40 : memref<10240x64xf32, #tpu.memory_space<hbm>>) target(%arg10 : memref<125x64xf32, #tpu.memory_space<vmem>>) offsets(%dma_start3A_37 : memref<125xi32, #tpu.memory_space<vmem>>) semaphore(%arg13 : memref<!tpu.dma_semaphore, #tpu.memory_space<semaphore_mem>>)
        %dma_wait3A = arith.constant 0 : i32
        %dma_wait3A_41 = tpu.memref_slice %arg7[%mul3A_32, %dma_wait3A] : memref<20x125xi32, #tpu.memory_space<vmem>> -> memref<1x125xi32, #tpu.memory_space<vmem>>
        %dma_wait3A_42 = tpu.memref_squeeze %dma_wait3A_41 : memref<1x125xi32, #tpu.memory_space<vmem>> -> memref<125xi32, #tpu.memory_space<vmem>>
        %dma_wait3A_43 = arith.constant 0 : i32
        %dma_wait3A_44 = arith.constant 0 : i32
        %dma_wait3A_45 = tpu.memref_slice %arg2[%dma_wait3A_43, %dma_wait3A_44] : memref<10240x64xf32, #tpu.memory_space<hbm>> -> memref<10240x64xf32, #tpu.memory_space<hbm>>
        tpu.wait_indirect_dma semaphore(%arg12 : memref<!tpu.dma_semaphore, #tpu.memory_space<semaphore_mem>>) src(%dma_wait3A_45 : memref<10240x64xf32, #tpu.memory_space<hbm>>) dst(%arg9 : memref<125x64xf32, #tpu.memory_space<vmem>>)
        "tpu.region"() ({
          %run_scoped3A = tpu.sem_alloc : memref<!tpu.dma_semaphore, #tpu.memory_space<semaphore_mem>>
          %dma_start3A_56 = arith.constant 0 : i32
          %dma_start3A_57 = tpu.memref_slice %arg8[%mul3A_32, %dma_start3A_56] : memref<20x125xi32, #tpu.memory_space<vmem>> -> memref<1x125xi32, #tpu.memory_space<vmem>>
          %dma_start3A_58 = tpu.memref_squeeze %dma_start3A_57 : memref<1x125xi32, #tpu.memory_space<vmem>> -> memref<125xi32, #tpu.memory_space<vmem>>
          %dma_start3A_59 = arith.constant 0 : i32
          %dma_start3A_60 = arith.constant 0 : i32
          %dma_start3A_61 = tpu.memref_slice %arg11[%dma_start3A_59, %dma_start3A_60] : memref<10240x64xf32, #tpu.memory_space<vmem_shared>> -> memref<10240x64xf32, #tpu.memory_space<vmem_shared>>
          tpu.enqueue_indirect_dma source(%arg9 : memref<125x64xf32, #tpu.memory_space<vmem>>) target(%dma_start3A_61 : memref<10240x64xf32, #tpu.memory_space<vmem_shared>>) offsets(%dma_start3A_58 : memref<125xi32, #tpu.memory_space<vmem>>) semaphore(%run_scoped3A : memref<!tpu.dma_semaphore, #tpu.memory_space<semaphore_mem>>) {add = true}
          %dma_wait3A_62 = arith.constant 0 : i32
          %dma_wait3A_63 = tpu.memref_slice %arg8[%mul3A_32, %dma_wait3A_62] : memref<20x125xi32, #tpu.memory_space<vmem>> -> memref<1x125xi32, #tpu.memory_space<vmem>>
          %dma_wait3A_64 = tpu.memref_squeeze %dma_wait3A_63 : memref<1x125xi32, #tpu.memory_space<vmem>> -> memref<125xi32, #tpu.memory_space<vmem>>
          %dma_wait3A_65 = arith.constant 0 : i32
          %dma_wait3A_66 = arith.constant 0 : i32
          %dma_wait3A_67 = tpu.memref_slice %arg11[%dma_wait3A_65, %dma_wait3A_66] : memref<10240x64xf32, #tpu.memory_space<vmem_shared>> -> memref<10240x64xf32, #tpu.memory_space<vmem_shared>>
          tpu.wait_indirect_dma semaphore(%run_scoped3A : memref<!tpu.dma_semaphore, #tpu.memory_space<semaphore_mem>>) src(%arg9 : memref<125x64xf32, #tpu.memory_space<vmem>>) dst(%dma_wait3A_67 : memref<10240x64xf32, #tpu.memory_space<vmem_shared>>)
          tpu.yield
        }) : () -> ()
        %add3A_46 = arith.constant 1 : i32
        %add3A_47 = arith.addi %add3A_34, %add3A_46 : i32
        %lt3A = arith.constant 20 : i32
        %lt3A_48 = arith.cmpi slt, %add3A_47, %lt3A : i32
        %convert_element_type3A = arith.extui %lt3A_48 : i1 to i32
        %cond3A = arith.constant 0 : i32
        %cond3A_49 = arith.cmpi ne, %convert_element_type3A, %cond3A : i32
        scf.if %cond3A_49 {
          %add3A_56 = arith.constant 1 : i32
          %add3A_57 = arith.addi %add3A_34, %add3A_56 : i32
          %dma_start3A_58 = arith.constant 0 : i32
          %dma_start3A_59 = tpu.memref_slice %arg7[%add3A_57, %dma_start3A_58] : memref<20x125xi32, #tpu.memory_space<vmem>> -> memref<1x125xi32, #tpu.memory_space<vmem>>
          %dma_start3A_60 = tpu.memref_squeeze %dma_start3A_59 : memref<1x125xi32, #tpu.memory_space<vmem>> -> memref<125xi32, #tpu.memory_space<vmem>>
          %dma_start3A_61 = arith.constant 0 : i32
          %dma_start3A_62 = arith.constant 0 : i32
          %dma_start3A_63 = tpu.memref_slice %arg2[%dma_start3A_61, %dma_start3A_62] : memref<10240x64xf32, #tpu.memory_space<hbm>> -> memref<10240x64xf32, #tpu.memory_space<hbm>>
          tpu.enqueue_indirect_dma source(%dma_start3A_63 : memref<10240x64xf32, #tpu.memory_space<hbm>>) target(%arg9 : memref<125x64xf32, #tpu.memory_space<vmem>>) offsets(%dma_start3A_60 : memref<125xi32, #tpu.memory_space<vmem>>) semaphore(%arg12 : memref<!tpu.dma_semaphore, #tpu.memory_space<semaphore_mem>>)
        } else {
        }
        %dma_wait3A_50 = arith.constant 0 : i32
        %dma_wait3A_51 = tpu.memref_slice %arg7[%add3A_34, %dma_wait3A_50] : memref<20x125xi32, #tpu.memory_space<vmem>> -> memref<1x125xi32, #tpu.memory_space<vmem>>
        %dma_wait3A_52 = tpu.memref_squeeze %dma_wait3A_51 : memref<1x125xi32, #tpu.memory_space<vmem>> -> memref<125xi32, #tpu.memory_space<vmem>>
        %dma_wait3A_53 = arith.constant 0 : i32
        %dma_wait3A_54 = arith.constant 0 : i32
        %dma_wait3A_55 = tpu.memref_slice %arg2[%dma_wait3A_53, %dma_wait3A_54] : memref<10240x64xf32, #tpu.memory_space<hbm>> -> memref<10240x64xf32, #tpu.memory_space<hbm>>
        tpu.wait_indirect_dma semaphore(%arg13 : memref<!tpu.dma_semaphore, #tpu.memory_space<semaphore_mem>>) src(%dma_wait3A_55 : memref<10240x64xf32, #tpu.memory_space<hbm>>) dst(%arg10 : memref<125x64xf32, #tpu.memory_space<vmem>>)
        "tpu.region"() ({
          %run_scoped3A = tpu.sem_alloc : memref<!tpu.dma_semaphore, #tpu.memory_space<semaphore_mem>>
          %dma_start3A_56 = arith.constant 0 : i32
          %dma_start3A_57 = tpu.memref_slice %arg8[%add3A_34, %dma_start3A_56] : memref<20x125xi32, #tpu.memory_space<vmem>> -> memref<1x125xi32, #tpu.memory_space<vmem>>
          %dma_start3A_58 = tpu.memref_squeeze %dma_start3A_57 : memref<1x125xi32, #tpu.memory_space<vmem>> -> memref<125xi32, #tpu.memory_space<vmem>>
          %dma_start3A_59 = arith.constant 0 : i32
          %dma_start3A_60 = arith.constant 0 : i32
          %dma_start3A_61 = tpu.memref_slice %arg11[%dma_start3A_59, %dma_start3A_60] : memref<10240x64xf32, #tpu.memory_space<vmem_shared>> -> memref<10240x64xf32, #tpu.memory_space<vmem_shared>>
          tpu.enqueue_indirect_dma source(%arg10 : memref<125x64xf32, #tpu.memory_space<vmem>>) target(%dma_start3A_61 : memref<10240x64xf32, #tpu.memory_space<vmem_shared>>) offsets(%dma_start3A_58 : memref<125xi32, #tpu.memory_space<vmem>>) semaphore(%run_scoped3A : memref<!tpu.dma_semaphore, #tpu.memory_space<semaphore_mem>>) {add = true}
          %dma_wait3A_62 = arith.constant 0 : i32
          %dma_wait3A_63 = tpu.memref_slice %arg8[%add3A_34, %dma_wait3A_62] : memref<20x125xi32, #tpu.memory_space<vmem>> -> memref<1x125xi32, #tpu.memory_space<vmem>>
          %dma_wait3A_64 = tpu.memref_squeeze %dma_wait3A_63 : memref<1x125xi32, #tpu.memory_space<vmem>> -> memref<125xi32, #tpu.memory_space<vmem>>
          %dma_wait3A_65 = arith.constant 0 : i32
          %dma_wait3A_66 = arith.constant 0 : i32
          %dma_wait3A_67 = tpu.memref_slice %arg11[%dma_wait3A_65, %dma_wait3A_66] : memref<10240x64xf32, #tpu.memory_space<vmem_shared>> -> memref<10240x64xf32, #tpu.memory_space<vmem_shared>>
          tpu.wait_indirect_dma semaphore(%run_scoped3A : memref<!tpu.dma_semaphore, #tpu.memory_space<semaphore_mem>>) src(%arg10 : memref<125x64xf32, #tpu.memory_space<vmem>>) dst(%dma_wait3A_67 : memref<10240x64xf32, #tpu.memory_space<vmem_shared>>)
          tpu.yield
        }) : () -> ()
      }
      %scan3A_29 = arith.constant 10 : i32
    }
    %scan3A_7 = arith.constant 4 : i32
    %barrier3A_8 = arith.constant 0 : index
    tpu.barrier barrier_id(%barrier3A_8)
    %mul3A_9 = arith.constant 640 : i32
    %mul3A_10 = arith.muli %arg1, %mul3A_9 : i32
    %mul3A_11 = arith.constant 640 : i32
    %mul3A_12 = arith.muli %arg1, %mul3A_11 : i32
    "tpu.region"() ({
      %run_scoped3A = tpu.sem_alloc : memref<!tpu.dma_semaphore, #tpu.memory_space<semaphore_mem>>
      %dma_start3A = arith.constant 0 : i32
      %dma_start3A_13 = tpu.memref_slice %arg6[%arg0, %mul3A_12, %dma_start3A] : memref<2x10240x64xf32, #tpu.memory_space<hbm>> -> memref<1x640x64xf32, #tpu.memory_space<hbm>>
      %dma_start3A_14 = tpu.memref_squeeze %dma_start3A_13 : memref<1x640x64xf32, #tpu.memory_space<hbm>> -> memref<640x64xf32, #tpu.memory_space<hbm>>
      %dma_start3A_15 = arith.constant 0 : i32
      %dma_start3A_16 = tpu.memref_slice %arg11[%mul3A_10, %dma_start3A_15] : memref<10240x64xf32, #tpu.memory_space<vmem_shared>> -> memref<640x64xf32, #tpu.memory_space<vmem_shared>>
      tpu.enqueue_dma source(%dma_start3A_16 : memref<640x64xf32, #tpu.memory_space<vmem_shared>>) target(%dma_start3A_14 : memref<640x64xf32, #tpu.memory_space<hbm>>) target_semaphore(%run_scoped3A : memref<!tpu.dma_semaphore, #tpu.memory_space<semaphore_mem>>)
      %dma_wait3A = arith.constant 0 : i32
      %dma_wait3A_17 = tpu.memref_slice %arg6[%arg0, %mul3A_12, %dma_wait3A] : memref<2x10240x64xf32, #tpu.memory_space<hbm>> -> memref<1x640x64xf32, #tpu.memory_space<hbm>>
      %dma_wait3A_18 = tpu.memref_squeeze %dma_wait3A_17 : memref<1x640x64xf32, #tpu.memory_space<hbm>> -> memref<640x64xf32, #tpu.memory_space<hbm>>
      %dma_wait3A_19 = arith.constant 0 : i32
      %dma_wait3A_20 = tpu.memref_slice %arg11[%mul3A_10, %dma_wait3A_19] : memref<10240x64xf32, #tpu.memory_space<vmem_shared>> -> memref<640x64xf32, #tpu.memory_space<vmem_shared>>
      tpu.wait_dma2 semaphore(%run_scoped3A : memref<!tpu.dma_semaphore, #tpu.memory_space<semaphore_mem>>) src(%dma_wait3A_20 : memref<640x64xf32, #tpu.memory_space<vmem_shared>>) dst(%dma_wait3A_18 : memref<640x64xf32, #tpu.memory_space<hbm>>)
      tpu.yield
    }) : () -> ()
    return
  }
}

module attributes {stable_mosaic.version = 14 : i64} {
  func.func @body(%arg0: i32, %arg1: memref<2x2000x16xf32, #tpu.memory_space<vmem>>, %arg2: memref<2000x128xf32, #tpu.memory_space<vmem>>, %arg3: memref<2000x1xf32, #tpu.memory_space<vmem>>, %arg4: memref<2000x128xf32, #tpu.memory_space<vmem>>) attributes {dimension_semantics = [#tpu.dimension_semantics<arbitrary>], iteration_bounds = array<i64: 5>, scalar_prefetch = 0 : i64, scratch_operands = 0 : i64, tpu.core_type = #tpu.core_type<tc>, window_params = [{transform_indices = @transform_0, window_bounds = array<i64: 2, 2000, 16>}, {transform_indices = @transform_1, window_bounds = array<i64: 2000, 128>}, {transform_indices = @transform_2, window_bounds = array<i64: 2000, 1>}, {transform_indices = @transform_3, window_bounds = array<i64: 2000, 128>}]} {
    %get3A = arith.constant 0 : index
    %get3A_0 = arith.constant 0 : index
    %get3A_1 = arith.constant 0 : index
    %get3A_2 = vector.load %arg1[%get3A, %get3A_0, %get3A_1] : memref<2x2000x16xf32, #tpu.memory_space<vmem>>, vector<1x2000x1xf32>
    %get3A_3 = vector.shape_cast %get3A_2 : vector<1x2000x1xf32> to vector<2000x1xf32>
    %get3A_4 = arith.constant 1 : index
    %get3A_5 = arith.constant 0 : index
    %get3A_6 = arith.constant 0 : index
    %get3A_7 = vector.load %arg1[%get3A_4, %get3A_5, %get3A_6] : memref<2x2000x16xf32, #tpu.memory_space<vmem>>, vector<1x2000x1xf32>
    %get3A_8 = vector.shape_cast %get3A_7 : vector<1x2000x1xf32> to vector<2000x1xf32>
    %add3A = arith.addf %get3A_3, %get3A_8 : vector<2000x1xf32>
    %gt3A = arith.constant 0.000000e+00 : f32
    %gt3A_9 = vector.broadcast %gt3A : f32 to vector<2000x1xf32>
    %gt3A_10 = arith.cmpf ogt, %add3A, %gt3A_9 : vector<2000x1xf32>
    %max3A = arith.constant 1.000000e+00 : f32
    %max3A_11 = vector.broadcast %max3A : f32 to vector<2000x1xf32>
    %max3A_12 = arith.maximumf %add3A, %max3A_11 : vector<2000x1xf32>
    %rsqrt3A = math.rsqrt %max3A_12 : vector<2000x1xf32>
    %jit3A = arith.constant 0.000000e+00 : f32
    %broadcast_in_dim3A = vector.broadcast %jit3A : f32 to vector<2000x1xf32>
    %select_n3A = arith.select %gt3A_10, %rsqrt3A, %broadcast_in_dim3A : vector<2000x1xi1>, vector<2000x1xf32>
    %swap3A = arith.constant 0 : index
    %swap3A_13 = arith.constant 0 : index
    %swap3A_14 = vector.load %arg3[%swap3A, %swap3A_13] : memref<2000x1xf32, #tpu.memory_space<vmem>>, vector<2000x1xf32>
    tpu.vector_store %arg3[%swap3A, %swap3A_13], %select_n3A {strides = array<i32>} : memref<2000x1xf32, #tpu.memory_space<vmem>>, vector<2000x1xf32>,
    %get3A_15 = arith.constant 0 : index
    %get3A_16 = arith.constant 0 : index
    %get3A_17 = vector.load %arg2[%get3A_15, %get3A_16] : memref<2000x128xf32, #tpu.memory_space<vmem>>, vector<2000x128xf32>
    %mul3A = vector.broadcast %select_n3A : vector<2000x1xf32> to vector<2000x128xf32>
    %mul3A_18 = arith.mulf %get3A_17, %mul3A : vector<2000x128xf32>
    %swap3A_19 = arith.constant 0 : index
    %swap3A_20 = arith.constant 0 : index
    %swap3A_21 = vector.load %arg4[%swap3A_19, %swap3A_20] : memref<2000x128xf32, #tpu.memory_space<vmem>>, vector<2000x128xf32>
    tpu.vector_store %arg4[%swap3A_19, %swap3A_20], %mul3A_18 {strides = array<i32>} : memref<2000x128xf32, #tpu.memory_space<vmem>>, vector<2000x128xf32>,
    return
  }
  func.func @transform_0(%arg0: i32) -> (i32, i32, i32) {
    %c0_i32 = arith.constant 0 : i32
    %c0_i32_0 = arith.constant 0 : i32
    %c0_i32_1 = arith.constant 0 : i32
    return %c0_i32, %arg0, %c0_i32_0 : i32, i32, i32
  }
  func.func @transform_1(%arg0: i32) -> (i32, i32) {
    %c0_i32 = arith.constant 0 : i32
    %c0_i32_0 = arith.constant 0 : i32
    return %arg0, %c0_i32 : i32, i32
  }
  func.func @transform_2(%arg0: i32) -> (i32, i32) {
    %c0_i32 = arith.constant 0 : i32
    %c0_i32_0 = arith.constant 0 : i32
    return %arg0, %c0_i32 : i32, i32
  }
  func.func @transform_3(%arg0: i32) -> (i32, i32) {
    %c0_i32 = arith.constant 0 : i32
    %c0_i32_0 = arith.constant 0 : i32
    return %arg0, %c0_i32 : i32, i32
  }
}

module attributes {stable_mosaic.version = 14 : i64} {
  func.func @body(%arg0: i32, %arg1: memref<2x2000x128xf32, #tpu.memory_space<vmem>>, %arg2: memref<2000x1xf32, #tpu.memory_space<vmem>>, %arg3: memref<2000x128xf32, #tpu.memory_space<vmem>>) attributes {dimension_semantics = [#tpu.dimension_semantics<arbitrary>], iteration_bounds = array<i64: 5>, scalar_prefetch = 0 : i64, scratch_operands = 0 : i64, tpu.core_type = #tpu.core_type<tc>, window_params = [{transform_indices = @transform_0, window_bounds = array<i64: 2, 2000, 128>}, {transform_indices = @transform_1, window_bounds = array<i64: 2000, 1>}, {transform_indices = @transform_2, window_bounds = array<i64: 2000, 128>}]} {
    %get3A = arith.constant 0 : index
    %get3A_0 = arith.constant 0 : index
    %get3A_1 = vector.load %arg2[%get3A, %get3A_0] : memref<2000x1xf32, #tpu.memory_space<vmem>>, vector<2000x1xf32>
    %get3A_2 = arith.constant 0 : index
    %get3A_3 = arith.constant 0 : index
    %get3A_4 = arith.constant 0 : index
    %get3A_5 = vector.load %arg1[%get3A_2, %get3A_3, %get3A_4] : memref<2x2000x128xf32, #tpu.memory_space<vmem>>, vector<1x2000x128xf32>
    %get3A_6 = vector.shape_cast %get3A_5 : vector<1x2000x128xf32> to vector<2000x128xf32>
    %get3A_7 = arith.constant 1 : index
    %get3A_8 = arith.constant 0 : index
    %get3A_9 = arith.constant 0 : index
    %get3A_10 = vector.load %arg1[%get3A_7, %get3A_8, %get3A_9] : memref<2x2000x128xf32, #tpu.memory_space<vmem>>, vector<1x2000x128xf32>
    %get3A_11 = vector.shape_cast %get3A_10 : vector<1x2000x128xf32> to vector<2000x128xf32>
    %add3A = arith.addf %get3A_6, %get3A_11 : vector<2000x128xf32>
    %neg3A = arith.constant 0.000000e+00 : f32
    %neg3A_12 = vector.broadcast %neg3A : f32 to vector<2000x1xf32>
    %neg3A_13 = arith.subf %neg3A_12, %get3A_1 : vector<2000x1xf32>
    %mul3A = arith.mulf %neg3A_13, %get3A_1 : vector<2000x1xf32>
    %mul3A_14 = vector.broadcast %mul3A : vector<2000x1xf32> to vector<2000x128xf32>
    %mul3A_15 = arith.mulf %add3A, %mul3A_14 : vector<2000x128xf32>
    %swap3A = arith.constant 0 : index
    %swap3A_16 = arith.constant 0 : index
    %swap3A_17 = vector.load %arg3[%swap3A, %swap3A_16] : memref<2000x128xf32, #tpu.memory_space<vmem>>, vector<2000x128xf32>
    tpu.vector_store %arg3[%swap3A, %swap3A_16], %mul3A_15 {strides = array<i32>} : memref<2000x128xf32, #tpu.memory_space<vmem>>, vector<2000x128xf32>,
    return
  }
  func.func @transform_0(%arg0: i32) -> (i32, i32, i32) {
    %c0_i32 = arith.constant 0 : i32
    %c0_i32_0 = arith.constant 0 : i32
    %c0_i32_1 = arith.constant 0 : i32
    return %c0_i32, %arg0, %c0_i32_0 : i32, i32, i32
  }
  func.func @transform_1(%arg0: i32) -> (i32, i32) {
    %c0_i32 = arith.constant 0 : i32
    %c0_i32_0 = arith.constant 0 : i32
    return %arg0, %c0_i32 : i32, i32
  }
  func.func @transform_2(%arg0: i32) -> (i32, i32) {
    %c0_i32 = arith.constant 0 : i32
    %c0_i32_0 = arith.constant 0 : i32
    return %arg0, %c0_i32 : i32, i32
  }
}

module attributes {stable_mosaic.version = 14 : i64} {
  func.func @body(%arg0: i32, %arg1: memref<2000x128xf32, #tpu.memory_space<vmem>>, %arg2: memref<3x128x128xf32, #tpu.memory_space<vmem>>, %arg3: memref<2000x128xf32, #tpu.memory_space<vmem>>) attributes {dimension_semantics = [#tpu.dimension_semantics<arbitrary>], iteration_bounds = array<i64: 5>, scalar_prefetch = 0 : i64, scratch_operands = 0 : i64, tpu.core_type = #tpu.core_type<tc>, window_params = [{transform_indices = @transform_0, window_bounds = array<i64: 2000, 128>}, {pipeline_mode = #tpu.pipeline_mode<synchronous>, transform_indices = @transform_1, window_bounds = array<i64: 3, 128, 128>}, {transform_indices = @transform_2, window_bounds = array<i64: 2000, 128>}]} {
    %get3A = arith.constant 0 : index
    %get3A_0 = arith.constant 0 : index
    %get3A_1 = vector.load %arg1[%get3A, %get3A_0] : memref<2000x128xf32, #tpu.memory_space<vmem>>, vector<2000x128xf32>
    %get3A_2 = arith.constant 0 : index
    %get3A_3 = arith.constant 0 : index
    %get3A_4 = arith.constant 0 : index
    %get3A_5 = vector.load %arg2[%get3A_2, %get3A_3, %get3A_4] : memref<3x128x128xf32, #tpu.memory_space<vmem>>, vector<1x128x128xf32>
    %get3A_6 = vector.shape_cast %get3A_5 : vector<1x128x128xf32> to vector<128x128xf32>
    %dot_general3A = arith.constant dense<0.000000e+00> : vector<2000x128xf32>
    %dot_general3A_7 = tpu.matmul %get3A_1, %get3A_6, %dot_general3A {dimension_numbers = #tpu.dot_dimension_numbers<[1], [0], [0], [1], [0, 0, 1, 1], [], []>, transpose_lhs_hint = false} : vector<2000x128xf32>, vector<128x128xf32>, vector<2000x128xf32> -> vector<2000x128xf32>
    %swap3A = arith.constant 0 : index
    %swap3A_8 = arith.constant 0 : index
    %swap3A_9 = vector.load %arg3[%swap3A, %swap3A_8] : memref<2000x128xf32, #tpu.memory_space<vmem>>, vector<2000x128xf32>
    tpu.vector_store %arg3[%swap3A, %swap3A_8], %dot_general3A_7 {strides = array<i32>} : memref<2000x128xf32, #tpu.memory_space<vmem>>, vector<2000x128xf32>,
    return
  }
  func.func @transform_0(%arg0: i32) -> (i32, i32) {
    %c0_i32 = arith.constant 0 : i32
    %c0_i32_0 = arith.constant 0 : i32
    return %arg0, %c0_i32 : i32, i32
  }
  func.func @transform_1(%arg0: i32) -> (i32, i32, i32) {
    %c0_i32 = arith.constant 0 : i32
    %c0_i32_0 = arith.constant 0 : i32
    %c0_i32_1 = arith.constant 0 : i32
    %c0_i32_2 = arith.constant 0 : i32
    return %c0_i32, %c0_i32_0, %c0_i32_1 : i32, i32, i32
  }
  func.func @transform_2(%arg0: i32) -> (i32, i32) {
    %c0_i32 = arith.constant 0 : i32
    %c0_i32_0 = arith.constant 0 : i32
    return %arg0, %c0_i32 : i32, i32
  }
}

module attributes {stable_mosaic.version = 14 : i64} {
  func.func @body(%arg0: i32, %arg1: memref<2x2000x128xf32, #tpu.memory_space<vmem>>, %arg2: memref<2000x1xf32, #tpu.memory_space<vmem>>, %arg3: memref<2000x128xf32, #tpu.memory_space<vmem>>, %arg4: memref<3x128x128xf32, #tpu.memory_space<vmem>>, %arg5: memref<2000x128xf32, #tpu.memory_space<vmem>>) attributes {dimension_semantics = [#tpu.dimension_semantics<arbitrary>], iteration_bounds = array<i64: 5>, scalar_prefetch = 0 : i64, scratch_operands = 0 : i64, tpu.core_type = #tpu.core_type<tc>, window_params = [{transform_indices = @transform_0, window_bounds = array<i64: 2, 2000, 128>}, {transform_indices = @transform_1, window_bounds = array<i64: 2000, 1>}, {transform_indices = @transform_2, window_bounds = array<i64: 2000, 128>}, {pipeline_mode = #tpu.pipeline_mode<synchronous>, transform_indices = @transform_3, window_bounds = array<i64: 3, 128, 128>}, {transform_indices = @transform_4, window_bounds = array<i64: 2000, 128>}]} {
    %get3A = arith.constant 0 : index
    %get3A_0 = arith.constant 0 : index
    %get3A_1 = vector.load %arg2[%get3A, %get3A_0] : memref<2000x1xf32, #tpu.memory_space<vmem>>, vector<2000x1xf32>
    %get3A_2 = arith.constant 0 : index
    %get3A_3 = arith.constant 0 : index
    %get3A_4 = arith.constant 0 : index
    %get3A_5 = vector.load %arg1[%get3A_2, %get3A_3, %get3A_4] : memref<2x2000x128xf32, #tpu.memory_space<vmem>>, vector<1x2000x128xf32>
    %get3A_6 = vector.shape_cast %get3A_5 : vector<1x2000x128xf32> to vector<2000x128xf32>
    %get3A_7 = arith.constant 1 : index
    %get3A_8 = arith.constant 0 : index
    %get3A_9 = arith.constant 0 : index
    %get3A_10 = vector.load %arg1[%get3A_7, %get3A_8, %get3A_9] : memref<2x2000x128xf32, #tpu.memory_space<vmem>>, vector<1x2000x128xf32>
    %get3A_11 = vector.shape_cast %get3A_10 : vector<1x2000x128xf32> to vector<2000x128xf32>
    %add3A = arith.addf %get3A_6, %get3A_11 : vector<2000x128xf32>
    %neg3A = arith.constant 0.000000e+00 : f32
    %neg3A_12 = vector.broadcast %neg3A : f32 to vector<2000x1xf32>
    %neg3A_13 = arith.subf %neg3A_12, %get3A_1 : vector<2000x1xf32>
    %mul3A = vector.broadcast %neg3A_13 : vector<2000x1xf32> to vector<2000x128xf32>
    %mul3A_14 = arith.mulf %add3A, %mul3A : vector<2000x128xf32>
    %get3A_15 = arith.constant 0 : index
    %get3A_16 = arith.constant 0 : index
    %get3A_17 = vector.load %arg3[%get3A_15, %get3A_16] : memref<2000x128xf32, #tpu.memory_space<vmem>>, vector<2000x128xf32>
    %get3A_18 = arith.constant 1 : index
    %get3A_19 = arith.constant 0 : index
    %get3A_20 = arith.constant 0 : index
    %get3A_21 = vector.load %arg4[%get3A_18, %get3A_19, %get3A_20] : memref<3x128x128xf32, #tpu.memory_space<vmem>>, vector<1x128x128xf32>
    %get3A_22 = vector.shape_cast %get3A_21 : vector<1x128x128xf32> to vector<128x128xf32>
    %dot_general3A = arith.constant dense<0.000000e+00> : vector<2000x128xf32>
    %dot_general3A_23 = tpu.matmul %mul3A_14, %get3A_22, %dot_general3A {dimension_numbers = #tpu.dot_dimension_numbers<[1], [0], [0], [1], [0, 0, 1, 1], [], []>, transpose_lhs_hint = false} : vector<2000x128xf32>, vector<128x128xf32>, vector<2000x128xf32> -> vector<2000x128xf32>
    %add3A_24 = arith.addf %get3A_17, %dot_general3A_23 : vector<2000x128xf32>
    %swap3A = arith.constant 0 : index
    %swap3A_25 = arith.constant 0 : index
    %swap3A_26 = vector.load %arg5[%swap3A, %swap3A_25] : memref<2000x128xf32, #tpu.memory_space<vmem>>, vector<2000x128xf32>
    tpu.vector_store %arg5[%swap3A, %swap3A_25], %add3A_24 {strides = array<i32>} : memref<2000x128xf32, #tpu.memory_space<vmem>>, vector<2000x128xf32>,
    return
  }
  func.func @transform_0(%arg0: i32) -> (i32, i32, i32) {
    %c0_i32 = arith.constant 0 : i32
    %c0_i32_0 = arith.constant 0 : i32
    %c0_i32_1 = arith.constant 0 : i32
    return %c0_i32, %arg0, %c0_i32_0 : i32, i32, i32
  }
  func.func @transform_1(%arg0: i32) -> (i32, i32) {
    %c0_i32 = arith.constant 0 : i32
    %c0_i32_0 = arith.constant 0 : i32
    return %arg0, %c0_i32 : i32, i32
  }
  func.func @transform_2(%arg0: i32) -> (i32, i32) {
    %c0_i32 = arith.constant 0 : i32
    %c0_i32_0 = arith.constant 0 : i32
    return %arg0, %c0_i32 : i32, i32
  }
  func.func @transform_3(%arg0: i32) -> (i32, i32, i32) {
    %c0_i32 = arith.constant 0 : i32
    %c0_i32_0 = arith.constant 0 : i32
    %c0_i32_1 = arith.constant 0 : i32
    %c0_i32_2 = arith.constant 0 : i32
    return %c0_i32, %c0_i32_0, %c0_i32_1 : i32, i32, i32
  }
  func.func @transform_4(%arg0: i32) -> (i32, i32) {
    %c0_i32 = arith.constant 0 : i32
    %c0_i32_0 = arith.constant 0 : i32
    return %arg0, %c0_i32 : i32, i32
  }
}

module attributes {stable_mosaic.version = 14 : i64} {
  func.func @body(%arg0: i32, %arg1: memref<2x2000x128xf32, #tpu.memory_space<vmem>>, %arg2: memref<2000x1xf32, #tpu.memory_space<vmem>>, %arg3: memref<2000x128xf32, #tpu.memory_space<vmem>>, %arg4: memref<2000x128xf32, #tpu.memory_space<vmem>>, %arg5: memref<3x128x128xf32, #tpu.memory_space<vmem>>, %arg6: memref<1x128xf32, #tpu.memory_space<vmem>>, %arg7: memref<1x128xf32, #tpu.memory_space<vmem>>, %arg8: memref<1x128xf32, #tpu.memory_space<vmem>>, %arg9: memref<3x128x64xf32, #tpu.memory_space<vmem>>, %arg10: memref<1x64xf32, #tpu.memory_space<vmem>>, %arg11: memref<2000x64xf32, #tpu.memory_space<vmem>>, %arg12: memref<2000x128xf32, #tpu.memory_space<vmem>>) attributes {dimension_semantics = [#tpu.dimension_semantics<arbitrary>], iteration_bounds = array<i64: 5>, scalar_prefetch = 0 : i64, scratch_operands = 0 : i64, tpu.core_type = #tpu.core_type<tc>, window_params = [{transform_indices = @transform_0, window_bounds = array<i64: 2, 2000, 128>}, {transform_indices = @transform_1, window_bounds = array<i64: 2000, 1>}, {transform_indices = @transform_2, window_bounds = array<i64: 2000, 128>}, {transform_indices = @transform_3, window_bounds = array<i64: 2000, 128>}, {pipeline_mode = #tpu.pipeline_mode<synchronous>, transform_indices = @transform_4, window_bounds = array<i64: 3, 128, 128>}, {pipeline_mode = #tpu.pipeline_mode<synchronous>, transform_indices = @transform_5, window_bounds = array<i64: 1, 128>}, {pipeline_mode = #tpu.pipeline_mode<synchronous>, transform_indices = @transform_6, window_bounds = array<i64: 1, 128>}, {pipeline_mode = #tpu.pipeline_mode<synchronous>, transform_indices = @transform_7, window_bounds = array<i64: 1, 128>}, {pipeline_mode = #tpu.pipeline_mode<synchronous>, transform_indices = @transform_8, window_bounds = array<i64: 3, 128, 64>}, {pipeline_mode = #tpu.pipeline_mode<synchronous>, transform_indices = @transform_9, window_bounds = array<i64: 1, 64>}, {transform_indices = @transform_10, window_bounds = array<i64: 2000, 64>}, {transform_indices = @transform_11, window_bounds = array<i64: 2000, 128>}]} {
    %get3A = arith.constant 0 : index
    %get3A_0 = arith.constant 0 : index
    %get3A_1 = vector.load %arg2[%get3A, %get3A_0] : memref<2000x1xf32, #tpu.memory_space<vmem>>, vector<2000x1xf32>
    %get3A_2 = arith.constant 0 : index
    %get3A_3 = arith.constant 0 : index
    %get3A_4 = arith.constant 0 : index
    %get3A_5 = vector.load %arg1[%get3A_2, %get3A_3, %get3A_4] : memref<2x2000x128xf32, #tpu.memory_space<vmem>>, vector<1x2000x128xf32>
    %get3A_6 = vector.shape_cast %get3A_5 : vector<1x2000x128xf32> to vector<2000x128xf32>
    %get3A_7 = arith.constant 1 : index
    %get3A_8 = arith.constant 0 : index
    %get3A_9 = arith.constant 0 : index
    %get3A_10 = vector.load %arg1[%get3A_7, %get3A_8, %get3A_9] : memref<2x2000x128xf32, #tpu.memory_space<vmem>>, vector<1x2000x128xf32>
    %get3A_11 = vector.shape_cast %get3A_10 : vector<1x2000x128xf32> to vector<2000x128xf32>
    %add3A = arith.addf %get3A_6, %get3A_11 : vector<2000x128xf32>
    %mul3A = arith.constant -2.000000e+00 : f32
    %mul3A_12 = vector.broadcast %mul3A : f32 to vector<2000x1xf32>
    %mul3A_13 = arith.mulf %mul3A_12, %get3A_1 : vector<2000x1xf32>
    %mul3A_14 = vector.broadcast %mul3A_13 : vector<2000x1xf32> to vector<2000x128xf32>
    %mul3A_15 = arith.mulf %add3A, %mul3A_14 : vector<2000x128xf32>
    %get3A_16 = arith.constant 0 : index
    %get3A_17 = arith.constant 0 : index
    %get3A_18 = vector.load %arg3[%get3A_16, %get3A_17] : memref<2000x128xf32, #tpu.memory_space<vmem>>, vector<2000x128xf32>
    %sub3A = arith.subf %mul3A_15, %get3A_18 : vector<2000x128xf32>
    %get3A_19 = arith.constant 0 : index
    %get3A_20 = arith.constant 0 : index
    %get3A_21 = vector.load %arg4[%get3A_19, %get3A_20] : memref<2000x128xf32, #tpu.memory_space<vmem>>, vector<2000x128xf32>
    %get3A_22 = arith.constant 2 : index
    %get3A_23 = arith.constant 0 : index
    %get3A_24 = arith.constant 0 : index
    %get3A_25 = vector.load %arg5[%get3A_22, %get3A_23, %get3A_24] : memref<3x128x128xf32, #tpu.memory_space<vmem>>, vector<1x128x128xf32>
    %get3A_26 = vector.shape_cast %get3A_25 : vector<1x128x128xf32> to vector<128x128xf32>
    %dot_general3A = arith.constant dense<0.000000e+00> : vector<2000x128xf32>
    %dot_general3A_27 = tpu.matmul %sub3A, %get3A_26, %dot_general3A {dimension_numbers = #tpu.dot_dimension_numbers<[1], [0], [0], [1], [0, 0, 1, 1], [], []>, transpose_lhs_hint = false} : vector<2000x128xf32>, vector<128x128xf32>, vector<2000x128xf32> -> vector<2000x128xf32>
    %add3A_28 = arith.addf %get3A_21, %dot_general3A_27 : vector<2000x128xf32>
    %get3A_29 = arith.constant 0 : index
    %get3A_30 = arith.constant 0 : index
    %get3A_31 = vector.load %arg6[%get3A_29, %get3A_30] : memref<1x128xf32, #tpu.memory_space<vmem>>, vector<1x128xf32>
    %add3A_32 = vector.broadcast %get3A_31 : vector<1x128xf32> to vector<2000x128xf32>
    %add3A_33 = arith.addf %add3A_28, %add3A_32 : vector<2000x128xf32>
    %max3A = arith.constant 0.000000e+00 : f32
    %max3A_34 = vector.broadcast %max3A : f32 to vector<2000x128xf32>
    %max3A_35 = arith.maximumf %add3A_33, %max3A_34 : vector<2000x128xf32>
    %get3A_36 = arith.constant 0 : index
    %get3A_37 = arith.constant 0 : index
    %get3A_38 = vector.load %arg7[%get3A_36, %get3A_37] : memref<1x128xf32, #tpu.memory_space<vmem>>, vector<1x128xf32>
    %mul3A_39 = arith.constant 0.999994993 : f32
    %mul3A_40 = vector.broadcast %mul3A_39 : f32 to vector<1x128xf32>
    %mul3A_41 = arith.mulf %get3A_38, %mul3A_40 : vector<1x128xf32>
    %mul3A_42 = vector.broadcast %mul3A_41 : vector<1x128xf32> to vector<2000x128xf32>
    %mul3A_43 = arith.mulf %max3A_35, %mul3A_42 : vector<2000x128xf32>
    %get3A_44 = arith.constant 0 : index
    %get3A_45 = arith.constant 0 : index
    %get3A_46 = vector.load %arg8[%get3A_44, %get3A_45] : memref<1x128xf32, #tpu.memory_space<vmem>>, vector<1x128xf32>
    %add3A_47 = vector.broadcast %get3A_46 : vector<1x128xf32> to vector<2000x128xf32>
    %add3A_48 = arith.addf %mul3A_43, %add3A_47 : vector<2000x128xf32>
    %get3A_49 = arith.constant 1 : index
    %get3A_50 = arith.constant 0 : index
    %get3A_51 = arith.constant 0 : index
    %get3A_52 = vector.load %arg9[%get3A_49, %get3A_50, %get3A_51] : memref<3x128x64xf32, #tpu.memory_space<vmem>>, vector<1x128x64xf32>
    %get3A_53 = vector.shape_cast %get3A_52 : vector<1x128x64xf32> to vector<128x64xf32>
    %dot_general3A_54 = arith.constant dense<0.000000e+00> : vector<2000x64xf32>
    %dot_general3A_55 = tpu.matmul %add3A_48, %get3A_53, %dot_general3A_54 {dimension_numbers = #tpu.dot_dimension_numbers<[1], [0], [0], [1], [0, 0, 1, 1], [], []>, transpose_lhs_hint = false} : vector<2000x128xf32>, vector<128x64xf32>, vector<2000x64xf32> -> vector<2000x64xf32>
    %get3A_56 = arith.constant 2 : index
    %get3A_57 = arith.constant 0 : index
    %get3A_58 = arith.constant 0 : index
    %get3A_59 = vector.load %arg9[%get3A_56, %get3A_57, %get3A_58] : memref<3x128x64xf32, #tpu.memory_space<vmem>>, vector<1x128x64xf32>
    %get3A_60 = vector.shape_cast %get3A_59 : vector<1x128x64xf32> to vector<128x64xf32>
    %dot_general3A_61 = arith.constant dense<0.000000e+00> : vector<2000x64xf32>
    %dot_general3A_62 = tpu.matmul %add3A_48, %get3A_60, %dot_general3A_61 {dimension_numbers = #tpu.dot_dimension_numbers<[1], [0], [0], [1], [0, 0, 1, 1], [], []>, transpose_lhs_hint = false} : vector<2000x128xf32>, vector<128x64xf32>, vector<2000x64xf32> -> vector<2000x64xf32>
    %get3A_63 = arith.constant 0 : index
    %get3A_64 = arith.constant 0 : index
    %get3A_65 = arith.constant 0 : index
    %get3A_66 = vector.load %arg9[%get3A_63, %get3A_64, %get3A_65] : memref<3x128x64xf32, #tpu.memory_space<vmem>>, vector<1x128x64xf32>
    %get3A_67 = vector.shape_cast %get3A_66 : vector<1x128x64xf32> to vector<128x64xf32>
    %dot_general3A_68 = arith.constant dense<0.000000e+00> : vector<2000x64xf32>
    %dot_general3A_69 = tpu.matmul %add3A_48, %get3A_67, %dot_general3A_68 {dimension_numbers = #tpu.dot_dimension_numbers<[1], [0], [0], [1], [0, 0, 1, 1], [], []>, transpose_lhs_hint = false} : vector<2000x128xf32>, vector<128x64xf32>, vector<2000x64xf32> -> vector<2000x64xf32>
    %sub3A_70 = arith.subf %dot_general3A_69, %dot_general3A_62 : vector<2000x64xf32>
    %get3A_71 = arith.constant 0 : index
    %get3A_72 = arith.constant 0 : index
    %get3A_73 = vector.load %arg10[%get3A_71, %get3A_72] : memref<1x64xf32, #tpu.memory_space<vmem>>, vector<1x64xf32>
    %add3A_74 = vector.broadcast %get3A_73 : vector<1x64xf32> to vector<2000x64xf32>
    %add3A_75 = arith.addf %sub3A_70, %add3A_74 : vector<2000x64xf32>
    %swap3A = arith.constant 0 : index
    %swap3A_76 = arith.constant 0 : index
    %swap3A_77 = vector.load %arg11[%swap3A, %swap3A_76] : memref<2000x64xf32, #tpu.memory_space<vmem>>, vector<2000x64xf32>
    tpu.vector_store %arg11[%swap3A, %swap3A_76], %add3A_75 {strides = array<i32>} : memref<2000x64xf32, #tpu.memory_space<vmem>>, vector<2000x64xf32>,
    %concatenate3A = tpu.concatenate %dot_general3A_55, %dot_general3A_62 in 1 : vector<2000x64xf32>, vector<2000x64xf32> -> vector<2000x128xf32>
    %mul3A_78 = vector.broadcast %get3A_1 : vector<2000x1xf32> to vector<2000x128xf32>
    %mul3A_79 = arith.mulf %concatenate3A, %mul3A_78 : vector<2000x128xf32>
    %swap3A_80 = arith.constant 0 : index
    %swap3A_81 = arith.constant 0 : index
    %swap3A_82 = vector.load %arg12[%swap3A_80, %swap3A_81] : memref<2000x128xf32, #tpu.memory_space<vmem>>, vector<2000x128xf32>
    tpu.vector_store %arg12[%swap3A_80, %swap3A_81], %mul3A_79 {strides = array<i32>} : memref<2000x128xf32, #tpu.memory_space<vmem>>, vector<2000x128xf32>,
    return
  }
  func.func @transform_0(%arg0: i32) -> (i32, i32, i32) {
    %c0_i32 = arith.constant 0 : i32
    %c0_i32_0 = arith.constant 0 : i32
    %c0_i32_1 = arith.constant 0 : i32
    return %c0_i32, %arg0, %c0_i32_0 : i32, i32, i32
  }
  func.func @transform_1(%arg0: i32) -> (i32, i32) {
    %c0_i32 = arith.constant 0 : i32
    %c0_i32_0 = arith.constant 0 : i32
    return %arg0, %c0_i32 : i32, i32
  }
  func.func @transform_2(%arg0: i32) -> (i32, i32) {
    %c0_i32 = arith.constant 0 : i32
    %c0_i32_0 = arith.constant 0 : i32
    return %arg0, %c0_i32 : i32, i32
  }
  func.func @transform_3(%arg0: i32) -> (i32, i32) {
    %c0_i32 = arith.constant 0 : i32
    %c0_i32_0 = arith.constant 0 : i32
    return %arg0, %c0_i32 : i32, i32
  }
  func.func @transform_4(%arg0: i32) -> (i32, i32, i32) {
    %c0_i32 = arith.constant 0 : i32
    %c0_i32_0 = arith.constant 0 : i32
    %c0_i32_1 = arith.constant 0 : i32
    %c0_i32_2 = arith.constant 0 : i32
    return %c0_i32, %c0_i32_0, %c0_i32_1 : i32, i32, i32
  }
  func.func @transform_5(%arg0: i32) -> (i32, i32) {
    %c0_i32 = arith.constant 0 : i32
    %c0_i32_0 = arith.constant 0 : i32
    %c0_i32_1 = arith.constant 0 : i32
    return %c0_i32, %c0_i32_0 : i32, i32
  }
  func.func @transform_6(%arg0: i32) -> (i32, i32) {
    %c0_i32 = arith.constant 0 : i32
    %c0_i32_0 = arith.constant 0 : i32
    %c0_i32_1 = arith.constant 0 : i32
    return %c0_i32, %c0_i32_0 : i32, i32
  }
  func.func @transform_7(%arg0: i32) -> (i32, i32) {
    %c0_i32 = arith.constant 0 : i32
    %c0_i32_0 = arith.constant 0 : i32
    %c0_i32_1 = arith.constant 0 : i32
    return %c0_i32, %c0_i32_0 : i32, i32
  }
  func.func @transform_8(%arg0: i32) -> (i32, i32, i32) {
    %c0_i32 = arith.constant 0 : i32
    %c0_i32_0 = arith.constant 0 : i32
    %c0_i32_1 = arith.constant 0 : i32
    %c0_i32_2 = arith.constant 0 : i32
    return %c0_i32, %c0_i32_0, %c0_i32_1 : i32, i32, i32
  }
  func.func @transform_9(%arg0: i32) -> (i32, i32) {
    %c0_i32 = arith.constant 0 : i32
    %c0_i32_0 = arith.constant 0 : i32
    %c0_i32_1 = arith.constant 0 : i32
    return %c0_i32, %c0_i32_0 : i32, i32
  }
  func.func @transform_10(%arg0: i32) -> (i32, i32) {
    %c0_i32 = arith.constant 0 : i32
    %c0_i32_0 = arith.constant 0 : i32
    return %arg0, %c0_i32 : i32, i32
  }
  func.func @transform_11(%arg0: i32) -> (i32, i32) {
    %c0_i32 = arith.constant 0 : i32
    %c0_i32_0 = arith.constant 0 : i32
    return %arg0, %c0_i32 : i32, i32
  }
}

module attributes {stable_mosaic.version = 14 : i64} {
  func.func @body(%arg0: i32, %arg1: memref<2x2000x128xf32, #tpu.memory_space<vmem>>, %arg2: memref<2000x1xf32, #tpu.memory_space<vmem>>, %arg3: memref<2000x64xf32, #tpu.memory_space<vmem>>, %arg4: memref<2000x64xf32, #tpu.memory_space<vmem>>, %arg5: memref<2000x64xf32, #tpu.memory_space<vmem>>) attributes {dimension_semantics = [#tpu.dimension_semantics<arbitrary>], iteration_bounds = array<i64: 5>, scalar_prefetch = 0 : i64, scratch_operands = 0 : i64, tpu.core_type = #tpu.core_type<tc>, window_params = [{transform_indices = @transform_0, window_bounds = array<i64: 2, 2000, 128>}, {transform_indices = @transform_1, window_bounds = array<i64: 2000, 1>}, {transform_indices = @transform_2, window_bounds = array<i64: 2000, 64>}, {transform_indices = @transform_3, window_bounds = array<i64: 2000, 64>}, {transform_indices = @transform_4, window_bounds = array<i64: 2000, 64>}]} {
    %get3A = arith.constant 0 : index
    %get3A_0 = arith.constant 0 : index
    %get3A_1 = vector.load %arg2[%get3A, %get3A_0] : memref<2000x1xf32, #tpu.memory_space<vmem>>, vector<2000x1xf32>
    %get3A_2 = arith.constant 0 : index
    %get3A_3 = arith.constant 0 : index
    %get3A_4 = arith.constant 0 : index
    %get3A_5 = vector.load %arg1[%get3A_2, %get3A_3, %get3A_4] : memref<2x2000x128xf32, #tpu.memory_space<vmem>>, vector<1x2000x128xf32>
    %get3A_6 = vector.shape_cast %get3A_5 : vector<1x2000x128xf32> to vector<2000x128xf32>
    %get3A_7 = arith.constant 1 : index
    %get3A_8 = arith.constant 0 : index
    %get3A_9 = arith.constant 0 : index
    %get3A_10 = vector.load %arg1[%get3A_7, %get3A_8, %get3A_9] : memref<2x2000x128xf32, #tpu.memory_space<vmem>>, vector<1x2000x128xf32>
    %get3A_11 = vector.shape_cast %get3A_10 : vector<1x2000x128xf32> to vector<2000x128xf32>
    %add3A = arith.addf %get3A_6, %get3A_11 : vector<2000x128xf32>
    %get3A_12 = arith.constant 0 : index
    %get3A_13 = arith.constant 0 : index
    %get3A_14 = vector.load %arg3[%get3A_12, %get3A_13] : memref<2000x64xf32, #tpu.memory_space<vmem>>, vector<2000x64xf32>
    %slice3A = vector.extract_strided_slice %add3A {offsets = [0, 0], sizes = [2000, 64], strides = [1, 1]} : vector<2000x128xf32> to vector<2000x64xf32>
    %mul3A = vector.broadcast %get3A_1 : vector<2000x1xf32> to vector<2000x64xf32>
    %mul3A_15 = arith.mulf %mul3A, %slice3A : vector<2000x64xf32>
    %sub3A = arith.subf %get3A_14, %mul3A_15 : vector<2000x64xf32>
    %swap3A = arith.constant 0 : index
    %swap3A_16 = arith.constant 0 : index
    %swap3A_17 = vector.load %arg4[%swap3A, %swap3A_16] : memref<2000x64xf32, #tpu.memory_space<vmem>>, vector<2000x64xf32>
    tpu.vector_store %arg4[%swap3A, %swap3A_16], %sub3A {strides = array<i32>} : memref<2000x64xf32, #tpu.memory_space<vmem>>, vector<2000x64xf32>,
    %mul3A_18 = arith.mulf %get3A_1, %get3A_1 : vector<2000x1xf32>
    %neg3A = arith.constant 0.000000e+00 : f32
    %neg3A_19 = vector.broadcast %neg3A : f32 to vector<2000x1xf32>
    %neg3A_20 = arith.subf %neg3A_19, %mul3A_18 : vector<2000x1xf32>
    %slice3A_21 = vector.extract_strided_slice %add3A {offsets = [0, 64], sizes = [2000, 64], strides = [1, 1]} : vector<2000x128xf32> to vector<2000x64xf32>
    %mul3A_22 = vector.broadcast %neg3A_20 : vector<2000x1xf32> to vector<2000x64xf32>
    %mul3A_23 = arith.mulf %mul3A_22, %slice3A_21 : vector<2000x64xf32>
    %swap3A_24 = arith.constant 0 : index
    %swap3A_25 = arith.constant 0 : index
    %swap3A_26 = vector.load %arg5[%swap3A_24, %swap3A_25] : memref<2000x64xf32, #tpu.memory_space<vmem>>, vector<2000x64xf32>
    tpu.vector_store %arg5[%swap3A_24, %swap3A_25], %mul3A_23 {strides = array<i32>} : memref<2000x64xf32, #tpu.memory_space<vmem>>, vector<2000x64xf32>,
    return
  }
  func.func @transform_0(%arg0: i32) -> (i32, i32, i32) {
    %c0_i32 = arith.constant 0 : i32
    %c0_i32_0 = arith.constant 0 : i32
    %c0_i32_1 = arith.constant 0 : i32
    return %c0_i32, %arg0, %c0_i32_0 : i32, i32, i32
  }
  func.func @transform_1(%arg0: i32) -> (i32, i32) {
    %c0_i32 = arith.constant 0 : i32
    %c0_i32_0 = arith.constant 0 : i32
    return %arg0, %c0_i32 : i32, i32
  }
  func.func @transform_2(%arg0: i32) -> (i32, i32) {
    %c0_i32 = arith.constant 0 : i32
    %c0_i32_0 = arith.constant 0 : i32
    return %arg0, %c0_i32 : i32, i32
  }
  func.func @transform_3(%arg0: i32) -> (i32, i32) {
    %c0_i32 = arith.constant 0 : i32
    %c0_i32_0 = arith.constant 0 : i32
    return %arg0, %c0_i32 : i32, i32
  }
  func.func @transform_4(%arg0: i32) -> (i32, i32) {
    %c0_i32 = arith.constant 0 : i32
    %c0_i32_0 = arith.constant 0 : i32
    return %arg0, %c0_i32 : i32, i32
  }
}

module attributes {stable_mosaic.version = 14 : i64} {
  func.func @body(%arg0: i32, %arg1: memref<2x2000x64xf32, #tpu.memory_space<vmem>>, %arg2: memref<2000x1xf32, #tpu.memory_space<vmem>>, %arg3: memref<2000x64xf32, #tpu.memory_space<vmem>>, %arg4: memref<2000x1xi32, #tpu.memory_space<vmem>>, %arg5: memref<192x16xf32, #tpu.memory_space<vmem>>, %arg6: memref<1x16xf32, #tpu.memory_space<vmem>>, %arg7: memref<32x16xf32, #tpu.memory_space<vmem>>, %arg8: memref<32x64xf32, #tpu.memory_space<vmem>>, %arg9: memref<32x1xf32, #tpu.memory_space<vmem>>, %arg10: memref<32x64xf32, #tpu.memory_space<vmem>>) attributes {dimension_semantics = [#tpu.dimension_semantics<arbitrary>], iteration_bounds = array<i64: 5>, scalar_prefetch = 0 : i64, scratch_operands = 3 : i64, tpu.core_type = #tpu.core_type<tc>, window_params = [{transform_indices = @transform_0, window_bounds = array<i64: 2, 2000, 64>}, {transform_indices = @transform_1, window_bounds = array<i64: 2000, 1>}, {transform_indices = @transform_2, window_bounds = array<i64: 2000, 64>}, {transform_indices = @transform_3, window_bounds = array<i64: 2000, 1>}, {pipeline_mode = #tpu.pipeline_mode<synchronous>, transform_indices = @transform_4, window_bounds = array<i64: 192, 16>}, {pipeline_mode = #tpu.pipeline_mode<synchronous>, transform_indices = @transform_5, window_bounds = array<i64: 1, 16>}, {pipeline_mode = #tpu.pipeline_mode<synchronous>, transform_indices = @transform_6, window_bounds = array<i64: 32, 16>}]} {
    %eq3A = arith.constant 0 : i32
    %eq3A_0 = arith.cmpi eq, %arg0, %eq3A : i32
    %convert_element_type3A = arith.extui %eq3A_0 : i1 to i32
    %cond3A = arith.constant 0 : i32
    %cond3A_1 = arith.cmpi ne, %convert_element_type3A, %cond3A : i32
    scf.if %cond3A_1 {
      %broadcast_in_dim3A_66 = arith.constant 0.000000e+00 : f32
      %broadcast_in_dim3A_67 = vector.broadcast %broadcast_in_dim3A_66 : f32 to vector<32x64xf32>
      %swap3A_68 = arith.constant 0 : index
      %swap3A_69 = arith.constant 0 : index
      %swap3A_70 = vector.load %arg8[%swap3A_68, %swap3A_69] : memref<32x64xf32, #tpu.memory_space<vmem>>, vector<32x64xf32>
      tpu.vector_store %arg8[%swap3A_68, %swap3A_69], %broadcast_in_dim3A_67 {strides = array<i32>} : memref<32x64xf32, #tpu.memory_space<vmem>>, vector<32x64xf32>,
      %broadcast_in_dim3A_71 = arith.constant 0.000000e+00 : f32
      %broadcast_in_dim3A_72 = vector.broadcast %broadcast_in_dim3A_71 : f32 to vector<32x1xf32>
      %swap3A_73 = arith.constant 0 : index
      %swap3A_74 = arith.constant 0 : index
      %swap3A_75 = vector.load %arg9[%swap3A_73, %swap3A_74] : memref<32x1xf32, #tpu.memory_space<vmem>>, vector<32x1xf32>
      tpu.vector_store %arg9[%swap3A_73, %swap3A_74], %broadcast_in_dim3A_72 {strides = array<i32>} : memref<32x1xf32, #tpu.memory_space<vmem>>, vector<32x1xf32>,
      %broadcast_in_dim3A_76 = arith.constant -1.000000e+30 : f32
      %broadcast_in_dim3A_77 = vector.broadcast %broadcast_in_dim3A_76 : f32 to vector<32x64xf32>
      %swap3A_78 = arith.constant 0 : index
      %swap3A_79 = arith.constant 0 : index
      %swap3A_80 = vector.load %arg10[%swap3A_78, %swap3A_79] : memref<32x64xf32, #tpu.memory_space<vmem>>, vector<32x64xf32>
      tpu.vector_store %arg10[%swap3A_78, %swap3A_79], %broadcast_in_dim3A_77 {strides = array<i32>} : memref<32x64xf32, #tpu.memory_space<vmem>>, vector<32x64xf32>,
    } else {
    }
    %get3A = arith.constant 0 : index
    %get3A_2 = arith.constant 0 : index
    %get3A_3 = vector.load %arg2[%get3A, %get3A_2] : memref<2000x1xf32, #tpu.memory_space<vmem>>, vector<2000x1xf32>
    %get3A_4 = arith.constant 0 : index
    %get3A_5 = arith.constant 0 : index
    %get3A_6 = arith.constant 0 : index
    %get3A_7 = vector.load %arg1[%get3A_4, %get3A_5, %get3A_6] : memref<2x2000x64xf32, #tpu.memory_space<vmem>>, vector<1x2000x64xf32>
    %get3A_8 = vector.shape_cast %get3A_7 : vector<1x2000x64xf32> to vector<2000x64xf32>
    %get3A_9 = arith.constant 1 : index
    %get3A_10 = arith.constant 0 : index
    %get3A_11 = arith.constant 0 : index
    %get3A_12 = vector.load %arg1[%get3A_9, %get3A_10, %get3A_11] : memref<2x2000x64xf32, #tpu.memory_space<vmem>>, vector<1x2000x64xf32>
    %get3A_13 = vector.shape_cast %get3A_12 : vector<1x2000x64xf32> to vector<2000x64xf32>
    %add3A = arith.addf %get3A_8, %get3A_13 : vector<2000x64xf32>
    %mul3A = arith.constant -2.000000e+00 : f32
    %mul3A_14 = vector.broadcast %mul3A : f32 to vector<2000x1xf32>
    %mul3A_15 = arith.mulf %mul3A_14, %get3A_3 : vector<2000x1xf32>
    %mul3A_16 = vector.broadcast %mul3A_15 : vector<2000x1xf32> to vector<2000x64xf32>
    %mul3A_17 = arith.mulf %add3A, %mul3A_16 : vector<2000x64xf32>
    %get3A_18 = arith.constant 0 : index
    %get3A_19 = arith.constant 0 : index
    %get3A_20 = vector.load %arg3[%get3A_18, %get3A_19] : memref<2000x64xf32, #tpu.memory_space<vmem>>, vector<2000x64xf32>
    %add3A_21 = arith.addf %get3A_20, %mul3A_17 : vector<2000x64xf32>
    %max3A = arith.constant 0.000000e+00 : f32
    %max3A_22 = vector.broadcast %max3A : f32 to vector<2000x64xf32>
    %max3A_23 = arith.maximumf %add3A_21, %max3A_22 : vector<2000x64xf32>
    %get3A_24 = arith.constant 0 : index
    %get3A_25 = arith.constant 0 : index
    %get3A_26 = vector.load %arg4[%get3A_24, %get3A_25] : memref<2000x1xi32, #tpu.memory_space<vmem>>, vector<2000x1xi32>
    %iota3A = tpu.iota {dimensions = array<i32: 1>} : vector<1x32xi32>
    %eq3A_27 = vector.broadcast %get3A_26 : vector<2000x1xi32> to vector<2000x32xi32>
    %eq3A_28 = vector.broadcast %iota3A : vector<1x32xi32> to vector<2000x32xi32>
    %eq3A_29 = arith.cmpi eq, %eq3A_27, %eq3A_28 : vector<2000x32xi32>
    %convert_element_type3A_30 = arith.extui %eq3A_29 : vector<2000x32xi1> to vector<2000x32xi32>
    %convert_element_type3A_31 = arith.sitofp %convert_element_type3A_30 : vector<2000x32xi32> to vector<2000x32xf32>
    %get3A_32 = arith.constant 0 : index
    %get3A_33 = arith.constant 0 : index
    %get3A_34 = vector.load %arg8[%get3A_32, %get3A_33] : memref<32x64xf32, #tpu.memory_space<vmem>>, vector<32x64xf32>
    %dot_general3A = arith.constant dense<0.000000e+00> : vector<32x64xf32>
    %dot_general3A_35 = tpu.matmul %convert_element_type3A_31, %max3A_23, %dot_general3A {dimension_numbers = #tpu.dot_dimension_numbers<[0], [0], [1], [1], [0, 1, 1, 1], [], []>, transpose_lhs_hint = false} : vector<2000x32xf32>, vector<2000x64xf32>, vector<32x64xf32> -> vector<32x64xf32>
    %add3A_36 = arith.addf %get3A_34, %dot_general3A_35 : vector<32x64xf32>
    %swap3A = arith.constant 0 : index
    %swap3A_37 = arith.constant 0 : index
    %swap3A_38 = vector.load %arg8[%swap3A, %swap3A_37] : memref<32x64xf32, #tpu.memory_space<vmem>>, vector<32x64xf32>
    tpu.vector_store %arg8[%swap3A, %swap3A_37], %add3A_36 {strides = array<i32>} : memref<32x64xf32, #tpu.memory_space<vmem>>, vector<32x64xf32>,
    %broadcast_in_dim3A = arith.constant 1.000000e+00 : f32
    %broadcast_in_dim3A_39 = vector.broadcast %broadcast_in_dim3A : f32 to vector<2000x1xf32>
    %get3A_40 = arith.constant 0 : index
    %get3A_41 = arith.constant 0 : index
    %get3A_42 = vector.load %arg9[%get3A_40, %get3A_41] : memref<32x1xf32, #tpu.memory_space<vmem>>, vector<32x1xf32>
    %dot_general3A_43 = arith.constant dense<0.000000e+00> : vector<32x1xf32>
    %dot_general3A_44 = tpu.matmul %convert_element_type3A_31, %broadcast_in_dim3A_39, %dot_general3A_43 {dimension_numbers = #tpu.dot_dimension_numbers<[0], [0], [1], [1], [0, 1, 1, 1], [], []>, transpose_lhs_hint = false} : vector<2000x32xf32>, vector<2000x1xf32>, vector<32x1xf32> -> vector<32x1xf32>
    %add3A_45 = arith.addf %get3A_42, %dot_general3A_44 : vector<32x1xf32>
    %swap3A_46 = arith.constant 0 : index
    %swap3A_47 = arith.constant 0 : index
    %swap3A_48 = vector.load %arg9[%swap3A_46, %swap3A_47] : memref<32x1xf32, #tpu.memory_space<vmem>>, vector<32x1xf32>
    tpu.vector_store %arg9[%swap3A_46, %swap3A_47], %add3A_45 {strides = array<i32>} : memref<32x1xf32, #tpu.memory_space<vmem>>, vector<32x1xf32>,
    %slice3A = vector.extract_strided_slice %get3A_26 {offsets = [0, 0], sizes = [1, 1], strides = [1, 1]} : vector<2000x1xi32> to vector<1x1xi32>
    %squeeze3A = vector.extract %slice3A[0, 0] : i32 from vector<1x1xi32>
    %slice3A_49 = vector.extract_strided_slice %get3A_26 {offsets = [1999, 0], sizes = [1, 1], strides = [1, 1]} : vector<2000x1xi32> to vector<1x1xi32>
    %squeeze3A_50 = vector.extract %slice3A_49[0, 0] : i32 from vector<1x1xi32>
    %add3A_51 = arith.constant 1 : i32
    %add3A_52 = arith.addi %squeeze3A_50, %add3A_51 : i32
    %while3A = arith.constant 0 : i32
    %while3A_53 = arith.subi %add3A_52, %squeeze3A : i32
    %while3A_54 = arith.addi %squeeze3A, %while3A_53 : i32
    %while3A_55 = arith.constant 1 : i32
    %while3A_56 = arith.divsi %while3A_53, %while3A_55 : i32
    %while3A_57 = arith.muli %while3A_56, %while3A_55 : i32
    %while3A_58 = arith.addi %squeeze3A, %while3A_57 : i32
    %while3A_59 = arith.constant 1 : i32
    scf.for %while3A_66 = %squeeze3A to %while3A_58 step %while3A_59  : i32 {
      %eq3A_67 = vector.broadcast %while3A_66 : i32 to vector<2000x1xi32>
      %eq3A_68 = arith.cmpi eq, %get3A_26, %eq3A_67 : vector<2000x1xi32>
      %jit3A = arith.constant -1.000000e+30 : f32
      %broadcast_in_dim3A_69 = vector.shape_cast %eq3A_68 : vector<2000x1xi1> to vector<2000x1xi1>
      %broadcast_in_dim3A_70 = vector.broadcast %broadcast_in_dim3A_69 : vector<2000x1xi1> to vector<2000x64xi1>
      %broadcast_in_dim3A_71 = vector.broadcast %jit3A : f32 to vector<2000x64xf32>
      %select_n3A = arith.select %broadcast_in_dim3A_70, %max3A_23, %broadcast_in_dim3A_71 : vector<2000x64xi1>, vector<2000x64xf32>
      %reduce_max3A = arith.constant dense<0xFF800000> : vector<64xf32>
      %reduce_max3A_72 = vector.multi_reduction <maximumf>, %select_n3A, %reduce_max3A [0] : vector<2000x64xf32> to vector<64xf32>
      %broadcast_in_dim3A_73 = vector.shape_cast %reduce_max3A_72 : vector<64xf32> to vector<1x64xf32>
      %get3A_74 = arith.index_cast %while3A_66 : i32 to index
      %get3A_75 = arith.constant 0 : index
      %get3A_76 = vector.load %arg10[%get3A_74, %get3A_75] : memref<32x64xf32, #tpu.memory_space<vmem>>, vector<1x64xf32>
      %max3A_77 = arith.maximumf %get3A_76, %broadcast_in_dim3A_73 : vector<1x64xf32>
      %swap3A_78 = arith.index_cast %while3A_66 : i32 to index
      %swap3A_79 = arith.constant 0 : index
      %swap3A_80 = vector.load %arg10[%swap3A_78, %swap3A_79] : memref<32x64xf32, #tpu.memory_space<vmem>>, vector<1x64xf32>
      tpu.vector_store %arg10[%swap3A_78, %swap3A_79], %max3A_77 {strides = array<i32>} : memref<32x64xf32, #tpu.memory_space<vmem>>, vector<1x64xf32>,
    }
    %while3A_60 = arith.constant 1 : i32
    scf.for %while3A_66 = %while3A_58 to %while3A_54 step %while3A_60  : i32 {
      %eq3A_67 = vector.broadcast %while3A_66 : i32 to vector<2000x1xi32>
      %eq3A_68 = arith.cmpi eq, %get3A_26, %eq3A_67 : vector<2000x1xi32>
      %jit3A = arith.constant -1.000000e+30 : f32
      %broadcast_in_dim3A_69 = vector.shape_cast %eq3A_68 : vector<2000x1xi1> to vector<2000x1xi1>
      %broadcast_in_dim3A_70 = vector.broadcast %broadcast_in_dim3A_69 : vector<2000x1xi1> to vector<2000x64xi1>
      %broadcast_in_dim3A_71 = vector.broadcast %jit3A : f32 to vector<2000x64xf32>
      %select_n3A = arith.select %broadcast_in_dim3A_70, %max3A_23, %broadcast_in_dim3A_71 : vector<2000x64xi1>, vector<2000x64xf32>
      %reduce_max3A = arith.constant dense<0xFF800000> : vector<64xf32>
      %reduce_max3A_72 = vector.multi_reduction <maximumf>, %select_n3A, %reduce_max3A [0] : vector<2000x64xf32> to vector<64xf32>
      %broadcast_in_dim3A_73 = vector.shape_cast %reduce_max3A_72 : vector<64xf32> to vector<1x64xf32>
      %get3A_74 = arith.index_cast %while3A_66 : i32 to index
      %get3A_75 = arith.constant 0 : index
      %get3A_76 = vector.load %arg10[%get3A_74, %get3A_75] : memref<32x64xf32, #tpu.memory_space<vmem>>, vector<1x64xf32>
      %max3A_77 = arith.maximumf %get3A_76, %broadcast_in_dim3A_73 : vector<1x64xf32>
      %swap3A_78 = arith.index_cast %while3A_66 : i32 to index
      %swap3A_79 = arith.constant 0 : index
      %swap3A_80 = vector.load %arg10[%swap3A_78, %swap3A_79] : memref<32x64xf32, #tpu.memory_space<vmem>>, vector<1x64xf32>
      tpu.vector_store %arg10[%swap3A_78, %swap3A_79], %max3A_77 {strides = array<i32>} : memref<32x64xf32, #tpu.memory_space<vmem>>, vector<1x64xf32>,
    }
    %eq3A_61 = arith.constant 4 : i32
    %eq3A_62 = arith.cmpi eq, %arg0, %eq3A_61 : i32
    %convert_element_type3A_63 = arith.extui %eq3A_62 : i1 to i32
    %cond3A_64 = arith.constant 0 : i32
    %cond3A_65 = arith.cmpi ne, %convert_element_type3A_63, %cond3A_64 : i32
    scf.if %cond3A_65 {
      %get3A_66 = arith.constant 0 : index
      %get3A_67 = arith.constant 0 : index
      %get3A_68 = vector.load %arg8[%get3A_66, %get3A_67] : memref<32x64xf32, #tpu.memory_space<vmem>>, vector<32x64xf32>
      %get3A_69 = arith.constant 0 : index
      %get3A_70 = arith.constant 0 : index
      %get3A_71 = vector.load %arg9[%get3A_69, %get3A_70] : memref<32x1xf32, #tpu.memory_space<vmem>>, vector<32x1xf32>
      %max3A_72 = arith.constant 1.000000e+00 : f32
      %max3A_73 = vector.broadcast %max3A_72 : f32 to vector<32x1xf32>
      %max3A_74 = arith.maximumf %get3A_71, %max3A_73 : vector<32x1xf32>
      %div3A = vector.broadcast %max3A_74 : vector<32x1xf32> to vector<32x64xf32>
      %div3A_75 = arith.divf %get3A_68, %div3A : vector<32x64xf32>
      %get3A_76 = arith.constant 0 : index
      %get3A_77 = arith.constant 0 : index
      %get3A_78 = vector.load %arg10[%get3A_76, %get3A_77] : memref<32x64xf32, #tpu.memory_space<vmem>>, vector<32x64xf32>
      %gt3A = arith.constant -1.000000e+29 : f32
      %gt3A_79 = vector.broadcast %gt3A : f32 to vector<32x64xf32>
      %gt3A_80 = arith.cmpf ogt, %get3A_78, %gt3A_79 : vector<32x64xf32>
      %get3A_81 = arith.constant 0 : index
      %get3A_82 = arith.constant 0 : index
      %get3A_83 = vector.load %arg10[%get3A_81, %get3A_82] : memref<32x64xf32, #tpu.memory_space<vmem>>, vector<32x64xf32>
      %jit3A = arith.constant 0.000000e+00 : f32
      %broadcast_in_dim3A_84 = vector.broadcast %jit3A : f32 to vector<32x64xf32>
      %select_n3A = arith.select %gt3A_80, %get3A_83, %broadcast_in_dim3A_84 : vector<32x64xi1>, vector<32x64xf32>
      %concatenate3A = tpu.concatenate %get3A_68, %div3A_75, %select_n3A in 1 : vector<32x64xf32>, vector<32x64xf32>, vector<32x64xf32> -> vector<32x192xf32>
      %get3A_85 = arith.constant 0 : index
      %get3A_86 = arith.constant 0 : index
      %get3A_87 = vector.load %arg5[%get3A_85, %get3A_86] : memref<192x16xf32, #tpu.memory_space<vmem>>, vector<192x16xf32>
      %dot_general3A_88 = arith.constant dense<0.000000e+00> : vector<32x16xf32>
      %dot_general3A_89 = tpu.matmul %concatenate3A, %get3A_87, %dot_general3A_88 {dimension_numbers = #tpu.dot_dimension_numbers<[1], [0], [0], [1], [0, 0, 1, 1], [], []>, transpose_lhs_hint = false} : vector<32x192xf32>, vector<192x16xf32>, vector<32x16xf32> -> vector<32x16xf32>
      %get3A_90 = arith.constant 0 : index
      %get3A_91 = arith.constant 0 : index
      %get3A_92 = vector.load %arg6[%get3A_90, %get3A_91] : memref<1x16xf32, #tpu.memory_space<vmem>>, vector<1x16xf32>
      %add3A_93 = vector.broadcast %get3A_92 : vector<1x16xf32> to vector<32x16xf32>
      %add3A_94 = arith.addf %dot_general3A_89, %add3A_93 : vector<32x16xf32>
      %swap3A_95 = arith.constant 0 : index
      %swap3A_96 = arith.constant 0 : index
      %swap3A_97 = vector.load %arg7[%swap3A_95, %swap3A_96] : memref<32x16xf32, #tpu.memory_space<vmem>>, vector<32x16xf32>
      tpu.vector_store %arg7[%swap3A_95, %swap3A_96], %add3A_94 {strides = array<i32>} : memref<32x16xf32, #tpu.memory_space<vmem>>, vector<32x16xf32>,
    } else {
    }
    return
  }
  func.func @transform_0(%arg0: i32) -> (i32, i32, i32) {
    %c0_i32 = arith.constant 0 : i32
    %c0_i32_0 = arith.constant 0 : i32
    %c0_i32_1 = arith.constant 0 : i32
    return %c0_i32, %arg0, %c0_i32_0 : i32, i32, i32
  }
  func.func @transform_1(%arg0: i32) -> (i32, i32) {
    %c0_i32 = arith.constant 0 : i32
    %c0_i32_0 = arith.constant 0 : i32
    return %arg0, %c0_i32 : i32, i32
  }
  func.func @transform_2(%arg0: i32) -> (i32, i32) {
    %c0_i32 = arith.constant 0 : i32
    %c0_i32_0 = arith.constant 0 : i32
    return %arg0, %c0_i32 : i32, i32
  }
  func.func @transform_3(%arg0: i32) -> (i32, i32) {
    %c0_i32 = arith.constant 0 : i32
    %c0_i32_0 = arith.constant 0 : i32
    return %arg0, %c0_i32 : i32, i32
  }
  func.func @transform_4(%arg0: i32) -> (i32, i32) {
    %c0_i32 = arith.constant 0 : i32
    %c0_i32_0 = arith.constant 0 : i32
    %c0_i32_1 = arith.constant 0 : i32
    return %c0_i32, %c0_i32_0 : i32, i32
  }
  func.func @transform_5(%arg0: i32) -> (i32, i32) {
    %c0_i32 = arith.constant 0 : i32
    %c0_i32_0 = arith.constant 0 : i32
    %c0_i32_1 = arith.constant 0 : i32
    return %c0_i32, %c0_i32_0 : i32, i32
  }
  func.func @transform_6(%arg0: i32) -> (i32, i32) {
    %c0_i32 = arith.constant 0 : i32
    %c0_i32_0 = arith.constant 0 : i32
    %c0_i32_1 = arith.constant 0 : i32
    return %c0_i32, %c0_i32_0 : i32, i32
  }
}

</mosaic_0001>

<sc_bundles>
// kernel: kernel.14.cloned.1.call-start
scs
__scs_entry_jumppad:
0x0: {  	(pc) =	sbr.rel $0x88, $3  }
0x1: {  	(tag) =	ssettag $0x0;
	lr =	simm.s32 $0x1  }
0x2: {  	[smem:$0x3F96] =	sst lr;
	_ =	strace $0xD0000000  }
0x3: {  	_ = 	snop  }
0x4: {  	_ = 	snop  }
0x5: {  	_ = 	snop  }
0x6: {  	_ = 	snop  }
0x7: {  	_ = 	snop  }
__scs_overlays_trampoline_lowered:
0x8: {  	[smem:$0x3FA5] =	sst s0  }
0x9: {  	[smem:$0x3FA6] =	sst s1  }
0xa: {  	[smem:$0x3FA7] =	sst s2  }
0xb: {  	[smem:$0x3FA8] =	sst s3  }
0xc: {  	[smem:$0x3FA9] =	sst s4  }
0xd: {  	[smem:$0x3FAA] =	sst s5  }
0xe: {  	[smem:$0x3FAB] =	sst s6  }
0xf: {  	[smem:$0x3FAC] =	sst s7  }
0x10: {  	[smem:$0x3FAD] =	sst s8  }
0x11: {  	[smem:$0x3FAE] =	sst s9;
	s0 =	simm.s32 @!p0 $0x0  }
0x12: {  	s1 =	sld [smem:$0x3F94];
	s0 =	simm.s32 @p0 $0x1  }
0x13: {  	[smem:$0x3FAF] =	sst s0;
	s0 =	simm.s32 @!p1 $0x0  }
0x14: {  	s2 =	sld [smem:$0x3F93];
	s0 =	simm.s32 @p1 $0x1  }
0x15: {  	[smem:$0x3FB0] =	sst s0;
	s0 =	simm.s32 @!p2 $0x0  }
0x16: {  	s3 =	sld [smem:$0x3FDB];
	s0 =	simm.s32 @p2 $0x1  }
0x17: {  	s4 =	simm.s32 $0x1BF5;
	[smem:$0x3FB2] =	sst s0  }
0x18: {  	s0 =	sld [smem:$0x3F95];
	_ =	swait.ge [sflag:s4], $0x0  }
0x19: {  	s7 =	sld [smem:$0x3F96]  }
0x1a: {  	s8 =	sadd.s32 $0xFFFFE003, lr  }
0x1b: {  	s9 =	sadd.s32 $0xFFFFFEF7, lr;
	s5 =	simm.s32 $0xFFFFFFFF;
	p2 =	slt.u32 s8, $0xFFFFF086  }
0x1c: {  	p1 =	slt.u32 s9, $0xF7A;
	s5 =	simm.s32 @!p2 $0x0  }
0x1d: {  	s5 =	simm.s32 @p1 $0x1;
	p0 =	seq.s32 s7, s2  }
0x1e: {  	s7 =	smul.u32 @!p0 $0xF7A, s2;
	p2 =	seq.s32 @!p0 s5, $0x0  }
0x1f: {  	s9 =	smul.u32 $0xF7A, s1;
	s8 =	simm.s32 @!p0 $0x1BF5;
	p2 =	por !p2, p0  }
0x20: {  	[sflag:s8] =	ssyncset.s32 @!p0 $0xFFFFF086;
	s6 =	sadd.s32 @!p0 s3, s7;
	s7 =	simm.s32 @!p0 $0x108  }
0x21: {  	s3 =	sadd.s32 s3, s9;
	s6 =	sadd.s32 @!p0 $0x88, s6;
	s7 =	simm.s32 @p2 $0x1082  }
0x22: {  	[simem:s7], [sflag:s8] =	dma.local @!p0 [hbm:s6], $0xF7A  }
0x23: {  	s9 =	sor.u32 $0xD0000000, s2;
	s6 =	simm.s32 $0x108;
	_ =	swait.ge @!p0 [sflag:s8], $0x0  }
0x24: {  	s3 =	sadd.s32 $0x88, s3;
	s6 =	simm.s32 @!p1 $0x1082;
	[sflag:s4] =	ssyncset.s32 $0xFFFFF086  }
0x25: {  	[simem:s6], [sflag:s4] =	dma.local [hbm:s3], $0xF7A  }
0x26: {  	[smem:$0x3F96] =	sst s1;
	(tag) =	ssettag s2;
	_ =	strace s9  }
0x27: {  	s1 =	sld [smem:$0x3FA6]  }
0x28: {  	s2 =	sld [smem:$0x3FA7]  }
0x29: {  	s4 =	sld [smem:$0x3FA9]  }
0x2a: {  	p0 =	seq.s32 s5, $0x0;
	s5 =	sld [smem:$0x3FAA]  }
0x2b: {  	s6 =	sld [smem:$0x3FAB]  }
0x2c: {  	s7 =	sld [smem:$0x3FAC]  }
0x2d: {  	s3 =	simm.s32 $0x108;
	s8 =	sld [smem:$0x3FAD]  }
0x2e: {  	s3 =	simm.s32 @!p0 $0x1082;
	s9 =	sld [smem:$0x3FAE]  }
0x2f: {  	lr =	sadd.s32 s0, s3;
	s0 =	sld [smem:$0x3FA5]  }
0x30: {  	s3 =	sld [smem:$0x3FA8]  }
0x31: {  	[smem:$0x3FB1] =	sst s10  }
0x32: {  	s10 =	sld [smem:$0x3FAF];
	_ =	sdelay $0x3  }
0x33: {  	p0 =	seq.s32 s10, $0x1;
	s10 =	sld [smem:$0x3FB1];
	_ =	sdelay $0x3  }
0x34: {  	[smem:$0x3FB1] =	sst s10  }
0x35: {  	s10 =	sld [smem:$0x3FB0];
	_ =	sdelay $0x3  }
0x36: {  	p1 =	seq.s32 s10, $0x1;
	s10 =	sld [smem:$0x3FB1];
	_ =	sdelay $0x3  }
0x37: {  	[smem:$0x3FB1] =	sst s10  }
0x38: {  	s10 =	sld [smem:$0x3FB2]  }
0x39: {  	_ = 	snop;
	(pc) =	sbr.ind lr, $3  }
0x3a: {  	_ = 	snop  }
0x3b: {  	_ = 	snop  }
0x3c: {  	p2 =	seq.s32 s10, $0x1;
	s10 =	sld [smem:$0x3FB1]  }
0x3d: {  	_ =	shalt  }
0x3e: {  	_ =	shalt  }
0x3f: {  	_ =	shalt  }
0x40: {  	_ =	shalt  }
0x41: {  	_ =	shalt  }
0x42: {  	_ =	shalt  }
0x43: {  	_ =	shalt  }
0x44: {  	_ =	shalt  }
0x45: {  	_ =	shalt  }
0x46: {  	_ =	shalt  }
0x47: {  	_ =	shalt  }
0x48: {  	_ =	shalt  }
0x49: {  	_ =	shalt  }
0x4a: {  	_ =	shalt  }
0x4b: {  	_ =	shalt  }
0x4c: {  	_ =	shalt  }
0x4d: {  	_ =	shalt  }
0x4e: {  	_ =	shalt  }
0x4f: {  	_ =	shalt  }
0x50: {  	_ =	shalt  }
0x51: {  	_ =	shalt  }
0x52: {  	_ =	shalt  }
0x53: {  	_ =	shalt  }
0x54: {  	_ =	shalt  }
0x55: {  	_ =	shalt  }
0x56: {  	_ =	shalt  }
0x57: {  	_ =	shalt  }
0x58: {  	_ =	shalt  }
0x59: {  	_ =	shalt  }
0x5a: {  	_ =	shalt  }
0x5b: {  	_ =	shalt  }
0x5c: {  	_ =	shalt  }
0x5d: {  	_ =	shalt  }
0x5e: {  	_ =	shalt  }
0x5f: {  	_ =	shalt  }
0x60: {  	_ =	shalt  }
0x61: {  	_ =	shalt  }
0x62: {  	_ =	shalt  }
0x63: {  	_ =	shalt  }
0x64: {  	_ =	shalt  }
0x65: {  	_ =	shalt  }
0x66: {  	_ =	shalt  }
0x67: {  	_ =	shalt  }
0x68: {  	_ =	shalt  }
0x69: {  	_ =	shalt  }
0x6a: {  	_ =	shalt  }
0x6b: {  	_ =	shalt  }
0x6c: {  	_ =	shalt  }
0x6d: {  	_ =	shalt  }
0x6e: {  	_ =	shalt  }
0x6f: {  	_ =	shalt  }
0x70: {  	_ =	shalt  }
0x71: {  	_ =	shalt  }
0x72: {  	_ =	shalt  }
0x73: {  	_ =	shalt  }
0x74: {  	_ =	shalt  }
0x75: {  	_ =	shalt  }
0x76: {  	_ =	shalt  }
0x77: {  	_ =	shalt  }
0x78: {  	_ =	shalt  }
0x79: {  	_ =	shalt  }
0x7a: {  	_ =	shalt  }
0x7b: {  	_ =	shalt  }
0x7c: {  	_ =	shalt  }
0x7d: {  	_ =	shalt  }
0x7e: {  	_ =	shalt  }
0x7f: {  	_ =	shalt  }
0x80: {  	_ =	shalt  }
0x81: {  	_ =	shalt  }
0x82: {  	_ =	shalt  }
0x83: {  	_ =	shalt  }
0x84: {  	_ =	shalt  }
0x85: {  	_ =	shalt  }
0x86: {  	_ =	shalt  }
0x87: {  	_ =	shalt  }
.Lfunc_end0:
.L_simem_size_0:
called_computation_lowered:
.L_overlay_start_0:
0x88: {  	s2 =	sld [smem:$0x3FD9]  }
0x89: {  	s3 =	sld [smem:$0x3FFE];
	_ =	sdelay $0x1  }
0x8a: {  	s1 =	srdreg.scid  }
0x8b: {  	s0 =	sand.u32 $0x1, s1  }
0x8c: {  	s17 =	sshll.u32 s0, $0xA;
	s2 =	sadd.s32 s3, s2  }
0x8d: {  	s2 =	sadd.s32 s2, s17  }
0x8e: {  	[smem:$0x3FBD] =	sst s2  }
0x8f: {  	_ = 	snop  }
0x90: {  	s2 =	sld [smem:$0x3FD0];
	(tm) =	ssettm $0x1  }
0x91: {  	s18 =	sld [smem:$0x3FFB];
	_ =	sdelay $0x3  }
0x92: {  	_ =	strace s18  }
0x93: {  	s3 =	sld [smem:$0x3FFC];
	_ =	sdelay $0x3  }
0x94: {  	_ =	strace s3  }
0x95: {  	s3 =	sld [smem:$0x3FFD];
	_ =	sdelay $0x3  }
0x96: {  	_ =	strace s3  }
0x97: {  	_ =	strace $0x8FFFFFFF  }
0x98: {  	s19 =	sld [smem:$0x3FDB];
	_ =	sdelay $0x1  }
0x99: {  	s4 =	simm.s32 $_scs_section_size  }
0x9a: {  	s5 =	simm.s32 $_size__tile_overlayer_lowered;
	s6 =	simm.s32 $_tile_overlayer_lowered  }
0x9b: {  	s22 =	simm.s32 $0x1BFF;
	s21 =	sshll.u32 s6, $0x1;
	s3 =	sadd.s32 s4, s19  }
0x9c: {  	s7 =	simm.s32 $0x0;
	s20 =	sshll.u32 s5, $0x1;
	s5 =	sadd.s32 s21, s3  }
0x9d: {  	[timem:s7], [sflag:s22] =	dma.local [hbm:s5], s20  }
0x9e: {  	_ =	swait.ge [sflag:s22], s20  }
0x9f: {  	s4 =	ssub.s32 $0x0, s20;
	[sflag:s22] =	ssyncset.done $0x0  }
0xa0: {  	[sflag:s22] =	ssyncadd.s32 s4;
	_ =	sdelay $0x1  }
0xa1: {  	s23 =	simm.s32 $0x1B8B  }
0xa2: {  	_ =	swait.ge [sflag:s23], $0x1  }
0xa3: {  	[sflag:s23] =	ssyncset.done $0x0  }
0xa4: {  	s25 =	simm.s32 $0x1B8E;
	s24 =	sld [smem:$0x3FFE];
	[sflag:s23] =	ssyncadd.s32 $0xFFFFFFFF  }
0xa5: {  	s26 =	simm.s32 $execute0_lowered;
	[smem:$0x3FD2] =	sst s25  }
0xa6: {  	s5 =	sshll.u32 s26, $0x1;
	_ =	strace $0x80000046;
	[dreg:$0x1] =	wrdreg $0xFFFFFFFF  }
0xa7: {  	s28 =	simm.s32 $_size_execute0_lowered;
	s3 =	sadd.s32 s3, s5;
	[dreg:$0x0] =	wrdreg $0x0  }
0xa8: {  	s5 =	sshll.u32 s28, $0x1;
	[dreg:$0x2] =	wrdreg s3  }
0xa9: {  	[dreg:$0x3] =	wrdreg s5  }
0xaa: {  	[dreg:$0x4] =	wrdreg $0xC0  }
0xab: {  	_ =	task [dreg:s7], $0x5FFFF  }
0xac: {  	[dreg:$0x1] =	wrdreg $0xFFFFFFFF  }
0xad: {  	[dreg:$0x0] =	wrdreg $0x60  }
0xae: {  	[dreg:$0x2] =	wrdreg s24  }
0xaf: {  	[dreg:$0x3] =	wrdreg s2  }
0xb0: {  	[dreg:$0x4] =	wrdreg $0x2FD00  }
0xb1: {  	[dreg:$0x5] =	wrdreg $0x9  }
0xb2: {  	_ =	task.clear_ibuf [dreg:s7], $0x6FFFF;
	_ =	strace $0x90000046  }
0xb3: {  	s29 =	simm.s32 $0x9;
	_ =	strace $0x80000048  }
0xb4: {  	_ =	swait.ge [sflag:s29], $0x1  }
0xb5: {  	[sflag:s29] =	ssyncadd.s32 $0xFFFFFFFF  }
0xb6: {  	_ =	strace $0x90000048  }
0xb7: {  	_ =	sfence  }
0xb8: {  	s30 =	sld [smem:$0x0];
	_ =	sdelay $0x2  }
0xb9: {  	s31 =	sshll.u32 s1, $0xD;
	s1 =	sshrl.u32 s1, $0x2  }
0xba: {  	s3 =	sand.u32 $0x4000, s31;
	s1 =	sadd.s32 s1, s30  }
0xbb: {  	s0 =	sor.u32 s3, s0;
	s1 =	sshll.u32 s1, $0x11  }
0xbc: {  	s0 =	sor.u32 s1, s0  }
0xbd: {  	s0 =	sadd.s32 $0x8F2B, s0  }
0xbe: {  	[sflag:s0] =	ssyncadd.remote.s32 $0x1  }
0xbf: {  	_ =	sfence.sel $0xFFFF  }
0xc0: {  	[dreg:$0x0] =	wrdreg $0xFFFFFFFF;
	(pc) =	sbr.abs _section_cstart, $3  }
0xc1: {  	[dreg:$0x1] =	wrdreg $0xFFFFFFFF  }
0xc2: {  	_ =	task.clear_ibuf [dreg:s7], $0x2FFFF;
	_ =	strace $0x9FFFFFFF  }
0xc3: {  	(tm) =	ssettm $0x7FFFFFFF  }
tec
execute0_lowered:
.L_overlay_start_1:
0x0: {  	(tag) =	ssettag $0x1  }
0x1: {  	s6 =	rddreg [dreg:$0x0]  }
0x2: {  	s2 =	rddreg [dreg:$0x1]  }
0x3: {  	s0 =	srdreg.scid;
	s3 =	rddreg [dreg:$0x2]  }
0x4: {  	s1 =	stileid.u32;
	s4 =	simm.s32 $0x0;
	s12 =	simm.s32 $0x2800  }
0x5: {  	s13 =	simm.s32 $0x7D;
	s5 =	sand.u32 $0x1, s0;
	s0 =	rddreg [dreg:$0x3]  }
0x6: {  	s14 =	simm.s32 $0x0;
	s8 =	smul.u32 $0x2800, s1;
	[smem:$0x7FF] =	sst s4  }
0x7: {  	s31 =	sshll.u32 s1, $0x6;
	s7 =	sshll.u32 s5, $0x4;
	s9 =	smul.u32 $0x28000, s5  }
0x8: {  	_ =	strace $0x80000047;
	s10 =	ssub.s32 $0x2, s5;
	s7 =	sor.u32 s1, s7  }
0x9: {  	s5 =	sadd.s32 $0xD200, s6;
	s7 =	smul.u32 $0x500, s7;
	s9 =	sadd.s32 s8, s9  }
0xa: {  	s30 =	sshrl.u32 s10, $0x1;
	s11 =	sadd.s32 s8, s3;
	s9 =	sshrl.u32 s9, $0x3  }
0xb: {  	s10 =	ssub.s32 s10, s30;
	s7 =	sadd.s32 s7, s6;
	s9 =	sadd.s32 s9, s6  }
0xc: {  	s6 =	sor.u32 $0x1C01, s31;
	s7 =	sadd.s32 $0x3200, s7;
	s8 =	sadd.s32 $0xD800, s9  }
0xd: {  	s9 =	smax.u32 s10, $0x1;
	s10 =	sshrl.u32 s11, $0x3;
	s11 =	simm.s32 $0x1  }
.LBB2_1:
0xe: {  	[spmem:s10], [sflag:s6] =	dma.local [hbm:s5], $0x500  }
0xf: {  	_ =	swait.ge [sflag:s11], $0x500  }
0x10: {  	[sflag:s11] =	ssyncset.done $0x0  }
0x11: {  	[sflag:s11] =	ssyncadd.s32 $0xFFFFFB00  }
0x12: {  	[tilespmem:s4], [sflag:$0x1] =	stream.linear.gather [hbm4b:s7+s4], $0x2800, $0x38;
	[tilespmem:$0x57D0] =	vst v63  }
0x13: {  	_ =	swait.ge [sflag:s11], $0x2800  }
0x14: {  	[sflag:s11] =	ssyncset.done $0x0  }
0x15: {  	[sflag:s11] =	ssyncadd.s32 $0xFFFFD800  }
0x16: {  	[tilespmem:s12], [sflag:$0x1] =	stream.linear.gather [hbm4b:s2+s4], $0x7D0, $0x38;
	[tilespmem:$0x57D0] =	vst v63  }
0x17: {  	_ =	swait.ge [sflag:s11], $0x7D0  }
0x18: {  	[sflag:s11] =	ssyncset.done $0x0  }
0x19: {  	[sflag:s11] =	ssyncadd.s32 $0xFFFFF830  }
0x1a: {  	s15 =	simm.s32 $0x0;
	[bflag:$0x0] =	sbarrier.arrive $0xFFFF  }
0x1b: {  	[spmem:s3] =	stream.indirect.scatter.add.f32 [tilespmem:s12], [sflag:$0x1], $0x10, s15, s13, $0xb8;
	[tilespmem:$0x57D0] =	vst v63  }
0x1c: {  	_ =	swait.ge [sflag:s11], $0x7D0  }
0x1d: {  	s15 =	simm.s32 $0x200;
	[sflag:s11] =	ssyncset.done $0x0  }
.LBB2_2:
0x1e: {  	s16 =	sshra.s32 s15, $0x2;
	[sflag:s11] =	ssyncadd.s32 $0xFFFFF830;
	p0 =	sne.s32 s15, $0x9E00  }
0x1f: {  	[spmem:s3] =	stream.indirect.scatter.add.f32 [tilespmem:s12], [sflag:$0x1], $0x10, s16, s13, $0xb8;
	[tilespmem:$0x57D0] =	vst v63  }
.Ltmp0:
0x20: {  	_ = 	snop;
	(pc) =	sbr.rel @p0 .LBB2_2-.Ltmp0, $4  }
0x21: {  	_ = 	snop  }
0x22: {  	s15 =	sadd.s32 $0x200, s15  }
0x23: {  	_ =	swait.ge [sflag:s11], $0x7D0  }
0x24: {  	[sflag:s11] =	ssyncset.done $0x0  }
0x25: {  	s14 =	sadd.s32 $0x1, s14  }
0x26: {  	[sflag:s11] =	ssyncadd.s32 $0xFFFFF830;
	p0 =	sne.s32 s14, s9  }
.Ltmp1:
0x27: {  	[bflag:$0x0] =	sbarrier.arrive $0xFFFF;
	(pc) =	sbr.rel @p0 .LBB2_1-.Ltmp1, $4  }
0x28: {  	[hbm:s8], [sflag:s6] =	dma.local [spmem:s10], $0x500  }
0x29: {  	_ =	swait.ge [sflag:s11], $0x500  }
0x2a: {  	[sflag:s11] =	ssyncset.done $0x0  }
0x2b: {  	[sflag:s11] =	ssyncadd.s32 $0xFFFFFB00  }
0x2c: {  	_ =	sfence.sel $0x180000  }
0x2d: {  	[bflag:$0x0] =	sbarrier.arrive $0xFFFF  }
0x2e: {  	p0 =	sne.s32 s1, $0x0;
	_ =	strace $0x90000047  }
0x2f: {  	s0 =	sadd.s32 @!p0 $0x100000, s0;
	[bflag:$0x2] =	sbarrier.arrive $0xFFFF  }
0x30: {  	[sflag:s0] =	ssyncadd.tile.s32 @!p0 $0x1;
	_ =	shalt  }
.Lfunc_end2:
_tile_overlayer_lowered:
.L_overlay_start_2:
0x31: {  	(tag) =	ssettag $0x2  }
0x32: {  	s0 =	rddreg [dreg:$0x0];
	s2 =	stileid.u32  }
0x33: {  	s1 =	rddreg [dreg:$0x1];
	p0 =	sne.s32 s2, $0x0  }
0x34: {  	s3 =	rddreg [dreg:$0x2];
	[bflag:$0x3] =	sbarrier.arrive $0xFFFF;
	s2 =	simm.s32 @!p0 $0x1C01  }
0x35: {  	[timem:s3], [sflag:s2] =	dma.local @!p0 [hbm:s0], s1  }
0x36: {  	s0 =	simm.s32 @!p0 $0x1  }
0x37: {  	_ =	swait.ge @!p0 [sflag:s0], s1  }
0x38: {  	s1 =	ssub.s32 @!p0 $0x0, s1;
	[sflag:s0] =	ssyncset.done @!p0 $0x0  }
0x39: {  	[sflag:s0] =	ssyncadd.s32 @!p0 s1  }
0x3a: {  	[bflag:$0x3] =	sbarrier.arrive $0xFFFF  }
0x3b: {  	_ =	shalt  }

// kernel: kernel.17.cloned.1.call-start
scs
__scs_entry_jumppad:
0x0: {  	(pc) =	sbr.rel $0x88, $3  }
0x1: {  	(tag) =	ssettag $0x0;
	lr =	simm.s32 $0x1  }
0x2: {  	[smem:$0x3F96] =	sst lr;
	_ =	strace $0xD0000000  }
0x3: {  	_ = 	snop  }
0x4: {  	_ = 	snop  }
0x5: {  	_ = 	snop  }
0x6: {  	_ = 	snop  }
0x7: {  	_ = 	snop  }
__scs_overlays_trampoline_lowered:
0x8: {  	[smem:$0x3FA5] =	sst s0  }
0x9: {  	[smem:$0x3FA6] =	sst s1  }
0xa: {  	[smem:$0x3FA7] =	sst s2  }
0xb: {  	[smem:$0x3FA8] =	sst s3  }
0xc: {  	[smem:$0x3FA9] =	sst s4  }
0xd: {  	[smem:$0x3FAA] =	sst s5  }
0xe: {  	[smem:$0x3FAB] =	sst s6  }
0xf: {  	[smem:$0x3FAC] =	sst s7  }
0x10: {  	[smem:$0x3FAD] =	sst s8  }
0x11: {  	[smem:$0x3FAE] =	sst s9;
	s0 =	simm.s32 @!p0 $0x0  }
0x12: {  	s1 =	sld [smem:$0x3F94];
	s0 =	simm.s32 @p0 $0x1  }
0x13: {  	[smem:$0x3FAF] =	sst s0;
	s0 =	simm.s32 @!p1 $0x0  }
0x14: {  	s2 =	sld [smem:$0x3F93];
	s0 =	simm.s32 @p1 $0x1  }
0x15: {  	[smem:$0x3FB0] =	sst s0;
	s0 =	simm.s32 @!p2 $0x0  }
0x16: {  	s3 =	sld [smem:$0x3FDB];
	s0 =	simm.s32 @p2 $0x1  }
0x17: {  	s4 =	simm.s32 $0x1BF5;
	[smem:$0x3FB2] =	sst s0  }
0x18: {  	s0 =	sld [smem:$0x3F95];
	_ =	swait.ge [sflag:s4], $0x0  }
0x19: {  	s7 =	sld [smem:$0x3F96]  }
0x1a: {  	s8 =	sadd.s32 $0xFFFFE003, lr  }
0x1b: {  	s9 =	sadd.s32 $0xFFFFFEF7, lr;
	s5 =	simm.s32 $0xFFFFFFFF;
	p2 =	slt.u32 s8, $0xFFFFF086  }
0x1c: {  	p1 =	slt.u32 s9, $0xF7A;
	s5 =	simm.s32 @!p2 $0x0  }
0x1d: {  	s5 =	simm.s32 @p1 $0x1;
	p0 =	seq.s32 s7, s2  }
0x1e: {  	s7 =	smul.u32 @!p0 $0xF7A, s2;
	p2 =	seq.s32 @!p0 s5, $0x0  }
0x1f: {  	s9 =	smul.u32 $0xF7A, s1;
	s8 =	simm.s32 @!p0 $0x1BF5;
	p2 =	por !p2, p0  }
0x20: {  	[sflag:s8] =	ssyncset.s32 @!p0 $0xFFFFF086;
	s6 =	sadd.s32 @!p0 s3, s7;
	s7 =	simm.s32 @!p0 $0x108  }
0x21: {  	s3 =	sadd.s32 s3, s9;
	s6 =	sadd.s32 @!p0 $0x88, s6;
	s7 =	simm.s32 @p2 $0x1082  }
0x22: {  	[simem:s7], [sflag:s8] =	dma.local @!p0 [hbm:s6], $0xF7A  }
0x23: {  	s9 =	sor.u32 $0xD0000000, s2;
	s6 =	simm.s32 $0x108;
	_ =	swait.ge @!p0 [sflag:s8], $0x0  }
0x24: {  	s3 =	sadd.s32 $0x88, s3;
	s6 =	simm.s32 @!p1 $0x1082;
	[sflag:s4] =	ssyncset.s32 $0xFFFFF086  }
0x25: {  	[simem:s6], [sflag:s4] =	dma.local [hbm:s3], $0xF7A  }
0x26: {  	[smem:$0x3F96] =	sst s1;
	(tag) =	ssettag s2;
	_ =	strace s9  }
0x27: {  	s1 =	sld [smem:$0x3FA6]  }
0x28: {  	s2 =	sld [smem:$0x3FA7]  }
0x29: {  	s4 =	sld [smem:$0x3FA9]  }
0x2a: {  	p0 =	seq.s32 s5, $0x0;
	s5 =	sld [smem:$0x3FAA]  }
0x2b: {  	s6 =	sld [smem:$0x3FAB]  }
0x2c: {  	s7 =	sld [smem:$0x3FAC]  }
0x2d: {  	s3 =	simm.s32 $0x108;
	s8 =	sld [smem:$0x3FAD]  }
0x2e: {  	s3 =	simm.s32 @!p0 $0x1082;
	s9 =	sld [smem:$0x3FAE]  }
0x2f: {  	lr =	sadd.s32 s0, s3;
	s0 =	sld [smem:$0x3FA5]  }
0x30: {  	s3 =	sld [smem:$0x3FA8]  }
0x31: {  	[smem:$0x3FB1] =	sst s10  }
0x32: {  	s10 =	sld [smem:$0x3FAF];
	_ =	sdelay $0x3  }
0x33: {  	p0 =	seq.s32 s10, $0x1;
	s10 =	sld [smem:$0x3FB1];
	_ =	sdelay $0x3  }
0x34: {  	[smem:$0x3FB1] =	sst s10  }
0x35: {  	s10 =	sld [smem:$0x3FB0];
	_ =	sdelay $0x3  }
0x36: {  	p1 =	seq.s32 s10, $0x1;
	s10 =	sld [smem:$0x3FB1];
	_ =	sdelay $0x3  }
0x37: {  	[smem:$0x3FB1] =	sst s10  }
0x38: {  	s10 =	sld [smem:$0x3FB2]  }
0x39: {  	_ = 	snop;
	(pc) =	sbr.ind lr, $3  }
0x3a: {  	_ = 	snop  }
0x3b: {  	_ = 	snop  }
0x3c: {  	p2 =	seq.s32 s10, $0x1;
	s10 =	sld [smem:$0x3FB1]  }
0x3d: {  	_ =	shalt  }
0x3e: {  	_ =	shalt  }
0x3f: {  	_ =	shalt  }
0x40: {  	_ =	shalt  }
0x41: {  	_ =	shalt  }
0x42: {  	_ =	shalt  }
0x43: {  	_ =	shalt  }
0x44: {  	_ =	shalt  }
0x45: {  	_ =	shalt  }
0x46: {  	_ =	shalt  }
0x47: {  	_ =	shalt  }
0x48: {  	_ =	shalt  }
0x49: {  	_ =	shalt  }
0x4a: {  	_ =	shalt  }
0x4b: {  	_ =	shalt  }
0x4c: {  	_ =	shalt  }
0x4d: {  	_ =	shalt  }
0x4e: {  	_ =	shalt  }
0x4f: {  	_ =	shalt  }
0x50: {  	_ =	shalt  }
0x51: {  	_ =	shalt  }
0x52: {  	_ =	shalt  }
0x53: {  	_ =	shalt  }
0x54: {  	_ =	shalt  }
0x55: {  	_ =	shalt  }
0x56: {  	_ =	shalt  }
0x57: {  	_ =	shalt  }
0x58: {  	_ =	shalt  }
0x59: {  	_ =	shalt  }
0x5a: {  	_ =	shalt  }
0x5b: {  	_ =	shalt  }
0x5c: {  	_ =	shalt  }
0x5d: {  	_ =	shalt  }
0x5e: {  	_ =	shalt  }
0x5f: {  	_ =	shalt  }
0x60: {  	_ =	shalt  }
0x61: {  	_ =	shalt  }
0x62: {  	_ =	shalt  }
0x63: {  	_ =	shalt  }
0x64: {  	_ =	shalt  }
0x65: {  	_ =	shalt  }
0x66: {  	_ =	shalt  }
0x67: {  	_ =	shalt  }
0x68: {  	_ =	shalt  }
0x69: {  	_ =	shalt  }
0x6a: {  	_ =	shalt  }
0x6b: {  	_ =	shalt  }
0x6c: {  	_ =	shalt  }
0x6d: {  	_ =	shalt  }
0x6e: {  	_ =	shalt  }
0x6f: {  	_ =	shalt  }
0x70: {  	_ =	shalt  }
0x71: {  	_ =	shalt  }
0x72: {  	_ =	shalt  }
0x73: {  	_ =	shalt  }
0x74: {  	_ =	shalt  }
0x75: {  	_ =	shalt  }
0x76: {  	_ =	shalt  }
0x77: {  	_ =	shalt  }
0x78: {  	_ =	shalt  }
0x79: {  	_ =	shalt  }
0x7a: {  	_ =	shalt  }
0x7b: {  	_ =	shalt  }
0x7c: {  	_ =	shalt  }
0x7d: {  	_ =	shalt  }
0x7e: {  	_ =	shalt  }
0x7f: {  	_ =	shalt  }
0x80: {  	_ =	shalt  }
0x81: {  	_ =	shalt  }
0x82: {  	_ =	shalt  }
0x83: {  	_ =	shalt  }
0x84: {  	_ =	shalt  }
0x85: {  	_ =	shalt  }
0x86: {  	_ =	shalt  }
0x87: {  	_ =	shalt  }
.Lfunc_end0:
.L_simem_size_0:
called_computation.1_lowered:
.L_overlay_start_0:
0x88: {  	s2 =	sld [smem:$0x3FD9]  }
0x89: {  	s3 =	sld [smem:$0x3FFE];
	_ =	sdelay $0x1  }
0x8a: {  	s1 =	srdreg.scid  }
0x8b: {  	s0 =	sand.u32 $0x1, s1  }
0x8c: {  	s16 =	sshll.u32 s0, $0xA;
	s2 =	sadd.s32 s3, s2  }
0x8d: {  	s2 =	sadd.s32 s2, s16  }
0x8e: {  	[smem:$0x3FBD] =	sst s2  }
0x8f: {  	_ = 	snop  }
0x90: {  	(tm) =	ssettm $0x1  }
0x91: {  	s17 =	sld [smem:$0x3FFB];
	_ =	sdelay $0x3  }
0x92: {  	_ =	strace s17  }
0x93: {  	s2 =	sld [smem:$0x3FFC];
	_ =	sdelay $0x3  }
0x94: {  	_ =	strace s2  }
0x95: {  	s2 =	sld [smem:$0x3FFD];
	_ =	sdelay $0x3  }
0x96: {  	_ =	strace s2  }
0x97: {  	_ =	strace $0x8FFFFFFF  }
0x98: {  	s18 =	sld [smem:$0x3FDB];
	_ =	sdelay $0x1  }
0x99: {  	s19 =	simm.s32 $_scs_section_size  }
0x9a: {  	s4 =	simm.s32 $_size__tile_overlayer_lowered;
	s5 =	simm.s32 $_tile_overlayer_lowered  }
0x9b: {  	s22 =	simm.s32 $0x1BFF;
	s21 =	sshll.u32 s5, $0x1;
	s2 =	sadd.s32 s19, s18  }
0x9c: {  	s6 =	simm.s32 $0x0;
	s20 =	sshll.u32 s4, $0x1;
	s4 =	sadd.s32 s21, s2  }
0x9d: {  	[timem:s6], [sflag:s22] =	dma.local [hbm:s4], s20  }
0x9e: {  	_ =	swait.ge [sflag:s22], s20  }
0x9f: {  	s3 =	ssub.s32 $0x0, s20;
	[sflag:s22] =	ssyncset.done $0x0  }
0xa0: {  	[sflag:s22] =	ssyncadd.s32 s3;
	_ =	sdelay $0x1  }
0xa1: {  	s23 =	simm.s32 $0x1B8B  }
0xa2: {  	_ =	swait.ge [sflag:s23], $0x1  }
0xa3: {  	[sflag:s23] =	ssyncset.done $0x0  }
0xa4: {  	s25 =	simm.s32 $0x1B8E;
	s24 =	sld [smem:$0x3FFE];
	[sflag:s23] =	ssyncadd.s32 $0xFFFFFFFF  }
0xa5: {  	s26 =	simm.s32 $execute0_lowered;
	[smem:$0x3FD2] =	sst s25  }
0xa6: {  	s4 =	sshll.u32 s26, $0x1;
	_ =	strace $0x80000049;
	[dreg:$0x1] =	wrdreg $0xFFFFFFFF  }
0xa7: {  	s28 =	simm.s32 $_size_execute0_lowered;
	s2 =	sadd.s32 s2, s4;
	[dreg:$0x0] =	wrdreg $0x0  }
0xa8: {  	s4 =	sshll.u32 s28, $0x1;
	[dreg:$0x2] =	wrdreg s2  }
0xa9: {  	[dreg:$0x3] =	wrdreg s4  }
0xaa: {  	[dreg:$0x4] =	wrdreg $0xC0  }
0xab: {  	_ =	task [dreg:s6], $0x5FFFF  }
0xac: {  	[dreg:$0x1] =	wrdreg $0xFFFFFFFF  }
0xad: {  	[dreg:$0x0] =	wrdreg $0x60  }
0xae: {  	[dreg:$0x2] =	wrdreg s24  }
0xaf: {  	[dreg:$0x3] =	wrdreg $0x91000  }
0xb0: {  	[dreg:$0x4] =	wrdreg $0x9  }
0xb1: {  	_ =	task.clear_ibuf [dreg:s6], $0x5FFFF;
	_ =	strace $0x90000049  }
0xb2: {  	s29 =	simm.s32 $0x9;
	_ =	strace $0x8000004B  }
0xb3: {  	_ =	swait.ge [sflag:s29], $0x1  }
0xb4: {  	[sflag:s29] =	ssyncadd.s32 $0xFFFFFFFF  }
0xb5: {  	_ =	strace $0x9000004B  }
0xb6: {  	_ =	sfence  }
0xb7: {  	s30 =	sld [smem:$0x0];
	_ =	sdelay $0x2  }
0xb8: {  	s31 =	sshll.u32 s1, $0xD;
	s1 =	sshrl.u32 s1, $0x2  }
0xb9: {  	s3 =	sand.u32 $0x4000, s31;
	s1 =	sadd.s32 s1, s30  }
0xba: {  	s0 =	sor.u32 s3, s0;
	s1 =	sshll.u32 s1, $0x11  }
0xbb: {  	s0 =	sor.u32 s1, s0  }
0xbc: {  	s0 =	sadd.s32 $0x8F2B, s0  }
0xbd: {  	[sflag:s0] =	ssyncadd.remote.s32 $0x1  }
0xbe: {  	_ =	sfence.sel $0xFFFF  }
0xbf: {  	[dreg:$0x0] =	wrdreg $0xFFFFFFFF;
	(pc) =	sbr.abs _section_cstart, $3  }
0xc0: {  	[dreg:$0x1] =	wrdreg $0xFFFFFFFF  }
0xc1: {  	_ =	task.clear_ibuf [dreg:s6], $0x2FFFF;
	_ =	strace $0x9FFFFFFF  }
0xc2: {  	(tm) =	ssettm $0x7FFFFFFF  }
0xc3: {  	_ =	shalt  }
tec
execute0_lowered:
.L_overlay_start_1:
0x0: {  	(tag) =	ssettag $0x1  }
0x1: {  	s0 =	srdreg.scid;
	s8 =	stileid.u32  }
0x2: {  	s0 =	sand.u32 $0x1, s0;
	s3 =	smul.u32 $0x2800, s8  }
0x3: {  	s5 =	rddreg [dreg:$0x0];
	s1 =	smul.u32 $0x28000, s0  }
0x4: {  	s2 =	rddreg [dreg:$0x1];
	s22 =	simm.s32 $0x80;
	s23 =	simm.s32 $0x100  }
0x5: {  	s24 =	simm.s32 $0xA80;
	s1 =	sadd.s32 s3, s1;
	s3 =	simm.s32 $0x0  }
0x6: {  	s25 =	simm.s32 $0x180;
	s26 =	simm.s32 $0xB00;
	[smem:$0x7FF] =	sst s3  }
0x7: {  	s10 =	simm.s32 $0xB80;
	_ =	strace $0x8000004A;
	[dreg:$0x5] =	wrdreg s22  }
0x8: {  	s11 =	simm.s32 $0x280;
	s9 =	sadd.s32 $0xD200, s5;
	[dreg:$0x6] =	wrdreg s23  }
0x9: {  	s13 =	simm.s32 $0xC00;
	s14 =	simm.s32 $0x300;
	[dreg:$0x1a] =	wrdreg s9  }
0xa: {  	s15 =	simm.s32 $0xC80;
	s17 =	simm.s32 $0x380;
	[dreg:$0x7] =	wrdreg s24  }
0xb: {  	s18 =	simm.s32 $0xD00;
	s19 =	simm.s32 $0x400;
	[dreg:$0x8] =	wrdreg s25  }
0xc: {  	s20 =	simm.s32 $0xD80;
	s21 =	simm.s32 $0x480;
	[dreg:$0x9] =	wrdreg s26  }
0xd: {  	s28 =	simm.s32 $0x880;
	s29 =	simm.s32 $0x1200;
	[dreg:$0xb] =	wrdreg s10  }
0xe: {  	s30 =	simm.s32 $0x900;
	s6 =	smul.u32 $0x14000, s8;
	[dreg:$0xc] =	wrdreg s11  }
0xf: {  	s31 =	simm.s32 $0x1280;
	s7 =	smul.u32 $0x140000, s0;
	[dreg:$0xd] =	wrdreg s13  }
0x10: {  	s16 =	sshll.u32 s8, $0x6;
	s0 =	ssub.s32 $0x2, s0;
	[dreg:$0xe] =	wrdreg s14  }
0x11: {  	s12 =	sshrl.u32 s0, $0x1;
	s7 =	sadd.s32 s6, s7;
	[dreg:$0xf] =	wrdreg s15  }
0x12: {  	s0 =	ssub.s32 s0, s12;
	s6 =	sadd.s32 s6, s2;
	[dreg:$0x10] =	wrdreg s17  }
0x13: {  	s12 =	simm.s32 $0x7D;
	s0 =	smax.u32 s0, $0x1;
	[dreg:$0x11] =	wrdreg s18  }
0x14: {  	s1 =	sshrl.u32 s1, $0x3;
	s7 =	sshrl.u32 s7, $0x3;
	[dreg:$0x1d] =	wrdreg s0  }
0x15: {  	s8 =	sshrl.u32 s6, $0x3;
	s1 =	sadd.s32 s1, s5;
	[dreg:$0x12] =	wrdreg s19  }
0x16: {  	s9 =	simm.s32 $0x200;
	[dreg:$0x13] =	wrdreg s20;
	s10 =	simm.s32 $0x3  }
0x17: {  	[dreg:$0x14] =	wrdreg s21;
	s22 =	simm.s32 $0xE00;
	s11 =	simm.s32 $0xA00  }
0x18: {  	s23 =	simm.s32 $0x500;
	s24 =	simm.s32 $0xE80;
	s13 =	simm.s32 $0x1400  }
0x19: {  	s25 =	simm.s32 $0x580;
	s14 =	simm.s32 $0x5280;
	[dreg:$0x1e] =	wrdreg s8  }
0x1a: {  	s26 =	simm.s32 $0xF00;
	s15 =	simm.s32 $0x1;
	[dreg:$0xa] =	wrdreg s9  }
0x1b: {  	s17 =	simm.s32 $0x600;
	s18 =	simm.s32 $0xF80;
	[dreg:$0x15] =	wrdreg s22  }
0x1c: {  	s19 =	simm.s32 $0x680;
	s20 =	simm.s32 $0x1000;
	[dreg:$0x16] =	wrdreg s23  }
0x1d: {  	s21 =	simm.s32 $0x700;
	s0 =	simm.s32 $0x1300;
	[dreg:$0x17] =	wrdreg s24  }
0x1e: {  	s4 =	sadd.s32 $0x17800, s1;
	s1 =	sadd.s32 $0x3200, s1;
	[dreg:$0x18] =	wrdreg s25  }
0x1f: {  	[dreg:$0x19] =	wrdreg s26;
	s22 =	simm.s32 $0x1080;
	s23 =	simm.s32 $0x780  }
0x20: {  	s24 =	simm.s32 $0x1100;
	s25 =	simm.s32 $0x800;
	s26 =	simm.s32 $0x1180  }
0x21: {  	s9 =	simm.s32 $0x0;
	[dreg:$0x3] =	wrdreg s4;
	s4 =	sadd.s32 $0x21800, s5  }
0x22: {  	[dreg:$0x4] =	wrdreg s1;
	s5 =	sadd.s32 s7, s5;
	s7 =	sor.u32 $0x1C03, s16  }
0x23: {  	s16 =	simm.s32 $0x2;
	s5 =	sadd.s32 $0x49800, s5;
	[dreg:$0x1b] =	wrdreg s7  }
0x24: {  	s1 =	simm.s32 $0x980;
	[dreg:$0x1c] =	wrdreg s5;
	s5 =	simm.s32 $0x1380  }
.LBB2_1:
0x25: {  	[dreg:$0x1f] =	wrdreg s9  }
0x26: {  	s6 =	rddreg [dreg:$0x1a]  }
0x27: {  	[spmem:s8], [sflag:s7] =	dma.local [hbm:s6], $0x2800  }
0x28: {  	_ =	swait.ge [sflag:s10], $0x2800  }
0x29: {  	[sflag:s10] =	ssyncset.done $0x0  }
0x2a: {  	[sflag:s10] =	ssyncadd.s32 $0xFFFFD800  }
0x2b: {  	[bflag:$0x0] =	sbarrier.arrive $0xFFFF  }
0x2c: {  	s8 =	rddreg [dreg:$0x4]  }
0x2d: {  	s6 =	sadd.s32 $0x0, s8  }
0x2e: {  	[tilespmem:s3], [sflag:$0x3] =	stream.linear.gather [hbm4b:s6+s3], $0xA00, $0x38;
	[tilespmem:$0x1D100] =	vst v63  }
0x2f: {  	_ =	swait.ge [sflag:s10], $0xA00  }
0x30: {  	s9 =	rddreg [dreg:$0x3];
	[sflag:s10] =	ssyncset.done $0x0  }
0x31: {  	[sflag:s10] =	ssyncadd.s32 $0xFFFFF600;
	s6 =	sadd.s32 $0x0, s9  }
0x32: {  	[tilespmem:s11], [sflag:$0x3] =	stream.linear.gather [hbm4b:s6+s3], $0xA00, $0x38;
	[tilespmem:$0x1D100] =	vst v63  }
0x33: {  	_ =	swait.ge [sflag:s10], $0xA00  }
0x34: {  	[sflag:s10] =	ssyncset.done $0x0  }
0x35: {  	[sflag:s10] =	ssyncadd.s32 $0xFFFFF600  }
0x36: {  	[tilespmem:s13], [sflag:$0x1] =	stream.indirect.gather [hbm4b:s4+s12], $0x80, s3, s12, $0xb8;
	[tilespmem:$0x1D100] =	vst v63  }
0x37: {  	s7 =	rddreg [dreg:$0x5]  }
0x38: {  	[tilespmem:s14], [sflag:$0x2] =	stream.indirect.gather [hbm4b:s4+s12], $0x80, s7, s12, $0xb8;
	[tilespmem:$0x1D100] =	vst v63  }
0x39: {  	_ =	swait.ge [sflag:s15], $0x3E80  }
0x3a: {  	[sflag:s15] =	ssyncset.done $0x0  }
0x3b: {  	[sflag:s15] =	ssyncadd.s32 $0xFFFFC180  }
0x3c: {  	[spmem:s2] =	stream.indirect.scatter.add.f32 [tilespmem:s13], [sflag:$0x3], $0x80, s11, s12, $0xb8;
	[tilespmem:$0x1D100] =	vst v63  }
0x3d: {  	_ =	swait.ge [sflag:s10], $0x3E80  }
0x3e: {  	[sflag:s10] =	ssyncset.done $0x0  }
0x3f: {  	s8 =	rddreg [dreg:$0x6];
	[sflag:s10] =	ssyncadd.s32 $0xFFFFC180  }
0x40: {  	[tilespmem:s13], [sflag:$0x1] =	stream.indirect.gather [hbm4b:s4+s12], $0x80, s8, s12, $0xb8;
	[tilespmem:$0x1D100] =	vst v63  }
0x41: {  	_ =	swait.ge [sflag:s16], $0x3E80  }
0x42: {  	[sflag:s16] =	ssyncset.done $0x0  }
0x43: {  	s9 =	rddreg [dreg:$0x7];
	[sflag:s16] =	ssyncadd.s32 $0xFFFFC180  }
0x44: {  	[spmem:s2] =	stream.indirect.scatter.add.f32 [tilespmem:s14], [sflag:$0x3], $0x80, s9, s12, $0xb8;
	[tilespmem:$0x1D100] =	vst v63  }
0x45: {  	_ =	swait.ge [sflag:s10], $0x3E80  }
0x46: {  	[sflag:s10] =	ssyncset.done $0x0  }
0x47: {  	s7 =	rddreg [dreg:$0x8];
	[sflag:s10] =	ssyncadd.s32 $0xFFFFC180  }
0x48: {  	[tilespmem:s14], [sflag:$0x2] =	stream.indirect.gather [hbm4b:s4+s12], $0x80, s7, s12, $0xb8;
	[tilespmem:$0x1D100] =	vst v63  }
0x49: {  	_ =	swait.ge [sflag:s15], $0x3E80  }
0x4a: {  	[sflag:s15] =	ssyncset.done $0x0  }
0x4b: {  	s8 =	rddreg [dreg:$0x9];
	[sflag:s15] =	ssyncadd.s32 $0xFFFFC180  }
0x4c: {  	[spmem:s2] =	stream.indirect.scatter.add.f32 [tilespmem:s13], [sflag:$0x3], $0x80, s8, s12, $0xb8;
	[tilespmem:$0x1D100] =	vst v63  }
0x4d: {  	_ =	swait.ge [sflag:s10], $0x3E80  }
0x4e: {  	[sflag:s10] =	ssyncset.done $0x0  }
0x4f: {  	s9 =	rddreg [dreg:$0xa];
	[sflag:s10] =	ssyncadd.s32 $0xFFFFC180  }
0x50: {  	[tilespmem:s13], [sflag:$0x1] =	stream.indirect.gather [hbm4b:s4+s12], $0x80, s9, s12, $0xb8;
	[tilespmem:$0x1D100] =	vst v63  }
0x51: {  	_ =	swait.ge [sflag:s16], $0x3E80  }
0x52: {  	[sflag:s16] =	ssyncset.done $0x0  }
0x53: {  	s7 =	rddreg [dreg:$0xb];
	[sflag:s16] =	ssyncadd.s32 $0xFFFFC180  }
0x54: {  	[spmem:s2] =	stream.indirect.scatter.add.f32 [tilespmem:s14], [sflag:$0x3], $0x80, s7, s12, $0xb8;
	[tilespmem:$0x1D100] =	vst v63  }
0x55: {  	_ =	swait.ge [sflag:s10], $0x3E80  }
0x56: {  	[sflag:s10] =	ssyncset.done $0x0  }
0x57: {  	s8 =	rddreg [dreg:$0xc];
	[sflag:s10] =	ssyncadd.s32 $0xFFFFC180  }
0x58: {  	[tilespmem:s14], [sflag:$0x2] =	stream.indirect.gather [hbm4b:s4+s12], $0x80, s8, s12, $0xb8;
	[tilespmem:$0x1D100] =	vst v63  }
0x59: {  	_ =	swait.ge [sflag:s15], $0x3E80  }
0x5a: {  	[sflag:s15] =	ssyncset.done $0x0  }
0x5b: {  	s9 =	rddreg [dreg:$0xd];
	[sflag:s15] =	ssyncadd.s32 $0xFFFFC180  }
0x5c: {  	[spmem:s2] =	stream.indirect.scatter.add.f32 [tilespmem:s13], [sflag:$0x3], $0x80, s9, s12, $0xb8;
	[tilespmem:$0x1D100] =	vst v63  }
0x5d: {  	_ =	swait.ge [sflag:s10], $0x3E80  }
0x5e: {  	[sflag:s10] =	ssyncset.done $0x0  }
0x5f: {  	s7 =	rddreg [dreg:$0xe];
	[sflag:s10] =	ssyncadd.s32 $0xFFFFC180  }
0x60: {  	[tilespmem:s13], [sflag:$0x1] =	stream.indirect.gather [hbm4b:s4+s12], $0x80, s7, s12, $0xb8;
	[tilespmem:$0x1D100] =	vst v63  }
0x61: {  	_ =	swait.ge [sflag:s16], $0x3E80  }
0x62: {  	[sflag:s16] =	ssyncset.done $0x0  }
0x63: {  	s8 =	rddreg [dreg:$0xf];
	[sflag:s16] =	ssyncadd.s32 $0xFFFFC180  }
0x64: {  	[spmem:s2] =	stream.indirect.scatter.add.f32 [tilespmem:s14], [sflag:$0x3], $0x80, s8, s12, $0xb8;
	[tilespmem:$0x1D100] =	vst v63  }
0x65: {  	_ =	swait.ge [sflag:s10], $0x3E80  }
0x66: {  	[sflag:s10] =	ssyncset.done $0x0  }
0x67: {  	s9 =	rddreg [dreg:$0x10];
	[sflag:s10] =	ssyncadd.s32 $0xFFFFC180  }
0x68: {  	[tilespmem:s14], [sflag:$0x2] =	stream.indirect.gather [hbm4b:s4+s12], $0x80, s9, s12, $0xb8;
	[tilespmem:$0x1D100] =	vst v63  }
0x69: {  	_ =	swait.ge [sflag:s15], $0x3E80  }
0x6a: {  	[sflag:s15] =	ssyncset.done $0x0  }
0x6b: {  	s7 =	rddreg [dreg:$0x11];
	[sflag:s15] =	ssyncadd.s32 $0xFFFFC180  }
0x6c: {  	[spmem:s2] =	stream.indirect.scatter.add.f32 [tilespmem:s13], [sflag:$0x3], $0x80, s7, s12, $0xb8;
	[tilespmem:$0x1D100] =	vst v63  }
0x6d: {  	_ =	swait.ge [sflag:s10], $0x3E80  }
0x6e: {  	[sflag:s10] =	ssyncset.done $0x0  }
0x6f: {  	s8 =	rddreg [dreg:$0x12];
	[sflag:s10] =	ssyncadd.s32 $0xFFFFC180  }
0x70: {  	[tilespmem:s13], [sflag:$0x1] =	stream.indirect.gather [hbm4b:s4+s12], $0x80, s8, s12, $0xb8;
	[tilespmem:$0x1D100] =	vst v63  }
0x71: {  	_ =	swait.ge [sflag:s16], $0x3E80  }
0x72: {  	[sflag:s16] =	ssyncset.done $0x0  }
0x73: {  	s9 =	rddreg [dreg:$0x13];
	[sflag:s16] =	ssyncadd.s32 $0xFFFFC180  }
0x74: {  	[spmem:s2] =	stream.indirect.scatter.add.f32 [tilespmem:s14], [sflag:$0x3], $0x80, s9, s12, $0xb8;
	[tilespmem:$0x1D100] =	vst v63  }
0x75: {  	_ =	swait.ge [sflag:s10], $0x3E80  }
0x76: {  	[sflag:s10] =	ssyncset.done $0x0  }
0x77: {  	s7 =	rddreg [dreg:$0x14];
	[sflag:s10] =	ssyncadd.s32 $0xFFFFC180  }
0x78: {  	[tilespmem:s14], [sflag:$0x2] =	stream.indirect.gather [hbm4b:s4+s12], $0x80, s7, s12, $0xb8;
	[tilespmem:$0x1D100] =	vst v63  }
0x79: {  	_ =	swait.ge [sflag:s15], $0x3E80  }
0x7a: {  	[sflag:s15] =	ssyncset.done $0x0  }
0x7b: {  	s8 =	rddreg [dreg:$0x15];
	[sflag:s15] =	ssyncadd.s32 $0xFFFFC180  }
0x7c: {  	[spmem:s2] =	stream.indirect.scatter.add.f32 [tilespmem:s13], [sflag:$0x3], $0x80, s8, s12, $0xb8;
	[tilespmem:$0x1D100] =	vst v63  }
0x7d: {  	_ =	swait.ge [sflag:s10], $0x3E80  }
0x7e: {  	[sflag:s10] =	ssyncset.done $0x0  }
0x7f: {  	s9 =	rddreg [dreg:$0x16];
	[sflag:s10] =	ssyncadd.s32 $0xFFFFC180  }
0x80: {  	[tilespmem:s13], [sflag:$0x1] =	stream.indirect.gather [hbm4b:s4+s12], $0x80, s9, s12, $0xb8;
	[tilespmem:$0x1D100] =	vst v63  }
0x81: {  	_ =	swait.ge [sflag:s16], $0x3E80  }
0x82: {  	[sflag:s16] =	ssyncset.done $0x0  }
0x83: {  	s7 =	rddreg [dreg:$0x17];
	[sflag:s16] =	ssyncadd.s32 $0xFFFFC180  }
0x84: {  	[spmem:s2] =	stream.indirect.scatter.add.f32 [tilespmem:s14], [sflag:$0x3], $0x80, s7, s12, $0xb8;
	[tilespmem:$0x1D100] =	vst v63  }
0x85: {  	_ =	swait.ge [sflag:s10], $0x3E80  }
0x86: {  	[sflag:s10] =	ssyncset.done $0x0  }
0x87: {  	s8 =	rddreg [dreg:$0x18];
	[sflag:s10] =	ssyncadd.s32 $0xFFFFC180  }
0x88: {  	[tilespmem:s14], [sflag:$0x2] =	stream.indirect.gather [hbm4b:s4+s12], $0x80, s8, s12, $0xb8;
	[tilespmem:$0x1D100] =	vst v63  }
0x89: {  	_ =	swait.ge [sflag:s15], $0x3E80  }
0x8a: {  	[sflag:s15] =	ssyncset.done $0x0  }
0x8b: {  	s9 =	rddreg [dreg:$0x19];
	[sflag:s15] =	ssyncadd.s32 $0xFFFFC180  }
0x8c: {  	[spmem:s2] =	stream.indirect.scatter.add.f32 [tilespmem:s13], [sflag:$0x3], $0x80, s9, s12, $0xb8;
	[tilespmem:$0x1D100] =	vst v63  }
0x8d: {  	_ =	swait.ge [sflag:s10], $0x3E80  }
0x8e: {  	[sflag:s10] =	ssyncset.done $0x0  }
0x8f: {  	[sflag:s10] =	ssyncadd.s32 $0xFFFFC180  }
0x90: {  	[tilespmem:s13], [sflag:$0x1] =	stream.indirect.gather [hbm4b:s4+s12], $0x80, s17, s12, $0xb8;
	[tilespmem:$0x1D100] =	vst v63  }
0x91: {  	_ =	swait.ge [sflag:s16], $0x3E80  }
0x92: {  	[sflag:s16] =	ssyncset.done $0x0  }
0x93: {  	[sflag:s16] =	ssyncadd.s32 $0xFFFFC180  }
0x94: {  	[spmem:s2] =	stream.indirect.scatter.add.f32 [tilespmem:s14], [sflag:$0x3], $0x80, s18, s12, $0xb8;
	[tilespmem:$0x1D100] =	vst v63  }
0x95: {  	_ =	swait.ge [sflag:s10], $0x3E80  }
0x96: {  	[sflag:s10] =	ssyncset.done $0x0  }
0x97: {  	[sflag:s10] =	ssyncadd.s32 $0xFFFFC180  }
0x98: {  	[tilespmem:s14], [sflag:$0x2] =	stream.indirect.gather [hbm4b:s4+s12], $0x80, s19, s12, $0xb8;
	[tilespmem:$0x1D100] =	vst v63  }
0x99: {  	_ =	swait.ge [sflag:s15], $0x3E80  }
0x9a: {  	[sflag:s15] =	ssyncset.done $0x0  }
0x9b: {  	[sflag:s15] =	ssyncadd.s32 $0xFFFFC180  }
0x9c: {  	[spmem:s2] =	stream.indirect.scatter.add.f32 [tilespmem:s13], [sflag:$0x3], $0x80, s20, s12, $0xb8;
	[tilespmem:$0x1D100] =	vst v63  }
0x9d: {  	_ =	swait.ge [sflag:s10], $0x3E80  }
0x9e: {  	[sflag:s10] =	ssyncset.done $0x0  }
0x9f: {  	[sflag:s10] =	ssyncadd.s32 $0xFFFFC180  }
0xa0: {  	[tilespmem:s13], [sflag:$0x1] =	stream.indirect.gather [hbm4b:s4+s12], $0x80, s21, s12, $0xb8;
	[tilespmem:$0x1D100] =	vst v63  }
0xa1: {  	_ =	swait.ge [sflag:s16], $0x3E80  }
0xa2: {  	[sflag:s16] =	ssyncset.done $0x0  }
0xa3: {  	[sflag:s16] =	ssyncadd.s32 $0xFFFFC180  }
0xa4: {  	[spmem:s2] =	stream.indirect.scatter.add.f32 [tilespmem:s14], [sflag:$0x3], $0x80, s22, s12, $0xb8;
	[tilespmem:$0x1D100] =	vst v63  }
0xa5: {  	_ =	swait.ge [sflag:s10], $0x3E80  }
0xa6: {  	[sflag:s10] =	ssyncset.done $0x0  }
0xa7: {  	[sflag:s10] =	ssyncadd.s32 $0xFFFFC180  }
0xa8: {  	[tilespmem:s14], [sflag:$0x2] =	stream.indirect.gather [hbm4b:s4+s12], $0x80, s23, s12, $0xb8;
	[tilespmem:$0x1D100] =	vst v63  }
0xa9: {  	_ =	swait.ge [sflag:s15], $0x3E80  }
0xaa: {  	[sflag:s15] =	ssyncset.done $0x0  }
0xab: {  	[sflag:s15] =	ssyncadd.s32 $0xFFFFC180  }
0xac: {  	[spmem:s2] =	stream.indirect.scatter.add.f32 [tilespmem:s13], [sflag:$0x3], $0x80, s24, s12, $0xb8;
	[tilespmem:$0x1D100] =	vst v63  }
0xad: {  	_ =	swait.ge [sflag:s10], $0x3E80  }
0xae: {  	[sflag:s10] =	ssyncset.done $0x0  }
0xaf: {  	[sflag:s10] =	ssyncadd.s32 $0xFFFFC180  }
0xb0: {  	[tilespmem:s13], [sflag:$0x1] =	stream.indirect.gather [hbm4b:s4+s12], $0x80, s25, s12, $0xb8;
	[tilespmem:$0x1D100] =	vst v63  }
0xb1: {  	_ =	swait.ge [sflag:s16], $0x3E80  }
0xb2: {  	[sflag:s16] =	ssyncset.done $0x0  }
0xb3: {  	[sflag:s16] =	ssyncadd.s32 $0xFFFFC180  }
0xb4: {  	[spmem:s2] =	stream.indirect.scatter.add.f32 [tilespmem:s14], [sflag:$0x3], $0x80, s26, s12, $0xb8;
	[tilespmem:$0x1D100] =	vst v63  }
0xb5: {  	_ =	swait.ge [sflag:s10], $0x3E80  }
0xb6: {  	[sflag:s10] =	ssyncset.done $0x0  }
0xb7: {  	[sflag:s10] =	ssyncadd.s32 $0xFFFFC180  }
0xb8: {  	[tilespmem:s14], [sflag:$0x2] =	stream.indirect.gather [hbm4b:s4+s12], $0x80, s28, s12, $0xb8;
	[tilespmem:$0x1D100] =	vst v63  }
0xb9: {  	_ =	swait.ge [sflag:s15], $0x3E80  }
0xba: {  	[sflag:s15] =	ssyncset.done $0x0  }
0xbb: {  	[sflag:s15] =	ssyncadd.s32 $0xFFFFC180  }
0xbc: {  	[spmem:s2] =	stream.indirect.scatter.add.f32 [tilespmem:s13], [sflag:$0x3], $0x80, s29, s12, $0xb8;
	[tilespmem:$0x1D100] =	vst v63  }
0xbd: {  	_ =	swait.ge [sflag:s10], $0x3E80  }
0xbe: {  	[sflag:s10] =	ssyncset.done $0x0  }
0xbf: {  	[sflag:s10] =	ssyncadd.s32 $0xFFFFC180  }
0xc0: {  	[tilespmem:s13], [sflag:$0x1] =	stream.indirect.gather [hbm4b:s4+s12], $0x80, s30, s12, $0xb8;
	[tilespmem:$0x1D100] =	vst v63  }
0xc1: {  	_ =	swait.ge [sflag:s16], $0x3E80  }
0xc2: {  	[sflag:s16] =	ssyncset.done $0x0  }
0xc3: {  	[sflag:s16] =	ssyncadd.s32 $0xFFFFC180  }
0xc4: {  	[spmem:s2] =	stream.indirect.scatter.add.f32 [tilespmem:s14], [sflag:$0x3], $0x80, s31, s12, $0xb8;
	[tilespmem:$0x1D100] =	vst v63  }
0xc5: {  	_ =	swait.ge [sflag:s10], $0x3E80  }
0xc6: {  	[sflag:s10] =	ssyncset.done $0x0  }
0xc7: {  	[sflag:s10] =	ssyncadd.s32 $0xFFFFC180  }
0xc8: {  	[tilespmem:s14], [sflag:$0x2] =	stream.indirect.gather [hbm4b:s4+s12], $0x80, s1, s12, $0xb8;
	[tilespmem:$0x1D100] =	vst v63  }
0xc9: {  	_ =	swait.ge [sflag:s15], $0x3E80  }
0xca: {  	[sflag:s15] =	ssyncset.done $0x0  }
0xcb: {  	[sflag:s15] =	ssyncadd.s32 $0xFFFFC180  }
0xcc: {  	[spmem:s2] =	stream.indirect.scatter.add.f32 [tilespmem:s13], [sflag:$0x3], $0x80, s0, s12, $0xb8;
	[tilespmem:$0x1D100] =	vst v63  }
0xcd: {  	_ =	swait.ge [sflag:s10], $0x3E80  }
0xce: {  	[sflag:s10] =	ssyncset.done $0x0  }
0xcf: {  	[sflag:s10] =	ssyncadd.s32 $0xFFFFC180  }
0xd0: {  	_ =	swait.ge [sflag:s16], $0x3E80  }
0xd1: {  	[sflag:s16] =	ssyncset.done $0x0  }
0xd2: {  	[sflag:s16] =	ssyncadd.s32 $0xFFFFC180  }
0xd3: {  	[spmem:s2] =	stream.indirect.scatter.add.f32 [tilespmem:s14], [sflag:$0x3], $0x80, s5, s12, $0xb8;
	[tilespmem:$0x1D100] =	vst v63  }
0xd4: {  	s6 =	simm.s32 $0x280;
	_ =	swait.ge [sflag:s10], $0x3E80  }
0xd5: {  	s8 =	simm.s32 $0x140;
	s9 =	rddreg [dreg:$0x4];
	[sflag:s10] =	ssyncset.done $0x0  }
.LBB2_2:
0xd6: {  	[sflag:s10] =	ssyncadd.s32 $0xFFFFC180;
	s9 =	sadd.s32 s8, s9  }
0xd7: {  	[tilespmem:s3], [sflag:$0x3] =	stream.linear.gather [hbm4b:s9+s3], $0xA00, $0x38;
	[tilespmem:$0x1D100] =	vst v63  }
0xd8: {  	_ =	swait.ge [sflag:s10], $0xA00  }
0xd9: {  	s9 =	rddreg [dreg:$0x3];
	[sflag:s10] =	ssyncset.done $0x0  }
0xda: {  	[sflag:s10] =	ssyncadd.s32 $0xFFFFF600;
	s9 =	sadd.s32 s8, s9  }
0xdb: {  	[tilespmem:s11], [sflag:$0x3] =	stream.linear.gather [hbm4b:s9+s3], $0xA00, $0x38;
	[tilespmem:$0x1D100] =	vst v63  }
0xdc: {  	_ =	swait.ge [sflag:s10], $0xA00  }
0xdd: {  	[sflag:s10] =	ssyncset.done $0x0  }
0xde: {  	[sflag:s10] =	ssyncadd.s32 $0xFFFFF600  }
0xdf: {  	[tilespmem:s13], [sflag:$0x1] =	stream.indirect.gather [hbm4b:s4+s12], $0x80, s3, s12, $0xb8;
	[tilespmem:$0x1D100] =	vst v63  }
0xe0: {  	s9 =	rddreg [dreg:$0x5]  }
0xe1: {  	[tilespmem:s14], [sflag:$0x2] =	stream.indirect.gather [hbm4b:s4+s12], $0x80, s9, s12, $0xb8;
	[tilespmem:$0x1D100] =	vst v63  }
0xe2: {  	_ =	swait.ge [sflag:s15], $0x3E80  }
0xe3: {  	[sflag:s15] =	ssyncset.done $0x0  }
0xe4: {  	[sflag:s15] =	ssyncadd.s32 $0xFFFFC180  }
0xe5: {  	[spmem:s2] =	stream.indirect.scatter.add.f32 [tilespmem:s13], [sflag:$0x3], $0x80, s11, s12, $0xb8;
	[tilespmem:$0x1D100] =	vst v63  }
0xe6: {  	_ =	swait.ge [sflag:s10], $0x3E80  }
0xe7: {  	[sflag:s10] =	ssyncset.done $0x0  }
0xe8: {  	s9 =	rddreg [dreg:$0x6];
	[sflag:s10] =	ssyncadd.s32 $0xFFFFC180  }
0xe9: {  	[tilespmem:s13], [sflag:$0x1] =	stream.indirect.gather [hbm4b:s4+s12], $0x80, s9, s12, $0xb8;
	[tilespmem:$0x1D100] =	vst v63  }
0xea: {  	_ =	swait.ge [sflag:s16], $0x3E80  }
0xeb: {  	[sflag:s16] =	ssyncset.done $0x0  }
0xec: {  	s9 =	rddreg [dreg:$0x7];
	[sflag:s16] =	ssyncadd.s32 $0xFFFFC180  }
0xed: {  	[spmem:s2] =	stream.indirect.scatter.add.f32 [tilespmem:s14], [sflag:$0x3], $0x80, s9, s12, $0xb8;
	[tilespmem:$0x1D100] =	vst v63  }
0xee: {  	_ =	swait.ge [sflag:s10], $0x3E80  }
0xef: {  	[sflag:s10] =	ssyncset.done $0x0  }
0xf0: {  	s9 =	rddreg [dreg:$0x8];
	[sflag:s10] =	ssyncadd.s32 $0xFFFFC180  }
0xf1: {  	[tilespmem:s14], [sflag:$0x2] =	stream.indirect.gather [hbm4b:s4+s12], $0x80, s9, s12, $0xb8;
	[tilespmem:$0x1D100] =	vst v63  }
0xf2: {  	_ =	swait.ge [sflag:s15], $0x3E80  }
0xf3: {  	[sflag:s15] =	ssyncset.done $0x0  }
0xf4: {  	s9 =	rddreg [dreg:$0x9];
	[sflag:s15] =	ssyncadd.s32 $0xFFFFC180  }
0xf5: {  	[spmem:s2] =	stream.indirect.scatter.add.f32 [tilespmem:s13], [sflag:$0x3], $0x80, s9, s12, $0xb8;
	[tilespmem:$0x1D100] =	vst v63  }
0xf6: {  	_ =	swait.ge [sflag:s10], $0x3E80  }
0xf7: {  	[sflag:s10] =	ssyncset.done $0x0  }
0xf8: {  	s9 =	rddreg [dreg:$0xa];
	[sflag:s10] =	ssyncadd.s32 $0xFFFFC180  }
0xf9: {  	[tilespmem:s13], [sflag:$0x1] =	stream.indirect.gather [hbm4b:s4+s12], $0x80, s9, s12, $0xb8;
	[tilespmem:$0x1D100] =	vst v63  }
0xfa: {  	_ =	swait.ge [sflag:s16], $0x3E80  }
0xfb: {  	[sflag:s16] =	ssyncset.done $0x0  }
0xfc: {  	s9 =	rddreg [dreg:$0xb];
	[sflag:s16] =	ssyncadd.s32 $0xFFFFC180  }
0xfd: {  	[spmem:s2] =	stream.indirect.scatter.add.f32 [tilespmem:s14], [sflag:$0x3], $0x80, s9, s12, $0xb8;
	[tilespmem:$0x1D100] =	vst v63  }
0xfe: {  	_ =	swait.ge [sflag:s10], $0x3E80  }
0xff: {  	[sflag:s10] =	ssyncset.done $0x0  }
0x100: {  	s9 =	rddreg [dreg:$0xc];
	[sflag:s10] =	ssyncadd.s32 $0xFFFFC180  }
0x101: {  	[tilespmem:s14], [sflag:$0x2] =	stream.indirect.gather [hbm4b:s4+s12], $0x80, s9, s12, $0xb8;
	[tilespmem:$0x1D100] =	vst v63  }
0x102: {  	_ =	swait.ge [sflag:s15], $0x3E80  }
0x103: {  	[sflag:s15] =	ssyncset.done $0x0  }
0x104: {  	s9 =	rddreg [dreg:$0xd];
	[sflag:s15] =	ssyncadd.s32 $0xFFFFC180  }
0x105: {  	[spmem:s2] =	stream.indirect.scatter.add.f32 [tilespmem:s13], [sflag:$0x3], $0x80, s9, s12, $0xb8;
	[tilespmem:$0x1D100] =	vst v63  }
0x106: {  	_ =	swait.ge [sflag:s10], $0x3E80  }
0x107: {  	[sflag:s10] =	ssyncset.done $0x0  }
0x108: {  	s9 =	rddreg [dreg:$0xe];
	[sflag:s10] =	ssyncadd.s32 $0xFFFFC180  }
0x109: {  	[tilespmem:s13], [sflag:$0x1] =	stream.indirect.gather [hbm4b:s4+s12], $0x80, s9, s12, $0xb8;
	[tilespmem:$0x1D100] =	vst v63  }
0x10a: {  	_ =	swait.ge [sflag:s16], $0x3E80  }
0x10b: {  	[sflag:s16] =	ssyncset.done $0x0  }
0x10c: {  	s9 =	rddreg [dreg:$0xf];
	[sflag:s16] =	ssyncadd.s32 $0xFFFFC180  }
0x10d: {  	[spmem:s2] =	stream.indirect.scatter.add.f32 [tilespmem:s14], [sflag:$0x3], $0x80, s9, s12, $0xb8;
	[tilespmem:$0x1D100] =	vst v63  }
0x10e: {  	_ =	swait.ge [sflag:s10], $0x3E80  }
0x10f: {  	[sflag:s10] =	ssyncset.done $0x0  }
0x110: {  	s9 =	rddreg [dreg:$0x10];
	[sflag:s10] =	ssyncadd.s32 $0xFFFFC180  }
0x111: {  	[tilespmem:s14], [sflag:$0x2] =	stream.indirect.gather [hbm4b:s4+s12], $0x80, s9, s12, $0xb8;
	[tilespmem:$0x1D100] =	vst v63  }
0x112: {  	_ =	swait.ge [sflag:s15], $0x3E80  }
0x113: {  	[sflag:s15] =	ssyncset.done $0x0  }
0x114: {  	s9 =	rddreg [dreg:$0x11];
	[sflag:s15] =	ssyncadd.s32 $0xFFFFC180  }
0x115: {  	[spmem:s2] =	stream.indirect.scatter.add.f32 [tilespmem:s13], [sflag:$0x3], $0x80, s9, s12, $0xb8;
	[tilespmem:$0x1D100] =	vst v63  }
0x116: {  	_ =	swait.ge [sflag:s10], $0x3E80  }
0x117: {  	[sflag:s10] =	ssyncset.done $0x0  }
0x118: {  	s9 =	rddreg [dreg:$0x12];
	[sflag:s10] =	ssyncadd.s32 $0xFFFFC180  }
0x119: {  	[tilespmem:s13], [sflag:$0x1] =	stream.indirect.gather [hbm4b:s4+s12], $0x80, s9, s12, $0xb8;
	[tilespmem:$0x1D100] =	vst v63  }
0x11a: {  	_ =	swait.ge [sflag:s16], $0x3E80  }
0x11b: {  	[sflag:s16] =	ssyncset.done $0x0  }
0x11c: {  	s9 =	rddreg [dreg:$0x13];
	[sflag:s16] =	ssyncadd.s32 $0xFFFFC180  }
0x11d: {  	[spmem:s2] =	stream.indirect.scatter.add.f32 [tilespmem:s14], [sflag:$0x3], $0x80, s9, s12, $0xb8;
	[tilespmem:$0x1D100] =	vst v63  }
0x11e: {  	_ =	swait.ge [sflag:s10], $0x3E80  }
0x11f: {  	[sflag:s10] =	ssyncset.done $0x0  }
0x120: {  	s9 =	rddreg [dreg:$0x14];
	[sflag:s10] =	ssyncadd.s32 $0xFFFFC180  }
0x121: {  	[tilespmem:s14], [sflag:$0x2] =	stream.indirect.gather [hbm4b:s4+s12], $0x80, s9, s12, $0xb8;
	[tilespmem:$0x1D100] =	vst v63  }
0x122: {  	_ =	swait.ge [sflag:s15], $0x3E80  }
0x123: {  	[sflag:s15] =	ssyncset.done $0x0  }
0x124: {  	s9 =	rddreg [dreg:$0x15];
	[sflag:s15] =	ssyncadd.s32 $0xFFFFC180  }
0x125: {  	[spmem:s2] =	stream.indirect.scatter.add.f32 [tilespmem:s13], [sflag:$0x3], $0x80, s9, s12, $0xb8;
	[tilespmem:$0x1D100] =	vst v63  }
0x126: {  	_ =	swait.ge [sflag:s10], $0x3E80  }
0x127: {  	[sflag:s10] =	ssyncset.done $0x0  }
0x128: {  	s9 =	rddreg [dreg:$0x16];
	[sflag:s10] =	ssyncadd.s32 $0xFFFFC180  }
0x129: {  	[tilespmem:s13], [sflag:$0x1] =	stream.indirect.gather [hbm4b:s4+s12], $0x80, s9, s12, $0xb8;
	[tilespmem:$0x1D100] =	vst v63  }
0x12a: {  	_ =	swait.ge [sflag:s16], $0x3E80  }
0x12b: {  	[sflag:s16] =	ssyncset.done $0x0  }
0x12c: {  	s9 =	rddreg [dreg:$0x17];
	[sflag:s16] =	ssyncadd.s32 $0xFFFFC180  }
0x12d: {  	[spmem:s2] =	stream.indirect.scatter.add.f32 [tilespmem:s14], [sflag:$0x3], $0x80, s9, s12, $0xb8;
	[tilespmem:$0x1D100] =	vst v63  }
0x12e: {  	_ =	swait.ge [sflag:s10], $0x3E80  }
0x12f: {  	[sflag:s10] =	ssyncset.done $0x0  }
0x130: {  	s9 =	rddreg [dreg:$0x18];
	[sflag:s10] =	ssyncadd.s32 $0xFFFFC180  }
0x131: {  	[tilespmem:s14], [sflag:$0x2] =	stream.indirect.gather [hbm4b:s4+s12], $0x80, s9, s12, $0xb8;
	[tilespmem:$0x1D100] =	vst v63  }
0x132: {  	_ =	swait.ge [sflag:s15], $0x3E80  }
0x133: {  	[sflag:s15] =	ssyncset.done $0x0  }
0x134: {  	s9 =	rddreg [dreg:$0x19];
	[sflag:s15] =	ssyncadd.s32 $0xFFFFC180  }
0x135: {  	[spmem:s2] =	stream.indirect.scatter.add.f32 [tilespmem:s13], [sflag:$0x3], $0x80, s9, s12, $0xb8;
	[tilespmem:$0x1D100] =	vst v63  }
0x136: {  	_ =	swait.ge [sflag:s10], $0x3E80  }
0x137: {  	[sflag:s10] =	ssyncset.done $0x0  }
0x138: {  	[sflag:s10] =	ssyncadd.s32 $0xFFFFC180  }
0x139: {  	[tilespmem:s13], [sflag:$0x1] =	stream.indirect.gather [hbm4b:s4+s12], $0x80, s17, s12, $0xb8;
	[tilespmem:$0x1D100] =	vst v63  }
0x13a: {  	_ =	swait.ge [sflag:s16], $0x3E80  }
0x13b: {  	[sflag:s16] =	ssyncset.done $0x0  }
0x13c: {  	[sflag:s16] =	ssyncadd.s32 $0xFFFFC180  }
0x13d: {  	[spmem:s2] =	stream.indirect.scatter.add.f32 [tilespmem:s14], [sflag:$0x3], $0x80, s18, s12, $0xb8;
	[tilespmem:$0x1D100] =	vst v63  }
0x13e: {  	_ =	swait.ge [sflag:s10], $0x3E80  }
0x13f: {  	[sflag:s10] =	ssyncset.done $0x0  }
0x140: {  	[sflag:s10] =	ssyncadd.s32 $0xFFFFC180  }
0x141: {  	[tilespmem:s14], [sflag:$0x2] =	stream.indirect.gather [hbm4b:s4+s12], $0x80, s19, s12, $0xb8;
	[tilespmem:$0x1D100] =	vst v63  }
0x142: {  	_ =	swait.ge [sflag:s15], $0x3E80  }
0x143: {  	[sflag:s15] =	ssyncset.done $0x0  }
0x144: {  	[sflag:s15] =	ssyncadd.s32 $0xFFFFC180  }
0x145: {  	[spmem:s2] =	stream.indirect.scatter.add.f32 [tilespmem:s13], [sflag:$0x3], $0x80, s20, s12, $0xb8;
	[tilespmem:$0x1D100] =	vst v63  }
0x146: {  	_ =	swait.ge [sflag:s10], $0x3E80  }
0x147: {  	[sflag:s10] =	ssyncset.done $0x0  }
0x148: {  	[sflag:s10] =	ssyncadd.s32 $0xFFFFC180  }
0x149: {  	[tilespmem:s13], [sflag:$0x1] =	stream.indirect.gather [hbm4b:s4+s12], $0x80, s21, s12, $0xb8;
	[tilespmem:$0x1D100] =	vst v63  }
0x14a: {  	_ =	swait.ge [sflag:s16], $0x3E80  }
0x14b: {  	[sflag:s16] =	ssyncset.done $0x0  }
0x14c: {  	[sflag:s16] =	ssyncadd.s32 $0xFFFFC180  }
0x14d: {  	[spmem:s2] =	stream.indirect.scatter.add.f32 [tilespmem:s14], [sflag:$0x3], $0x80, s22, s12, $0xb8;
	[tilespmem:$0x1D100] =	vst v63  }
0x14e: {  	_ =	swait.ge [sflag:s10], $0x3E80  }
0x14f: {  	[sflag:s10] =	ssyncset.done $0x0  }
0x150: {  	[sflag:s10] =	ssyncadd.s32 $0xFFFFC180  }
0x151: {  	[tilespmem:s14], [sflag:$0x2] =	stream.indirect.gather [hbm4b:s4+s12], $0x80, s23, s12, $0xb8;
	[tilespmem:$0x1D100] =	vst v63  }
0x152: {  	_ =	swait.ge [sflag:s15], $0x3E80  }
0x153: {  	[sflag:s15] =	ssyncset.done $0x0  }
0x154: {  	[sflag:s15] =	ssyncadd.s32 $0xFFFFC180  }
0x155: {  	[spmem:s2] =	stream.indirect.scatter.add.f32 [tilespmem:s13], [sflag:$0x3], $0x80, s24, s12, $0xb8;
	[tilespmem:$0x1D100] =	vst v63  }
0x156: {  	_ =	swait.ge [sflag:s10], $0x3E80  }
0x157: {  	[sflag:s10] =	ssyncset.done $0x0  }
0x158: {  	[sflag:s10] =	ssyncadd.s32 $0xFFFFC180  }
0x159: {  	[tilespmem:s13], [sflag:$0x1] =	stream.indirect.gather [hbm4b:s4+s12], $0x80, s25, s12, $0xb8;
	[tilespmem:$0x1D100] =	vst v63  }
0x15a: {  	_ =	swait.ge [sflag:s16], $0x3E80  }
0x15b: {  	[sflag:s16] =	ssyncset.done $0x0  }
0x15c: {  	[sflag:s16] =	ssyncadd.s32 $0xFFFFC180  }
0x15d: {  	[spmem:s2] =	stream.indirect.scatter.add.f32 [tilespmem:s14], [sflag:$0x3], $0x80, s26, s12, $0xb8;
	[tilespmem:$0x1D100] =	vst v63  }
0x15e: {  	_ =	swait.ge [sflag:s10], $0x3E80  }
0x15f: {  	[sflag:s10] =	ssyncset.done $0x0  }
0x160: {  	[sflag:s10] =	ssyncadd.s32 $0xFFFFC180  }
0x161: {  	[tilespmem:s14], [sflag:$0x2] =	stream.indirect.gather [hbm4b:s4+s12], $0x80, s28, s12, $0xb8;
	[tilespmem:$0x1D100] =	vst v63  }
0x162: {  	_ =	swait.ge [sflag:s15], $0x3E80  }
0x163: {  	[sflag:s15] =	ssyncset.done $0x0  }
0x164: {  	[sflag:s15] =	ssyncadd.s32 $0xFFFFC180  }
0x165: {  	[spmem:s2] =	stream.indirect.scatter.add.f32 [tilespmem:s13], [sflag:$0x3], $0x80, s29, s12, $0xb8;
	[tilespmem:$0x1D100] =	vst v63  }
0x166: {  	_ =	swait.ge [sflag:s10], $0x3E80  }
0x167: {  	[sflag:s10] =	ssyncset.done $0x0  }
0x168: {  	[sflag:s10] =	ssyncadd.s32 $0xFFFFC180  }
0x169: {  	[tilespmem:s13], [sflag:$0x1] =	stream.indirect.gather [hbm4b:s4+s12], $0x80, s30, s12, $0xb8;
	[tilespmem:$0x1D100] =	vst v63  }
0x16a: {  	_ =	swait.ge [sflag:s16], $0x3E80  }
0x16b: {  	[sflag:s16] =	ssyncset.done $0x0  }
0x16c: {  	[sflag:s16] =	ssyncadd.s32 $0xFFFFC180  }
0x16d: {  	[spmem:s2] =	stream.indirect.scatter.add.f32 [tilespmem:s14], [sflag:$0x3], $0x80, s31, s12, $0xb8;
	[tilespmem:$0x1D100] =	vst v63  }
0x16e: {  	_ =	swait.ge [sflag:s10], $0x3E80  }
0x16f: {  	[sflag:s10] =	ssyncset.done $0x0  }
0x170: {  	[sflag:s10] =	ssyncadd.s32 $0xFFFFC180  }
0x171: {  	[tilespmem:s14], [sflag:$0x2] =	stream.indirect.gather [hbm4b:s4+s12], $0x80, s1, s12, $0xb8;
	[tilespmem:$0x1D100] =	vst v63  }
0x172: {  	_ =	swait.ge [sflag:s15], $0x3E80  }
0x173: {  	[sflag:s15] =	ssyncset.done $0x0  }
0x174: {  	[sflag:s15] =	ssyncadd.s32 $0xFFFFC180  }
0x175: {  	[spmem:s2] =	stream.indirect.scatter.add.f32 [tilespmem:s13], [sflag:$0x3], $0x80, s0, s12, $0xb8;
	[tilespmem:$0x1D100] =	vst v63  }
0x176: {  	_ =	swait.ge [sflag:s10], $0x3E80  }
0x177: {  	[sflag:s10] =	ssyncset.done $0x0  }
0x178: {  	[sflag:s10] =	ssyncadd.s32 $0xFFFFC180  }
0x179: {  	p0 =	sne.s32 s6, $0x3C0;
	_ =	swait.ge [sflag:s16], $0x3E80  }
.Ltmp0:
0x17a: {  	[sflag:s16] =	ssyncset.done $0x0;
	(pc) =	sbr.rel @p0 .LBB2_2-.Ltmp0, $4  }
0x17b: {  	[sflag:s16] =	ssyncadd.s32 $0xFFFFC180  }
0x17c: {  	[spmem:s2] =	stream.indirect.scatter.add.f32 [tilespmem:s14], [sflag:$0x3], $0x80, s5, s12, $0xb8;
	[tilespmem:$0x1D100] =	vst v63  }
0x17d: {  	s7 =	smov.u32 s6;
	s6 =	sadd.s32 $0x140, s6;
	_ =	swait.ge [sflag:s10], $0x3E80  }
0x17e: {  	s8 =	smov.u32 s7;
	s9 =	rddreg [dreg:$0x4];
	[sflag:s10] =	ssyncset.done $0x0  }
0x17f: {  	[sflag:s10] =	ssyncadd.s32 $0xFFFFC180;
	s6 =	sadd.s32 s8, s9  }
0x180: {  	[tilespmem:s3], [sflag:$0x3] =	stream.linear.gather [hbm4b:s6+s3], $0xA00, $0x38;
	[tilespmem:$0x1D100] =	vst v63  }
0x181: {  	_ =	swait.ge [sflag:s10], $0xA00  }
0x182: {  	s7 =	rddreg [dreg:$0x3];
	[sflag:s10] =	ssyncset.done $0x0  }
0x183: {  	s6 =	sadd.s32 s8, s7;
	[sflag:s10] =	ssyncadd.s32 $0xFFFFF600  }
0x184: {  	[tilespmem:s11], [sflag:$0x3] =	stream.linear.gather [hbm4b:s6+s3], $0xA00, $0x38;
	[tilespmem:$0x1D100] =	vst v63  }
0x185: {  	_ =	swait.ge [sflag:s10], $0xA00  }
0x186: {  	[sflag:s10] =	ssyncset.done $0x0  }
0x187: {  	[sflag:s10] =	ssyncadd.s32 $0xFFFFF600  }
0x188: {  	[tilespmem:s13], [sflag:$0x1] =	stream.indirect.gather [hbm4b:s4+s12], $0x80, s3, s12, $0xb8;
	[tilespmem:$0x1D100] =	vst v63  }
0x189: {  	s9 =	rddreg [dreg:$0x5]  }
0x18a: {  	[tilespmem:s14], [sflag:$0x2] =	stream.indirect.gather [hbm4b:s4+s12], $0x80, s9, s12, $0xb8;
	[tilespmem:$0x1D100] =	vst v63  }
0x18b: {  	_ =	swait.ge [sflag:s15], $0x3E80  }
0x18c: {  	[sflag:s15] =	ssyncset.done $0x0  }
0x18d: {  	[sflag:s15] =	ssyncadd.s32 $0xFFFFC180  }
0x18e: {  	[spmem:s2] =	stream.indirect.scatter.add.f32 [tilespmem:s13], [sflag:$0x3], $0x80, s11, s12, $0xb8;
	[tilespmem:$0x1D100] =	vst v63  }
0x18f: {  	_ =	swait.ge [sflag:s10], $0x3E80  }
0x190: {  	[sflag:s10] =	ssyncset.done $0x0  }
0x191: {  	s7 =	rddreg [dreg:$0x6];
	[sflag:s10] =	ssyncadd.s32 $0xFFFFC180  }
0x192: {  	[tilespmem:s13], [sflag:$0x1] =	stream.indirect.gather [hbm4b:s4+s12], $0x80, s7, s12, $0xb8;
	[tilespmem:$0x1D100] =	vst v63  }
0x193: {  	_ =	swait.ge [sflag:s16], $0x3E80  }
0x194: {  	[sflag:s16] =	ssyncset.done $0x0  }
0x195: {  	s8 =	rddreg [dreg:$0x7];
	[sflag:s16] =	ssyncadd.s32 $0xFFFFC180  }
0x196: {  	[spmem:s2] =	stream.indirect.scatter.add.f32 [tilespmem:s14], [sflag:$0x3], $0x80, s8, s12, $0xb8;
	[tilespmem:$0x1D100] =	vst v63  }
0x197: {  	_ =	swait.ge [sflag:s10], $0x3E80  }
0x198: {  	[sflag:s10] =	ssyncset.done $0x0  }
0x199: {  	s9 =	rddreg [dreg:$0x8];
	[sflag:s10] =	ssyncadd.s32 $0xFFFFC180  }
0x19a: {  	[tilespmem:s14], [sflag:$0x2] =	stream.indirect.gather [hbm4b:s4+s12], $0x80, s9, s12, $0xb8;
	[tilespmem:$0x1D100] =	vst v63  }
0x19b: {  	_ =	swait.ge [sflag:s15], $0x3E80  }
0x19c: {  	[sflag:s15] =	ssyncset.done $0x0  }
0x19d: {  	s7 =	rddreg [dreg:$0x9];
	[sflag:s15] =	ssyncadd.s32 $0xFFFFC180  }
0x19e: {  	[spmem:s2] =	stream.indirect.scatter.add.f32 [tilespmem:s13], [sflag:$0x3], $0x80, s7, s12, $0xb8;
	[tilespmem:$0x1D100] =	vst v63  }
0x19f: {  	_ =	swait.ge [sflag:s10], $0x3E80  }
0x1a0: {  	[sflag:s10] =	ssyncset.done $0x0  }
0x1a1: {  	s8 =	rddreg [dreg:$0xa];
	[sflag:s10] =	ssyncadd.s32 $0xFFFFC180  }
0x1a2: {  	[tilespmem:s13], [sflag:$0x1] =	stream.indirect.gather [hbm4b:s4+s12], $0x80, s8, s12, $0xb8;
	[tilespmem:$0x1D100] =	vst v63  }
0x1a3: {  	_ =	swait.ge [sflag:s16], $0x3E80  }
0x1a4: {  	[sflag:s16] =	ssyncset.done $0x0  }
0x1a5: {  	s9 =	rddreg [dreg:$0xb];
	[sflag:s16] =	ssyncadd.s32 $0xFFFFC180  }
0x1a6: {  	[spmem:s2] =	stream.indirect.scatter.add.f32 [tilespmem:s14], [sflag:$0x3], $0x80, s9, s12, $0xb8;
	[tilespmem:$0x1D100] =	vst v63  }
0x1a7: {  	_ =	swait.ge [sflag:s10], $0x3E80  }
0x1a8: {  	[sflag:s10] =	ssyncset.done $0x0  }
0x1a9: {  	s7 =	rddreg [dreg:$0xc];
	[sflag:s10] =	ssyncadd.s32 $0xFFFFC180  }
0x1aa: {  	[tilespmem:s14], [sflag:$0x2] =	stream.indirect.gather [hbm4b:s4+s12], $0x80, s7, s12, $0xb8;
	[tilespmem:$0x1D100] =	vst v63  }
0x1ab: {  	_ =	swait.ge [sflag:s15], $0x3E80  }
0x1ac: {  	[sflag:s15] =	ssyncset.done $0x0  }
0x1ad: {  	s8 =	rddreg [dreg:$0xd];
	[sflag:s15] =	ssyncadd.s32 $0xFFFFC180  }
0x1ae: {  	[spmem:s2] =	stream.indirect.scatter.add.f32 [tilespmem:s13], [sflag:$0x3], $0x80, s8, s12, $0xb8;
	[tilespmem:$0x1D100] =	vst v63  }
0x1af: {  	_ =	swait.ge [sflag:s10], $0x3E80  }
0x1b0: {  	[sflag:s10] =	ssyncset.done $0x0  }
0x1b1: {  	s9 =	rddreg [dreg:$0xe];
	[sflag:s10] =	ssyncadd.s32 $0xFFFFC180  }
0x1b2: {  	[tilespmem:s13], [sflag:$0x1] =	stream.indirect.gather [hbm4b:s4+s12], $0x80, s9, s12, $0xb8;
	[tilespmem:$0x1D100] =	vst v63  }
0x1b3: {  	_ =	swait.ge [sflag:s16], $0x3E80  }
0x1b4: {  	[sflag:s16] =	ssyncset.done $0x0  }
0x1b5: {  	s7 =	rddreg [dreg:$0xf];
	[sflag:s16] =	ssyncadd.s32 $0xFFFFC180  }
0x1b6: {  	[spmem:s2] =	stream.indirect.scatter.add.f32 [tilespmem:s14], [sflag:$0x3], $0x80, s7, s12, $0xb8;
	[tilespmem:$0x1D100] =	vst v63  }
0x1b7: {  	_ =	swait.ge [sflag:s10], $0x3E80  }
0x1b8: {  	[sflag:s10] =	ssyncset.done $0x0  }
0x1b9: {  	s8 =	rddreg [dreg:$0x10];
	[sflag:s10] =	ssyncadd.s32 $0xFFFFC180  }
0x1ba: {  	[tilespmem:s14], [sflag:$0x2] =	stream.indirect.gather [hbm4b:s4+s12], $0x80, s8, s12, $0xb8;
	[tilespmem:$0x1D100] =	vst v63  }
0x1bb: {  	_ =	swait.ge [sflag:s15], $0x3E80  }
0x1bc: {  	[sflag:s15] =	ssyncset.done $0x0  }
0x1bd: {  	s9 =	rddreg [dreg:$0x11];
	[sflag:s15] =	ssyncadd.s32 $0xFFFFC180  }
0x1be: {  	[spmem:s2] =	stream.indirect.scatter.add.f32 [tilespmem:s13], [sflag:$0x3], $0x80, s9, s12, $0xb8;
	[tilespmem:$0x1D100] =	vst v63  }
0x1bf: {  	_ =	swait.ge [sflag:s10], $0x3E80  }
0x1c0: {  	[sflag:s10] =	ssyncset.done $0x0  }
0x1c1: {  	s7 =	rddreg [dreg:$0x12];
	[sflag:s10] =	ssyncadd.s32 $0xFFFFC180  }
0x1c2: {  	[tilespmem:s13], [sflag:$0x1] =	stream.indirect.gather [hbm4b:s4+s12], $0x80, s7, s12, $0xb8;
	[tilespmem:$0x1D100] =	vst v63  }
0x1c3: {  	_ =	swait.ge [sflag:s16], $0x3E80  }
0x1c4: {  	[sflag:s16] =	ssyncset.done $0x0  }
0x1c5: {  	s8 =	rddreg [dreg:$0x13];
	[sflag:s16] =	ssyncadd.s32 $0xFFFFC180  }
0x1c6: {  	[spmem:s2] =	stream.indirect.scatter.add.f32 [tilespmem:s14], [sflag:$0x3], $0x80, s8, s12, $0xb8;
	[tilespmem:$0x1D100] =	vst v63  }
0x1c7: {  	_ =	swait.ge [sflag:s10], $0x3E80  }
0x1c8: {  	[sflag:s10] =	ssyncset.done $0x0  }
0x1c9: {  	s9 =	rddreg [dreg:$0x14];
	[sflag:s10] =	ssyncadd.s32 $0xFFFFC180  }
0x1ca: {  	[tilespmem:s14], [sflag:$0x2] =	stream.indirect.gather [hbm4b:s4+s12], $0x80, s9, s12, $0xb8;
	[tilespmem:$0x1D100] =	vst v63  }
0x1cb: {  	_ =	swait.ge [sflag:s15], $0x3E80  }
0x1cc: {  	[sflag:s15] =	ssyncset.done $0x0  }
0x1cd: {  	s7 =	rddreg [dreg:$0x15];
	[sflag:s15] =	ssyncadd.s32 $0xFFFFC180  }
0x1ce: {  	[spmem:s2] =	stream.indirect.scatter.add.f32 [tilespmem:s13], [sflag:$0x3], $0x80, s7, s12, $0xb8;
	[tilespmem:$0x1D100] =	vst v63  }
0x1cf: {  	_ =	swait.ge [sflag:s10], $0x3E80  }
0x1d0: {  	[sflag:s10] =	ssyncset.done $0x0  }
0x1d1: {  	s8 =	rddreg [dreg:$0x16];
	[sflag:s10] =	ssyncadd.s32 $0xFFFFC180  }
0x1d2: {  	[tilespmem:s13], [sflag:$0x1] =	stream.indirect.gather [hbm4b:s4+s12], $0x80, s8, s12, $0xb8;
	[tilespmem:$0x1D100] =	vst v63  }
0x1d3: {  	_ =	swait.ge [sflag:s16], $0x3E80  }
0x1d4: {  	[sflag:s16] =	ssyncset.done $0x0  }
0x1d5: {  	s9 =	rddreg [dreg:$0x17];
	[sflag:s16] =	ssyncadd.s32 $0xFFFFC180  }
0x1d6: {  	[spmem:s2] =	stream.indirect.scatter.add.f32 [tilespmem:s14], [sflag:$0x3], $0x80, s9, s12, $0xb8;
	[tilespmem:$0x1D100] =	vst v63  }
0x1d7: {  	_ =	swait.ge [sflag:s10], $0x3E80  }
0x1d8: {  	[sflag:s10] =	ssyncset.done $0x0  }
0x1d9: {  	s7 =	rddreg [dreg:$0x18];
	[sflag:s10] =	ssyncadd.s32 $0xFFFFC180  }
0x1da: {  	[tilespmem:s14], [sflag:$0x2] =	stream.indirect.gather [hbm4b:s4+s12], $0x80, s7, s12, $0xb8;
	[tilespmem:$0x1D100] =	vst v63  }
0x1db: {  	_ =	swait.ge [sflag:s15], $0x3E80  }
0x1dc: {  	[sflag:s15] =	ssyncset.done $0x0  }
0x1dd: {  	s8 =	rddreg [dreg:$0x19];
	[sflag:s15] =	ssyncadd.s32 $0xFFFFC180  }
0x1de: {  	[spmem:s2] =	stream.indirect.scatter.add.f32 [tilespmem:s13], [sflag:$0x3], $0x80, s8, s12, $0xb8;
	[tilespmem:$0x1D100] =	vst v63  }
0x1df: {  	_ =	swait.ge [sflag:s10], $0x3E80  }
0x1e0: {  	[sflag:s10] =	ssyncset.done $0x0  }
0x1e1: {  	[sflag:s10] =	ssyncadd.s32 $0xFFFFC180  }
0x1e2: {  	[tilespmem:s13], [sflag:$0x1] =	stream.indirect.gather [hbm4b:s4+s12], $0x80, s17, s12, $0xb8;
	[tilespmem:$0x1D100] =	vst v63  }
0x1e3: {  	_ =	swait.ge [sflag:s16], $0x3E80  }
0x1e4: {  	[sflag:s16] =	ssyncset.done $0x0  }
0x1e5: {  	[sflag:s16] =	ssyncadd.s32 $0xFFFFC180  }
0x1e6: {  	[spmem:s2] =	stream.indirect.scatter.add.f32 [tilespmem:s14], [sflag:$0x3], $0x80, s18, s12, $0xb8;
	[tilespmem:$0x1D100] =	vst v63  }
0x1e7: {  	_ =	swait.ge [sflag:s10], $0x3E80  }
0x1e8: {  	[sflag:s10] =	ssyncset.done $0x0  }
0x1e9: {  	[sflag:s10] =	ssyncadd.s32 $0xFFFFC180  }
0x1ea: {  	[tilespmem:s14], [sflag:$0x2] =	stream.indirect.gather [hbm4b:s4+s12], $0x80, s19, s12, $0xb8;
	[tilespmem:$0x1D100] =	vst v63  }
0x1eb: {  	_ =	swait.ge [sflag:s15], $0x3E80  }
0x1ec: {  	[sflag:s15] =	ssyncset.done $0x0  }
0x1ed: {  	[sflag:s15] =	ssyncadd.s32 $0xFFFFC180  }
0x1ee: {  	[spmem:s2] =	stream.indirect.scatter.add.f32 [tilespmem:s13], [sflag:$0x3], $0x80, s20, s12, $0xb8;
	[tilespmem:$0x1D100] =	vst v63  }
0x1ef: {  	_ =	swait.ge [sflag:s10], $0x3E80  }
0x1f0: {  	[sflag:s10] =	ssyncset.done $0x0  }
0x1f1: {  	[sflag:s10] =	ssyncadd.s32 $0xFFFFC180  }
0x1f2: {  	[tilespmem:s13], [sflag:$0x1] =	stream.indirect.gather [hbm4b:s4+s12], $0x80, s21, s12, $0xb8;
	[tilespmem:$0x1D100] =	vst v63  }
0x1f3: {  	_ =	swait.ge [sflag:s16], $0x3E80  }
0x1f4: {  	[sflag:s16] =	ssyncset.done $0x0  }
0x1f5: {  	[sflag:s16] =	ssyncadd.s32 $0xFFFFC180  }
0x1f6: {  	[spmem:s2] =	stream.indirect.scatter.add.f32 [tilespmem:s14], [sflag:$0x3], $0x80, s22, s12, $0xb8;
	[tilespmem:$0x1D100] =	vst v63  }
0x1f7: {  	_ =	swait.ge [sflag:s10], $0x3E80  }
0x1f8: {  	[sflag:s10] =	ssyncset.done $0x0  }
0x1f9: {  	[sflag:s10] =	ssyncadd.s32 $0xFFFFC180  }
0x1fa: {  	[tilespmem:s14], [sflag:$0x2] =	stream.indirect.gather [hbm4b:s4+s12], $0x80, s23, s12, $0xb8;
	[tilespmem:$0x1D100] =	vst v63  }
0x1fb: {  	_ =	swait.ge [sflag:s15], $0x3E80  }
0x1fc: {  	[sflag:s15] =	ssyncset.done $0x0  }
0x1fd: {  	[sflag:s15] =	ssyncadd.s32 $0xFFFFC180  }
0x1fe: {  	[spmem:s2] =	stream.indirect.scatter.add.f32 [tilespmem:s13], [sflag:$0x3], $0x80, s24, s12, $0xb8;
	[tilespmem:$0x1D100] =	vst v63  }
0x1ff: {  	_ =	swait.ge [sflag:s10], $0x3E80  }
0x200: {  	[sflag:s10] =	ssyncset.done $0x0  }
0x201: {  	[sflag:s10] =	ssyncadd.s32 $0xFFFFC180  }
0x202: {  	[tilespmem:s13], [sflag:$0x1] =	stream.indirect.gather [hbm4b:s4+s12], $0x80, s25, s12, $0xb8;
	[tilespmem:$0x1D100] =	vst v63  }
0x203: {  	_ =	swait.ge [sflag:s16], $0x3E80  }
0x204: {  	[sflag:s16] =	ssyncset.done $0x0  }
0x205: {  	[sflag:s16] =	ssyncadd.s32 $0xFFFFC180  }
0x206: {  	[spmem:s2] =	stream.indirect.scatter.add.f32 [tilespmem:s14], [sflag:$0x3], $0x80, s26, s12, $0xb8;
	[tilespmem:$0x1D100] =	vst v63  }
0x207: {  	_ =	swait.ge [sflag:s10], $0x3E80  }
0x208: {  	[sflag:s10] =	ssyncset.done $0x0  }
0x209: {  	[sflag:s10] =	ssyncadd.s32 $0xFFFFC180  }
0x20a: {  	[tilespmem:s14], [sflag:$0x2] =	stream.indirect.gather [hbm4b:s4+s12], $0x80, s28, s12, $0xb8;
	[tilespmem:$0x1D100] =	vst v63  }
0x20b: {  	_ =	swait.ge [sflag:s15], $0x3E80  }
0x20c: {  	[sflag:s15] =	ssyncset.done $0x0  }
0x20d: {  	[sflag:s15] =	ssyncadd.s32 $0xFFFFC180  }
0x20e: {  	[spmem:s2] =	stream.indirect.scatter.add.f32 [tilespmem:s13], [sflag:$0x3], $0x80, s29, s12, $0xb8;
	[tilespmem:$0x1D100] =	vst v63  }
0x20f: {  	_ =	swait.ge [sflag:s10], $0x3E80  }
0x210: {  	[sflag:s10] =	ssyncset.done $0x0  }
0x211: {  	[sflag:s10] =	ssyncadd.s32 $0xFFFFC180  }
0x212: {  	[tilespmem:s13], [sflag:$0x1] =	stream.indirect.gather [hbm4b:s4+s12], $0x80, s30, s12, $0xb8;
	[tilespmem:$0x1D100] =	vst v63  }
0x213: {  	_ =	swait.ge [sflag:s16], $0x3E80  }
0x214: {  	[sflag:s16] =	ssyncset.done $0x0  }
0x215: {  	[sflag:s16] =	ssyncadd.s32 $0xFFFFC180  }
0x216: {  	[spmem:s2] =	stream.indirect.scatter.add.f32 [tilespmem:s14], [sflag:$0x3], $0x80, s31, s12, $0xb8;
	[tilespmem:$0x1D100] =	vst v63  }
0x217: {  	_ =	swait.ge [sflag:s10], $0x3E80  }
0x218: {  	[sflag:s10] =	ssyncset.done $0x0  }
0x219: {  	[sflag:s10] =	ssyncadd.s32 $0xFFFFC180  }
0x21a: {  	[tilespmem:s14], [sflag:$0x2] =	stream.indirect.gather [hbm4b:s4+s12], $0x80, s1, s12, $0xb8;
	[tilespmem:$0x1D100] =	vst v63  }
0x21b: {  	_ =	swait.ge [sflag:s15], $0x3E80  }
0x21c: {  	[sflag:s15] =	ssyncset.done $0x0  }
0x21d: {  	[sflag:s15] =	ssyncadd.s32 $0xFFFFC180  }
0x21e: {  	[spmem:s2] =	stream.indirect.scatter.add.f32 [tilespmem:s13], [sflag:$0x3], $0x80, s0, s12, $0xb8;
	[tilespmem:$0x1D100] =	vst v63  }
0x21f: {  	_ =	swait.ge [sflag:s10], $0x3E80  }
0x220: {  	[sflag:s10] =	ssyncset.done $0x0  }
0x221: {  	[sflag:s10] =	ssyncadd.s32 $0xFFFFC180  }
0x222: {  	_ =	swait.ge [sflag:s16], $0x3E80  }
0x223: {  	[sflag:s16] =	ssyncset.done $0x0  }
0x224: {  	[sflag:s16] =	ssyncadd.s32 $0xFFFFC180  }
0x225: {  	[spmem:s2] =	stream.indirect.scatter.add.f32 [tilespmem:s14], [sflag:$0x3], $0x80, s5, s12, $0xb8;
	[tilespmem:$0x1D100] =	vst v63  }
0x226: {  	_ =	swait.ge [sflag:s10], $0x3E80  }
0x227: {  	[sflag:s10] =	ssyncset.done $0x0  }
0x228: {  	[sflag:s10] =	ssyncadd.s32 $0xFFFFC180  }
0x229: {  	[bflag:$0x0] =	sbarrier.arrive $0xFFFF  }
0x22a: {  	s7 =	rddreg [dreg:$0x1b]  }
0x22b: {  	s9 =	rddreg [dreg:$0x1c]  }
0x22c: {  	s8 =	rddreg [dreg:$0x1e]  }
0x22d: {  	[hbm:s9], [sflag:s7] =	dma.local [spmem:s8], $0x2800  }
0x22e: {  	_ =	swait.ge [sflag:s10], $0x2800  }
0x22f: {  	s6 =	rddreg [dreg:$0x1f]  }
0x230: {  	s9 =	sadd.s32 $0x1, s6;
	s6 =	rddreg [dreg:$0x1d]  }
0x231: {  	p0 =	sne.s32 s9, s6  }
.Ltmp1:
0x232: {  	_ = 	snop;
	(pc) =	sbr.rel @p0 .LBB2_1-.Ltmp1, $3  }
0x233: {  	_ =	sdelay $0x1  }
0x234: {  	[sflag:s10] =	ssyncset.done $0x0  }
0x235: {  	[sflag:s10] =	ssyncadd.s32 $0xFFFFD800  }
0x236: {  	_ =	sfence.sel $0x180000  }
0x237: {  	[bflag:$0x0] =	sbarrier.arrive $0xFFFF  }
0x238: {  	_ =	strace $0x9000004A  }
0x239: {  	s0 =	stileid.u32;
	[bflag:$0x2] =	sbarrier.arrive $0xFFFF  }
0x23a: {  	p0 =	sne.s32 s0, $0x0;
	s0 =	rddreg [dreg:$0x2]  }
0x23b: {  	s0 =	sadd.s32 @!p0 $0x100000, s0  }
0x23c: {  	[sflag:s0] =	ssyncadd.tile.s32 @!p0 $0x1;
	_ =	shalt  }
.Lfunc_end2:
_tile_overlayer_lowered:
.L_overlay_start_2:
0x23d: {  	(tag) =	ssettag $0x2  }
0x23e: {  	s0 =	rddreg [dreg:$0x0];
	s2 =	stileid.u32  }
0x23f: {  	s1 =	rddreg [dreg:$0x1];
	p0 =	sne.s32 s2, $0x0  }
0x240: {  	s3 =	rddreg [dreg:$0x2];
	[bflag:$0x3] =	sbarrier.arrive $0xFFFF;
	s2 =	simm.s32 @!p0 $0x1C03  }
0x241: {  	[timem:s3], [sflag:s2] =	dma.local @!p0 [hbm:s0], s1  }
0x242: {  	s0 =	simm.s32 @!p0 $0x3  }
0x243: {  	_ =	swait.ge @!p0 [sflag:s0], s1  }
0x244: {  	s1 =	ssub.s32 @!p0 $0x0, s1;
	[sflag:s0] =	ssyncset.done @!p0 $0x0  }
0x245: {  	[sflag:s0] =	ssyncadd.s32 @!p0 s1  }
0x246: {  	[bflag:$0x3] =	sbarrier.arrive $0xFFFF  }
0x247: {  	_ =	shalt  }

// kernel: kernel.20.cloned.1.call-start
scs
__scs_entry_jumppad:
0x0: {  	(pc) =	sbr.rel $0x88, $3  }
0x1: {  	(tag) =	ssettag $0x0;
	lr =	simm.s32 $0x1  }
0x2: {  	[smem:$0x3F96] =	sst lr;
	_ =	strace $0xD0000000  }
0x3: {  	_ = 	snop  }
0x4: {  	_ = 	snop  }
0x5: {  	_ = 	snop  }
0x6: {  	_ = 	snop  }
0x7: {  	_ = 	snop  }
__scs_overlays_trampoline_lowered:
0x8: {  	[smem:$0x3FA5] =	sst s0  }
0x9: {  	[smem:$0x3FA6] =	sst s1  }
0xa: {  	[smem:$0x3FA7] =	sst s2  }
0xb: {  	[smem:$0x3FA8] =	sst s3  }
0xc: {  	[smem:$0x3FA9] =	sst s4  }
0xd: {  	[smem:$0x3FAA] =	sst s5  }
0xe: {  	[smem:$0x3FAB] =	sst s6  }
0xf: {  	[smem:$0x3FAC] =	sst s7  }
0x10: {  	[smem:$0x3FAD] =	sst s8  }
0x11: {  	[smem:$0x3FAE] =	sst s9;
	s0 =	simm.s32 @!p0 $0x0  }
0x12: {  	s1 =	sld [smem:$0x3F94];
	s0 =	simm.s32 @p0 $0x1  }
0x13: {  	[smem:$0x3FAF] =	sst s0;
	s0 =	simm.s32 @!p1 $0x0  }
0x14: {  	s2 =	sld [smem:$0x3F93];
	s0 =	simm.s32 @p1 $0x1  }
0x15: {  	[smem:$0x3FB0] =	sst s0;
	s0 =	simm.s32 @!p2 $0x0  }
0x16: {  	s3 =	sld [smem:$0x3FDB];
	s0 =	simm.s32 @p2 $0x1  }
0x17: {  	s4 =	simm.s32 $0x1BF5;
	[smem:$0x3FB2] =	sst s0  }
0x18: {  	s0 =	sld [smem:$0x3F95];
	_ =	swait.ge [sflag:s4], $0x0  }
0x19: {  	s7 =	sld [smem:$0x3F96]  }
0x1a: {  	s8 =	sadd.s32 $0xFFFFE003, lr  }
0x1b: {  	s9 =	sadd.s32 $0xFFFFFEF7, lr;
	s5 =	simm.s32 $0xFFFFFFFF;
	p2 =	slt.u32 s8, $0xFFFFF086  }
0x1c: {  	p1 =	slt.u32 s9, $0xF7A;
	s5 =	simm.s32 @!p2 $0x0  }
0x1d: {  	s5 =	simm.s32 @p1 $0x1;
	p0 =	seq.s32 s7, s2  }
0x1e: {  	s7 =	smul.u32 @!p0 $0xF7A, s2;
	p2 =	seq.s32 @!p0 s5, $0x0  }
0x1f: {  	s9 =	smul.u32 $0xF7A, s1;
	s8 =	simm.s32 @!p0 $0x1BF5;
	p2 =	por !p2, p0  }
0x20: {  	[sflag:s8] =	ssyncset.s32 @!p0 $0xFFFFF086;
	s6 =	sadd.s32 @!p0 s3, s7;
	s7 =	simm.s32 @!p0 $0x108  }
0x21: {  	s3 =	sadd.s32 s3, s9;
	s6 =	sadd.s32 @!p0 $0x88, s6;
	s7 =	simm.s32 @p2 $0x1082  }
0x22: {  	[simem:s7], [sflag:s8] =	dma.local @!p0 [hbm:s6], $0xF7A  }
0x23: {  	s9 =	sor.u32 $0xD0000000, s2;
	s6 =	simm.s32 $0x108;
	_ =	swait.ge @!p0 [sflag:s8], $0x0  }
0x24: {  	s3 =	sadd.s32 $0x88, s3;
	s6 =	simm.s32 @!p1 $0x1082;
	[sflag:s4] =	ssyncset.s32 $0xFFFFF086  }
0x25: {  	[simem:s6], [sflag:s4] =	dma.local [hbm:s3], $0xF7A  }
0x26: {  	[smem:$0x3F96] =	sst s1;
	(tag) =	ssettag s2;
	_ =	strace s9  }
0x27: {  	s1 =	sld [smem:$0x3FA6]  }
0x28: {  	s2 =	sld [smem:$0x3FA7]  }
0x29: {  	s4 =	sld [smem:$0x3FA9]  }
0x2a: {  	p0 =	seq.s32 s5, $0x0;
	s5 =	sld [smem:$0x3FAA]  }
0x2b: {  	s6 =	sld [smem:$0x3FAB]  }
0x2c: {  	s7 =	sld [smem:$0x3FAC]  }
0x2d: {  	s3 =	simm.s32 $0x108;
	s8 =	sld [smem:$0x3FAD]  }
0x2e: {  	s3 =	simm.s32 @!p0 $0x1082;
	s9 =	sld [smem:$0x3FAE]  }
0x2f: {  	lr =	sadd.s32 s0, s3;
	s0 =	sld [smem:$0x3FA5]  }
0x30: {  	s3 =	sld [smem:$0x3FA8]  }
0x31: {  	[smem:$0x3FB1] =	sst s10  }
0x32: {  	s10 =	sld [smem:$0x3FAF];
	_ =	sdelay $0x3  }
0x33: {  	p0 =	seq.s32 s10, $0x1;
	s10 =	sld [smem:$0x3FB1];
	_ =	sdelay $0x3  }
0x34: {  	[smem:$0x3FB1] =	sst s10  }
0x35: {  	s10 =	sld [smem:$0x3FB0];
	_ =	sdelay $0x3  }
0x36: {  	p1 =	seq.s32 s10, $0x1;
	s10 =	sld [smem:$0x3FB1];
	_ =	sdelay $0x3  }
0x37: {  	[smem:$0x3FB1] =	sst s10  }
0x38: {  	s10 =	sld [smem:$0x3FB2]  }
0x39: {  	_ = 	snop;
	(pc) =	sbr.ind lr, $3  }
0x3a: {  	_ = 	snop  }
0x3b: {  	_ = 	snop  }
0x3c: {  	p2 =	seq.s32 s10, $0x1;
	s10 =	sld [smem:$0x3FB1]  }
0x3d: {  	_ =	shalt  }
0x3e: {  	_ =	shalt  }
0x3f: {  	_ =	shalt  }
0x40: {  	_ =	shalt  }
0x41: {  	_ =	shalt  }
0x42: {  	_ =	shalt  }
0x43: {  	_ =	shalt  }
0x44: {  	_ =	shalt  }
0x45: {  	_ =	shalt  }
0x46: {  	_ =	shalt  }
0x47: {  	_ =	shalt  }
0x48: {  	_ =	shalt  }
0x49: {  	_ =	shalt  }
0x4a: {  	_ =	shalt  }
0x4b: {  	_ =	shalt  }
0x4c: {  	_ =	shalt  }
0x4d: {  	_ =	shalt  }
0x4e: {  	_ =	shalt  }
0x4f: {  	_ =	shalt  }
0x50: {  	_ =	shalt  }
0x51: {  	_ =	shalt  }
0x52: {  	_ =	shalt  }
0x53: {  	_ =	shalt  }
0x54: {  	_ =	shalt  }
0x55: {  	_ =	shalt  }
0x56: {  	_ =	shalt  }
0x57: {  	_ =	shalt  }
0x58: {  	_ =	shalt  }
0x59: {  	_ =	shalt  }
0x5a: {  	_ =	shalt  }
0x5b: {  	_ =	shalt  }
0x5c: {  	_ =	shalt  }
0x5d: {  	_ =	shalt  }
0x5e: {  	_ =	shalt  }
0x5f: {  	_ =	shalt  }
0x60: {  	_ =	shalt  }
0x61: {  	_ =	shalt  }
0x62: {  	_ =	shalt  }
0x63: {  	_ =	shalt  }
0x64: {  	_ =	shalt  }
0x65: {  	_ =	shalt  }
0x66: {  	_ =	shalt  }
0x67: {  	_ =	shalt  }
0x68: {  	_ =	shalt  }
0x69: {  	_ =	shalt  }
0x6a: {  	_ =	shalt  }
0x6b: {  	_ =	shalt  }
0x6c: {  	_ =	shalt  }
0x6d: {  	_ =	shalt  }
0x6e: {  	_ =	shalt  }
0x6f: {  	_ =	shalt  }
0x70: {  	_ =	shalt  }
0x71: {  	_ =	shalt  }
0x72: {  	_ =	shalt  }
0x73: {  	_ =	shalt  }
0x74: {  	_ =	shalt  }
0x75: {  	_ =	shalt  }
0x76: {  	_ =	shalt  }
0x77: {  	_ =	shalt  }
0x78: {  	_ =	shalt  }
0x79: {  	_ =	shalt  }
0x7a: {  	_ =	shalt  }
0x7b: {  	_ =	shalt  }
0x7c: {  	_ =	shalt  }
0x7d: {  	_ =	shalt  }
0x7e: {  	_ =	shalt  }
0x7f: {  	_ =	shalt  }
0x80: {  	_ =	shalt  }
0x81: {  	_ =	shalt  }
0x82: {  	_ =	shalt  }
0x83: {  	_ =	shalt  }
0x84: {  	_ =	shalt  }
0x85: {  	_ =	shalt  }
0x86: {  	_ =	shalt  }
0x87: {  	_ =	shalt  }
.Lfunc_end0:
.L_simem_size_0:
called_computation.2_lowered:
.L_overlay_start_0:
0x88: {  	s2 =	sld [smem:$0x3FD9]  }
0x89: {  	s3 =	sld [smem:$0x3FFE];
	_ =	sdelay $0x1  }
0x8a: {  	s1 =	srdreg.scid  }
0x8b: {  	s0 =	sand.u32 $0x1, s1  }
0x8c: {  	s16 =	sshll.u32 s0, $0xA;
	s2 =	sadd.s32 s3, s2  }
0x8d: {  	s2 =	sadd.s32 s2, s16  }
0x8e: {  	[smem:$0x3FBD] =	sst s2  }
0x8f: {  	_ = 	snop  }
0x90: {  	(tm) =	ssettm $0x1  }
0x91: {  	s17 =	sld [smem:$0x3FFB];
	_ =	sdelay $0x3  }
0x92: {  	_ =	strace s17  }
0x93: {  	s2 =	sld [smem:$0x3FFC];
	_ =	sdelay $0x3  }
0x94: {  	_ =	strace s2  }
0x95: {  	s2 =	sld [smem:$0x3FFD];
	_ =	sdelay $0x3  }
0x96: {  	_ =	strace s2  }
0x97: {  	_ =	strace $0x8FFFFFFF  }
0x98: {  	s18 =	sld [smem:$0x3FDB];
	_ =	sdelay $0x1  }
0x99: {  	s19 =	simm.s32 $_scs_section_size  }
0x9a: {  	s4 =	simm.s32 $_size__tile_overlayer_lowered;
	s5 =	simm.s32 $_tile_overlayer_lowered  }
0x9b: {  	s22 =	simm.s32 $0x1BFF;
	s21 =	sshll.u32 s5, $0x1;
	s2 =	sadd.s32 s19, s18  }
0x9c: {  	s6 =	simm.s32 $0x0;
	s20 =	sshll.u32 s4, $0x1;
	s4 =	sadd.s32 s21, s2  }
0x9d: {  	[timem:s6], [sflag:s22] =	dma.local [hbm:s4], s20  }
0x9e: {  	_ =	swait.ge [sflag:s22], s20  }
0x9f: {  	s3 =	ssub.s32 $0x0, s20;
	[sflag:s22] =	ssyncset.done $0x0  }
0xa0: {  	[sflag:s22] =	ssyncadd.s32 s3;
	_ =	sdelay $0x1  }
0xa1: {  	s23 =	simm.s32 $0x1B8B  }
0xa2: {  	_ =	swait.ge [sflag:s23], $0x1  }
0xa3: {  	[sflag:s23] =	ssyncset.done $0x0  }
0xa4: {  	s25 =	simm.s32 $0x1B8E;
	s24 =	sld [smem:$0x3FFE];
	[sflag:s23] =	ssyncadd.s32 $0xFFFFFFFF  }
0xa5: {  	s26 =	simm.s32 $execute0_lowered;
	[smem:$0x3FD2] =	sst s25  }
0xa6: {  	s4 =	sshll.u32 s26, $0x1;
	_ =	strace $0x8000004C;
	[dreg:$0x1] =	wrdreg $0xFFFFFFFF  }
0xa7: {  	s28 =	simm.s32 $_size_execute0_lowered;
	s2 =	sadd.s32 s2, s4;
	[dreg:$0x0] =	wrdreg $0x0  }
0xa8: {  	s4 =	sshll.u32 s28, $0x1;
	[dreg:$0x2] =	wrdreg s2  }
0xa9: {  	[dreg:$0x3] =	wrdreg s4  }
0xaa: {  	[dreg:$0x4] =	wrdreg $0xC0  }
0xab: {  	_ =	task [dreg:s6], $0x5FFFF  }
0xac: {  	[dreg:$0x1] =	wrdreg $0xFFFFFFFF  }
0xad: {  	[dreg:$0x0] =	wrdreg $0x60  }
0xae: {  	[dreg:$0x2] =	wrdreg s24  }
0xaf: {  	[dreg:$0x3] =	wrdreg $0x91000  }
0xb0: {  	[dreg:$0x4] =	wrdreg $0x9  }
0xb1: {  	_ =	task.clear_ibuf [dreg:s6], $0x5FFFF;
	_ =	strace $0x9000004C  }
0xb2: {  	s29 =	simm.s32 $0x9;
	_ =	strace $0x8000004E  }
0xb3: {  	_ =	swait.ge [sflag:s29], $0x1  }
0xb4: {  	[sflag:s29] =	ssyncadd.s32 $0xFFFFFFFF  }
0xb5: {  	_ =	strace $0x9000004E  }
0xb6: {  	_ =	sfence  }
0xb7: {  	s30 =	sld [smem:$0x0];
	_ =	sdelay $0x2  }
0xb8: {  	s31 =	sshll.u32 s1, $0xD;
	s1 =	sshrl.u32 s1, $0x2  }
0xb9: {  	s3 =	sand.u32 $0x4000, s31;
	s1 =	sadd.s32 s1, s30  }
0xba: {  	s0 =	sor.u32 s3, s0;
	s1 =	sshll.u32 s1, $0x11  }
0xbb: {  	s0 =	sor.u32 s1, s0  }
0xbc: {  	s0 =	sadd.s32 $0x8F2B, s0  }
0xbd: {  	[sflag:s0] =	ssyncadd.remote.s32 $0x1  }
0xbe: {  	_ =	sfence.sel $0xFFFF  }
0xbf: {  	[dreg:$0x0] =	wrdreg $0xFFFFFFFF;
	(pc) =	sbr.abs _section_cstart, $3  }
0xc0: {  	[dreg:$0x1] =	wrdreg $0xFFFFFFFF  }
0xc1: {  	_ =	task.clear_ibuf [dreg:s6], $0x2FFFF;
	_ =	strace $0x9FFFFFFF  }
0xc2: {  	(tm) =	ssettm $0x7FFFFFFF  }
0xc3: {  	_ =	shalt  }
tec
execute0_lowered:
.L_overlay_start_1:
0x0: {  	(tag) =	ssettag $0x1  }
0x1: {  	s0 =	srdreg.scid;
	s8 =	stileid.u32  }
0x2: {  	s0 =	sand.u32 $0x1, s0;
	s3 =	smul.u32 $0x2800, s8  }
0x3: {  	s5 =	rddreg [dreg:$0x0];
	s1 =	smul.u32 $0x28000, s0  }
0x4: {  	s2 =	rddreg [dreg:$0x1];
	s22 =	simm.s32 $0x80;
	s23 =	simm.s32 $0x100  }
0x5: {  	s24 =	simm.s32 $0xA80;
	s1 =	sadd.s32 s3, s1;
	s3 =	simm.s32 $0x0  }
0x6: {  	s25 =	simm.s32 $0x180;
	s26 =	simm.s32 $0xB00;
	[smem:$0x7FF] =	sst s3  }
0x7: {  	s10 =	simm.s32 $0xB80;
	_ =	strace $0x8000004D;
	[dreg:$0x5] =	wrdreg s22  }
0x8: {  	s11 =	simm.s32 $0x280;
	s9 =	sadd.s32 $0xD200, s5;
	[dreg:$0x6] =	wrdreg s23  }
0x9: {  	s13 =	simm.s32 $0xC00;
	s14 =	simm.s32 $0x300;
	[dreg:$0x1a] =	wrdreg s9  }
0xa: {  	s15 =	simm.s32 $0xC80;
	s17 =	simm.s32 $0x380;
	[dreg:$0x7] =	wrdreg s24  }
0xb: {  	s18 =	simm.s32 $0xD00;
	s19 =	simm.s32 $0x400;
	[dreg:$0x8] =	wrdreg s25  }
0xc: {  	s20 =	simm.s32 $0xD80;
	s21 =	simm.s32 $0x480;
	[dreg:$0x9] =	wrdreg s26  }
0xd: {  	s28 =	simm.s32 $0x880;
	s29 =	simm.s32 $0x1200;
	[dreg:$0xb] =	wrdreg s10  }
0xe: {  	s30 =	simm.s32 $0x900;
	s6 =	smul.u32 $0x14000, s8;
	[dreg:$0xc] =	wrdreg s11  }
0xf: {  	s31 =	simm.s32 $0x1280;
	s7 =	smul.u32 $0x140000, s0;
	[dreg:$0xd] =	wrdreg s13  }
0x10: {  	s16 =	sshll.u32 s8, $0x6;
	s0 =	ssub.s32 $0x2, s0;
	[dreg:$0xe] =	wrdreg s14  }
0x11: {  	s12 =	sshrl.u32 s0, $0x1;
	s7 =	sadd.s32 s6, s7;
	[dreg:$0xf] =	wrdreg s15  }
0x12: {  	s0 =	ssub.s32 s0, s12;
	s6 =	sadd.s32 s6, s2;
	[dreg:$0x10] =	wrdreg s17  }
0x13: {  	s12 =	simm.s32 $0x7D;
	s0 =	smax.u32 s0, $0x1;
	[dreg:$0x11] =	wrdreg s18  }
0x14: {  	s1 =	sshrl.u32 s1, $0x3;
	s7 =	sshrl.u32 s7, $0x3;
	[dreg:$0x1d] =	wrdreg s0  }
0x15: {  	s8 =	sshrl.u32 s6, $0x3;
	s1 =	sadd.s32 s1, s5;
	[dreg:$0x12] =	wrdreg s19  }
0x16: {  	s9 =	simm.s32 $0x200;
	[dreg:$0x13] =	wrdreg s20;
	s10 =	simm.s32 $0x3  }
0x17: {  	[dreg:$0x14] =	wrdreg s21;
	s22 =	simm.s32 $0xE00;
	s11 =	simm.s32 $0xA00  }
0x18: {  	s23 =	simm.s32 $0x500;
	s24 =	simm.s32 $0xE80;
	s13 =	simm.s32 $0x1400  }
0x19: {  	s25 =	simm.s32 $0x580;
	s14 =	simm.s32 $0x5280;
	[dreg:$0x1e] =	wrdreg s8  }
0x1a: {  	s26 =	simm.s32 $0xF00;
	s15 =	simm.s32 $0x1;
	[dreg:$0xa] =	wrdreg s9  }
0x1b: {  	s17 =	simm.s32 $0x600;
	s18 =	simm.s32 $0xF80;
	[dreg:$0x15] =	wrdreg s22  }
0x1c: {  	s19 =	simm.s32 $0x680;
	s20 =	simm.s32 $0x1000;
	[dreg:$0x16] =	wrdreg s23  }
0x1d: {  	s21 =	simm.s32 $0x700;
	s0 =	simm.s32 $0x1300;
	[dreg:$0x17] =	wrdreg s24  }
0x1e: {  	s4 =	sadd.s32 $0x17800, s1;
	s1 =	sadd.s32 $0x3200, s1;
	[dreg:$0x18] =	wrdreg s25  }
0x1f: {  	[dreg:$0x19] =	wrdreg s26;
	s22 =	simm.s32 $0x1080;
	s23 =	simm.s32 $0x780  }
0x20: {  	s24 =	simm.s32 $0x1100;
	s25 =	simm.s32 $0x800;
	s26 =	simm.s32 $0x1180  }
0x21: {  	s9 =	simm.s32 $0x0;
	[dreg:$0x3] =	wrdreg s4;
	s4 =	sadd.s32 $0x21800, s5  }
0x22: {  	[dreg:$0x4] =	wrdreg s1;
	s5 =	sadd.s32 s7, s5;
	s7 =	sor.u32 $0x1C03, s16  }
0x23: {  	s16 =	simm.s32 $0x2;
	s5 =	sadd.s32 $0x99800, s5;
	[dreg:$0x1b] =	wrdreg s7  }
0x24: {  	s1 =	simm.s32 $0x980;
	[dreg:$0x1c] =	wrdreg s5;
	s5 =	simm.s32 $0x1380  }
.LBB2_1:
0x25: {  	[dreg:$0x1f] =	wrdreg s9  }
0x26: {  	s6 =	rddreg [dreg:$0x1a]  }
0x27: {  	[spmem:s8], [sflag:s7] =	dma.local [hbm:s6], $0x2800  }
0x28: {  	_ =	swait.ge [sflag:s10], $0x2800  }
0x29: {  	[sflag:s10] =	ssyncset.done $0x0  }
0x2a: {  	[sflag:s10] =	ssyncadd.s32 $0xFFFFD800  }
0x2b: {  	[bflag:$0x0] =	sbarrier.arrive $0xFFFF  }
0x2c: {  	s8 =	rddreg [dreg:$0x4]  }
0x2d: {  	s6 =	sadd.s32 $0x0, s8  }
0x2e: {  	[tilespmem:s3], [sflag:$0x3] =	stream.linear.gather [hbm4b:s6+s3], $0xA00, $0x38;
	[tilespmem:$0x1D100] =	vst v63  }
0x2f: {  	_ =	swait.ge [sflag:s10], $0xA00  }
0x30: {  	s9 =	rddreg [dreg:$0x3];
	[sflag:s10] =	ssyncset.done $0x0  }
0x31: {  	[sflag:s10] =	ssyncadd.s32 $0xFFFFF600;
	s6 =	sadd.s32 $0x0, s9  }
0x32: {  	[tilespmem:s11], [sflag:$0x3] =	stream.linear.gather [hbm4b:s6+s3], $0xA00, $0x38;
	[tilespmem:$0x1D100] =	vst v63  }
0x33: {  	_ =	swait.ge [sflag:s10], $0xA00  }
0x34: {  	[sflag:s10] =	ssyncset.done $0x0  }
0x35: {  	[sflag:s10] =	ssyncadd.s32 $0xFFFFF600  }
0x36: {  	[tilespmem:s13], [sflag:$0x1] =	stream.indirect.gather [hbm4b:s4+s12], $0x80, s3, s12, $0xb8;
	[tilespmem:$0x1D100] =	vst v63  }
0x37: {  	s7 =	rddreg [dreg:$0x5]  }
0x38: {  	[tilespmem:s14], [sflag:$0x2] =	stream.indirect.gather [hbm4b:s4+s12], $0x80, s7, s12, $0xb8;
	[tilespmem:$0x1D100] =	vst v63  }
0x39: {  	_ =	swait.ge [sflag:s15], $0x3E80  }
0x3a: {  	[sflag:s15] =	ssyncset.done $0x0  }
0x3b: {  	[sflag:s15] =	ssyncadd.s32 $0xFFFFC180  }
0x3c: {  	[spmem:s2] =	stream.indirect.scatter.add.f32 [tilespmem:s13], [sflag:$0x3], $0x80, s11, s12, $0xb8;
	[tilespmem:$0x1D100] =	vst v63  }
0x3d: {  	_ =	swait.ge [sflag:s10], $0x3E80  }
0x3e: {  	[sflag:s10] =	ssyncset.done $0x0  }
0x3f: {  	s8 =	rddreg [dreg:$0x6];
	[sflag:s10] =	ssyncadd.s32 $0xFFFFC180  }
0x40: {  	[tilespmem:s13], [sflag:$0x1] =	stream.indirect.gather [hbm4b:s4+s12], $0x80, s8, s12, $0xb8;
	[tilespmem:$0x1D100] =	vst v63  }
0x41: {  	_ =	swait.ge [sflag:s16], $0x3E80  }
0x42: {  	[sflag:s16] =	ssyncset.done $0x0  }
0x43: {  	s9 =	rddreg [dreg:$0x7];
	[sflag:s16] =	ssyncadd.s32 $0xFFFFC180  }
0x44: {  	[spmem:s2] =	stream.indirect.scatter.add.f32 [tilespmem:s14], [sflag:$0x3], $0x80, s9, s12, $0xb8;
	[tilespmem:$0x1D100] =	vst v63  }
0x45: {  	_ =	swait.ge [sflag:s10], $0x3E80  }
0x46: {  	[sflag:s10] =	ssyncset.done $0x0  }
0x47: {  	s7 =	rddreg [dreg:$0x8];
	[sflag:s10] =	ssyncadd.s32 $0xFFFFC180  }
0x48: {  	[tilespmem:s14], [sflag:$0x2] =	stream.indirect.gather [hbm4b:s4+s12], $0x80, s7, s12, $0xb8;
	[tilespmem:$0x1D100] =	vst v63  }
0x49: {  	_ =	swait.ge [sflag:s15], $0x3E80  }
0x4a: {  	[sflag:s15] =	ssyncset.done $0x0  }
0x4b: {  	s8 =	rddreg [dreg:$0x9];
	[sflag:s15] =	ssyncadd.s32 $0xFFFFC180  }
0x4c: {  	[spmem:s2] =	stream.indirect.scatter.add.f32 [tilespmem:s13], [sflag:$0x3], $0x80, s8, s12, $0xb8;
	[tilespmem:$0x1D100] =	vst v63  }
0x4d: {  	_ =	swait.ge [sflag:s10], $0x3E80  }
0x4e: {  	[sflag:s10] =	ssyncset.done $0x0  }
0x4f: {  	s9 =	rddreg [dreg:$0xa];
	[sflag:s10] =	ssyncadd.s32 $0xFFFFC180  }
0x50: {  	[tilespmem:s13], [sflag:$0x1] =	stream.indirect.gather [hbm4b:s4+s12], $0x80, s9, s12, $0xb8;
	[tilespmem:$0x1D100] =	vst v63  }
0x51: {  	_ =	swait.ge [sflag:s16], $0x3E80  }
0x52: {  	[sflag:s16] =	ssyncset.done $0x0  }
0x53: {  	s7 =	rddreg [dreg:$0xb];
	[sflag:s16] =	ssyncadd.s32 $0xFFFFC180  }
0x54: {  	[spmem:s2] =	stream.indirect.scatter.add.f32 [tilespmem:s14], [sflag:$0x3], $0x80, s7, s12, $0xb8;
	[tilespmem:$0x1D100] =	vst v63  }
0x55: {  	_ =	swait.ge [sflag:s10], $0x3E80  }
0x56: {  	[sflag:s10] =	ssyncset.done $0x0  }
0x57: {  	s8 =	rddreg [dreg:$0xc];
	[sflag:s10] =	ssyncadd.s32 $0xFFFFC180  }
0x58: {  	[tilespmem:s14], [sflag:$0x2] =	stream.indirect.gather [hbm4b:s4+s12], $0x80, s8, s12, $0xb8;
	[tilespmem:$0x1D100] =	vst v63  }
0x59: {  	_ =	swait.ge [sflag:s15], $0x3E80  }
0x5a: {  	[sflag:s15] =	ssyncset.done $0x0  }
0x5b: {  	s9 =	rddreg [dreg:$0xd];
	[sflag:s15] =	ssyncadd.s32 $0xFFFFC180  }
0x5c: {  	[spmem:s2] =	stream.indirect.scatter.add.f32 [tilespmem:s13], [sflag:$0x3], $0x80, s9, s12, $0xb8;
	[tilespmem:$0x1D100] =	vst v63  }
0x5d: {  	_ =	swait.ge [sflag:s10], $0x3E80  }
0x5e: {  	[sflag:s10] =	ssyncset.done $0x0  }
0x5f: {  	s7 =	rddreg [dreg:$0xe];
	[sflag:s10] =	ssyncadd.s32 $0xFFFFC180  }
0x60: {  	[tilespmem:s13], [sflag:$0x1] =	stream.indirect.gather [hbm4b:s4+s12], $0x80, s7, s12, $0xb8;
	[tilespmem:$0x1D100] =	vst v63  }
0x61: {  	_ =	swait.ge [sflag:s16], $0x3E80  }
0x62: {  	[sflag:s16] =	ssyncset.done $0x0  }
0x63: {  	s8 =	rddreg [dreg:$0xf];
	[sflag:s16] =	ssyncadd.s32 $0xFFFFC180  }
0x64: {  	[spmem:s2] =	stream.indirect.scatter.add.f32 [tilespmem:s14], [sflag:$0x3], $0x80, s8, s12, $0xb8;
	[tilespmem:$0x1D100] =	vst v63  }
0x65: {  	_ =	swait.ge [sflag:s10], $0x3E80  }
0x66: {  	[sflag:s10] =	ssyncset.done $0x0  }
0x67: {  	s9 =	rddreg [dreg:$0x10];
	[sflag:s10] =	ssyncadd.s32 $0xFFFFC180  }
0x68: {  	[tilespmem:s14], [sflag:$0x2] =	stream.indirect.gather [hbm4b:s4+s12], $0x80, s9, s12, $0xb8;
	[tilespmem:$0x1D100] =	vst v63  }
0x69: {  	_ =	swait.ge [sflag:s15], $0x3E80  }
0x6a: {  	[sflag:s15] =	ssyncset.done $0x0  }
0x6b: {  	s7 =	rddreg [dreg:$0x11];
	[sflag:s15] =	ssyncadd.s32 $0xFFFFC180  }
0x6c: {  	[spmem:s2] =	stream.indirect.scatter.add.f32 [tilespmem:s13], [sflag:$0x3], $0x80, s7, s12, $0xb8;
	[tilespmem:$0x1D100] =	vst v63  }
0x6d: {  	_ =	swait.ge [sflag:s10], $0x3E80  }
0x6e: {  	[sflag:s10] =	ssyncset.done $0x0  }
0x6f: {  	s8 =	rddreg [dreg:$0x12];
	[sflag:s10] =	ssyncadd.s32 $0xFFFFC180  }
0x70: {  	[tilespmem:s13], [sflag:$0x1] =	stream.indirect.gather [hbm4b:s4+s12], $0x80, s8, s12, $0xb8;
	[tilespmem:$0x1D100] =	vst v63  }
0x71: {  	_ =	swait.ge [sflag:s16], $0x3E80  }
0x72: {  	[sflag:s16] =	ssyncset.done $0x0  }
0x73: {  	s9 =	rddreg [dreg:$0x13];
	[sflag:s16] =	ssyncadd.s32 $0xFFFFC180  }
0x74: {  	[spmem:s2] =	stream.indirect.scatter.add.f32 [tilespmem:s14], [sflag:$0x3], $0x80, s9, s12, $0xb8;
	[tilespmem:$0x1D100] =	vst v63  }
0x75: {  	_ =	swait.ge [sflag:s10], $0x3E80  }
0x76: {  	[sflag:s10] =	ssyncset.done $0x0  }
0x77: {  	s7 =	rddreg [dreg:$0x14];
	[sflag:s10] =	ssyncadd.s32 $0xFFFFC180  }
0x78: {  	[tilespmem:s14], [sflag:$0x2] =	stream.indirect.gather [hbm4b:s4+s12], $0x80, s7, s12, $0xb8;
	[tilespmem:$0x1D100] =	vst v63  }
0x79: {  	_ =	swait.ge [sflag:s15], $0x3E80  }
0x7a: {  	[sflag:s15] =	ssyncset.done $0x0  }
0x7b: {  	s8 =	rddreg [dreg:$0x15];
	[sflag:s15] =	ssyncadd.s32 $0xFFFFC180  }
0x7c: {  	[spmem:s2] =	stream.indirect.scatter.add.f32 [tilespmem:s13], [sflag:$0x3], $0x80, s8, s12, $0xb8;
	[tilespmem:$0x1D100] =	vst v63  }
0x7d: {  	_ =	swait.ge [sflag:s10], $0x3E80  }
0x7e: {  	[sflag:s10] =	ssyncset.done $0x0  }
0x7f: {  	s9 =	rddreg [dreg:$0x16];
	[sflag:s10] =	ssyncadd.s32 $0xFFFFC180  }
0x80: {  	[tilespmem:s13], [sflag:$0x1] =	stream.indirect.gather [hbm4b:s4+s12], $0x80, s9, s12, $0xb8;
	[tilespmem:$0x1D100] =	vst v63  }
0x81: {  	_ =	swait.ge [sflag:s16], $0x3E80  }
0x82: {  	[sflag:s16] =	ssyncset.done $0x0  }
0x83: {  	s7 =	rddreg [dreg:$0x17];
	[sflag:s16] =	ssyncadd.s32 $0xFFFFC180  }
0x84: {  	[spmem:s2] =	stream.indirect.scatter.add.f32 [tilespmem:s14], [sflag:$0x3], $0x80, s7, s12, $0xb8;
	[tilespmem:$0x1D100] =	vst v63  }
0x85: {  	_ =	swait.ge [sflag:s10], $0x3E80  }
0x86: {  	[sflag:s10] =	ssyncset.done $0x0  }
0x87: {  	s8 =	rddreg [dreg:$0x18];
	[sflag:s10] =	ssyncadd.s32 $0xFFFFC180  }
0x88: {  	[tilespmem:s14], [sflag:$0x2] =	stream.indirect.gather [hbm4b:s4+s12], $0x80, s8, s12, $0xb8;
	[tilespmem:$0x1D100] =	vst v63  }
0x89: {  	_ =	swait.ge [sflag:s15], $0x3E80  }
0x8a: {  	[sflag:s15] =	ssyncset.done $0x0  }
0x8b: {  	s9 =	rddreg [dreg:$0x19];
	[sflag:s15] =	ssyncadd.s32 $0xFFFFC180  }
0x8c: {  	[spmem:s2] =	stream.indirect.scatter.add.f32 [tilespmem:s13], [sflag:$0x3], $0x80, s9, s12, $0xb8;
	[tilespmem:$0x1D100] =	vst v63  }
0x8d: {  	_ =	swait.ge [sflag:s10], $0x3E80  }
0x8e: {  	[sflag:s10] =	ssyncset.done $0x0  }
0x8f: {  	[sflag:s10] =	ssyncadd.s32 $0xFFFFC180  }
0x90: {  	[tilespmem:s13], [sflag:$0x1] =	stream.indirect.gather [hbm4b:s4+s12], $0x80, s17, s12, $0xb8;
	[tilespmem:$0x1D100] =	vst v63  }
0x91: {  	_ =	swait.ge [sflag:s16], $0x3E80  }
0x92: {  	[sflag:s16] =	ssyncset.done $0x0  }
0x93: {  	[sflag:s16] =	ssyncadd.s32 $0xFFFFC180  }
0x94: {  	[spmem:s2] =	stream.indirect.scatter.add.f32 [tilespmem:s14], [sflag:$0x3], $0x80, s18, s12, $0xb8;
	[tilespmem:$0x1D100] =	vst v63  }
0x95: {  	_ =	swait.ge [sflag:s10], $0x3E80  }
0x96: {  	[sflag:s10] =	ssyncset.done $0x0  }
0x97: {  	[sflag:s10] =	ssyncadd.s32 $0xFFFFC180  }
0x98: {  	[tilespmem:s14], [sflag:$0x2] =	stream.indirect.gather [hbm4b:s4+s12], $0x80, s19, s12, $0xb8;
	[tilespmem:$0x1D100] =	vst v63  }
0x99: {  	_ =	swait.ge [sflag:s15], $0x3E80  }
0x9a: {  	[sflag:s15] =	ssyncset.done $0x0  }
0x9b: {  	[sflag:s15] =	ssyncadd.s32 $0xFFFFC180  }
0x9c: {  	[spmem:s2] =	stream.indirect.scatter.add.f32 [tilespmem:s13], [sflag:$0x3], $0x80, s20, s12, $0xb8;
	[tilespmem:$0x1D100] =	vst v63  }
0x9d: {  	_ =	swait.ge [sflag:s10], $0x3E80  }
0x9e: {  	[sflag:s10] =	ssyncset.done $0x0  }
0x9f: {  	[sflag:s10] =	ssyncadd.s32 $0xFFFFC180  }
0xa0: {  	[tilespmem:s13], [sflag:$0x1] =	stream.indirect.gather [hbm4b:s4+s12], $0x80, s21, s12, $0xb8;
	[tilespmem:$0x1D100] =	vst v63  }
0xa1: {  	_ =	swait.ge [sflag:s16], $0x3E80  }
0xa2: {  	[sflag:s16] =	ssyncset.done $0x0  }
0xa3: {  	[sflag:s16] =	ssyncadd.s32 $0xFFFFC180  }
0xa4: {  	[spmem:s2] =	stream.indirect.scatter.add.f32 [tilespmem:s14], [sflag:$0x3], $0x80, s22, s12, $0xb8;
	[tilespmem:$0x1D100] =	vst v63  }
0xa5: {  	_ =	swait.ge [sflag:s10], $0x3E80  }
0xa6: {  	[sflag:s10] =	ssyncset.done $0x0  }
0xa7: {  	[sflag:s10] =	ssyncadd.s32 $0xFFFFC180  }
0xa8: {  	[tilespmem:s14], [sflag:$0x2] =	stream.indirect.gather [hbm4b:s4+s12], $0x80, s23, s12, $0xb8;
	[tilespmem:$0x1D100] =	vst v63  }
0xa9: {  	_ =	swait.ge [sflag:s15], $0x3E80  }
0xaa: {  	[sflag:s15] =	ssyncset.done $0x0  }
0xab: {  	[sflag:s15] =	ssyncadd.s32 $0xFFFFC180  }
0xac: {  	[spmem:s2] =	stream.indirect.scatter.add.f32 [tilespmem:s13], [sflag:$0x3], $0x80, s24, s12, $0xb8;
	[tilespmem:$0x1D100] =	vst v63  }
0xad: {  	_ =	swait.ge [sflag:s10], $0x3E80  }
0xae: {  	[sflag:s10] =	ssyncset.done $0x0  }
0xaf: {  	[sflag:s10] =	ssyncadd.s32 $0xFFFFC180  }
0xb0: {  	[tilespmem:s13], [sflag:$0x1] =	stream.indirect.gather [hbm4b:s4+s12], $0x80, s25, s12, $0xb8;
	[tilespmem:$0x1D100] =	vst v63  }
0xb1: {  	_ =	swait.ge [sflag:s16], $0x3E80  }
0xb2: {  	[sflag:s16] =	ssyncset.done $0x0  }
0xb3: {  	[sflag:s16] =	ssyncadd.s32 $0xFFFFC180  }
0xb4: {  	[spmem:s2] =	stream.indirect.scatter.add.f32 [tilespmem:s14], [sflag:$0x3], $0x80, s26, s12, $0xb8;
	[tilespmem:$0x1D100] =	vst v63  }
0xb5: {  	_ =	swait.ge [sflag:s10], $0x3E80  }
0xb6: {  	[sflag:s10] =	ssyncset.done $0x0  }
0xb7: {  	[sflag:s10] =	ssyncadd.s32 $0xFFFFC180  }
0xb8: {  	[tilespmem:s14], [sflag:$0x2] =	stream.indirect.gather [hbm4b:s4+s12], $0x80, s28, s12, $0xb8;
	[tilespmem:$0x1D100] =	vst v63  }
0xb9: {  	_ =	swait.ge [sflag:s15], $0x3E80  }
0xba: {  	[sflag:s15] =	ssyncset.done $0x0  }
0xbb: {  	[sflag:s15] =	ssyncadd.s32 $0xFFFFC180  }
0xbc: {  	[spmem:s2] =	stream.indirect.scatter.add.f32 [tilespmem:s13], [sflag:$0x3], $0x80, s29, s12, $0xb8;
	[tilespmem:$0x1D100] =	vst v63  }
0xbd: {  	_ =	swait.ge [sflag:s10], $0x3E80  }
0xbe: {  	[sflag:s10] =	ssyncset.done $0x0  }
0xbf: {  	[sflag:s10] =	ssyncadd.s32 $0xFFFFC180  }
0xc0: {  	[tilespmem:s13], [sflag:$0x1] =	stream.indirect.gather [hbm4b:s4+s12], $0x80, s30, s12, $0xb8;
	[tilespmem:$0x1D100] =	vst v63  }
0xc1: {  	_ =	swait.ge [sflag:s16], $0x3E80  }
0xc2: {  	[sflag:s16] =	ssyncset.done $0x0  }
0xc3: {  	[sflag:s16] =	ssyncadd.s32 $0xFFFFC180  }
0xc4: {  	[spmem:s2] =	stream.indirect.scatter.add.f32 [tilespmem:s14], [sflag:$0x3], $0x80, s31, s12, $0xb8;
	[tilespmem:$0x1D100] =	vst v63  }
0xc5: {  	_ =	swait.ge [sflag:s10], $0x3E80  }
0xc6: {  	[sflag:s10] =	ssyncset.done $0x0  }
0xc7: {  	[sflag:s10] =	ssyncadd.s32 $0xFFFFC180  }
0xc8: {  	[tilespmem:s14], [sflag:$0x2] =	stream.indirect.gather [hbm4b:s4+s12], $0x80, s1, s12, $0xb8;
	[tilespmem:$0x1D100] =	vst v63  }
0xc9: {  	_ =	swait.ge [sflag:s15], $0x3E80  }
0xca: {  	[sflag:s15] =	ssyncset.done $0x0  }
0xcb: {  	[sflag:s15] =	ssyncadd.s32 $0xFFFFC180  }
0xcc: {  	[spmem:s2] =	stream.indirect.scatter.add.f32 [tilespmem:s13], [sflag:$0x3], $0x80, s0, s12, $0xb8;
	[tilespmem:$0x1D100] =	vst v63  }
0xcd: {  	_ =	swait.ge [sflag:s10], $0x3E80  }
0xce: {  	[sflag:s10] =	ssyncset.done $0x0  }
0xcf: {  	[sflag:s10] =	ssyncadd.s32 $0xFFFFC180  }
0xd0: {  	_ =	swait.ge [sflag:s16], $0x3E80  }
0xd1: {  	[sflag:s16] =	ssyncset.done $0x0  }
0xd2: {  	[sflag:s16] =	ssyncadd.s32 $0xFFFFC180  }
0xd3: {  	[spmem:s2] =	stream.indirect.scatter.add.f32 [tilespmem:s14], [sflag:$0x3], $0x80, s5, s12, $0xb8;
	[tilespmem:$0x1D100] =	vst v63  }
0xd4: {  	s6 =	simm.s32 $0x280;
	_ =	swait.ge [sflag:s10], $0x3E80  }
0xd5: {  	s8 =	simm.s32 $0x140;
	s9 =	rddreg [dreg:$0x4];
	[sflag:s10] =	ssyncset.done $0x0  }
.LBB2_2:
0xd6: {  	[sflag:s10] =	ssyncadd.s32 $0xFFFFC180;
	s9 =	sadd.s32 s8, s9  }
0xd7: {  	[tilespmem:s3], [sflag:$0x3] =	stream.linear.gather [hbm4b:s9+s3], $0xA00, $0x38;
	[tilespmem:$0x1D100] =	vst v63  }
0xd8: {  	_ =	swait.ge [sflag:s10], $0xA00  }
0xd9: {  	s9 =	rddreg [dreg:$0x3];
	[sflag:s10] =	ssyncset.done $0x0  }
0xda: {  	[sflag:s10] =	ssyncadd.s32 $0xFFFFF600;
	s9 =	sadd.s32 s8, s9  }
0xdb: {  	[tilespmem:s11], [sflag:$0x3] =	stream.linear.gather [hbm4b:s9+s3], $0xA00, $0x38;
	[tilespmem:$0x1D100] =	vst v63  }
0xdc: {  	_ =	swait.ge [sflag:s10], $0xA00  }
0xdd: {  	[sflag:s10] =	ssyncset.done $0x0  }
0xde: {  	[sflag:s10] =	ssyncadd.s32 $0xFFFFF600  }
0xdf: {  	[tilespmem:s13], [sflag:$0x1] =	stream.indirect.gather [hbm4b:s4+s12], $0x80, s3, s12, $0xb8;
	[tilespmem:$0x1D100] =	vst v63  }
0xe0: {  	s9 =	rddreg [dreg:$0x5]  }
0xe1: {  	[tilespmem:s14], [sflag:$0x2] =	stream.indirect.gather [hbm4b:s4+s12], $0x80, s9, s12, $0xb8;
	[tilespmem:$0x1D100] =	vst v63  }
0xe2: {  	_ =	swait.ge [sflag:s15], $0x3E80  }
0xe3: {  	[sflag:s15] =	ssyncset.done $0x0  }
0xe4: {  	[sflag:s15] =	ssyncadd.s32 $0xFFFFC180  }
0xe5: {  	[spmem:s2] =	stream.indirect.scatter.add.f32 [tilespmem:s13], [sflag:$0x3], $0x80, s11, s12, $0xb8;
	[tilespmem:$0x1D100] =	vst v63  }
0xe6: {  	_ =	swait.ge [sflag:s10], $0x3E80  }
0xe7: {  	[sflag:s10] =	ssyncset.done $0x0  }
0xe8: {  	s9 =	rddreg [dreg:$0x6];
	[sflag:s10] =	ssyncadd.s32 $0xFFFFC180  }
0xe9: {  	[tilespmem:s13], [sflag:$0x1] =	stream.indirect.gather [hbm4b:s4+s12], $0x80, s9, s12, $0xb8;
	[tilespmem:$0x1D100] =	vst v63  }
0xea: {  	_ =	swait.ge [sflag:s16], $0x3E80  }
0xeb: {  	[sflag:s16] =	ssyncset.done $0x0  }
0xec: {  	s9 =	rddreg [dreg:$0x7];
	[sflag:s16] =	ssyncadd.s32 $0xFFFFC180  }
0xed: {  	[spmem:s2] =	stream.indirect.scatter.add.f32 [tilespmem:s14], [sflag:$0x3], $0x80, s9, s12, $0xb8;
	[tilespmem:$0x1D100] =	vst v63  }
0xee: {  	_ =	swait.ge [sflag:s10], $0x3E80  }
0xef: {  	[sflag:s10] =	ssyncset.done $0x0  }
0xf0: {  	s9 =	rddreg [dreg:$0x8];
	[sflag:s10] =	ssyncadd.s32 $0xFFFFC180  }
0xf1: {  	[tilespmem:s14], [sflag:$0x2] =	stream.indirect.gather [hbm4b:s4+s12], $0x80, s9, s12, $0xb8;
	[tilespmem:$0x1D100] =	vst v63  }
0xf2: {  	_ =	swait.ge [sflag:s15], $0x3E80  }
0xf3: {  	[sflag:s15] =	ssyncset.done $0x0  }
0xf4: {  	s9 =	rddreg [dreg:$0x9];
	[sflag:s15] =	ssyncadd.s32 $0xFFFFC180  }
0xf5: {  	[spmem:s2] =	stream.indirect.scatter.add.f32 [tilespmem:s13], [sflag:$0x3], $0x80, s9, s12, $0xb8;
	[tilespmem:$0x1D100] =	vst v63  }
0xf6: {  	_ =	swait.ge [sflag:s10], $0x3E80  }
0xf7: {  	[sflag:s10] =	ssyncset.done $0x0  }
0xf8: {  	s9 =	rddreg [dreg:$0xa];
	[sflag:s10] =	ssyncadd.s32 $0xFFFFC180  }
0xf9: {  	[tilespmem:s13], [sflag:$0x1] =	stream.indirect.gather [hbm4b:s4+s12], $0x80, s9, s12, $0xb8;
	[tilespmem:$0x1D100] =	vst v63  }
0xfa: {  	_ =	swait.ge [sflag:s16], $0x3E80  }
0xfb: {  	[sflag:s16] =	ssyncset.done $0x0  }
0xfc: {  	s9 =	rddreg [dreg:$0xb];
	[sflag:s16] =	ssyncadd.s32 $0xFFFFC180  }
0xfd: {  	[spmem:s2] =	stream.indirect.scatter.add.f32 [tilespmem:s14], [sflag:$0x3], $0x80, s9, s12, $0xb8;
	[tilespmem:$0x1D100] =	vst v63  }
0xfe: {  	_ =	swait.ge [sflag:s10], $0x3E80  }
0xff: {  	[sflag:s10] =	ssyncset.done $0x0  }
0x100: {  	s9 =	rddreg [dreg:$0xc];
	[sflag:s10] =	ssyncadd.s32 $0xFFFFC180  }
0x101: {  	[tilespmem:s14], [sflag:$0x2] =	stream.indirect.gather [hbm4b:s4+s12], $0x80, s9, s12, $0xb8;
	[tilespmem:$0x1D100] =	vst v63  }
0x102: {  	_ =	swait.ge [sflag:s15], $0x3E80  }
0x103: {  	[sflag:s15] =	ssyncset.done $0x0  }
0x104: {  	s9 =	rddreg [dreg:$0xd];
	[sflag:s15] =	ssyncadd.s32 $0xFFFFC180  }
0x105: {  	[spmem:s2] =	stream.indirect.scatter.add.f32 [tilespmem:s13], [sflag:$0x3], $0x80, s9, s12, $0xb8;
	[tilespmem:$0x1D100] =	vst v63  }
0x106: {  	_ =	swait.ge [sflag:s10], $0x3E80  }
0x107: {  	[sflag:s10] =	ssyncset.done $0x0  }
0x108: {  	s9 =	rddreg [dreg:$0xe];
	[sflag:s10] =	ssyncadd.s32 $0xFFFFC180  }
0x109: {  	[tilespmem:s13], [sflag:$0x1] =	stream.indirect.gather [hbm4b:s4+s12], $0x80, s9, s12, $0xb8;
	[tilespmem:$0x1D100] =	vst v63  }
0x10a: {  	_ =	swait.ge [sflag:s16], $0x3E80  }
0x10b: {  	[sflag:s16] =	ssyncset.done $0x0  }
0x10c: {  	s9 =	rddreg [dreg:$0xf];
	[sflag:s16] =	ssyncadd.s32 $0xFFFFC180  }
0x10d: {  	[spmem:s2] =	stream.indirect.scatter.add.f32 [tilespmem:s14], [sflag:$0x3], $0x80, s9, s12, $0xb8;
	[tilespmem:$0x1D100] =	vst v63  }
0x10e: {  	_ =	swait.ge [sflag:s10], $0x3E80  }
0x10f: {  	[sflag:s10] =	ssyncset.done $0x0  }
0x110: {  	s9 =	rddreg [dreg:$0x10];
	[sflag:s10] =	ssyncadd.s32 $0xFFFFC180  }
0x111: {  	[tilespmem:s14], [sflag:$0x2] =	stream.indirect.gather [hbm4b:s4+s12], $0x80, s9, s12, $0xb8;
	[tilespmem:$0x1D100] =	vst v63  }
0x112: {  	_ =	swait.ge [sflag:s15], $0x3E80  }
0x113: {  	[sflag:s15] =	ssyncset.done $0x0  }
0x114: {  	s9 =	rddreg [dreg:$0x11];
	[sflag:s15] =	ssyncadd.s32 $0xFFFFC180  }
0x115: {  	[spmem:s2] =	stream.indirect.scatter.add.f32 [tilespmem:s13], [sflag:$0x3], $0x80, s9, s12, $0xb8;
	[tilespmem:$0x1D100] =	vst v63  }
0x116: {  	_ =	swait.ge [sflag:s10], $0x3E80  }
0x117: {  	[sflag:s10] =	ssyncset.done $0x0  }
0x118: {  	s9 =	rddreg [dreg:$0x12];
	[sflag:s10] =	ssyncadd.s32 $0xFFFFC180  }
0x119: {  	[tilespmem:s13], [sflag:$0x1] =	stream.indirect.gather [hbm4b:s4+s12], $0x80, s9, s12, $0xb8;
	[tilespmem:$0x1D100] =	vst v63  }
0x11a: {  	_ =	swait.ge [sflag:s16], $0x3E80  }
0x11b: {  	[sflag:s16] =	ssyncset.done $0x0  }
0x11c: {  	s9 =	rddreg [dreg:$0x13];
	[sflag:s16] =	ssyncadd.s32 $0xFFFFC180  }
0x11d: {  	[spmem:s2] =	stream.indirect.scatter.add.f32 [tilespmem:s14], [sflag:$0x3], $0x80, s9, s12, $0xb8;
	[tilespmem:$0x1D100] =	vst v63  }
0x11e: {  	_ =	swait.ge [sflag:s10], $0x3E80  }
0x11f: {  	[sflag:s10] =	ssyncset.done $0x0  }
0x120: {  	s9 =	rddreg [dreg:$0x14];
	[sflag:s10] =	ssyncadd.s32 $0xFFFFC180  }
0x121: {  	[tilespmem:s14], [sflag:$0x2] =	stream.indirect.gather [hbm4b:s4+s12], $0x80, s9, s12, $0xb8;
	[tilespmem:$0x1D100] =	vst v63  }
0x122: {  	_ =	swait.ge [sflag:s15], $0x3E80  }
0x123: {  	[sflag:s15] =	ssyncset.done $0x0  }
0x124: {  	s9 =	rddreg [dreg:$0x15];
	[sflag:s15] =	ssyncadd.s32 $0xFFFFC180  }
0x125: {  	[spmem:s2] =	stream.indirect.scatter.add.f32 [tilespmem:s13], [sflag:$0x3], $0x80, s9, s12, $0xb8;
	[tilespmem:$0x1D100] =	vst v63  }
0x126: {  	_ =	swait.ge [sflag:s10], $0x3E80  }
0x127: {  	[sflag:s10] =	ssyncset.done $0x0  }
0x128: {  	s9 =	rddreg [dreg:$0x16];
	[sflag:s10] =	ssyncadd.s32 $0xFFFFC180  }
0x129: {  	[tilespmem:s13], [sflag:$0x1] =	stream.indirect.gather [hbm4b:s4+s12], $0x80, s9, s12, $0xb8;
	[tilespmem:$0x1D100] =	vst v63  }
0x12a: {  	_ =	swait.ge [sflag:s16], $0x3E80  }
0x12b: {  	[sflag:s16] =	ssyncset.done $0x0  }
0x12c: {  	s9 =	rddreg [dreg:$0x17];
	[sflag:s16] =	ssyncadd.s32 $0xFFFFC180  }
0x12d: {  	[spmem:s2] =	stream.indirect.scatter.add.f32 [tilespmem:s14], [sflag:$0x3], $0x80, s9, s12, $0xb8;
	[tilespmem:$0x1D100] =	vst v63  }
0x12e: {  	_ =	swait.ge [sflag:s10], $0x3E80  }
0x12f: {  	[sflag:s10] =	ssyncset.done $0x0  }
0x130: {  	s9 =	rddreg [dreg:$0x18];
	[sflag:s10] =	ssyncadd.s32 $0xFFFFC180  }
0x131: {  	[tilespmem:s14], [sflag:$0x2] =	stream.indirect.gather [hbm4b:s4+s12], $0x80, s9, s12, $0xb8;
	[tilespmem:$0x1D100] =	vst v63  }
0x132: {  	_ =	swait.ge [sflag:s15], $0x3E80  }
0x133: {  	[sflag:s15] =	ssyncset.done $0x0  }
0x134: {  	s9 =	rddreg [dreg:$0x19];
	[sflag:s15] =	ssyncadd.s32 $0xFFFFC180  }
0x135: {  	[spmem:s2] =	stream.indirect.scatter.add.f32 [tilespmem:s13], [sflag:$0x3], $0x80, s9, s12, $0xb8;
	[tilespmem:$0x1D100] =	vst v63  }
0x136: {  	_ =	swait.ge [sflag:s10], $0x3E80  }
0x137: {  	[sflag:s10] =	ssyncset.done $0x0  }
0x138: {  	[sflag:s10] =	ssyncadd.s32 $0xFFFFC180  }
0x139: {  	[tilespmem:s13], [sflag:$0x1] =	stream.indirect.gather [hbm4b:s4+s12], $0x80, s17, s12, $0xb8;
	[tilespmem:$0x1D100] =	vst v63  }
0x13a: {  	_ =	swait.ge [sflag:s16], $0x3E80  }
0x13b: {  	[sflag:s16] =	ssyncset.done $0x0  }
0x13c: {  	[sflag:s16] =	ssyncadd.s32 $0xFFFFC180  }
0x13d: {  	[spmem:s2] =	stream.indirect.scatter.add.f32 [tilespmem:s14], [sflag:$0x3], $0x80, s18, s12, $0xb8;
	[tilespmem:$0x1D100] =	vst v63  }
0x13e: {  	_ =	swait.ge [sflag:s10], $0x3E80  }
0x13f: {  	[sflag:s10] =	ssyncset.done $0x0  }
0x140: {  	[sflag:s10] =	ssyncadd.s32 $0xFFFFC180  }
0x141: {  	[tilespmem:s14], [sflag:$0x2] =	stream.indirect.gather [hbm4b:s4+s12], $0x80, s19, s12, $0xb8;
	[tilespmem:$0x1D100] =	vst v63  }
0x142: {  	_ =	swait.ge [sflag:s15], $0x3E80  }
0x143: {  	[sflag:s15] =	ssyncset.done $0x0  }
0x144: {  	[sflag:s15] =	ssyncadd.s32 $0xFFFFC180  }
0x145: {  	[spmem:s2] =	stream.indirect.scatter.add.f32 [tilespmem:s13], [sflag:$0x3], $0x80, s20, s12, $0xb8;
	[tilespmem:$0x1D100] =	vst v63  }
0x146: {  	_ =	swait.ge [sflag:s10], $0x3E80  }
0x147: {  	[sflag:s10] =	ssyncset.done $0x0  }
0x148: {  	[sflag:s10] =	ssyncadd.s32 $0xFFFFC180  }
0x149: {  	[tilespmem:s13], [sflag:$0x1] =	stream.indirect.gather [hbm4b:s4+s12], $0x80, s21, s12, $0xb8;
	[tilespmem:$0x1D100] =	vst v63  }
0x14a: {  	_ =	swait.ge [sflag:s16], $0x3E80  }
0x14b: {  	[sflag:s16] =	ssyncset.done $0x0  }
0x14c: {  	[sflag:s16] =	ssyncadd.s32 $0xFFFFC180  }
0x14d: {  	[spmem:s2] =	stream.indirect.scatter.add.f32 [tilespmem:s14], [sflag:$0x3], $0x80, s22, s12, $0xb8;
	[tilespmem:$0x1D100] =	vst v63  }
0x14e: {  	_ =	swait.ge [sflag:s10], $0x3E80  }
0x14f: {  	[sflag:s10] =	ssyncset.done $0x0  }
0x150: {  	[sflag:s10] =	ssyncadd.s32 $0xFFFFC180  }
0x151: {  	[tilespmem:s14], [sflag:$0x2] =	stream.indirect.gather [hbm4b:s4+s12], $0x80, s23, s12, $0xb8;
	[tilespmem:$0x1D100] =	vst v63  }
0x152: {  	_ =	swait.ge [sflag:s15], $0x3E80  }
0x153: {  	[sflag:s15] =	ssyncset.done $0x0  }
0x154: {  	[sflag:s15] =	ssyncadd.s32 $0xFFFFC180  }
0x155: {  	[spmem:s2] =	stream.indirect.scatter.add.f32 [tilespmem:s13], [sflag:$0x3], $0x80, s24, s12, $0xb8;
	[tilespmem:$0x1D100] =	vst v63  }
0x156: {  	_ =	swait.ge [sflag:s10], $0x3E80  }
0x157: {  	[sflag:s10] =	ssyncset.done $0x0  }
0x158: {  	[sflag:s10] =	ssyncadd.s32 $0xFFFFC180  }
0x159: {  	[tilespmem:s13], [sflag:$0x1] =	stream.indirect.gather [hbm4b:s4+s12], $0x80, s25, s12, $0xb8;
	[tilespmem:$0x1D100] =	vst v63  }
0x15a: {  	_ =	swait.ge [sflag:s16], $0x3E80  }
0x15b: {  	[sflag:s16] =	ssyncset.done $0x0  }
0x15c: {  	[sflag:s16] =	ssyncadd.s32 $0xFFFFC180  }
0x15d: {  	[spmem:s2] =	stream.indirect.scatter.add.f32 [tilespmem:s14], [sflag:$0x3], $0x80, s26, s12, $0xb8;
	[tilespmem:$0x1D100] =	vst v63  }
0x15e: {  	_ =	swait.ge [sflag:s10], $0x3E80  }
0x15f: {  	[sflag:s10] =	ssyncset.done $0x0  }
0x160: {  	[sflag:s10] =	ssyncadd.s32 $0xFFFFC180  }
0x161: {  	[tilespmem:s14], [sflag:$0x2] =	stream.indirect.gather [hbm4b:s4+s12], $0x80, s28, s12, $0xb8;
	[tilespmem:$0x1D100] =	vst v63  }
0x162: {  	_ =	swait.ge [sflag:s15], $0x3E80  }
0x163: {  	[sflag:s15] =	ssyncset.done $0x0  }
0x164: {  	[sflag:s15] =	ssyncadd.s32 $0xFFFFC180  }
0x165: {  	[spmem:s2] =	stream.indirect.scatter.add.f32 [tilespmem:s13], [sflag:$0x3], $0x80, s29, s12, $0xb8;
	[tilespmem:$0x1D100] =	vst v63  }
0x166: {  	_ =	swait.ge [sflag:s10], $0x3E80  }
0x167: {  	[sflag:s10] =	ssyncset.done $0x0  }
0x168: {  	[sflag:s10] =	ssyncadd.s32 $0xFFFFC180  }
0x169: {  	[tilespmem:s13], [sflag:$0x1] =	stream.indirect.gather [hbm4b:s4+s12], $0x80, s30, s12, $0xb8;
	[tilespmem:$0x1D100] =	vst v63  }
0x16a: {  	_ =	swait.ge [sflag:s16], $0x3E80  }
0x16b: {  	[sflag:s16] =	ssyncset.done $0x0  }
0x16c: {  	[sflag:s16] =	ssyncadd.s32 $0xFFFFC180  }
0x16d: {  	[spmem:s2] =	stream.indirect.scatter.add.f32 [tilespmem:s14], [sflag:$0x3], $0x80, s31, s12, $0xb8;
	[tilespmem:$0x1D100] =	vst v63  }
0x16e: {  	_ =	swait.ge [sflag:s10], $0x3E80  }
0x16f: {  	[sflag:s10] =	ssyncset.done $0x0  }
0x170: {  	[sflag:s10] =	ssyncadd.s32 $0xFFFFC180  }
0x171: {  	[tilespmem:s14], [sflag:$0x2] =	stream.indirect.gather [hbm4b:s4+s12], $0x80, s1, s12, $0xb8;
	[tilespmem:$0x1D100] =	vst v63  }
0x172: {  	_ =	swait.ge [sflag:s15], $0x3E80  }
0x173: {  	[sflag:s15] =	ssyncset.done $0x0  }
0x174: {  	[sflag:s15] =	ssyncadd.s32 $0xFFFFC180  }
0x175: {  	[spmem:s2] =	stream.indirect.scatter.add.f32 [tilespmem:s13], [sflag:$0x3], $0x80, s0, s12, $0xb8;
	[tilespmem:$0x1D100] =	vst v63  }
0x176: {  	_ =	swait.ge [sflag:s10], $0x3E80  }
0x177: {  	[sflag:s10] =	ssyncset.done $0x0  }
0x178: {  	[sflag:s10] =	ssyncadd.s32 $0xFFFFC180  }
0x179: {  	p0 =	sne.s32 s6, $0x3C0;
	_ =	swait.ge [sflag:s16], $0x3E80  }
.Ltmp0:
0x17a: {  	[sflag:s16] =	ssyncset.done $0x0;
	(pc) =	sbr.rel @p0 .LBB2_2-.Ltmp0, $4  }
0x17b: {  	[sflag:s16] =	ssyncadd.s32 $0xFFFFC180  }
0x17c: {  	[spmem:s2] =	stream.indirect.scatter.add.f32 [tilespmem:s14], [sflag:$0x3], $0x80, s5, s12, $0xb8;
	[tilespmem:$0x1D100] =	vst v63  }
0x17d: {  	s7 =	smov.u32 s6;
	s6 =	sadd.s32 $0x140, s6;
	_ =	swait.ge [sflag:s10], $0x3E80  }
0x17e: {  	s8 =	smov.u32 s7;
	s9 =	rddreg [dreg:$0x4];
	[sflag:s10] =	ssyncset.done $0x0  }
0x17f: {  	[sflag:s10] =	ssyncadd.s32 $0xFFFFC180;
	s6 =	sadd.s32 s8, s9  }
0x180: {  	[tilespmem:s3], [sflag:$0x3] =	stream.linear.gather [hbm4b:s6+s3], $0xA00, $0x38;
	[tilespmem:$0x1D100] =	vst v63  }
0x181: {  	_ =	swait.ge [sflag:s10], $0xA00  }
0x182: {  	s7 =	rddreg [dreg:$0x3];
	[sflag:s10] =	ssyncset.done $0x0  }
0x183: {  	s6 =	sadd.s32 s8, s7;
	[sflag:s10] =	ssyncadd.s32 $0xFFFFF600  }
0x184: {  	[tilespmem:s11], [sflag:$0x3] =	stream.linear.gather [hbm4b:s6+s3], $0xA00, $0x38;
	[tilespmem:$0x1D100] =	vst v63  }
0x185: {  	_ =	swait.ge [sflag:s10], $0xA00  }
0x186: {  	[sflag:s10] =	ssyncset.done $0x0  }
0x187: {  	[sflag:s10] =	ssyncadd.s32 $0xFFFFF600  }
0x188: {  	[tilespmem:s13], [sflag:$0x1] =	stream.indirect.gather [hbm4b:s4+s12], $0x80, s3, s12, $0xb8;
	[tilespmem:$0x1D100] =	vst v63  }
0x189: {  	s9 =	rddreg [dreg:$0x5]  }
0x18a: {  	[tilespmem:s14], [sflag:$0x2] =	stream.indirect.gather [hbm4b:s4+s12], $0x80, s9, s12, $0xb8;
	[tilespmem:$0x1D100] =	vst v63  }
0x18b: {  	_ =	swait.ge [sflag:s15], $0x3E80  }
0x18c: {  	[sflag:s15] =	ssyncset.done $0x0  }
0x18d: {  	[sflag:s15] =	ssyncadd.s32 $0xFFFFC180  }
0x18e: {  	[spmem:s2] =	stream.indirect.scatter.add.f32 [tilespmem:s13], [sflag:$0x3], $0x80, s11, s12, $0xb8;
	[tilespmem:$0x1D100] =	vst v63  }
0x18f: {  	_ =	swait.ge [sflag:s10], $0x3E80  }
0x190: {  	[sflag:s10] =	ssyncset.done $0x0  }
0x191: {  	s7 =	rddreg [dreg:$0x6];
	[sflag:s10] =	ssyncadd.s32 $0xFFFFC180  }
0x192: {  	[tilespmem:s13], [sflag:$0x1] =	stream.indirect.gather [hbm4b:s4+s12], $0x80, s7, s12, $0xb8;
	[tilespmem:$0x1D100] =	vst v63  }
0x193: {  	_ =	swait.ge [sflag:s16], $0x3E80  }
0x194: {  	[sflag:s16] =	ssyncset.done $0x0  }
0x195: {  	s8 =	rddreg [dreg:$0x7];
	[sflag:s16] =	ssyncadd.s32 $0xFFFFC180  }
0x196: {  	[spmem:s2] =	stream.indirect.scatter.add.f32 [tilespmem:s14], [sflag:$0x3], $0x80, s8, s12, $0xb8;
	[tilespmem:$0x1D100] =	vst v63  }
0x197: {  	_ =	swait.ge [sflag:s10], $0x3E80  }
0x198: {  	[sflag:s10] =	ssyncset.done $0x0  }
0x199: {  	s9 =	rddreg [dreg:$0x8];
	[sflag:s10] =	ssyncadd.s32 $0xFFFFC180  }
0x19a: {  	[tilespmem:s14], [sflag:$0x2] =	stream.indirect.gather [hbm4b:s4+s12], $0x80, s9, s12, $0xb8;
	[tilespmem:$0x1D100] =	vst v63  }
0x19b: {  	_ =	swait.ge [sflag:s15], $0x3E80  }
0x19c: {  	[sflag:s15] =	ssyncset.done $0x0  }
0x19d: {  	s7 =	rddreg [dreg:$0x9];
	[sflag:s15] =	ssyncadd.s32 $0xFFFFC180  }
0x19e: {  	[spmem:s2] =	stream.indirect.scatter.add.f32 [tilespmem:s13], [sflag:$0x3], $0x80, s7, s12, $0xb8;
	[tilespmem:$0x1D100] =	vst v63  }
0x19f: {  	_ =	swait.ge [sflag:s10], $0x3E80  }
0x1a0: {  	[sflag:s10] =	ssyncset.done $0x0  }
0x1a1: {  	s8 =	rddreg [dreg:$0xa];
	[sflag:s10] =	ssyncadd.s32 $0xFFFFC180  }
0x1a2: {  	[tilespmem:s13], [sflag:$0x1] =	stream.indirect.gather [hbm4b:s4+s12], $0x80, s8, s12, $0xb8;
	[tilespmem:$0x1D100] =	vst v63  }
0x1a3: {  	_ =	swait.ge [sflag:s16], $0x3E80  }
0x1a4: {  	[sflag:s16] =	ssyncset.done $0x0  }
0x1a5: {  	s9 =	rddreg [dreg:$0xb];
	[sflag:s16] =	ssyncadd.s32 $0xFFFFC180  }
0x1a6: {  	[spmem:s2] =	stream.indirect.scatter.add.f32 [tilespmem:s14], [sflag:$0x3], $0x80, s9, s12, $0xb8;
	[tilespmem:$0x1D100] =	vst v63  }
0x1a7: {  	_ =	swait.ge [sflag:s10], $0x3E80  }
0x1a8: {  	[sflag:s10] =	ssyncset.done $0x0  }
0x1a9: {  	s7 =	rddreg [dreg:$0xc];
	[sflag:s10] =	ssyncadd.s32 $0xFFFFC180  }
0x1aa: {  	[tilespmem:s14], [sflag:$0x2] =	stream.indirect.gather [hbm4b:s4+s12], $0x80, s7, s12, $0xb8;
	[tilespmem:$0x1D100] =	vst v63  }
0x1ab: {  	_ =	swait.ge [sflag:s15], $0x3E80  }
0x1ac: {  	[sflag:s15] =	ssyncset.done $0x0  }
0x1ad: {  	s8 =	rddreg [dreg:$0xd];
	[sflag:s15] =	ssyncadd.s32 $0xFFFFC180  }
0x1ae: {  	[spmem:s2] =	stream.indirect.scatter.add.f32 [tilespmem:s13], [sflag:$0x3], $0x80, s8, s12, $0xb8;
	[tilespmem:$0x1D100] =	vst v63  }
0x1af: {  	_ =	swait.ge [sflag:s10], $0x3E80  }
0x1b0: {  	[sflag:s10] =	ssyncset.done $0x0  }
0x1b1: {  	s9 =	rddreg [dreg:$0xe];
	[sflag:s10] =	ssyncadd.s32 $0xFFFFC180  }
0x1b2: {  	[tilespmem:s13], [sflag:$0x1] =	stream.indirect.gather [hbm4b:s4+s12], $0x80, s9, s12, $0xb8;
	[tilespmem:$0x1D100] =	vst v63  }
0x1b3: {  	_ =	swait.ge [sflag:s16], $0x3E80  }
0x1b4: {  	[sflag:s16] =	ssyncset.done $0x0  }
0x1b5: {  	s7 =	rddreg [dreg:$0xf];
	[sflag:s16] =	ssyncadd.s32 $0xFFFFC180  }
0x1b6: {  	[spmem:s2] =	stream.indirect.scatter.add.f32 [tilespmem:s14], [sflag:$0x3], $0x80, s7, s12, $0xb8;
	[tilespmem:$0x1D100] =	vst v63  }
0x1b7: {  	_ =	swait.ge [sflag:s10], $0x3E80  }
0x1b8: {  	[sflag:s10] =	ssyncset.done $0x0  }
0x1b9: {  	s8 =	rddreg [dreg:$0x10];
	[sflag:s10] =	ssyncadd.s32 $0xFFFFC180  }
0x1ba: {  	[tilespmem:s14], [sflag:$0x2] =	stream.indirect.gather [hbm4b:s4+s12], $0x80, s8, s12, $0xb8;
	[tilespmem:$0x1D100] =	vst v63  }
0x1bb: {  	_ =	swait.ge [sflag:s15], $0x3E80  }
0x1bc: {  	[sflag:s15] =	ssyncset.done $0x0  }
0x1bd: {  	s9 =	rddreg [dreg:$0x11];
	[sflag:s15] =	ssyncadd.s32 $0xFFFFC180  }
0x1be: {  	[spmem:s2] =	stream.indirect.scatter.add.f32 [tilespmem:s13], [sflag:$0x3], $0x80, s9, s12, $0xb8;
	[tilespmem:$0x1D100] =	vst v63  }
0x1bf: {  	_ =	swait.ge [sflag:s10], $0x3E80  }
0x1c0: {  	[sflag:s10] =	ssyncset.done $0x0  }
0x1c1: {  	s7 =	rddreg [dreg:$0x12];
	[sflag:s10] =	ssyncadd.s32 $0xFFFFC180  }
0x1c2: {  	[tilespmem:s13], [sflag:$0x1] =	stream.indirect.gather [hbm4b:s4+s12], $0x80, s7, s12, $0xb8;
	[tilespmem:$0x1D100] =	vst v63  }
0x1c3: {  	_ =	swait.ge [sflag:s16], $0x3E80  }
0x1c4: {  	[sflag:s16] =	ssyncset.done $0x0  }
0x1c5: {  	s8 =	rddreg [dreg:$0x13];
	[sflag:s16] =	ssyncadd.s32 $0xFFFFC180  }
0x1c6: {  	[spmem:s2] =	stream.indirect.scatter.add.f32 [tilespmem:s14], [sflag:$0x3], $0x80, s8, s12, $0xb8;
	[tilespmem:$0x1D100] =	vst v63  }
0x1c7: {  	_ =	swait.ge [sflag:s10], $0x3E80  }
0x1c8: {  	[sflag:s10] =	ssyncset.done $0x0  }
0x1c9: {  	s9 =	rddreg [dreg:$0x14];
	[sflag:s10] =	ssyncadd.s32 $0xFFFFC180  }
0x1ca: {  	[tilespmem:s14], [sflag:$0x2] =	stream.indirect.gather [hbm4b:s4+s12], $0x80, s9, s12, $0xb8;
	[tilespmem:$0x1D100] =	vst v63  }
0x1cb: {  	_ =	swait.ge [sflag:s15], $0x3E80  }
0x1cc: {  	[sflag:s15] =	ssyncset.done $0x0  }
0x1cd: {  	s7 =	rddreg [dreg:$0x15];
	[sflag:s15] =	ssyncadd.s32 $0xFFFFC180  }
0x1ce: {  	[spmem:s2] =	stream.indirect.scatter.add.f32 [tilespmem:s13], [sflag:$0x3], $0x80, s7, s12, $0xb8;
	[tilespmem:$0x1D100] =	vst v63  }
0x1cf: {  	_ =	swait.ge [sflag:s10], $0x3E80  }
0x1d0: {  	[sflag:s10] =	ssyncset.done $0x0  }
0x1d1: {  	s8 =	rddreg [dreg:$0x16];
	[sflag:s10] =	ssyncadd.s32 $0xFFFFC180  }
0x1d2: {  	[tilespmem:s13], [sflag:$0x1] =	stream.indirect.gather [hbm4b:s4+s12], $0x80, s8, s12, $0xb8;
	[tilespmem:$0x1D100] =	vst v63  }
0x1d3: {  	_ =	swait.ge [sflag:s16], $0x3E80  }
0x1d4: {  	[sflag:s16] =	ssyncset.done $0x0  }
0x1d5: {  	s9 =	rddreg [dreg:$0x17];
	[sflag:s16] =	ssyncadd.s32 $0xFFFFC180  }
0x1d6: {  	[spmem:s2] =	stream.indirect.scatter.add.f32 [tilespmem:s14], [sflag:$0x3], $0x80, s9, s12, $0xb8;
	[tilespmem:$0x1D100] =	vst v63  }
0x1d7: {  	_ =	swait.ge [sflag:s10], $0x3E80  }
0x1d8: {  	[sflag:s10] =	ssyncset.done $0x0  }
0x1d9: {  	s7 =	rddreg [dreg:$0x18];
	[sflag:s10] =	ssyncadd.s32 $0xFFFFC180  }
0x1da: {  	[tilespmem:s14], [sflag:$0x2] =	stream.indirect.gather [hbm4b:s4+s12], $0x80, s7, s12, $0xb8;
	[tilespmem:$0x1D100] =	vst v63  }
0x1db: {  	_ =	swait.ge [sflag:s15], $0x3E80  }
0x1dc: {  	[sflag:s15] =	ssyncset.done $0x0  }
0x1dd: {  	s8 =	rddreg [dreg:$0x19];
	[sflag:s15] =	ssyncadd.s32 $0xFFFFC180  }
0x1de: {  	[spmem:s2] =	stream.indirect.scatter.add.f32 [tilespmem:s13], [sflag:$0x3], $0x80, s8, s12, $0xb8;
	[tilespmem:$0x1D100] =	vst v63  }
0x1df: {  	_ =	swait.ge [sflag:s10], $0x3E80  }
0x1e0: {  	[sflag:s10] =	ssyncset.done $0x0  }
0x1e1: {  	[sflag:s10] =	ssyncadd.s32 $0xFFFFC180  }
0x1e2: {  	[tilespmem:s13], [sflag:$0x1] =	stream.indirect.gather [hbm4b:s4+s12], $0x80, s17, s12, $0xb8;
	[tilespmem:$0x1D100] =	vst v63  }
0x1e3: {  	_ =	swait.ge [sflag:s16], $0x3E80  }
0x1e4: {  	[sflag:s16] =	ssyncset.done $0x0  }
0x1e5: {  	[sflag:s16] =	ssyncadd.s32 $0xFFFFC180  }
0x1e6: {  	[spmem:s2] =	stream.indirect.scatter.add.f32 [tilespmem:s14], [sflag:$0x3], $0x80, s18, s12, $0xb8;
	[tilespmem:$0x1D100] =	vst v63  }
0x1e7: {  	_ =	swait.ge [sflag:s10], $0x3E80  }
0x1e8: {  	[sflag:s10] =	ssyncset.done $0x0  }
0x1e9: {  	[sflag:s10] =	ssyncadd.s32 $0xFFFFC180  }
0x1ea: {  	[tilespmem:s14], [sflag:$0x2] =	stream.indirect.gather [hbm4b:s4+s12], $0x80, s19, s12, $0xb8;
	[tilespmem:$0x1D100] =	vst v63  }
0x1eb: {  	_ =	swait.ge [sflag:s15], $0x3E80  }
0x1ec: {  	[sflag:s15] =	ssyncset.done $0x0  }
0x1ed: {  	[sflag:s15] =	ssyncadd.s32 $0xFFFFC180  }
0x1ee: {  	[spmem:s2] =	stream.indirect.scatter.add.f32 [tilespmem:s13], [sflag:$0x3], $0x80, s20, s12, $0xb8;
	[tilespmem:$0x1D100] =	vst v63  }
0x1ef: {  	_ =	swait.ge [sflag:s10], $0x3E80  }
0x1f0: {  	[sflag:s10] =	ssyncset.done $0x0  }
0x1f1: {  	[sflag:s10] =	ssyncadd.s32 $0xFFFFC180  }
0x1f2: {  	[tilespmem:s13], [sflag:$0x1] =	stream.indirect.gather [hbm4b:s4+s12], $0x80, s21, s12, $0xb8;
	[tilespmem:$0x1D100] =	vst v63  }
0x1f3: {  	_ =	swait.ge [sflag:s16], $0x3E80  }
0x1f4: {  	[sflag:s16] =	ssyncset.done $0x0  }
0x1f5: {  	[sflag:s16] =	ssyncadd.s32 $0xFFFFC180  }
0x1f6: {  	[spmem:s2] =	stream.indirect.scatter.add.f32 [tilespmem:s14], [sflag:$0x3], $0x80, s22, s12, $0xb8;
	[tilespmem:$0x1D100] =	vst v63  }
0x1f7: {  	_ =	swait.ge [sflag:s10], $0x3E80  }
0x1f8: {  	[sflag:s10] =	ssyncset.done $0x0  }
0x1f9: {  	[sflag:s10] =	ssyncadd.s32 $0xFFFFC180  }
0x1fa: {  	[tilespmem:s14], [sflag:$0x2] =	stream.indirect.gather [hbm4b:s4+s12], $0x80, s23, s12, $0xb8;
	[tilespmem:$0x1D100] =	vst v63  }
0x1fb: {  	_ =	swait.ge [sflag:s15], $0x3E80  }
0x1fc: {  	[sflag:s15] =	ssyncset.done $0x0  }
0x1fd: {  	[sflag:s15] =	ssyncadd.s32 $0xFFFFC180  }
0x1fe: {  	[spmem:s2] =	stream.indirect.scatter.add.f32 [tilespmem:s13], [sflag:$0x3], $0x80, s24, s12, $0xb8;
	[tilespmem:$0x1D100] =	vst v63  }
0x1ff: {  	_ =	swait.ge [sflag:s10], $0x3E80  }
0x200: {  	[sflag:s10] =	ssyncset.done $0x0  }
0x201: {  	[sflag:s10] =	ssyncadd.s32 $0xFFFFC180  }
0x202: {  	[tilespmem:s13], [sflag:$0x1] =	stream.indirect.gather [hbm4b:s4+s12], $0x80, s25, s12, $0xb8;
	[tilespmem:$0x1D100] =	vst v63  }
0x203: {  	_ =	swait.ge [sflag:s16], $0x3E80  }
0x204: {  	[sflag:s16] =	ssyncset.done $0x0  }
0x205: {  	[sflag:s16] =	ssyncadd.s32 $0xFFFFC180  }
0x206: {  	[spmem:s2] =	stream.indirect.scatter.add.f32 [tilespmem:s14], [sflag:$0x3], $0x80, s26, s12, $0xb8;
	[tilespmem:$0x1D100] =	vst v63  }
0x207: {  	_ =	swait.ge [sflag:s10], $0x3E80  }
0x208: {  	[sflag:s10] =	ssyncset.done $0x0  }
0x209: {  	[sflag:s10] =	ssyncadd.s32 $0xFFFFC180  }
0x20a: {  	[tilespmem:s14], [sflag:$0x2] =	stream.indirect.gather [hbm4b:s4+s12], $0x80, s28, s12, $0xb8;
	[tilespmem:$0x1D100] =	vst v63  }
0x20b: {  	_ =	swait.ge [sflag:s15], $0x3E80  }
0x20c: {  	[sflag:s15] =	ssyncset.done $0x0  }
0x20d: {  	[sflag:s15] =	ssyncadd.s32 $0xFFFFC180  }
0x20e: {  	[spmem:s2] =	stream.indirect.scatter.add.f32 [tilespmem:s13], [sflag:$0x3], $0x80, s29, s12, $0xb8;
	[tilespmem:$0x1D100] =	vst v63  }
0x20f: {  	_ =	swait.ge [sflag:s10], $0x3E80  }
0x210: {  	[sflag:s10] =	ssyncset.done $0x0  }
0x211: {  	[sflag:s10] =	ssyncadd.s32 $0xFFFFC180  }
0x212: {  	[tilespmem:s13], [sflag:$0x1] =	stream.indirect.gather [hbm4b:s4+s12], $0x80, s30, s12, $0xb8;
	[tilespmem:$0x1D100] =	vst v63  }
0x213: {  	_ =	swait.ge [sflag:s16], $0x3E80  }
0x214: {  	[sflag:s16] =	ssyncset.done $0x0  }
0x215: {  	[sflag:s16] =	ssyncadd.s32 $0xFFFFC180  }
0x216: {  	[spmem:s2] =	stream.indirect.scatter.add.f32 [tilespmem:s14], [sflag:$0x3], $0x80, s31, s12, $0xb8;
	[tilespmem:$0x1D100] =	vst v63  }
0x217: {  	_ =	swait.ge [sflag:s10], $0x3E80  }
0x218: {  	[sflag:s10] =	ssyncset.done $0x0  }
0x219: {  	[sflag:s10] =	ssyncadd.s32 $0xFFFFC180  }
0x21a: {  	[tilespmem:s14], [sflag:$0x2] =	stream.indirect.gather [hbm4b:s4+s12], $0x80, s1, s12, $0xb8;
	[tilespmem:$0x1D100] =	vst v63  }
0x21b: {  	_ =	swait.ge [sflag:s15], $0x3E80  }
0x21c: {  	[sflag:s15] =	ssyncset.done $0x0  }
0x21d: {  	[sflag:s15] =	ssyncadd.s32 $0xFFFFC180  }
0x21e: {  	[spmem:s2] =	stream.indirect.scatter.add.f32 [tilespmem:s13], [sflag:$0x3], $0x80, s0, s12, $0xb8;
	[tilespmem:$0x1D100] =	vst v63  }
0x21f: {  	_ =	swait.ge [sflag:s10], $0x3E80  }
0x220: {  	[sflag:s10] =	ssyncset.done $0x0  }
0x221: {  	[sflag:s10] =	ssyncadd.s32 $0xFFFFC180  }
0x222: {  	_ =	swait.ge [sflag:s16], $0x3E80  }
0x223: {  	[sflag:s16] =	ssyncset.done $0x0  }
0x224: {  	[sflag:s16] =	ssyncadd.s32 $0xFFFFC180  }
0x225: {  	[spmem:s2] =	stream.indirect.scatter.add.f32 [tilespmem:s14], [sflag:$0x3], $0x80, s5, s12, $0xb8;
	[tilespmem:$0x1D100] =	vst v63  }
0x226: {  	_ =	swait.ge [sflag:s10], $0x3E80  }
0x227: {  	[sflag:s10] =	ssyncset.done $0x0  }
0x228: {  	[sflag:s10] =	ssyncadd.s32 $0xFFFFC180  }
0x229: {  	[bflag:$0x0] =	sbarrier.arrive $0xFFFF  }
0x22a: {  	s7 =	rddreg [dreg:$0x1b]  }
0x22b: {  	s9 =	rddreg [dreg:$0x1c]  }
0x22c: {  	s8 =	rddreg [dreg:$0x1e]  }
0x22d: {  	[hbm:s9], [sflag:s7] =	dma.local [spmem:s8], $0x2800  }
0x22e: {  	_ =	swait.ge [sflag:s10], $0x2800  }
0x22f: {  	s6 =	rddreg [dreg:$0x1f]  }
0x230: {  	s9 =	sadd.s32 $0x1, s6;
	s6 =	rddreg [dreg:$0x1d]  }
0x231: {  	p0 =	sne.s32 s9, s6  }
.Ltmp1:
0x232: {  	_ = 	snop;
	(pc) =	sbr.rel @p0 .LBB2_1-.Ltmp1, $3  }
0x233: {  	_ =	sdelay $0x1  }
0x234: {  	[sflag:s10] =	ssyncset.done $0x0  }
0x235: {  	[sflag:s10] =	ssyncadd.s32 $0xFFFFD800  }
0x236: {  	_ =	sfence.sel $0x180000  }
0x237: {  	[bflag:$0x0] =	sbarrier.arrive $0xFFFF  }
0x238: {  	_ =	strace $0x9000004D  }
0x239: {  	s0 =	stileid.u32;
	[bflag:$0x2] =	sbarrier.arrive $0xFFFF  }
0x23a: {  	p0 =	sne.s32 s0, $0x0;
	s0 =	rddreg [dreg:$0x2]  }
0x23b: {  	s0 =	sadd.s32 @!p0 $0x100000, s0  }
0x23c: {  	[sflag:s0] =	ssyncadd.tile.s32 @!p0 $0x1;
	_ =	shalt  }
.Lfunc_end2:
_tile_overlayer_lowered:
.L_overlay_start_2:
0x23d: {  	(tag) =	ssettag $0x2  }
0x23e: {  	s0 =	rddreg [dreg:$0x0];
	s2 =	stileid.u32  }
0x23f: {  	s1 =	rddreg [dreg:$0x1];
	p0 =	sne.s32 s2, $0x0  }
0x240: {  	s3 =	rddreg [dreg:$0x2];
	[bflag:$0x3] =	sbarrier.arrive $0xFFFF;
	s2 =	simm.s32 @!p0 $0x1C03  }
0x241: {  	[timem:s3], [sflag:s2] =	dma.local @!p0 [hbm:s0], s1  }
0x242: {  	s0 =	simm.s32 @!p0 $0x3  }
0x243: {  	_ =	swait.ge @!p0 [sflag:s0], s1  }
0x244: {  	s1 =	ssub.s32 @!p0 $0x0, s1;
	[sflag:s0] =	ssyncset.done @!p0 $0x0  }
0x245: {  	[sflag:s0] =	ssyncadd.s32 @!p0 s1  }
0x246: {  	[bflag:$0x3] =	sbarrier.arrive $0xFFFF  }
0x247: {  	_ =	shalt  }

// kernel: kernel.23.cloned.1.call-start
scs
__scs_entry_jumppad:
0x0: {  	(pc) =	sbr.rel $0x88, $3  }
0x1: {  	(tag) =	ssettag $0x0;
	lr =	simm.s32 $0x1  }
0x2: {  	[smem:$0x3F96] =	sst lr;
	_ =	strace $0xD0000000  }
0x3: {  	_ = 	snop  }
0x4: {  	_ = 	snop  }
0x5: {  	_ = 	snop  }
0x6: {  	_ = 	snop  }
0x7: {  	_ = 	snop  }
__scs_overlays_trampoline_lowered:
0x8: {  	[smem:$0x3FA5] =	sst s0  }
0x9: {  	[smem:$0x3FA6] =	sst s1  }
0xa: {  	[smem:$0x3FA7] =	sst s2  }
0xb: {  	[smem:$0x3FA8] =	sst s3  }
0xc: {  	[smem:$0x3FA9] =	sst s4  }
0xd: {  	[smem:$0x3FAA] =	sst s5  }
0xe: {  	[smem:$0x3FAB] =	sst s6  }
0xf: {  	[smem:$0x3FAC] =	sst s7  }
0x10: {  	[smem:$0x3FAD] =	sst s8  }
0x11: {  	[smem:$0x3FAE] =	sst s9;
	s0 =	simm.s32 @!p0 $0x0  }
0x12: {  	s1 =	sld [smem:$0x3F94];
	s0 =	simm.s32 @p0 $0x1  }
0x13: {  	[smem:$0x3FAF] =	sst s0;
	s0 =	simm.s32 @!p1 $0x0  }
0x14: {  	s2 =	sld [smem:$0x3F93];
	s0 =	simm.s32 @p1 $0x1  }
0x15: {  	[smem:$0x3FB0] =	sst s0;
	s0 =	simm.s32 @!p2 $0x0  }
0x16: {  	s3 =	sld [smem:$0x3FDB];
	s0 =	simm.s32 @p2 $0x1  }
0x17: {  	s4 =	simm.s32 $0x1BF5;
	[smem:$0x3FB2] =	sst s0  }
0x18: {  	s0 =	sld [smem:$0x3F95];
	_ =	swait.ge [sflag:s4], $0x0  }
0x19: {  	s7 =	sld [smem:$0x3F96]  }
0x1a: {  	s8 =	sadd.s32 $0xFFFFE003, lr  }
0x1b: {  	s9 =	sadd.s32 $0xFFFFFEF7, lr;
	s5 =	simm.s32 $0xFFFFFFFF;
	p2 =	slt.u32 s8, $0xFFFFF086  }
0x1c: {  	p1 =	slt.u32 s9, $0xF7A;
	s5 =	simm.s32 @!p2 $0x0  }
0x1d: {  	s5 =	simm.s32 @p1 $0x1;
	p0 =	seq.s32 s7, s2  }
0x1e: {  	s7 =	smul.u32 @!p0 $0xF7A, s2;
	p2 =	seq.s32 @!p0 s5, $0x0  }
0x1f: {  	s9 =	smul.u32 $0xF7A, s1;
	s8 =	simm.s32 @!p0 $0x1BF5;
	p2 =	por !p2, p0  }
0x20: {  	[sflag:s8] =	ssyncset.s32 @!p0 $0xFFFFF086;
	s6 =	sadd.s32 @!p0 s3, s7;
	s7 =	simm.s32 @!p0 $0x108  }
0x21: {  	s3 =	sadd.s32 s3, s9;
	s6 =	sadd.s32 @!p0 $0x88, s6;
	s7 =	simm.s32 @p2 $0x1082  }
0x22: {  	[simem:s7], [sflag:s8] =	dma.local @!p0 [hbm:s6], $0xF7A  }
0x23: {  	s9 =	sor.u32 $0xD0000000, s2;
	s6 =	simm.s32 $0x108;
	_ =	swait.ge @!p0 [sflag:s8], $0x0  }
0x24: {  	s3 =	sadd.s32 $0x88, s3;
	s6 =	simm.s32 @!p1 $0x1082;
	[sflag:s4] =	ssyncset.s32 $0xFFFFF086  }
0x25: {  	[simem:s6], [sflag:s4] =	dma.local [hbm:s3], $0xF7A  }
0x26: {  	[smem:$0x3F96] =	sst s1;
	(tag) =	ssettag s2;
	_ =	strace s9  }
0x27: {  	s1 =	sld [smem:$0x3FA6]  }
0x28: {  	s2 =	sld [smem:$0x3FA7]  }
0x29: {  	s4 =	sld [smem:$0x3FA9]  }
0x2a: {  	p0 =	seq.s32 s5, $0x0;
	s5 =	sld [smem:$0x3FAA]  }
0x2b: {  	s6 =	sld [smem:$0x3FAB]  }
0x2c: {  	s7 =	sld [smem:$0x3FAC]  }
0x2d: {  	s3 =	simm.s32 $0x108;
	s8 =	sld [smem:$0x3FAD]  }
0x2e: {  	s3 =	simm.s32 @!p0 $0x1082;
	s9 =	sld [smem:$0x3FAE]  }
0x2f: {  	lr =	sadd.s32 s0, s3;
	s0 =	sld [smem:$0x3FA5]  }
0x30: {  	s3 =	sld [smem:$0x3FA8]  }
0x31: {  	[smem:$0x3FB1] =	sst s10  }
0x32: {  	s10 =	sld [smem:$0x3FAF];
	_ =	sdelay $0x3  }
0x33: {  	p0 =	seq.s32 s10, $0x1;
	s10 =	sld [smem:$0x3FB1];
	_ =	sdelay $0x3  }
0x34: {  	[smem:$0x3FB1] =	sst s10  }
0x35: {  	s10 =	sld [smem:$0x3FB0];
	_ =	sdelay $0x3  }
0x36: {  	p1 =	seq.s32 s10, $0x1;
	s10 =	sld [smem:$0x3FB1];
	_ =	sdelay $0x3  }
0x37: {  	[smem:$0x3FB1] =	sst s10  }
0x38: {  	s10 =	sld [smem:$0x3FB2]  }
0x39: {  	_ = 	snop;
	(pc) =	sbr.ind lr, $3  }
0x3a: {  	_ = 	snop  }
0x3b: {  	_ = 	snop  }
0x3c: {  	p2 =	seq.s32 s10, $0x1;
	s10 =	sld [smem:$0x3FB1]  }
0x3d: {  	_ =	shalt  }
0x3e: {  	_ =	shalt  }
0x3f: {  	_ =	shalt  }
0x40: {  	_ =	shalt  }
0x41: {  	_ =	shalt  }
0x42: {  	_ =	shalt  }
0x43: {  	_ =	shalt  }
0x44: {  	_ =	shalt  }
0x45: {  	_ =	shalt  }
0x46: {  	_ =	shalt  }
0x47: {  	_ =	shalt  }
0x48: {  	_ =	shalt  }
0x49: {  	_ =	shalt  }
0x4a: {  	_ =	shalt  }
0x4b: {  	_ =	shalt  }
0x4c: {  	_ =	shalt  }
0x4d: {  	_ =	shalt  }
0x4e: {  	_ =	shalt  }
0x4f: {  	_ =	shalt  }
0x50: {  	_ =	shalt  }
0x51: {  	_ =	shalt  }
0x52: {  	_ =	shalt  }
0x53: {  	_ =	shalt  }
0x54: {  	_ =	shalt  }
0x55: {  	_ =	shalt  }
0x56: {  	_ =	shalt  }
0x57: {  	_ =	shalt  }
0x58: {  	_ =	shalt  }
0x59: {  	_ =	shalt  }
0x5a: {  	_ =	shalt  }
0x5b: {  	_ =	shalt  }
0x5c: {  	_ =	shalt  }
0x5d: {  	_ =	shalt  }
0x5e: {  	_ =	shalt  }
0x5f: {  	_ =	shalt  }
0x60: {  	_ =	shalt  }
0x61: {  	_ =	shalt  }
0x62: {  	_ =	shalt  }
0x63: {  	_ =	shalt  }
0x64: {  	_ =	shalt  }
0x65: {  	_ =	shalt  }
0x66: {  	_ =	shalt  }
0x67: {  	_ =	shalt  }
0x68: {  	_ =	shalt  }
0x69: {  	_ =	shalt  }
0x6a: {  	_ =	shalt  }
0x6b: {  	_ =	shalt  }
0x6c: {  	_ =	shalt  }
0x6d: {  	_ =	shalt  }
0x6e: {  	_ =	shalt  }
0x6f: {  	_ =	shalt  }
0x70: {  	_ =	shalt  }
0x71: {  	_ =	shalt  }
0x72: {  	_ =	shalt  }
0x73: {  	_ =	shalt  }
0x74: {  	_ =	shalt  }
0x75: {  	_ =	shalt  }
0x76: {  	_ =	shalt  }
0x77: {  	_ =	shalt  }
0x78: {  	_ =	shalt  }
0x79: {  	_ =	shalt  }
0x7a: {  	_ =	shalt  }
0x7b: {  	_ =	shalt  }
0x7c: {  	_ =	shalt  }
0x7d: {  	_ =	shalt  }
0x7e: {  	_ =	shalt  }
0x7f: {  	_ =	shalt  }
0x80: {  	_ =	shalt  }
0x81: {  	_ =	shalt  }
0x82: {  	_ =	shalt  }
0x83: {  	_ =	shalt  }
0x84: {  	_ =	shalt  }
0x85: {  	_ =	shalt  }
0x86: {  	_ =	shalt  }
0x87: {  	_ =	shalt  }
.Lfunc_end0:
.L_simem_size_0:
called_computation.3_lowered:
.L_overlay_start_0:
0x88: {  	s2 =	sld [smem:$0x3FD9]  }
0x89: {  	s3 =	sld [smem:$0x3FFE];
	_ =	sdelay $0x1  }
0x8a: {  	s1 =	srdreg.scid  }
0x8b: {  	s0 =	sand.u32 $0x1, s1  }
0x8c: {  	s16 =	sshll.u32 s0, $0xA;
	s2 =	sadd.s32 s3, s2  }
0x8d: {  	s2 =	sadd.s32 s2, s16  }
0x8e: {  	[smem:$0x3FBD] =	sst s2  }
0x8f: {  	_ = 	snop  }
0x90: {  	(tm) =	ssettm $0x1  }
0x91: {  	s17 =	sld [smem:$0x3FFB];
	_ =	sdelay $0x3  }
0x92: {  	_ =	strace s17  }
0x93: {  	s2 =	sld [smem:$0x3FFC];
	_ =	sdelay $0x3  }
0x94: {  	_ =	strace s2  }
0x95: {  	s2 =	sld [smem:$0x3FFD];
	_ =	sdelay $0x3  }
0x96: {  	_ =	strace s2  }
0x97: {  	_ =	strace $0x8FFFFFFF  }
0x98: {  	s18 =	sld [smem:$0x3FDB];
	_ =	sdelay $0x1  }
0x99: {  	s19 =	simm.s32 $_scs_section_size  }
0x9a: {  	s4 =	simm.s32 $_size__tile_overlayer_lowered;
	s5 =	simm.s32 $_tile_overlayer_lowered  }
0x9b: {  	s22 =	simm.s32 $0x1BFF;
	s21 =	sshll.u32 s5, $0x1;
	s2 =	sadd.s32 s19, s18  }
0x9c: {  	s6 =	simm.s32 $0x0;
	s20 =	sshll.u32 s4, $0x1;
	s4 =	sadd.s32 s21, s2  }
0x9d: {  	[timem:s6], [sflag:s22] =	dma.local [hbm:s4], s20  }
0x9e: {  	_ =	swait.ge [sflag:s22], s20  }
0x9f: {  	s3 =	ssub.s32 $0x0, s20;
	[sflag:s22] =	ssyncset.done $0x0  }
0xa0: {  	[sflag:s22] =	ssyncadd.s32 s3;
	_ =	sdelay $0x1  }
0xa1: {  	s23 =	simm.s32 $0x1B8B  }
0xa2: {  	_ =	swait.ge [sflag:s23], $0x1  }
0xa3: {  	[sflag:s23] =	ssyncset.done $0x0  }
0xa4: {  	s25 =	simm.s32 $0x1B8E;
	s24 =	sld [smem:$0x3FFE];
	[sflag:s23] =	ssyncadd.s32 $0xFFFFFFFF  }
0xa5: {  	s26 =	simm.s32 $execute0_lowered;
	[smem:$0x3FD2] =	sst s25  }
0xa6: {  	s4 =	sshll.u32 s26, $0x1;
	_ =	strace $0x8000004F;
	[dreg:$0x1] =	wrdreg $0xFFFFFFFF  }
0xa7: {  	s28 =	simm.s32 $_size_execute0_lowered;
	s2 =	sadd.s32 s2, s4;
	[dreg:$0x0] =	wrdreg $0x0  }
0xa8: {  	s4 =	sshll.u32 s28, $0x1;
	[dreg:$0x2] =	wrdreg s2  }
0xa9: {  	[dreg:$0x3] =	wrdreg s4  }
0xaa: {  	[dreg:$0x4] =	wrdreg $0xC0  }
0xab: {  	_ =	task [dreg:s6], $0x5FFFF  }
0xac: {  	[dreg:$0x1] =	wrdreg $0xFFFFFFFF  }
0xad: {  	[dreg:$0x0] =	wrdreg $0x60  }
0xae: {  	[dreg:$0x2] =	wrdreg s24  }
0xaf: {  	[dreg:$0x3] =	wrdreg $0x91000  }
0xb0: {  	[dreg:$0x4] =	wrdreg $0x9  }
0xb1: {  	_ =	task.clear_ibuf [dreg:s6], $0x5FFFF;
	_ =	strace $0x9000004F  }
0xb2: {  	s29 =	simm.s32 $0x9;
	_ =	strace $0x80000051  }
0xb3: {  	_ =	swait.ge [sflag:s29], $0x1  }
0xb4: {  	[sflag:s29] =	ssyncadd.s32 $0xFFFFFFFF  }
0xb5: {  	_ =	strace $0x90000051  }
0xb6: {  	_ =	sfence  }
0xb7: {  	s30 =	sld [smem:$0x0];
	_ =	sdelay $0x2  }
0xb8: {  	s31 =	sshll.u32 s1, $0xD;
	s1 =	sshrl.u32 s1, $0x2  }
0xb9: {  	s3 =	sand.u32 $0x4000, s31;
	s1 =	sadd.s32 s1, s30  }
0xba: {  	s0 =	sor.u32 s3, s0;
	s1 =	sshll.u32 s1, $0x11  }
0xbb: {  	s0 =	sor.u32 s1, s0  }
0xbc: {  	s0 =	sadd.s32 $0x8F2B, s0  }
0xbd: {  	[sflag:s0] =	ssyncadd.remote.s32 $0x1  }
0xbe: {  	_ =	sfence.sel $0xFFFF  }
0xbf: {  	[dreg:$0x0] =	wrdreg $0xFFFFFFFF;
	(pc) =	sbr.abs _section_cstart, $3  }
0xc0: {  	[dreg:$0x1] =	wrdreg $0xFFFFFFFF  }
0xc1: {  	_ =	task.clear_ibuf [dreg:s6], $0x2FFFF;
	_ =	strace $0x9FFFFFFF  }
0xc2: {  	(tm) =	ssettm $0x7FFFFFFF  }
0xc3: {  	_ =	shalt  }
tec
execute0_lowered:
.L_overlay_start_1:
0x0: {  	(tag) =	ssettag $0x1  }
0x1: {  	s0 =	srdreg.scid;
	s8 =	stileid.u32  }
0x2: {  	s0 =	sand.u32 $0x1, s0;
	s3 =	smul.u32 $0x2800, s8  }
0x3: {  	s5 =	rddreg [dreg:$0x0];
	s1 =	smul.u32 $0x28000, s0  }
0x4: {  	s2 =	rddreg [dreg:$0x1];
	s22 =	simm.s32 $0x80;
	s23 =	simm.s32 $0x100  }
0x5: {  	s24 =	simm.s32 $0xA80;
	s1 =	sadd.s32 s3, s1;
	s3 =	simm.s32 $0x0  }
0x6: {  	s25 =	simm.s32 $0x180;
	s26 =	simm.s32 $0xB00;
	[smem:$0x7FF] =	sst s3  }
0x7: {  	s10 =	simm.s32 $0xB80;
	_ =	strace $0x80000050;
	[dreg:$0x5] =	wrdreg s22  }
0x8: {  	s11 =	simm.s32 $0x280;
	s9 =	sadd.s32 $0xD200, s5;
	[dreg:$0x6] =	wrdreg s23  }
0x9: {  	s13 =	simm.s32 $0xC00;
	s14 =	simm.s32 $0x300;
	[dreg:$0x1a] =	wrdreg s9  }
0xa: {  	s15 =	simm.s32 $0xC80;
	s17 =	simm.s32 $0x380;
	[dreg:$0x7] =	wrdreg s24  }
0xb: {  	s18 =	simm.s32 $0xD00;
	s19 =	simm.s32 $0x400;
	[dreg:$0x8] =	wrdreg s25  }
0xc: {  	s20 =	simm.s32 $0xD80;
	s21 =	simm.s32 $0x480;
	[dreg:$0x9] =	wrdreg s26  }
0xd: {  	s28 =	simm.s32 $0x880;
	s29 =	simm.s32 $0x1200;
	[dreg:$0xb] =	wrdreg s10  }
0xe: {  	s30 =	simm.s32 $0x900;
	s6 =	smul.u32 $0x14000, s8;
	[dreg:$0xc] =	wrdreg s11  }
0xf: {  	s31 =	simm.s32 $0x1280;
	s7 =	smul.u32 $0x140000, s0;
	[dreg:$0xd] =	wrdreg s13  }
0x10: {  	s16 =	sshll.u32 s8, $0x6;
	s0 =	ssub.s32 $0x2, s0;
	[dreg:$0xe] =	wrdreg s14  }
0x11: {  	s12 =	sshrl.u32 s0, $0x1;
	s7 =	sadd.s32 s6, s7;
	[dreg:$0xf] =	wrdreg s15  }
0x12: {  	s0 =	ssub.s32 s0, s12;
	s6 =	sadd.s32 s6, s2;
	[dreg:$0x10] =	wrdreg s17  }
0x13: {  	s12 =	simm.s32 $0x7D;
	s0 =	smax.u32 s0, $0x1;
	[dreg:$0x11] =	wrdreg s18  }
0x14: {  	s1 =	sshrl.u32 s1, $0x3;
	s7 =	sshrl.u32 s7, $0x3;
	[dreg:$0x1d] =	wrdreg s0  }
0x15: {  	s8 =	sshrl.u32 s6, $0x3;
	s1 =	sadd.s32 s1, s5;
	[dreg:$0x12] =	wrdreg s19  }
0x16: {  	s9 =	simm.s32 $0x200;
	[dreg:$0x13] =	wrdreg s20;
	s10 =	simm.s32 $0x3  }
0x17: {  	[dreg:$0x14] =	wrdreg s21;
	s22 =	simm.s32 $0xE00;
	s11 =	simm.s32 $0xA00  }
0x18: {  	s23 =	simm.s32 $0x500;
	s24 =	simm.s32 $0xE80;
	s13 =	simm.s32 $0x1400  }
0x19: {  	s25 =	simm.s32 $0x580;
	s14 =	simm.s32 $0x5280;
	[dreg:$0x1e] =	wrdreg s8  }
0x1a: {  	s26 =	simm.s32 $0xF00;
	s15 =	simm.s32 $0x1;
	[dreg:$0xa] =	wrdreg s9  }
0x1b: {  	s17 =	simm.s32 $0x600;
	s18 =	simm.s32 $0xF80;
	[dreg:$0x15] =	wrdreg s22  }
0x1c: {  	s19 =	simm.s32 $0x680;
	s20 =	simm.s32 $0x1000;
	[dreg:$0x16] =	wrdreg s23  }
0x1d: {  	s21 =	simm.s32 $0x700;
	s0 =	simm.s32 $0x1300;
	[dreg:$0x17] =	wrdreg s24  }
0x1e: {  	s4 =	sadd.s32 $0x17800, s1;
	s1 =	sadd.s32 $0x3200, s1;
	[dreg:$0x18] =	wrdreg s25  }
0x1f: {  	[dreg:$0x19] =	wrdreg s26;
	s22 =	simm.s32 $0x1080;
	s23 =	simm.s32 $0x780  }
0x20: {  	s24 =	simm.s32 $0x1100;
	s25 =	simm.s32 $0x800;
	s26 =	simm.s32 $0x1180  }
0x21: {  	s9 =	simm.s32 $0x0;
	[dreg:$0x3] =	wrdreg s4;
	s4 =	sadd.s32 $0x21800, s5  }
0x22: {  	[dreg:$0x4] =	wrdreg s1;
	s5 =	sadd.s32 s7, s5;
	s7 =	sor.u32 $0x1C03, s16  }
0x23: {  	s16 =	simm.s32 $0x2;
	s5 =	sadd.s32 $0x49800, s5;
	[dreg:$0x1b] =	wrdreg s7  }
0x24: {  	s1 =	simm.s32 $0x980;
	[dreg:$0x1c] =	wrdreg s5;
	s5 =	simm.s32 $0x1380  }
.LBB2_1:
0x25: {  	[dreg:$0x1f] =	wrdreg s9  }
0x26: {  	s6 =	rddreg [dreg:$0x1a]  }
0x27: {  	[spmem:s8], [sflag:s7] =	dma.local [hbm:s6], $0x2800  }
0x28: {  	_ =	swait.ge [sflag:s10], $0x2800  }
0x29: {  	[sflag:s10] =	ssyncset.done $0x0  }
0x2a: {  	[sflag:s10] =	ssyncadd.s32 $0xFFFFD800  }
0x2b: {  	[bflag:$0x0] =	sbarrier.arrive $0xFFFF  }
0x2c: {  	s8 =	rddreg [dreg:$0x4]  }
0x2d: {  	s6 =	sadd.s32 $0x0, s8  }
0x2e: {  	[tilespmem:s3], [sflag:$0x3] =	stream.linear.gather [hbm4b:s6+s3], $0xA00, $0x38;
	[tilespmem:$0x1D100] =	vst v63  }
0x2f: {  	_ =	swait.ge [sflag:s10], $0xA00  }
0x30: {  	s9 =	rddreg [dreg:$0x3];
	[sflag:s10] =	ssyncset.done $0x0  }
0x31: {  	[sflag:s10] =	ssyncadd.s32 $0xFFFFF600;
	s6 =	sadd.s32 $0x0, s9  }
0x32: {  	[tilespmem:s11], [sflag:$0x3] =	stream.linear.gather [hbm4b:s6+s3], $0xA00, $0x38;
	[tilespmem:$0x1D100] =	vst v63  }
0x33: {  	_ =	swait.ge [sflag:s10], $0xA00  }
0x34: {  	[sflag:s10] =	ssyncset.done $0x0  }
0x35: {  	[sflag:s10] =	ssyncadd.s32 $0xFFFFF600  }
0x36: {  	[tilespmem:s13], [sflag:$0x1] =	stream.indirect.gather [hbm4b:s4+s12], $0x80, s3, s12, $0xb8;
	[tilespmem:$0x1D100] =	vst v63  }
0x37: {  	s7 =	rddreg [dreg:$0x5]  }
0x38: {  	[tilespmem:s14], [sflag:$0x2] =	stream.indirect.gather [hbm4b:s4+s12], $0x80, s7, s12, $0xb8;
	[tilespmem:$0x1D100] =	vst v63  }
0x39: {  	_ =	swait.ge [sflag:s15], $0x3E80  }
0x3a: {  	[sflag:s15] =	ssyncset.done $0x0  }
0x3b: {  	[sflag:s15] =	ssyncadd.s32 $0xFFFFC180  }
0x3c: {  	[spmem:s2] =	stream.indirect.scatter.add.f32 [tilespmem:s13], [sflag:$0x3], $0x80, s11, s12, $0xb8;
	[tilespmem:$0x1D100] =	vst v63  }
0x3d: {  	_ =	swait.ge [sflag:s10], $0x3E80  }
0x3e: {  	[sflag:s10] =	ssyncset.done $0x0  }
0x3f: {  	s8 =	rddreg [dreg:$0x6];
	[sflag:s10] =	ssyncadd.s32 $0xFFFFC180  }
0x40: {  	[tilespmem:s13], [sflag:$0x1] =	stream.indirect.gather [hbm4b:s4+s12], $0x80, s8, s12, $0xb8;
	[tilespmem:$0x1D100] =	vst v63  }
0x41: {  	_ =	swait.ge [sflag:s16], $0x3E80  }
0x42: {  	[sflag:s16] =	ssyncset.done $0x0  }
0x43: {  	s9 =	rddreg [dreg:$0x7];
	[sflag:s16] =	ssyncadd.s32 $0xFFFFC180  }
0x44: {  	[spmem:s2] =	stream.indirect.scatter.add.f32 [tilespmem:s14], [sflag:$0x3], $0x80, s9, s12, $0xb8;
	[tilespmem:$0x1D100] =	vst v63  }
0x45: {  	_ =	swait.ge [sflag:s10], $0x3E80  }
0x46: {  	[sflag:s10] =	ssyncset.done $0x0  }
0x47: {  	s7 =	rddreg [dreg:$0x8];
	[sflag:s10] =	ssyncadd.s32 $0xFFFFC180  }
0x48: {  	[tilespmem:s14], [sflag:$0x2] =	stream.indirect.gather [hbm4b:s4+s12], $0x80, s7, s12, $0xb8;
	[tilespmem:$0x1D100] =	vst v63  }
0x49: {  	_ =	swait.ge [sflag:s15], $0x3E80  }
0x4a: {  	[sflag:s15] =	ssyncset.done $0x0  }
0x4b: {  	s8 =	rddreg [dreg:$0x9];
	[sflag:s15] =	ssyncadd.s32 $0xFFFFC180  }
0x4c: {  	[spmem:s2] =	stream.indirect.scatter.add.f32 [tilespmem:s13], [sflag:$0x3], $0x80, s8, s12, $0xb8;
	[tilespmem:$0x1D100] =	vst v63  }
0x4d: {  	_ =	swait.ge [sflag:s10], $0x3E80  }
0x4e: {  	[sflag:s10] =	ssyncset.done $0x0  }
0x4f: {  	s9 =	rddreg [dreg:$0xa];
	[sflag:s10] =	ssyncadd.s32 $0xFFFFC180  }
0x50: {  	[tilespmem:s13], [sflag:$0x1] =	stream.indirect.gather [hbm4b:s4+s12], $0x80, s9, s12, $0xb8;
	[tilespmem:$0x1D100] =	vst v63  }
0x51: {  	_ =	swait.ge [sflag:s16], $0x3E80  }
0x52: {  	[sflag:s16] =	ssyncset.done $0x0  }
0x53: {  	s7 =	rddreg [dreg:$0xb];
	[sflag:s16] =	ssyncadd.s32 $0xFFFFC180  }
0x54: {  	[spmem:s2] =	stream.indirect.scatter.add.f32 [tilespmem:s14], [sflag:$0x3], $0x80, s7, s12, $0xb8;
	[tilespmem:$0x1D100] =	vst v63  }
0x55: {  	_ =	swait.ge [sflag:s10], $0x3E80  }
0x56: {  	[sflag:s10] =	ssyncset.done $0x0  }
0x57: {  	s8 =	rddreg [dreg:$0xc];
	[sflag:s10] =	ssyncadd.s32 $0xFFFFC180  }
0x58: {  	[tilespmem:s14], [sflag:$0x2] =	stream.indirect.gather [hbm4b:s4+s12], $0x80, s8, s12, $0xb8;
	[tilespmem:$0x1D100] =	vst v63  }
0x59: {  	_ =	swait.ge [sflag:s15], $0x3E80  }
0x5a: {  	[sflag:s15] =	ssyncset.done $0x0  }
0x5b: {  	s9 =	rddreg [dreg:$0xd];
	[sflag:s15] =	ssyncadd.s32 $0xFFFFC180  }
0x5c: {  	[spmem:s2] =	stream.indirect.scatter.add.f32 [tilespmem:s13], [sflag:$0x3], $0x80, s9, s12, $0xb8;
	[tilespmem:$0x1D100] =	vst v63  }
0x5d: {  	_ =	swait.ge [sflag:s10], $0x3E80  }
0x5e: {  	[sflag:s10] =	ssyncset.done $0x0  }
0x5f: {  	s7 =	rddreg [dreg:$0xe];
	[sflag:s10] =	ssyncadd.s32 $0xFFFFC180  }
0x60: {  	[tilespmem:s13], [sflag:$0x1] =	stream.indirect.gather [hbm4b:s4+s12], $0x80, s7, s12, $0xb8;
	[tilespmem:$0x1D100] =	vst v63  }
0x61: {  	_ =	swait.ge [sflag:s16], $0x3E80  }
0x62: {  	[sflag:s16] =	ssyncset.done $0x0  }
0x63: {  	s8 =	rddreg [dreg:$0xf];
	[sflag:s16] =	ssyncadd.s32 $0xFFFFC180  }
0x64: {  	[spmem:s2] =	stream.indirect.scatter.add.f32 [tilespmem:s14], [sflag:$0x3], $0x80, s8, s12, $0xb8;
	[tilespmem:$0x1D100] =	vst v63  }
0x65: {  	_ =	swait.ge [sflag:s10], $0x3E80  }
0x66: {  	[sflag:s10] =	ssyncset.done $0x0  }
0x67: {  	s9 =	rddreg [dreg:$0x10];
	[sflag:s10] =	ssyncadd.s32 $0xFFFFC180  }
0x68: {  	[tilespmem:s14], [sflag:$0x2] =	stream.indirect.gather [hbm4b:s4+s12], $0x80, s9, s12, $0xb8;
	[tilespmem:$0x1D100] =	vst v63  }
0x69: {  	_ =	swait.ge [sflag:s15], $0x3E80  }
0x6a: {  	[sflag:s15] =	ssyncset.done $0x0  }
0x6b: {  	s7 =	rddreg [dreg:$0x11];
	[sflag:s15] =	ssyncadd.s32 $0xFFFFC180  }
0x6c: {  	[spmem:s2] =	stream.indirect.scatter.add.f32 [tilespmem:s13], [sflag:$0x3], $0x80, s7, s12, $0xb8;
	[tilespmem:$0x1D100] =	vst v63  }
0x6d: {  	_ =	swait.ge [sflag:s10], $0x3E80  }
0x6e: {  	[sflag:s10] =	ssyncset.done $0x0  }
0x6f: {  	s8 =	rddreg [dreg:$0x12];
	[sflag:s10] =	ssyncadd.s32 $0xFFFFC180  }
0x70: {  	[tilespmem:s13], [sflag:$0x1] =	stream.indirect.gather [hbm4b:s4+s12], $0x80, s8, s12, $0xb8;
	[tilespmem:$0x1D100] =	vst v63  }
0x71: {  	_ =	swait.ge [sflag:s16], $0x3E80  }
0x72: {  	[sflag:s16] =	ssyncset.done $0x0  }
0x73: {  	s9 =	rddreg [dreg:$0x13];
	[sflag:s16] =	ssyncadd.s32 $0xFFFFC180  }
0x74: {  	[spmem:s2] =	stream.indirect.scatter.add.f32 [tilespmem:s14], [sflag:$0x3], $0x80, s9, s12, $0xb8;
	[tilespmem:$0x1D100] =	vst v63  }
0x75: {  	_ =	swait.ge [sflag:s10], $0x3E80  }
0x76: {  	[sflag:s10] =	ssyncset.done $0x0  }
0x77: {  	s7 =	rddreg [dreg:$0x14];
	[sflag:s10] =	ssyncadd.s32 $0xFFFFC180  }
0x78: {  	[tilespmem:s14], [sflag:$0x2] =	stream.indirect.gather [hbm4b:s4+s12], $0x80, s7, s12, $0xb8;
	[tilespmem:$0x1D100] =	vst v63  }
0x79: {  	_ =	swait.ge [sflag:s15], $0x3E80  }
0x7a: {  	[sflag:s15] =	ssyncset.done $0x0  }
0x7b: {  	s8 =	rddreg [dreg:$0x15];
	[sflag:s15] =	ssyncadd.s32 $0xFFFFC180  }
0x7c: {  	[spmem:s2] =	stream.indirect.scatter.add.f32 [tilespmem:s13], [sflag:$0x3], $0x80, s8, s12, $0xb8;
	[tilespmem:$0x1D100] =	vst v63  }
0x7d: {  	_ =	swait.ge [sflag:s10], $0x3E80  }
0x7e: {  	[sflag:s10] =	ssyncset.done $0x0  }
0x7f: {  	s9 =	rddreg [dreg:$0x16];
	[sflag:s10] =	ssyncadd.s32 $0xFFFFC180  }
0x80: {  	[tilespmem:s13], [sflag:$0x1] =	stream.indirect.gather [hbm4b:s4+s12], $0x80, s9, s12, $0xb8;
	[tilespmem:$0x1D100] =	vst v63  }
0x81: {  	_ =	swait.ge [sflag:s16], $0x3E80  }
0x82: {  	[sflag:s16] =	ssyncset.done $0x0  }
0x83: {  	s7 =	rddreg [dreg:$0x17];
	[sflag:s16] =	ssyncadd.s32 $0xFFFFC180  }
0x84: {  	[spmem:s2] =	stream.indirect.scatter.add.f32 [tilespmem:s14], [sflag:$0x3], $0x80, s7, s12, $0xb8;
	[tilespmem:$0x1D100] =	vst v63  }
0x85: {  	_ =	swait.ge [sflag:s10], $0x3E80  }
0x86: {  	[sflag:s10] =	ssyncset.done $0x0  }
0x87: {  	s8 =	rddreg [dreg:$0x18];
	[sflag:s10] =	ssyncadd.s32 $0xFFFFC180  }
0x88: {  	[tilespmem:s14], [sflag:$0x2] =	stream.indirect.gather [hbm4b:s4+s12], $0x80, s8, s12, $0xb8;
	[tilespmem:$0x1D100] =	vst v63  }
0x89: {  	_ =	swait.ge [sflag:s15], $0x3E80  }
0x8a: {  	[sflag:s15] =	ssyncset.done $0x0  }
0x8b: {  	s9 =	rddreg [dreg:$0x19];
	[sflag:s15] =	ssyncadd.s32 $0xFFFFC180  }
0x8c: {  	[spmem:s2] =	stream.indirect.scatter.add.f32 [tilespmem:s13], [sflag:$0x3], $0x80, s9, s12, $0xb8;
	[tilespmem:$0x1D100] =	vst v63  }
0x8d: {  	_ =	swait.ge [sflag:s10], $0x3E80  }
0x8e: {  	[sflag:s10] =	ssyncset.done $0x0  }
0x8f: {  	[sflag:s10] =	ssyncadd.s32 $0xFFFFC180  }
0x90: {  	[tilespmem:s13], [sflag:$0x1] =	stream.indirect.gather [hbm4b:s4+s12], $0x80, s17, s12, $0xb8;
	[tilespmem:$0x1D100] =	vst v63  }
0x91: {  	_ =	swait.ge [sflag:s16], $0x3E80  }
0x92: {  	[sflag:s16] =	ssyncset.done $0x0  }
0x93: {  	[sflag:s16] =	ssyncadd.s32 $0xFFFFC180  }
0x94: {  	[spmem:s2] =	stream.indirect.scatter.add.f32 [tilespmem:s14], [sflag:$0x3], $0x80, s18, s12, $0xb8;
	[tilespmem:$0x1D100] =	vst v63  }
0x95: {  	_ =	swait.ge [sflag:s10], $0x3E80  }
0x96: {  	[sflag:s10] =	ssyncset.done $0x0  }
0x97: {  	[sflag:s10] =	ssyncadd.s32 $0xFFFFC180  }
0x98: {  	[tilespmem:s14], [sflag:$0x2] =	stream.indirect.gather [hbm4b:s4+s12], $0x80, s19, s12, $0xb8;
	[tilespmem:$0x1D100] =	vst v63  }
0x99: {  	_ =	swait.ge [sflag:s15], $0x3E80  }
0x9a: {  	[sflag:s15] =	ssyncset.done $0x0  }
0x9b: {  	[sflag:s15] =	ssyncadd.s32 $0xFFFFC180  }
0x9c: {  	[spmem:s2] =	stream.indirect.scatter.add.f32 [tilespmem:s13], [sflag:$0x3], $0x80, s20, s12, $0xb8;
	[tilespmem:$0x1D100] =	vst v63  }
0x9d: {  	_ =	swait.ge [sflag:s10], $0x3E80  }
0x9e: {  	[sflag:s10] =	ssyncset.done $0x0  }
0x9f: {  	[sflag:s10] =	ssyncadd.s32 $0xFFFFC180  }
0xa0: {  	[tilespmem:s13], [sflag:$0x1] =	stream.indirect.gather [hbm4b:s4+s12], $0x80, s21, s12, $0xb8;
	[tilespmem:$0x1D100] =	vst v63  }
0xa1: {  	_ =	swait.ge [sflag:s16], $0x3E80  }
0xa2: {  	[sflag:s16] =	ssyncset.done $0x0  }
0xa3: {  	[sflag:s16] =	ssyncadd.s32 $0xFFFFC180  }
0xa4: {  	[spmem:s2] =	stream.indirect.scatter.add.f32 [tilespmem:s14], [sflag:$0x3], $0x80, s22, s12, $0xb8;
	[tilespmem:$0x1D100] =	vst v63  }
0xa5: {  	_ =	swait.ge [sflag:s10], $0x3E80  }
0xa6: {  	[sflag:s10] =	ssyncset.done $0x0  }
0xa7: {  	[sflag:s10] =	ssyncadd.s32 $0xFFFFC180  }
0xa8: {  	[tilespmem:s14], [sflag:$0x2] =	stream.indirect.gather [hbm4b:s4+s12], $0x80, s23, s12, $0xb8;
	[tilespmem:$0x1D100] =	vst v63  }
0xa9: {  	_ =	swait.ge [sflag:s15], $0x3E80  }
0xaa: {  	[sflag:s15] =	ssyncset.done $0x0  }
0xab: {  	[sflag:s15] =	ssyncadd.s32 $0xFFFFC180  }
0xac: {  	[spmem:s2] =	stream.indirect.scatter.add.f32 [tilespmem:s13], [sflag:$0x3], $0x80, s24, s12, $0xb8;
	[tilespmem:$0x1D100] =	vst v63  }
0xad: {  	_ =	swait.ge [sflag:s10], $0x3E80  }
0xae: {  	[sflag:s10] =	ssyncset.done $0x0  }
0xaf: {  	[sflag:s10] =	ssyncadd.s32 $0xFFFFC180  }
0xb0: {  	[tilespmem:s13], [sflag:$0x1] =	stream.indirect.gather [hbm4b:s4+s12], $0x80, s25, s12, $0xb8;
	[tilespmem:$0x1D100] =	vst v63  }
0xb1: {  	_ =	swait.ge [sflag:s16], $0x3E80  }
0xb2: {  	[sflag:s16] =	ssyncset.done $0x0  }
0xb3: {  	[sflag:s16] =	ssyncadd.s32 $0xFFFFC180  }
0xb4: {  	[spmem:s2] =	stream.indirect.scatter.add.f32 [tilespmem:s14], [sflag:$0x3], $0x80, s26, s12, $0xb8;
	[tilespmem:$0x1D100] =	vst v63  }
0xb5: {  	_ =	swait.ge [sflag:s10], $0x3E80  }
0xb6: {  	[sflag:s10] =	ssyncset.done $0x0  }
0xb7: {  	[sflag:s10] =	ssyncadd.s32 $0xFFFFC180  }
0xb8: {  	[tilespmem:s14], [sflag:$0x2] =	stream.indirect.gather [hbm4b:s4+s12], $0x80, s28, s12, $0xb8;
	[tilespmem:$0x1D100] =	vst v63  }
0xb9: {  	_ =	swait.ge [sflag:s15], $0x3E80  }
0xba: {  	[sflag:s15] =	ssyncset.done $0x0  }
0xbb: {  	[sflag:s15] =	ssyncadd.s32 $0xFFFFC180  }
0xbc: {  	[spmem:s2] =	stream.indirect.scatter.add.f32 [tilespmem:s13], [sflag:$0x3], $0x80, s29, s12, $0xb8;
	[tilespmem:$0x1D100] =	vst v63  }
0xbd: {  	_ =	swait.ge [sflag:s10], $0x3E80  }
0xbe: {  	[sflag:s10] =	ssyncset.done $0x0  }
0xbf: {  	[sflag:s10] =	ssyncadd.s32 $0xFFFFC180  }
0xc0: {  	[tilespmem:s13], [sflag:$0x1] =	stream.indirect.gather [hbm4b:s4+s12], $0x80, s30, s12, $0xb8;
	[tilespmem:$0x1D100] =	vst v63  }
0xc1: {  	_ =	swait.ge [sflag:s16], $0x3E80  }
0xc2: {  	[sflag:s16] =	ssyncset.done $0x0  }
0xc3: {  	[sflag:s16] =	ssyncadd.s32 $0xFFFFC180  }
0xc4: {  	[spmem:s2] =	stream.indirect.scatter.add.f32 [tilespmem:s14], [sflag:$0x3], $0x80, s31, s12, $0xb8;
	[tilespmem:$0x1D100] =	vst v63  }
0xc5: {  	_ =	swait.ge [sflag:s10], $0x3E80  }
0xc6: {  	[sflag:s10] =	ssyncset.done $0x0  }
0xc7: {  	[sflag:s10] =	ssyncadd.s32 $0xFFFFC180  }
0xc8: {  	[tilespmem:s14], [sflag:$0x2] =	stream.indirect.gather [hbm4b:s4+s12], $0x80, s1, s12, $0xb8;
	[tilespmem:$0x1D100] =	vst v63  }
0xc9: {  	_ =	swait.ge [sflag:s15], $0x3E80  }
0xca: {  	[sflag:s15] =	ssyncset.done $0x0  }
0xcb: {  	[sflag:s15] =	ssyncadd.s32 $0xFFFFC180  }
0xcc: {  	[spmem:s2] =	stream.indirect.scatter.add.f32 [tilespmem:s13], [sflag:$0x3], $0x80, s0, s12, $0xb8;
	[tilespmem:$0x1D100] =	vst v63  }
0xcd: {  	_ =	swait.ge [sflag:s10], $0x3E80  }
0xce: {  	[sflag:s10] =	ssyncset.done $0x0  }
0xcf: {  	[sflag:s10] =	ssyncadd.s32 $0xFFFFC180  }
0xd0: {  	_ =	swait.ge [sflag:s16], $0x3E80  }
0xd1: {  	[sflag:s16] =	ssyncset.done $0x0  }
0xd2: {  	[sflag:s16] =	ssyncadd.s32 $0xFFFFC180  }
0xd3: {  	[spmem:s2] =	stream.indirect.scatter.add.f32 [tilespmem:s14], [sflag:$0x3], $0x80, s5, s12, $0xb8;
	[tilespmem:$0x1D100] =	vst v63  }
0xd4: {  	s6 =	simm.s32 $0x280;
	_ =	swait.ge [sflag:s10], $0x3E80  }
0xd5: {  	s8 =	simm.s32 $0x140;
	s9 =	rddreg [dreg:$0x4];
	[sflag:s10] =	ssyncset.done $0x0  }
.LBB2_2:
0xd6: {  	[sflag:s10] =	ssyncadd.s32 $0xFFFFC180;
	s9 =	sadd.s32 s8, s9  }
0xd7: {  	[tilespmem:s3], [sflag:$0x3] =	stream.linear.gather [hbm4b:s9+s3], $0xA00, $0x38;
	[tilespmem:$0x1D100] =	vst v63  }
0xd8: {  	_ =	swait.ge [sflag:s10], $0xA00  }
0xd9: {  	s9 =	rddreg [dreg:$0x3];
	[sflag:s10] =	ssyncset.done $0x0  }
0xda: {  	[sflag:s10] =	ssyncadd.s32 $0xFFFFF600;
	s9 =	sadd.s32 s8, s9  }
0xdb: {  	[tilespmem:s11], [sflag:$0x3] =	stream.linear.gather [hbm4b:s9+s3], $0xA00, $0x38;
	[tilespmem:$0x1D100] =	vst v63  }
0xdc: {  	_ =	swait.ge [sflag:s10], $0xA00  }
0xdd: {  	[sflag:s10] =	ssyncset.done $0x0  }
0xde: {  	[sflag:s10] =	ssyncadd.s32 $0xFFFFF600  }
0xdf: {  	[tilespmem:s13], [sflag:$0x1] =	stream.indirect.gather [hbm4b:s4+s12], $0x80, s3, s12, $0xb8;
	[tilespmem:$0x1D100] =	vst v63  }
0xe0: {  	s9 =	rddreg [dreg:$0x5]  }
0xe1: {  	[tilespmem:s14], [sflag:$0x2] =	stream.indirect.gather [hbm4b:s4+s12], $0x80, s9, s12, $0xb8;
	[tilespmem:$0x1D100] =	vst v63  }
0xe2: {  	_ =	swait.ge [sflag:s15], $0x3E80  }
0xe3: {  	[sflag:s15] =	ssyncset.done $0x0  }
0xe4: {  	[sflag:s15] =	ssyncadd.s32 $0xFFFFC180  }
0xe5: {  	[spmem:s2] =	stream.indirect.scatter.add.f32 [tilespmem:s13], [sflag:$0x3], $0x80, s11, s12, $0xb8;
	[tilespmem:$0x1D100] =	vst v63  }
0xe6: {  	_ =	swait.ge [sflag:s10], $0x3E80  }
0xe7: {  	[sflag:s10] =	ssyncset.done $0x0  }
0xe8: {  	s9 =	rddreg [dreg:$0x6];
	[sflag:s10] =	ssyncadd.s32 $0xFFFFC180  }
0xe9: {  	[tilespmem:s13], [sflag:$0x1] =	stream.indirect.gather [hbm4b:s4+s12], $0x80, s9, s12, $0xb8;
	[tilespmem:$0x1D100] =	vst v63  }
0xea: {  	_ =	swait.ge [sflag:s16], $0x3E80  }
0xeb: {  	[sflag:s16] =	ssyncset.done $0x0  }
0xec: {  	s9 =	rddreg [dreg:$0x7];
	[sflag:s16] =	ssyncadd.s32 $0xFFFFC180  }
0xed: {  	[spmem:s2] =	stream.indirect.scatter.add.f32 [tilespmem:s14], [sflag:$0x3], $0x80, s9, s12, $0xb8;
	[tilespmem:$0x1D100] =	vst v63  }
0xee: {  	_ =	swait.ge [sflag:s10], $0x3E80  }
0xef: {  	[sflag:s10] =	ssyncset.done $0x0  }
0xf0: {  	s9 =	rddreg [dreg:$0x8];
	[sflag:s10] =	ssyncadd.s32 $0xFFFFC180  }
0xf1: {  	[tilespmem:s14], [sflag:$0x2] =	stream.indirect.gather [hbm4b:s4+s12], $0x80, s9, s12, $0xb8;
	[tilespmem:$0x1D100] =	vst v63  }
0xf2: {  	_ =	swait.ge [sflag:s15], $0x3E80  }
0xf3: {  	[sflag:s15] =	ssyncset.done $0x0  }
0xf4: {  	s9 =	rddreg [dreg:$0x9];
	[sflag:s15] =	ssyncadd.s32 $0xFFFFC180  }
0xf5: {  	[spmem:s2] =	stream.indirect.scatter.add.f32 [tilespmem:s13], [sflag:$0x3], $0x80, s9, s12, $0xb8;
	[tilespmem:$0x1D100] =	vst v63  }
0xf6: {  	_ =	swait.ge [sflag:s10], $0x3E80  }
0xf7: {  	[sflag:s10] =	ssyncset.done $0x0  }
0xf8: {  	s9 =	rddreg [dreg:$0xa];
	[sflag:s10] =	ssyncadd.s32 $0xFFFFC180  }
0xf9: {  	[tilespmem:s13], [sflag:$0x1] =	stream.indirect.gather [hbm4b:s4+s12], $0x80, s9, s12, $0xb8;
	[tilespmem:$0x1D100] =	vst v63  }
0xfa: {  	_ =	swait.ge [sflag:s16], $0x3E80  }
0xfb: {  	[sflag:s16] =	ssyncset.done $0x0  }
0xfc: {  	s9 =	rddreg [dreg:$0xb];
	[sflag:s16] =	ssyncadd.s32 $0xFFFFC180  }
0xfd: {  	[spmem:s2] =	stream.indirect.scatter.add.f32 [tilespmem:s14], [sflag:$0x3], $0x80, s9, s12, $0xb8;
	[tilespmem:$0x1D100] =	vst v63  }
0xfe: {  	_ =	swait.ge [sflag:s10], $0x3E80  }
0xff: {  	[sflag:s10] =	ssyncset.done $0x0  }
0x100: {  	s9 =	rddreg [dreg:$0xc];
	[sflag:s10] =	ssyncadd.s32 $0xFFFFC180  }
0x101: {  	[tilespmem:s14], [sflag:$0x2] =	stream.indirect.gather [hbm4b:s4+s12], $0x80, s9, s12, $0xb8;
	[tilespmem:$0x1D100] =	vst v63  }
0x102: {  	_ =	swait.ge [sflag:s15], $0x3E80  }
0x103: {  	[sflag:s15] =	ssyncset.done $0x0  }
0x104: {  	s9 =	rddreg [dreg:$0xd];
	[sflag:s15] =	ssyncadd.s32 $0xFFFFC180  }
0x105: {  	[spmem:s2] =	stream.indirect.scatter.add.f32 [tilespmem:s13], [sflag:$0x3], $0x80, s9, s12, $0xb8;
	[tilespmem:$0x1D100] =	vst v63  }
0x106: {  	_ =	swait.ge [sflag:s10], $0x3E80  }
0x107: {  	[sflag:s10] =	ssyncset.done $0x0  }
0x108: {  	s9 =	rddreg [dreg:$0xe];
	[sflag:s10] =	ssyncadd.s32 $0xFFFFC180  }
0x109: {  	[tilespmem:s13], [sflag:$0x1] =	stream.indirect.gather [hbm4b:s4+s12], $0x80, s9, s12, $0xb8;
	[tilespmem:$0x1D100] =	vst v63  }
0x10a: {  	_ =	swait.ge [sflag:s16], $0x3E80  }
0x10b: {  	[sflag:s16] =	ssyncset.done $0x0  }
0x10c: {  	s9 =	rddreg [dreg:$0xf];
	[sflag:s16] =	ssyncadd.s32 $0xFFFFC180  }
0x10d: {  	[spmem:s2] =	stream.indirect.scatter.add.f32 [tilespmem:s14], [sflag:$0x3], $0x80, s9, s12, $0xb8;
	[tilespmem:$0x1D100] =	vst v63  }
0x10e: {  	_ =	swait.ge [sflag:s10], $0x3E80  }
0x10f: {  	[sflag:s10] =	ssyncset.done $0x0  }
0x110: {  	s9 =	rddreg [dreg:$0x10];
	[sflag:s10] =	ssyncadd.s32 $0xFFFFC180  }
0x111: {  	[tilespmem:s14], [sflag:$0x2] =	stream.indirect.gather [hbm4b:s4+s12], $0x80, s9, s12, $0xb8;
	[tilespmem:$0x1D100] =	vst v63  }
0x112: {  	_ =	swait.ge [sflag:s15], $0x3E80  }
0x113: {  	[sflag:s15] =	ssyncset.done $0x0  }
0x114: {  	s9 =	rddreg [dreg:$0x11];
	[sflag:s15] =	ssyncadd.s32 $0xFFFFC180  }
0x115: {  	[spmem:s2] =	stream.indirect.scatter.add.f32 [tilespmem:s13], [sflag:$0x3], $0x80, s9, s12, $0xb8;
	[tilespmem:$0x1D100] =	vst v63  }
0x116: {  	_ =	swait.ge [sflag:s10], $0x3E80  }
0x117: {  	[sflag:s10] =	ssyncset.done $0x0  }
0x118: {  	s9 =	rddreg [dreg:$0x12];
	[sflag:s10] =	ssyncadd.s32 $0xFFFFC180  }
0x119: {  	[tilespmem:s13], [sflag:$0x1] =	stream.indirect.gather [hbm4b:s4+s12], $0x80, s9, s12, $0xb8;
	[tilespmem:$0x1D100] =	vst v63  }
0x11a: {  	_ =	swait.ge [sflag:s16], $0x3E80  }
0x11b: {  	[sflag:s16] =	ssyncset.done $0x0  }
0x11c: {  	s9 =	rddreg [dreg:$0x13];
	[sflag:s16] =	ssyncadd.s32 $0xFFFFC180  }
0x11d: {  	[spmem:s2] =	stream.indirect.scatter.add.f32 [tilespmem:s14], [sflag:$0x3], $0x80, s9, s12, $0xb8;
	[tilespmem:$0x1D100] =	vst v63  }
0x11e: {  	_ =	swait.ge [sflag:s10], $0x3E80  }
0x11f: {  	[sflag:s10] =	ssyncset.done $0x0  }
0x120: {  	s9 =	rddreg [dreg:$0x14];
	[sflag:s10] =	ssyncadd.s32 $0xFFFFC180  }
0x121: {  	[tilespmem:s14], [sflag:$0x2] =	stream.indirect.gather [hbm4b:s4+s12], $0x80, s9, s12, $0xb8;
	[tilespmem:$0x1D100] =	vst v63  }
0x122: {  	_ =	swait.ge [sflag:s15], $0x3E80  }
0x123: {  	[sflag:s15] =	ssyncset.done $0x0  }
0x124: {  	s9 =	rddreg [dreg:$0x15];
	[sflag:s15] =	ssyncadd.s32 $0xFFFFC180  }
0x125: {  	[spmem:s2] =	stream.indirect.scatter.add.f32 [tilespmem:s13], [sflag:$0x3], $0x80, s9, s12, $0xb8;
	[tilespmem:$0x1D100] =	vst v63  }
0x126: {  	_ =	swait.ge [sflag:s10], $0x3E80  }
0x127: {  	[sflag:s10] =	ssyncset.done $0x0  }
0x128: {  	s9 =	rddreg [dreg:$0x16];
	[sflag:s10] =	ssyncadd.s32 $0xFFFFC180  }
0x129: {  	[tilespmem:s13], [sflag:$0x1] =	stream.indirect.gather [hbm4b:s4+s12], $0x80, s9, s12, $0xb8;
	[tilespmem:$0x1D100] =	vst v63  }
0x12a: {  	_ =	swait.ge [sflag:s16], $0x3E80  }
0x12b: {  	[sflag:s16] =	ssyncset.done $0x0  }
0x12c: {  	s9 =	rddreg [dreg:$0x17];
	[sflag:s16] =	ssyncadd.s32 $0xFFFFC180  }
0x12d: {  	[spmem:s2] =	stream.indirect.scatter.add.f32 [tilespmem:s14], [sflag:$0x3], $0x80, s9, s12, $0xb8;
	[tilespmem:$0x1D100] =	vst v63  }
0x12e: {  	_ =	swait.ge [sflag:s10], $0x3E80  }
0x12f: {  	[sflag:s10] =	ssyncset.done $0x0  }
0x130: {  	s9 =	rddreg [dreg:$0x18];
	[sflag:s10] =	ssyncadd.s32 $0xFFFFC180  }
0x131: {  	[tilespmem:s14], [sflag:$0x2] =	stream.indirect.gather [hbm4b:s4+s12], $0x80, s9, s12, $0xb8;
	[tilespmem:$0x1D100] =	vst v63  }
0x132: {  	_ =	swait.ge [sflag:s15], $0x3E80  }
0x133: {  	[sflag:s15] =	ssyncset.done $0x0  }
0x134: {  	s9 =	rddreg [dreg:$0x19];
	[sflag:s15] =	ssyncadd.s32 $0xFFFFC180  }
0x135: {  	[spmem:s2] =	stream.indirect.scatter.add.f32 [tilespmem:s13], [sflag:$0x3], $0x80, s9, s12, $0xb8;
	[tilespmem:$0x1D100] =	vst v63  }
0x136: {  	_ =	swait.ge [sflag:s10], $0x3E80  }
0x137: {  	[sflag:s10] =	ssyncset.done $0x0  }
0x138: {  	[sflag:s10] =	ssyncadd.s32 $0xFFFFC180  }
0x139: {  	[tilespmem:s13], [sflag:$0x1] =	stream.indirect.gather [hbm4b:s4+s12], $0x80, s17, s12, $0xb8;
	[tilespmem:$0x1D100] =	vst v63  }
0x13a: {  	_ =	swait.ge [sflag:s16], $0x3E80  }
0x13b: {  	[sflag:s16] =	ssyncset.done $0x0  }
0x13c: {  	[sflag:s16] =	ssyncadd.s32 $0xFFFFC180  }
0x13d: {  	[spmem:s2] =	stream.indirect.scatter.add.f32 [tilespmem:s14], [sflag:$0x3], $0x80, s18, s12, $0xb8;
	[tilespmem:$0x1D100] =	vst v63  }
0x13e: {  	_ =	swait.ge [sflag:s10], $0x3E80  }
0x13f: {  	[sflag:s10] =	ssyncset.done $0x0  }
0x140: {  	[sflag:s10] =	ssyncadd.s32 $0xFFFFC180  }
0x141: {  	[tilespmem:s14], [sflag:$0x2] =	stream.indirect.gather [hbm4b:s4+s12], $0x80, s19, s12, $0xb8;
	[tilespmem:$0x1D100] =	vst v63  }
0x142: {  	_ =	swait.ge [sflag:s15], $0x3E80  }
0x143: {  	[sflag:s15] =	ssyncset.done $0x0  }
0x144: {  	[sflag:s15] =	ssyncadd.s32 $0xFFFFC180  }
0x145: {  	[spmem:s2] =	stream.indirect.scatter.add.f32 [tilespmem:s13], [sflag:$0x3], $0x80, s20, s12, $0xb8;
	[tilespmem:$0x1D100] =	vst v63  }
0x146: {  	_ =	swait.ge [sflag:s10], $0x3E80  }
0x147: {  	[sflag:s10] =	ssyncset.done $0x0  }
0x148: {  	[sflag:s10] =	ssyncadd.s32 $0xFFFFC180  }
0x149: {  	[tilespmem:s13], [sflag:$0x1] =	stream.indirect.gather [hbm4b:s4+s12], $0x80, s21, s12, $0xb8;
	[tilespmem:$0x1D100] =	vst v63  }
0x14a: {  	_ =	swait.ge [sflag:s16], $0x3E80  }
0x14b: {  	[sflag:s16] =	ssyncset.done $0x0  }
0x14c: {  	[sflag:s16] =	ssyncadd.s32 $0xFFFFC180  }
0x14d: {  	[spmem:s2] =	stream.indirect.scatter.add.f32 [tilespmem:s14], [sflag:$0x3], $0x80, s22, s12, $0xb8;
	[tilespmem:$0x1D100] =	vst v63  }
0x14e: {  	_ =	swait.ge [sflag:s10], $0x3E80  }
0x14f: {  	[sflag:s10] =	ssyncset.done $0x0  }
0x150: {  	[sflag:s10] =	ssyncadd.s32 $0xFFFFC180  }
0x151: {  	[tilespmem:s14], [sflag:$0x2] =	stream.indirect.gather [hbm4b:s4+s12], $0x80, s23, s12, $0xb8;
	[tilespmem:$0x1D100] =	vst v63  }
0x152: {  	_ =	swait.ge [sflag:s15], $0x3E80  }
0x153: {  	[sflag:s15] =	ssyncset.done $0x0  }
0x154: {  	[sflag:s15] =	ssyncadd.s32 $0xFFFFC180  }
0x155: {  	[spmem:s2] =	stream.indirect.scatter.add.f32 [tilespmem:s13], [sflag:$0x3], $0x80, s24, s12, $0xb8;
	[tilespmem:$0x1D100] =	vst v63  }
0x156: {  	_ =	swait.ge [sflag:s10], $0x3E80  }
0x157: {  	[sflag:s10] =	ssyncset.done $0x0  }
0x158: {  	[sflag:s10] =	ssyncadd.s32 $0xFFFFC180  }
0x159: {  	[tilespmem:s13], [sflag:$0x1] =	stream.indirect.gather [hbm4b:s4+s12], $0x80, s25, s12, $0xb8;
	[tilespmem:$0x1D100] =	vst v63  }
0x15a: {  	_ =	swait.ge [sflag:s16], $0x3E80  }
0x15b: {  	[sflag:s16] =	ssyncset.done $0x0  }
0x15c: {  	[sflag:s16] =	ssyncadd.s32 $0xFFFFC180  }
0x15d: {  	[spmem:s2] =	stream.indirect.scatter.add.f32 [tilespmem:s14], [sflag:$0x3], $0x80, s26, s12, $0xb8;
	[tilespmem:$0x1D100] =	vst v63  }
0x15e: {  	_ =	swait.ge [sflag:s10], $0x3E80  }
0x15f: {  	[sflag:s10] =	ssyncset.done $0x0  }
0x160: {  	[sflag:s10] =	ssyncadd.s32 $0xFFFFC180  }
0x161: {  	[tilespmem:s14], [sflag:$0x2] =	stream.indirect.gather [hbm4b:s4+s12], $0x80, s28, s12, $0xb8;
	[tilespmem:$0x1D100] =	vst v63  }
0x162: {  	_ =	swait.ge [sflag:s15], $0x3E80  }
0x163: {  	[sflag:s15] =	ssyncset.done $0x0  }
0x164: {  	[sflag:s15] =	ssyncadd.s32 $0xFFFFC180  }
0x165: {  	[spmem:s2] =	stream.indirect.scatter.add.f32 [tilespmem:s13], [sflag:$0x3], $0x80, s29, s12, $0xb8;
	[tilespmem:$0x1D100] =	vst v63  }
0x166: {  	_ =	swait.ge [sflag:s10], $0x3E80  }
0x167: {  	[sflag:s10] =	ssyncset.done $0x0  }
0x168: {  	[sflag:s10] =	ssyncadd.s32 $0xFFFFC180  }
0x169: {  	[tilespmem:s13], [sflag:$0x1] =	stream.indirect.gather [hbm4b:s4+s12], $0x80, s30, s12, $0xb8;
	[tilespmem:$0x1D100] =	vst v63  }
0x16a: {  	_ =	swait.ge [sflag:s16], $0x3E80  }
0x16b: {  	[sflag:s16] =	ssyncset.done $0x0  }
0x16c: {  	[sflag:s16] =	ssyncadd.s32 $0xFFFFC180  }
0x16d: {  	[spmem:s2] =	stream.indirect.scatter.add.f32 [tilespmem:s14], [sflag:$0x3], $0x80, s31, s12, $0xb8;
	[tilespmem:$0x1D100] =	vst v63  }
0x16e: {  	_ =	swait.ge [sflag:s10], $0x3E80  }
0x16f: {  	[sflag:s10] =	ssyncset.done $0x0  }
0x170: {  	[sflag:s10] =	ssyncadd.s32 $0xFFFFC180  }
0x171: {  	[tilespmem:s14], [sflag:$0x2] =	stream.indirect.gather [hbm4b:s4+s12], $0x80, s1, s12, $0xb8;
	[tilespmem:$0x1D100] =	vst v63  }
0x172: {  	_ =	swait.ge [sflag:s15], $0x3E80  }
0x173: {  	[sflag:s15] =	ssyncset.done $0x0  }
0x174: {  	[sflag:s15] =	ssyncadd.s32 $0xFFFFC180  }
0x175: {  	[spmem:s2] =	stream.indirect.scatter.add.f32 [tilespmem:s13], [sflag:$0x3], $0x80, s0, s12, $0xb8;
	[tilespmem:$0x1D100] =	vst v63  }
0x176: {  	_ =	swait.ge [sflag:s10], $0x3E80  }
0x177: {  	[sflag:s10] =	ssyncset.done $0x0  }
0x178: {  	[sflag:s10] =	ssyncadd.s32 $0xFFFFC180  }
0x179: {  	p0 =	sne.s32 s6, $0x3C0;
	_ =	swait.ge [sflag:s16], $0x3E80  }
.Ltmp0:
0x17a: {  	[sflag:s16] =	ssyncset.done $0x0;
	(pc) =	sbr.rel @p0 .LBB2_2-.Ltmp0, $4  }
0x17b: {  	[sflag:s16] =	ssyncadd.s32 $0xFFFFC180  }
0x17c: {  	[spmem:s2] =	stream.indirect.scatter.add.f32 [tilespmem:s14], [sflag:$0x3], $0x80, s5, s12, $0xb8;
	[tilespmem:$0x1D100] =	vst v63  }
0x17d: {  	s7 =	smov.u32 s6;
	s6 =	sadd.s32 $0x140, s6;
	_ =	swait.ge [sflag:s10], $0x3E80  }
0x17e: {  	s8 =	smov.u32 s7;
	s9 =	rddreg [dreg:$0x4];
	[sflag:s10] =	ssyncset.done $0x0  }
0x17f: {  	[sflag:s10] =	ssyncadd.s32 $0xFFFFC180;
	s6 =	sadd.s32 s8, s9  }
0x180: {  	[tilespmem:s3], [sflag:$0x3] =	stream.linear.gather [hbm4b:s6+s3], $0xA00, $0x38;
	[tilespmem:$0x1D100] =	vst v63  }
0x181: {  	_ =	swait.ge [sflag:s10], $0xA00  }
0x182: {  	s7 =	rddreg [dreg:$0x3];
	[sflag:s10] =	ssyncset.done $0x0  }
0x183: {  	s6 =	sadd.s32 s8, s7;
	[sflag:s10] =	ssyncadd.s32 $0xFFFFF600  }
0x184: {  	[tilespmem:s11], [sflag:$0x3] =	stream.linear.gather [hbm4b:s6+s3], $0xA00, $0x38;
	[tilespmem:$0x1D100] =	vst v63  }
0x185: {  	_ =	swait.ge [sflag:s10], $0xA00  }
0x186: {  	[sflag:s10] =	ssyncset.done $0x0  }
0x187: {  	[sflag:s10] =	ssyncadd.s32 $0xFFFFF600  }
0x188: {  	[tilespmem:s13], [sflag:$0x1] =	stream.indirect.gather [hbm4b:s4+s12], $0x80, s3, s12, $0xb8;
	[tilespmem:$0x1D100] =	vst v63  }
0x189: {  	s9 =	rddreg [dreg:$0x5]  }
0x18a: {  	[tilespmem:s14], [sflag:$0x2] =	stream.indirect.gather [hbm4b:s4+s12], $0x80, s9, s12, $0xb8;
	[tilespmem:$0x1D100] =	vst v63  }
0x18b: {  	_ =	swait.ge [sflag:s15], $0x3E80  }
0x18c: {  	[sflag:s15] =	ssyncset.done $0x0  }
0x18d: {  	[sflag:s15] =	ssyncadd.s32 $0xFFFFC180  }
0x18e: {  	[spmem:s2] =	stream.indirect.scatter.add.f32 [tilespmem:s13], [sflag:$0x3], $0x80, s11, s12, $0xb8;
	[tilespmem:$0x1D100] =	vst v63  }
0x18f: {  	_ =	swait.ge [sflag:s10], $0x3E80  }
0x190: {  	[sflag:s10] =	ssyncset.done $0x0  }
0x191: {  	s7 =	rddreg [dreg:$0x6];
	[sflag:s10] =	ssyncadd.s32 $0xFFFFC180  }
0x192: {  	[tilespmem:s13], [sflag:$0x1] =	stream.indirect.gather [hbm4b:s4+s12], $0x80, s7, s12, $0xb8;
	[tilespmem:$0x1D100] =	vst v63  }
0x193: {  	_ =	swait.ge [sflag:s16], $0x3E80  }
0x194: {  	[sflag:s16] =	ssyncset.done $0x0  }
0x195: {  	s8 =	rddreg [dreg:$0x7];
	[sflag:s16] =	ssyncadd.s32 $0xFFFFC180  }
0x196: {  	[spmem:s2] =	stream.indirect.scatter.add.f32 [tilespmem:s14], [sflag:$0x3], $0x80, s8, s12, $0xb8;
	[tilespmem:$0x1D100] =	vst v63  }
0x197: {  	_ =	swait.ge [sflag:s10], $0x3E80  }
0x198: {  	[sflag:s10] =	ssyncset.done $0x0  }
0x199: {  	s9 =	rddreg [dreg:$0x8];
	[sflag:s10] =	ssyncadd.s32 $0xFFFFC180  }
0x19a: {  	[tilespmem:s14], [sflag:$0x2] =	stream.indirect.gather [hbm4b:s4+s12], $0x80, s9, s12, $0xb8;
	[tilespmem:$0x1D100] =	vst v63  }
0x19b: {  	_ =	swait.ge [sflag:s15], $0x3E80  }
0x19c: {  	[sflag:s15] =	ssyncset.done $0x0  }
0x19d: {  	s7 =	rddreg [dreg:$0x9];
	[sflag:s15] =	ssyncadd.s32 $0xFFFFC180  }
0x19e: {  	[spmem:s2] =	stream.indirect.scatter.add.f32 [tilespmem:s13], [sflag:$0x3], $0x80, s7, s12, $0xb8;
	[tilespmem:$0x1D100] =	vst v63  }
0x19f: {  	_ =	swait.ge [sflag:s10], $0x3E80  }
0x1a0: {  	[sflag:s10] =	ssyncset.done $0x0  }
0x1a1: {  	s8 =	rddreg [dreg:$0xa];
	[sflag:s10] =	ssyncadd.s32 $0xFFFFC180  }
0x1a2: {  	[tilespmem:s13], [sflag:$0x1] =	stream.indirect.gather [hbm4b:s4+s12], $0x80, s8, s12, $0xb8;
	[tilespmem:$0x1D100] =	vst v63  }
0x1a3: {  	_ =	swait.ge [sflag:s16], $0x3E80  }
0x1a4: {  	[sflag:s16] =	ssyncset.done $0x0  }
0x1a5: {  	s9 =	rddreg [dreg:$0xb];
	[sflag:s16] =	ssyncadd.s32 $0xFFFFC180  }
0x1a6: {  	[spmem:s2] =	stream.indirect.scatter.add.f32 [tilespmem:s14], [sflag:$0x3], $0x80, s9, s12, $0xb8;
	[tilespmem:$0x1D100] =	vst v63  }
0x1a7: {  	_ =	swait.ge [sflag:s10], $0x3E80  }
0x1a8: {  	[sflag:s10] =	ssyncset.done $0x0  }
0x1a9: {  	s7 =	rddreg [dreg:$0xc];
	[sflag:s10] =	ssyncadd.s32 $0xFFFFC180  }
0x1aa: {  	[tilespmem:s14], [sflag:$0x2] =	stream.indirect.gather [hbm4b:s4+s12], $0x80, s7, s12, $0xb8;
	[tilespmem:$0x1D100] =	vst v63  }
0x1ab: {  	_ =	swait.ge [sflag:s15], $0x3E80  }
0x1ac: {  	[sflag:s15] =	ssyncset.done $0x0  }
0x1ad: {  	s8 =	rddreg [dreg:$0xd];
	[sflag:s15] =	ssyncadd.s32 $0xFFFFC180  }
0x1ae: {  	[spmem:s2] =	stream.indirect.scatter.add.f32 [tilespmem:s13], [sflag:$0x3], $0x80, s8, s12, $0xb8;
	[tilespmem:$0x1D100] =	vst v63  }
0x1af: {  	_ =	swait.ge [sflag:s10], $0x3E80  }
0x1b0: {  	[sflag:s10] =	ssyncset.done $0x0  }
0x1b1: {  	s9 =	rddreg [dreg:$0xe];
	[sflag:s10] =	ssyncadd.s32 $0xFFFFC180  }
0x1b2: {  	[tilespmem:s13], [sflag:$0x1] =	stream.indirect.gather [hbm4b:s4+s12], $0x80, s9, s12, $0xb8;
	[tilespmem:$0x1D100] =	vst v63  }
0x1b3: {  	_ =	swait.ge [sflag:s16], $0x3E80  }
0x1b4: {  	[sflag:s16] =	ssyncset.done $0x0  }
0x1b5: {  	s7 =	rddreg [dreg:$0xf];
	[sflag:s16] =	ssyncadd.s32 $0xFFFFC180  }
0x1b6: {  	[spmem:s2] =	stream.indirect.scatter.add.f32 [tilespmem:s14], [sflag:$0x3], $0x80, s7, s12, $0xb8;
	[tilespmem:$0x1D100] =	vst v63  }
0x1b7: {  	_ =	swait.ge [sflag:s10], $0x3E80  }
0x1b8: {  	[sflag:s10] =	ssyncset.done $0x0  }
0x1b9: {  	s8 =	rddreg [dreg:$0x10];
	[sflag:s10] =	ssyncadd.s32 $0xFFFFC180  }
0x1ba: {  	[tilespmem:s14], [sflag:$0x2] =	stream.indirect.gather [hbm4b:s4+s12], $0x80, s8, s12, $0xb8;
	[tilespmem:$0x1D100] =	vst v63  }
0x1bb: {  	_ =	swait.ge [sflag:s15], $0x3E80  }
0x1bc: {  	[sflag:s15] =	ssyncset.done $0x0  }
0x1bd: {  	s9 =	rddreg [dreg:$0x11];
	[sflag:s15] =	ssyncadd.s32 $0xFFFFC180  }
0x1be: {  	[spmem:s2] =	stream.indirect.scatter.add.f32 [tilespmem:s13], [sflag:$0x3], $0x80, s9, s12, $0xb8;
	[tilespmem:$0x1D100] =	vst v63  }
0x1bf: {  	_ =	swait.ge [sflag:s10], $0x3E80  }
0x1c0: {  	[sflag:s10] =	ssyncset.done $0x0  }
0x1c1: {  	s7 =	rddreg [dreg:$0x12];
	[sflag:s10] =	ssyncadd.s32 $0xFFFFC180  }
0x1c2: {  	[tilespmem:s13], [sflag:$0x1] =	stream.indirect.gather [hbm4b:s4+s12], $0x80, s7, s12, $0xb8;
	[tilespmem:$0x1D100] =	vst v63  }
0x1c3: {  	_ =	swait.ge [sflag:s16], $0x3E80  }
0x1c4: {  	[sflag:s16] =	ssyncset.done $0x0  }
0x1c5: {  	s8 =	rddreg [dreg:$0x13];
	[sflag:s16] =	ssyncadd.s32 $0xFFFFC180  }
0x1c6: {  	[spmem:s2] =	stream.indirect.scatter.add.f32 [tilespmem:s14], [sflag:$0x3], $0x80, s8, s12, $0xb8;
	[tilespmem:$0x1D100] =	vst v63  }
0x1c7: {  	_ =	swait.ge [sflag:s10], $0x3E80  }
0x1c8: {  	[sflag:s10] =	ssyncset.done $0x0  }
0x1c9: {  	s9 =	rddreg [dreg:$0x14];
	[sflag:s10] =	ssyncadd.s32 $0xFFFFC180  }
0x1ca: {  	[tilespmem:s14], [sflag:$0x2] =	stream.indirect.gather [hbm4b:s4+s12], $0x80, s9, s12, $0xb8;
	[tilespmem:$0x1D100] =	vst v63  }
0x1cb: {  	_ =	swait.ge [sflag:s15], $0x3E80  }
0x1cc: {  	[sflag:s15] =	ssyncset.done $0x0  }
0x1cd: {  	s7 =	rddreg [dreg:$0x15];
	[sflag:s15] =	ssyncadd.s32 $0xFFFFC180  }
0x1ce: {  	[spmem:s2] =	stream.indirect.scatter.add.f32 [tilespmem:s13], [sflag:$0x3], $0x80, s7, s12, $0xb8;
	[tilespmem:$0x1D100] =	vst v63  }
0x1cf: {  	_ =	swait.ge [sflag:s10], $0x3E80  }
0x1d0: {  	[sflag:s10] =	ssyncset.done $0x0  }
0x1d1: {  	s8 =	rddreg [dreg:$0x16];
	[sflag:s10] =	ssyncadd.s32 $0xFFFFC180  }
0x1d2: {  	[tilespmem:s13], [sflag:$0x1] =	stream.indirect.gather [hbm4b:s4+s12], $0x80, s8, s12, $0xb8;
	[tilespmem:$0x1D100] =	vst v63  }
0x1d3: {  	_ =	swait.ge [sflag:s16], $0x3E80  }
0x1d4: {  	[sflag:s16] =	ssyncset.done $0x0  }
0x1d5: {  	s9 =	rddreg [dreg:$0x17];
	[sflag:s16] =	ssyncadd.s32 $0xFFFFC180  }
0x1d6: {  	[spmem:s2] =	stream.indirect.scatter.add.f32 [tilespmem:s14], [sflag:$0x3], $0x80, s9, s12, $0xb8;
	[tilespmem:$0x1D100] =	vst v63  }
0x1d7: {  	_ =	swait.ge [sflag:s10], $0x3E80  }
0x1d8: {  	[sflag:s10] =	ssyncset.done $0x0  }
0x1d9: {  	s7 =	rddreg [dreg:$0x18];
	[sflag:s10] =	ssyncadd.s32 $0xFFFFC180  }
0x1da: {  	[tilespmem:s14], [sflag:$0x2] =	stream.indirect.gather [hbm4b:s4+s12], $0x80, s7, s12, $0xb8;
	[tilespmem:$0x1D100] =	vst v63  }
0x1db: {  	_ =	swait.ge [sflag:s15], $0x3E80  }
0x1dc: {  	[sflag:s15] =	ssyncset.done $0x0  }
0x1dd: {  	s8 =	rddreg [dreg:$0x19];
	[sflag:s15] =	ssyncadd.s32 $0xFFFFC180  }
0x1de: {  	[spmem:s2] =	stream.indirect.scatter.add.f32 [tilespmem:s13], [sflag:$0x3], $0x80, s8, s12, $0xb8;
	[tilespmem:$0x1D100] =	vst v63  }
0x1df: {  	_ =	swait.ge [sflag:s10], $0x3E80  }
0x1e0: {  	[sflag:s10] =	ssyncset.done $0x0  }
0x1e1: {  	[sflag:s10] =	ssyncadd.s32 $0xFFFFC180  }
0x1e2: {  	[tilespmem:s13], [sflag:$0x1] =	stream.indirect.gather [hbm4b:s4+s12], $0x80, s17, s12, $0xb8;
	[tilespmem:$0x1D100] =	vst v63  }
0x1e3: {  	_ =	swait.ge [sflag:s16], $0x3E80  }
0x1e4: {  	[sflag:s16] =	ssyncset.done $0x0  }
0x1e5: {  	[sflag:s16] =	ssyncadd.s32 $0xFFFFC180  }
0x1e6: {  	[spmem:s2] =	stream.indirect.scatter.add.f32 [tilespmem:s14], [sflag:$0x3], $0x80, s18, s12, $0xb8;
	[tilespmem:$0x1D100] =	vst v63  }
0x1e7: {  	_ =	swait.ge [sflag:s10], $0x3E80  }
0x1e8: {  	[sflag:s10] =	ssyncset.done $0x0  }
0x1e9: {  	[sflag:s10] =	ssyncadd.s32 $0xFFFFC180  }
0x1ea: {  	[tilespmem:s14], [sflag:$0x2] =	stream.indirect.gather [hbm4b:s4+s12], $0x80, s19, s12, $0xb8;
	[tilespmem:$0x1D100] =	vst v63  }
0x1eb: {  	_ =	swait.ge [sflag:s15], $0x3E80  }
0x1ec: {  	[sflag:s15] =	ssyncset.done $0x0  }
0x1ed: {  	[sflag:s15] =	ssyncadd.s32 $0xFFFFC180  }
0x1ee: {  	[spmem:s2] =	stream.indirect.scatter.add.f32 [tilespmem:s13], [sflag:$0x3], $0x80, s20, s12, $0xb8;
	[tilespmem:$0x1D100] =	vst v63  }
0x1ef: {  	_ =	swait.ge [sflag:s10], $0x3E80  }
0x1f0: {  	[sflag:s10] =	ssyncset.done $0x0  }
0x1f1: {  	[sflag:s10] =	ssyncadd.s32 $0xFFFFC180  }
0x1f2: {  	[tilespmem:s13], [sflag:$0x1] =	stream.indirect.gather [hbm4b:s4+s12], $0x80, s21, s12, $0xb8;
	[tilespmem:$0x1D100] =	vst v63  }
0x1f3: {  	_ =	swait.ge [sflag:s16], $0x3E80  }
0x1f4: {  	[sflag:s16] =	ssyncset.done $0x0  }
0x1f5: {  	[sflag:s16] =	ssyncadd.s32 $0xFFFFC180  }
0x1f6: {  	[spmem:s2] =	stream.indirect.scatter.add.f32 [tilespmem:s14], [sflag:$0x3], $0x80, s22, s12, $0xb8;
	[tilespmem:$0x1D100] =	vst v63  }
0x1f7: {  	_ =	swait.ge [sflag:s10], $0x3E80  }
0x1f8: {  	[sflag:s10] =	ssyncset.done $0x0  }
0x1f9: {  	[sflag:s10] =	ssyncadd.s32 $0xFFFFC180  }
0x1fa: {  	[tilespmem:s14], [sflag:$0x2] =	stream.indirect.gather [hbm4b:s4+s12], $0x80, s23, s12, $0xb8;
	[tilespmem:$0x1D100] =	vst v63  }
0x1fb: {  	_ =	swait.ge [sflag:s15], $0x3E80  }
0x1fc: {  	[sflag:s15] =	ssyncset.done $0x0  }
0x1fd: {  	[sflag:s15] =	ssyncadd.s32 $0xFFFFC180  }
0x1fe: {  	[spmem:s2] =	stream.indirect.scatter.add.f32 [tilespmem:s13], [sflag:$0x3], $0x80, s24, s12, $0xb8;
	[tilespmem:$0x1D100] =	vst v63  }
0x1ff: {  	_ =	swait.ge [sflag:s10], $0x3E80  }
0x200: {  	[sflag:s10] =	ssyncset.done $0x0  }
0x201: {  	[sflag:s10] =	ssyncadd.s32 $0xFFFFC180  }
0x202: {  	[tilespmem:s13], [sflag:$0x1] =	stream.indirect.gather [hbm4b:s4+s12], $0x80, s25, s12, $0xb8;
	[tilespmem:$0x1D100] =	vst v63  }
0x203: {  	_ =	swait.ge [sflag:s16], $0x3E80  }
0x204: {  	[sflag:s16] =	ssyncset.done $0x0  }
0x205: {  	[sflag:s16] =	ssyncadd.s32 $0xFFFFC180  }
0x206: {  	[spmem:s2] =	stream.indirect.scatter.add.f32 [tilespmem:s14], [sflag:$0x3], $0x80, s26, s12, $0xb8;
	[tilespmem:$0x1D100] =	vst v63  }
0x207: {  	_ =	swait.ge [sflag:s10], $0x3E80  }
0x208: {  	[sflag:s10] =	ssyncset.done $0x0  }
0x209: {  	[sflag:s10] =	ssyncadd.s32 $0xFFFFC180  }
0x20a: {  	[tilespmem:s14], [sflag:$0x2] =	stream.indirect.gather [hbm4b:s4+s12], $0x80, s28, s12, $0xb8;
	[tilespmem:$0x1D100] =	vst v63  }
0x20b: {  	_ =	swait.ge [sflag:s15], $0x3E80  }
0x20c: {  	[sflag:s15] =	ssyncset.done $0x0  }
0x20d: {  	[sflag:s15] =	ssyncadd.s32 $0xFFFFC180  }
0x20e: {  	[spmem:s2] =	stream.indirect.scatter.add.f32 [tilespmem:s13], [sflag:$0x3], $0x80, s29, s12, $0xb8;
	[tilespmem:$0x1D100] =	vst v63  }
0x20f: {  	_ =	swait.ge [sflag:s10], $0x3E80  }
0x210: {  	[sflag:s10] =	ssyncset.done $0x0  }
0x211: {  	[sflag:s10] =	ssyncadd.s32 $0xFFFFC180  }
0x212: {  	[tilespmem:s13], [sflag:$0x1] =	stream.indirect.gather [hbm4b:s4+s12], $0x80, s30, s12, $0xb8;
	[tilespmem:$0x1D100] =	vst v63  }
0x213: {  	_ =	swait.ge [sflag:s16], $0x3E80  }
0x214: {  	[sflag:s16] =	ssyncset.done $0x0  }
0x215: {  	[sflag:s16] =	ssyncadd.s32 $0xFFFFC180  }
0x216: {  	[spmem:s2] =	stream.indirect.scatter.add.f32 [tilespmem:s14], [sflag:$0x3], $0x80, s31, s12, $0xb8;
	[tilespmem:$0x1D100] =	vst v63  }
0x217: {  	_ =	swait.ge [sflag:s10], $0x3E80  }
0x218: {  	[sflag:s10] =	ssyncset.done $0x0  }
0x219: {  	[sflag:s10] =	ssyncadd.s32 $0xFFFFC180  }
0x21a: {  	[tilespmem:s14], [sflag:$0x2] =	stream.indirect.gather [hbm4b:s4+s12], $0x80, s1, s12, $0xb8;
	[tilespmem:$0x1D100] =	vst v63  }
0x21b: {  	_ =	swait.ge [sflag:s15], $0x3E80  }
0x21c: {  	[sflag:s15] =	ssyncset.done $0x0  }
0x21d: {  	[sflag:s15] =	ssyncadd.s32 $0xFFFFC180  }
0x21e: {  	[spmem:s2] =	stream.indirect.scatter.add.f32 [tilespmem:s13], [sflag:$0x3], $0x80, s0, s12, $0xb8;
	[tilespmem:$0x1D100] =	vst v63  }
0x21f: {  	_ =	swait.ge [sflag:s10], $0x3E80  }
0x220: {  	[sflag:s10] =	ssyncset.done $0x0  }
0x221: {  	[sflag:s10] =	ssyncadd.s32 $0xFFFFC180  }
0x222: {  	_ =	swait.ge [sflag:s16], $0x3E80  }
0x223: {  	[sflag:s16] =	ssyncset.done $0x0  }
0x224: {  	[sflag:s16] =	ssyncadd.s32 $0xFFFFC180  }
0x225: {  	[spmem:s2] =	stream.indirect.scatter.add.f32 [tilespmem:s14], [sflag:$0x3], $0x80, s5, s12, $0xb8;
	[tilespmem:$0x1D100] =	vst v63  }
0x226: {  	_ =	swait.ge [sflag:s10], $0x3E80  }
0x227: {  	[sflag:s10] =	ssyncset.done $0x0  }
0x228: {  	[sflag:s10] =	ssyncadd.s32 $0xFFFFC180  }
0x229: {  	[bflag:$0x0] =	sbarrier.arrive $0xFFFF  }
0x22a: {  	s7 =	rddreg [dreg:$0x1b]  }
0x22b: {  	s9 =	rddreg [dreg:$0x1c]  }
0x22c: {  	s8 =	rddreg [dreg:$0x1e]  }
0x22d: {  	[hbm:s9], [sflag:s7] =	dma.local [spmem:s8], $0x2800  }
0x22e: {  	_ =	swait.ge [sflag:s10], $0x2800  }
0x22f: {  	s6 =	rddreg [dreg:$0x1f]  }
0x230: {  	s9 =	sadd.s32 $0x1, s6;
	s6 =	rddreg [dreg:$0x1d]  }
0x231: {  	p0 =	sne.s32 s9, s6  }
.Ltmp1:
0x232: {  	_ = 	snop;
	(pc) =	sbr.rel @p0 .LBB2_1-.Ltmp1, $3  }
0x233: {  	_ =	sdelay $0x1  }
0x234: {  	[sflag:s10] =	ssyncset.done $0x0  }
0x235: {  	[sflag:s10] =	ssyncadd.s32 $0xFFFFD800  }
0x236: {  	_ =	sfence.sel $0x180000  }
0x237: {  	[bflag:$0x0] =	sbarrier.arrive $0xFFFF  }
0x238: {  	_ =	strace $0x90000050  }
0x239: {  	s0 =	stileid.u32;
	[bflag:$0x2] =	sbarrier.arrive $0xFFFF  }
0x23a: {  	p0 =	sne.s32 s0, $0x0;
	s0 =	rddreg [dreg:$0x2]  }
0x23b: {  	s0 =	sadd.s32 @!p0 $0x100000, s0  }
0x23c: {  	[sflag:s0] =	ssyncadd.tile.s32 @!p0 $0x1;
	_ =	shalt  }
.Lfunc_end2:
_tile_overlayer_lowered:
.L_overlay_start_2:
0x23d: {  	(tag) =	ssettag $0x2  }
0x23e: {  	s0 =	rddreg [dreg:$0x0];
	s2 =	stileid.u32  }
0x23f: {  	s1 =	rddreg [dreg:$0x1];
	p0 =	sne.s32 s2, $0x0  }
0x240: {  	s3 =	rddreg [dreg:$0x2];
	[bflag:$0x3] =	sbarrier.arrive $0xFFFF;
	s2 =	simm.s32 @!p0 $0x1C03  }
0x241: {  	[timem:s3], [sflag:s2] =	dma.local @!p0 [hbm:s0], s1  }
0x242: {  	s0 =	simm.s32 @!p0 $0x3  }
0x243: {  	_ =	swait.ge @!p0 [sflag:s0], s1  }
0x244: {  	s1 =	ssub.s32 @!p0 $0x0, s1;
	[sflag:s0] =	ssyncset.done @!p0 $0x0  }
0x245: {  	[sflag:s0] =	ssyncadd.s32 @!p0 s1  }
0x246: {  	[bflag:$0x3] =	sbarrier.arrive $0xFFFF  }
0x247: {  	_ =	shalt  }

// kernel: kernel.26.cloned.1.call-start
scs
__scs_entry_jumppad:
0x0: {  	(pc) =	sbr.rel $0x88, $3  }
0x1: {  	(tag) =	ssettag $0x0;
	lr =	simm.s32 $0x1  }
0x2: {  	[smem:$0x3F96] =	sst lr;
	_ =	strace $0xD0000000  }
0x3: {  	_ = 	snop  }
0x4: {  	_ = 	snop  }
0x5: {  	_ = 	snop  }
0x6: {  	_ = 	snop  }
0x7: {  	_ = 	snop  }
__scs_overlays_trampoline_lowered:
0x8: {  	[smem:$0x3FA5] =	sst s0  }
0x9: {  	[smem:$0x3FA6] =	sst s1  }
0xa: {  	[smem:$0x3FA7] =	sst s2  }
0xb: {  	[smem:$0x3FA8] =	sst s3  }
0xc: {  	[smem:$0x3FA9] =	sst s4  }
0xd: {  	[smem:$0x3FAA] =	sst s5  }
0xe: {  	[smem:$0x3FAB] =	sst s6  }
0xf: {  	[smem:$0x3FAC] =	sst s7  }
0x10: {  	[smem:$0x3FAD] =	sst s8  }
0x11: {  	[smem:$0x3FAE] =	sst s9;
	s0 =	simm.s32 @!p0 $0x0  }
0x12: {  	s1 =	sld [smem:$0x3F94];
	s0 =	simm.s32 @p0 $0x1  }
0x13: {  	[smem:$0x3FAF] =	sst s0;
	s0 =	simm.s32 @!p1 $0x0  }
0x14: {  	s2 =	sld [smem:$0x3F93];
	s0 =	simm.s32 @p1 $0x1  }
0x15: {  	[smem:$0x3FB0] =	sst s0;
	s0 =	simm.s32 @!p2 $0x0  }
0x16: {  	s3 =	sld [smem:$0x3FDB];
	s0 =	simm.s32 @p2 $0x1  }
0x17: {  	s4 =	simm.s32 $0x1BF5;
	[smem:$0x3FB2] =	sst s0  }
0x18: {  	s0 =	sld [smem:$0x3F95];
	_ =	swait.ge [sflag:s4], $0x0  }
0x19: {  	s7 =	sld [smem:$0x3F96]  }
0x1a: {  	s8 =	sadd.s32 $0xFFFFE003, lr  }
0x1b: {  	s9 =	sadd.s32 $0xFFFFFEF7, lr;
	s5 =	simm.s32 $0xFFFFFFFF;
	p2 =	slt.u32 s8, $0xFFFFF086  }
0x1c: {  	p1 =	slt.u32 s9, $0xF7A;
	s5 =	simm.s32 @!p2 $0x0  }
0x1d: {  	s5 =	simm.s32 @p1 $0x1;
	p0 =	seq.s32 s7, s2  }
0x1e: {  	s7 =	smul.u32 @!p0 $0xF7A, s2;
	p2 =	seq.s32 @!p0 s5, $0x0  }
0x1f: {  	s9 =	smul.u32 $0xF7A, s1;
	s8 =	simm.s32 @!p0 $0x1BF5;
	p2 =	por !p2, p0  }
0x20: {  	[sflag:s8] =	ssyncset.s32 @!p0 $0xFFFFF086;
	s6 =	sadd.s32 @!p0 s3, s7;
	s7 =	simm.s32 @!p0 $0x108  }
0x21: {  	s3 =	sadd.s32 s3, s9;
	s6 =	sadd.s32 @!p0 $0x88, s6;
	s7 =	simm.s32 @p2 $0x1082  }
0x22: {  	[simem:s7], [sflag:s8] =	dma.local @!p0 [hbm:s6], $0xF7A  }
0x23: {  	s9 =	sor.u32 $0xD0000000, s2;
	s6 =	simm.s32 $0x108;
	_ =	swait.ge @!p0 [sflag:s8], $0x0  }
0x24: {  	s3 =	sadd.s32 $0x88, s3;
	s6 =	simm.s32 @!p1 $0x1082;
	[sflag:s4] =	ssyncset.s32 $0xFFFFF086  }
0x25: {  	[simem:s6], [sflag:s4] =	dma.local [hbm:s3], $0xF7A  }
0x26: {  	[smem:$0x3F96] =	sst s1;
	(tag) =	ssettag s2;
	_ =	strace s9  }
0x27: {  	s1 =	sld [smem:$0x3FA6]  }
0x28: {  	s2 =	sld [smem:$0x3FA7]  }
0x29: {  	s4 =	sld [smem:$0x3FA9]  }
0x2a: {  	p0 =	seq.s32 s5, $0x0;
	s5 =	sld [smem:$0x3FAA]  }
0x2b: {  	s6 =	sld [smem:$0x3FAB]  }
0x2c: {  	s7 =	sld [smem:$0x3FAC]  }
0x2d: {  	s3 =	simm.s32 $0x108;
	s8 =	sld [smem:$0x3FAD]  }
0x2e: {  	s3 =	simm.s32 @!p0 $0x1082;
	s9 =	sld [smem:$0x3FAE]  }
0x2f: {  	lr =	sadd.s32 s0, s3;
	s0 =	sld [smem:$0x3FA5]  }
0x30: {  	s3 =	sld [smem:$0x3FA8]  }
0x31: {  	[smem:$0x3FB1] =	sst s10  }
0x32: {  	s10 =	sld [smem:$0x3FAF];
	_ =	sdelay $0x3  }
0x33: {  	p0 =	seq.s32 s10, $0x1;
	s10 =	sld [smem:$0x3FB1];
	_ =	sdelay $0x3  }
0x34: {  	[smem:$0x3FB1] =	sst s10  }
0x35: {  	s10 =	sld [smem:$0x3FB0];
	_ =	sdelay $0x3  }
0x36: {  	p1 =	seq.s32 s10, $0x1;
	s10 =	sld [smem:$0x3FB1];
	_ =	sdelay $0x3  }
0x37: {  	[smem:$0x3FB1] =	sst s10  }
0x38: {  	s10 =	sld [smem:$0x3FB2]  }
0x39: {  	_ = 	snop;
	(pc) =	sbr.ind lr, $3  }
0x3a: {  	_ = 	snop  }
0x3b: {  	_ = 	snop  }
0x3c: {  	p2 =	seq.s32 s10, $0x1;
	s10 =	sld [smem:$0x3FB1]  }
0x3d: {  	_ =	shalt  }
0x3e: {  	_ =	shalt  }
0x3f: {  	_ =	shalt  }
0x40: {  	_ =	shalt  }
0x41: {  	_ =	shalt  }
0x42: {  	_ =	shalt  }
0x43: {  	_ =	shalt  }
0x44: {  	_ =	shalt  }
0x45: {  	_ =	shalt  }
0x46: {  	_ =	shalt  }
0x47: {  	_ =	shalt  }
0x48: {  	_ =	shalt  }
0x49: {  	_ =	shalt  }
0x4a: {  	_ =	shalt  }
0x4b: {  	_ =	shalt  }
0x4c: {  	_ =	shalt  }
0x4d: {  	_ =	shalt  }
0x4e: {  	_ =	shalt  }
0x4f: {  	_ =	shalt  }
0x50: {  	_ =	shalt  }
0x51: {  	_ =	shalt  }
0x52: {  	_ =	shalt  }
0x53: {  	_ =	shalt  }
0x54: {  	_ =	shalt  }
0x55: {  	_ =	shalt  }
0x56: {  	_ =	shalt  }
0x57: {  	_ =	shalt  }
0x58: {  	_ =	shalt  }
0x59: {  	_ =	shalt  }
0x5a: {  	_ =	shalt  }
0x5b: {  	_ =	shalt  }
0x5c: {  	_ =	shalt  }
0x5d: {  	_ =	shalt  }
0x5e: {  	_ =	shalt  }
0x5f: {  	_ =	shalt  }
0x60: {  	_ =	shalt  }
0x61: {  	_ =	shalt  }
0x62: {  	_ =	shalt  }
0x63: {  	_ =	shalt  }
0x64: {  	_ =	shalt  }
0x65: {  	_ =	shalt  }
0x66: {  	_ =	shalt  }
0x67: {  	_ =	shalt  }
0x68: {  	_ =	shalt  }
0x69: {  	_ =	shalt  }
0x6a: {  	_ =	shalt  }
0x6b: {  	_ =	shalt  }
0x6c: {  	_ =	shalt  }
0x6d: {  	_ =	shalt  }
0x6e: {  	_ =	shalt  }
0x6f: {  	_ =	shalt  }
0x70: {  	_ =	shalt  }
0x71: {  	_ =	shalt  }
0x72: {  	_ =	shalt  }
0x73: {  	_ =	shalt  }
0x74: {  	_ =	shalt  }
0x75: {  	_ =	shalt  }
0x76: {  	_ =	shalt  }
0x77: {  	_ =	shalt  }
0x78: {  	_ =	shalt  }
0x79: {  	_ =	shalt  }
0x7a: {  	_ =	shalt  }
0x7b: {  	_ =	shalt  }
0x7c: {  	_ =	shalt  }
0x7d: {  	_ =	shalt  }
0x7e: {  	_ =	shalt  }
0x7f: {  	_ =	shalt  }
0x80: {  	_ =	shalt  }
0x81: {  	_ =	shalt  }
0x82: {  	_ =	shalt  }
0x83: {  	_ =	shalt  }
0x84: {  	_ =	shalt  }
0x85: {  	_ =	shalt  }
0x86: {  	_ =	shalt  }
0x87: {  	_ =	shalt  }
.Lfunc_end0:
.L_simem_size_0:
called_computation.4_lowered:
.L_overlay_start_0:
0x88: {  	s2 =	sld [smem:$0x3FD9]  }
0x89: {  	s3 =	sld [smem:$0x3FFE];
	_ =	sdelay $0x1  }
0x8a: {  	s1 =	srdreg.scid  }
0x8b: {  	s0 =	sand.u32 $0x1, s1  }
0x8c: {  	s16 =	sshll.u32 s0, $0xA;
	s2 =	sadd.s32 s3, s2  }
0x8d: {  	s2 =	sadd.s32 s2, s16  }
0x8e: {  	[smem:$0x3FBD] =	sst s2  }
0x8f: {  	_ = 	snop  }
0x90: {  	(tm) =	ssettm $0x1  }
0x91: {  	s17 =	sld [smem:$0x3FFB];
	_ =	sdelay $0x3  }
0x92: {  	_ =	strace s17  }
0x93: {  	s2 =	sld [smem:$0x3FFC];
	_ =	sdelay $0x3  }
0x94: {  	_ =	strace s2  }
0x95: {  	s2 =	sld [smem:$0x3FFD];
	_ =	sdelay $0x3  }
0x96: {  	_ =	strace s2  }
0x97: {  	_ =	strace $0x8FFFFFFF  }
0x98: {  	s18 =	sld [smem:$0x3FDB];
	_ =	sdelay $0x1  }
0x99: {  	s19 =	simm.s32 $_scs_section_size  }
0x9a: {  	s4 =	simm.s32 $_size__tile_overlayer_lowered;
	s5 =	simm.s32 $_tile_overlayer_lowered  }
0x9b: {  	s22 =	simm.s32 $0x1BFF;
	s21 =	sshll.u32 s5, $0x1;
	s2 =	sadd.s32 s19, s18  }
0x9c: {  	s6 =	simm.s32 $0x0;
	s20 =	sshll.u32 s4, $0x1;
	s4 =	sadd.s32 s21, s2  }
0x9d: {  	[timem:s6], [sflag:s22] =	dma.local [hbm:s4], s20  }
0x9e: {  	_ =	swait.ge [sflag:s22], s20  }
0x9f: {  	s3 =	ssub.s32 $0x0, s20;
	[sflag:s22] =	ssyncset.done $0x0  }
0xa0: {  	[sflag:s22] =	ssyncadd.s32 s3;
	_ =	sdelay $0x1  }
0xa1: {  	s23 =	simm.s32 $0x1B8B  }
0xa2: {  	_ =	swait.ge [sflag:s23], $0x1  }
0xa3: {  	[sflag:s23] =	ssyncset.done $0x0  }
0xa4: {  	s25 =	simm.s32 $0x1B8E;
	s24 =	sld [smem:$0x3FFE];
	[sflag:s23] =	ssyncadd.s32 $0xFFFFFFFF  }
0xa5: {  	s26 =	simm.s32 $execute0_lowered;
	[smem:$0x3FD2] =	sst s25  }
0xa6: {  	s4 =	sshll.u32 s26, $0x1;
	_ =	strace $0x80000052;
	[dreg:$0x1] =	wrdreg $0xFFFFFFFF  }
0xa7: {  	s28 =	simm.s32 $_size_execute0_lowered;
	s2 =	sadd.s32 s2, s4;
	[dreg:$0x0] =	wrdreg $0x0  }
0xa8: {  	s4 =	sshll.u32 s28, $0x1;
	[dreg:$0x2] =	wrdreg s2  }
0xa9: {  	[dreg:$0x3] =	wrdreg s4  }
0xaa: {  	[dreg:$0x4] =	wrdreg $0xC0  }
0xab: {  	_ =	task [dreg:s6], $0x5FFFF  }
0xac: {  	[dreg:$0x1] =	wrdreg $0xFFFFFFFF  }
0xad: {  	[dreg:$0x0] =	wrdreg $0x60  }
0xae: {  	[dreg:$0x2] =	wrdreg s24  }
0xaf: {  	[dreg:$0x3] =	wrdreg $0x52800  }
0xb0: {  	[dreg:$0x4] =	wrdreg $0x9  }
0xb1: {  	_ =	task.clear_ibuf [dreg:s6], $0x5FFFF;
	_ =	strace $0x90000052  }
0xb2: {  	s29 =	simm.s32 $0x9;
	_ =	strace $0x80000054  }
0xb3: {  	_ =	swait.ge [sflag:s29], $0x1  }
0xb4: {  	[sflag:s29] =	ssyncadd.s32 $0xFFFFFFFF  }
0xb5: {  	_ =	strace $0x90000054  }
0xb6: {  	_ =	sfence  }
0xb7: {  	s30 =	sld [smem:$0x0];
	_ =	sdelay $0x2  }
0xb8: {  	s31 =	sshll.u32 s1, $0xD;
	s1 =	sshrl.u32 s1, $0x2  }
0xb9: {  	s3 =	sand.u32 $0x4000, s31;
	s1 =	sadd.s32 s1, s30  }
0xba: {  	s0 =	sor.u32 s3, s0;
	s1 =	sshll.u32 s1, $0x11  }
0xbb: {  	s0 =	sor.u32 s1, s0  }
0xbc: {  	s0 =	sadd.s32 $0x8F2B, s0  }
0xbd: {  	[sflag:s0] =	ssyncadd.remote.s32 $0x1  }
0xbe: {  	_ =	sfence.sel $0xFFFF  }
0xbf: {  	[dreg:$0x0] =	wrdreg $0xFFFFFFFF;
	(pc) =	sbr.abs _section_cstart, $3  }
0xc0: {  	[dreg:$0x1] =	wrdreg $0xFFFFFFFF  }
0xc1: {  	_ =	task.clear_ibuf [dreg:s6], $0x2FFFF;
	_ =	strace $0x9FFFFFFF  }
0xc2: {  	(tm) =	ssettm $0x7FFFFFFF  }
0xc3: {  	_ =	shalt  }
tec
execute0_lowered:
.L_overlay_start_1:
0x0: {  	(tag) =	ssettag $0x1  }
0x1: {  	s0 =	srdreg.scid;
	s8 =	stileid.u32  }
0x2: {  	s0 =	sand.u32 $0x1, s0;
	s3 =	smul.u32 $0x2800, s8  }
0x3: {  	s5 =	rddreg [dreg:$0x0];
	s1 =	smul.u32 $0x28000, s0  }
0x4: {  	s2 =	rddreg [dreg:$0x1];
	s22 =	simm.s32 $0x80;
	s23 =	simm.s32 $0x100  }
0x5: {  	s24 =	simm.s32 $0xA80;
	s1 =	sadd.s32 s3, s1;
	s3 =	simm.s32 $0x0  }
0x6: {  	s25 =	simm.s32 $0x180;
	s26 =	simm.s32 $0xB00;
	[smem:$0x7FF] =	sst s3  }
0x7: {  	s10 =	simm.s32 $0xB80;
	_ =	strace $0x80000053;
	[dreg:$0x5] =	wrdreg s22  }
0x8: {  	s11 =	simm.s32 $0x280;
	s9 =	sadd.s32 $0xD200, s5;
	[dreg:$0x6] =	wrdreg s23  }
0x9: {  	s13 =	simm.s32 $0xC00;
	s14 =	simm.s32 $0x300;
	[dreg:$0x1a] =	wrdreg s9  }
0xa: {  	s15 =	simm.s32 $0xC80;
	s17 =	simm.s32 $0x380;
	[dreg:$0x7] =	wrdreg s24  }
0xb: {  	s18 =	simm.s32 $0xD00;
	s19 =	simm.s32 $0x400;
	[dreg:$0x8] =	wrdreg s25  }
0xc: {  	s20 =	simm.s32 $0xD80;
	s21 =	simm.s32 $0x480;
	[dreg:$0x9] =	wrdreg s26  }
0xd: {  	s28 =	simm.s32 $0x880;
	s29 =	simm.s32 $0x1200;
	[dreg:$0xb] =	wrdreg s10  }
0xe: {  	s30 =	simm.s32 $0x900;
	s6 =	smul.u32 $0xA000, s8;
	[dreg:$0xc] =	wrdreg s11  }
0xf: {  	s31 =	simm.s32 $0x1280;
	s7 =	smul.u32 $0xA0000, s0;
	[dreg:$0xd] =	wrdreg s13  }
0x10: {  	s16 =	sshll.u32 s8, $0x6;
	s0 =	ssub.s32 $0x2, s0;
	[dreg:$0xe] =	wrdreg s14  }
0x11: {  	s12 =	sshrl.u32 s0, $0x1;
	s7 =	sadd.s32 s6, s7;
	[dreg:$0xf] =	wrdreg s15  }
0x12: {  	s0 =	ssub.s32 s0, s12;
	s6 =	sadd.s32 s6, s2;
	[dreg:$0x10] =	wrdreg s17  }
0x13: {  	s12 =	simm.s32 $0x7D;
	s0 =	smax.u32 s0, $0x1;
	[dreg:$0x11] =	wrdreg s18  }
0x14: {  	s1 =	sshrl.u32 s1, $0x3;
	s7 =	sshrl.u32 s7, $0x3;
	[dreg:$0x1d] =	wrdreg s0  }
0x15: {  	s8 =	sshrl.u32 s6, $0x3;
	s1 =	sadd.s32 s1, s5;
	[dreg:$0x12] =	wrdreg s19  }
0x16: {  	s9 =	simm.s32 $0x200;
	[dreg:$0x13] =	wrdreg s20;
	s10 =	simm.s32 $0x3  }
0x17: {  	[dreg:$0x14] =	wrdreg s21;
	s22 =	simm.s32 $0xE00;
	s11 =	simm.s32 $0xA00  }
0x18: {  	s23 =	simm.s32 $0x500;
	s24 =	simm.s32 $0xE80;
	s13 =	simm.s32 $0x1400  }
0x19: {  	s25 =	simm.s32 $0x580;
	s14 =	simm.s32 $0x3340;
	[dreg:$0x1e] =	wrdreg s8  }
0x1a: {  	s26 =	simm.s32 $0xF00;
	s15 =	simm.s32 $0x1;
	[dreg:$0xa] =	wrdreg s9  }
0x1b: {  	s17 =	simm.s32 $0x600;
	s18 =	simm.s32 $0xF80;
	[dreg:$0x15] =	wrdreg s22  }
0x1c: {  	s19 =	simm.s32 $0x680;
	s20 =	simm.s32 $0x1000;
	[dreg:$0x16] =	wrdreg s23  }
0x1d: {  	s21 =	simm.s32 $0x700;
	s0 =	simm.s32 $0x1300;
	[dreg:$0x17] =	wrdreg s24  }
0x1e: {  	s4 =	sadd.s32 $0x17800, s1;
	s1 =	sadd.s32 $0x3200, s1;
	[dreg:$0x18] =	wrdreg s25  }
0x1f: {  	[dreg:$0x19] =	wrdreg s26;
	s22 =	simm.s32 $0x1080;
	s23 =	simm.s32 $0x780  }
0x20: {  	s24 =	simm.s32 $0x1100;
	s25 =	simm.s32 $0x800;
	s26 =	simm.s32 $0x1180  }
0x21: {  	s9 =	simm.s32 $0x0;
	[dreg:$0x3] =	wrdreg s4;
	s4 =	sadd.s32 $0x21800, s5  }
0x22: {  	[dreg:$0x4] =	wrdreg s1;
	s5 =	sadd.s32 s7, s5;
	s7 =	sor.u32 $0x1C03, s16  }
0x23: {  	s16 =	simm.s32 $0x2;
	s5 =	sadd.s32 $0x35800, s5;
	[dreg:$0x1b] =	wrdreg s7  }
0x24: {  	s1 =	simm.s32 $0x980;
	[dreg:$0x1c] =	wrdreg s5;
	s5 =	simm.s32 $0x1380  }
.LBB2_1:
0x25: {  	[dreg:$0x1f] =	wrdreg s9  }
0x26: {  	s6 =	rddreg [dreg:$0x1a]  }
0x27: {  	[spmem:s8], [sflag:s7] =	dma.local [hbm:s6], $0x1400  }
0x28: {  	_ =	swait.ge [sflag:s10], $0x1400  }
0x29: {  	[sflag:s10] =	ssyncset.done $0x0  }
0x2a: {  	[sflag:s10] =	ssyncadd.s32 $0xFFFFEC00  }
0x2b: {  	[bflag:$0x0] =	sbarrier.arrive $0xFFFF  }
0x2c: {  	s8 =	rddreg [dreg:$0x4]  }
0x2d: {  	s6 =	sadd.s32 $0x0, s8  }
0x2e: {  	[tilespmem:s3], [sflag:$0x3] =	stream.linear.gather [hbm4b:s6+s3], $0xA00, $0x38;
	[tilespmem:$0xF280] =	vst v63  }
0x2f: {  	_ =	swait.ge [sflag:s10], $0xA00  }
0x30: {  	s9 =	rddreg [dreg:$0x3];
	[sflag:s10] =	ssyncset.done $0x0  }
0x31: {  	[sflag:s10] =	ssyncadd.s32 $0xFFFFF600;
	s6 =	sadd.s32 $0x0, s9  }
0x32: {  	[tilespmem:s11], [sflag:$0x3] =	stream.linear.gather [hbm4b:s6+s3], $0xA00, $0x38;
	[tilespmem:$0xF280] =	vst v63  }
0x33: {  	_ =	swait.ge [sflag:s10], $0xA00  }
0x34: {  	[sflag:s10] =	ssyncset.done $0x0  }
0x35: {  	[sflag:s10] =	ssyncadd.s32 $0xFFFFF600  }
0x36: {  	[tilespmem:s13], [sflag:$0x1] =	stream.indirect.gather [hbm4b:s4+s12], $0x40, s3, s12, $0xb8;
	[tilespmem:$0xF280] =	vst v63  }
0x37: {  	s7 =	rddreg [dreg:$0x5]  }
0x38: {  	[tilespmem:s14], [sflag:$0x2] =	stream.indirect.gather [hbm4b:s4+s12], $0x40, s7, s12, $0xb8;
	[tilespmem:$0xF280] =	vst v63  }
0x39: {  	_ =	swait.ge [sflag:s15], $0x1F40  }
0x3a: {  	[sflag:s15] =	ssyncset.done $0x0  }
0x3b: {  	[sflag:s15] =	ssyncadd.s32 $0xFFFFE0C0  }
0x3c: {  	[spmem:s2] =	stream.indirect.scatter.add.f32 [tilespmem:s13], [sflag:$0x3], $0x40, s11, s12, $0xb8;
	[tilespmem:$0xF280] =	vst v63  }
0x3d: {  	_ =	swait.ge [sflag:s10], $0x1F40  }
0x3e: {  	[sflag:s10] =	ssyncset.done $0x0  }
0x3f: {  	s8 =	rddreg [dreg:$0x6];
	[sflag:s10] =	ssyncadd.s32 $0xFFFFE0C0  }
0x40: {  	[tilespmem:s13], [sflag:$0x1] =	stream.indirect.gather [hbm4b:s4+s12], $0x40, s8, s12, $0xb8;
	[tilespmem:$0xF280] =	vst v63  }
0x41: {  	_ =	swait.ge [sflag:s16], $0x1F40  }
0x42: {  	[sflag:s16] =	ssyncset.done $0x0  }
0x43: {  	s9 =	rddreg [dreg:$0x7];
	[sflag:s16] =	ssyncadd.s32 $0xFFFFE0C0  }
0x44: {  	[spmem:s2] =	stream.indirect.scatter.add.f32 [tilespmem:s14], [sflag:$0x3], $0x40, s9, s12, $0xb8;
	[tilespmem:$0xF280] =	vst v63  }
0x45: {  	_ =	swait.ge [sflag:s10], $0x1F40  }
0x46: {  	[sflag:s10] =	ssyncset.done $0x0  }
0x47: {  	s7 =	rddreg [dreg:$0x8];
	[sflag:s10] =	ssyncadd.s32 $0xFFFFE0C0  }
0x48: {  	[tilespmem:s14], [sflag:$0x2] =	stream.indirect.gather [hbm4b:s4+s12], $0x40, s7, s12, $0xb8;
	[tilespmem:$0xF280] =	vst v63  }
0x49: {  	_ =	swait.ge [sflag:s15], $0x1F40  }
0x4a: {  	[sflag:s15] =	ssyncset.done $0x0  }
0x4b: {  	s8 =	rddreg [dreg:$0x9];
	[sflag:s15] =	ssyncadd.s32 $0xFFFFE0C0  }
0x4c: {  	[spmem:s2] =	stream.indirect.scatter.add.f32 [tilespmem:s13], [sflag:$0x3], $0x40, s8, s12, $0xb8;
	[tilespmem:$0xF280] =	vst v63  }
0x4d: {  	_ =	swait.ge [sflag:s10], $0x1F40  }
0x4e: {  	[sflag:s10] =	ssyncset.done $0x0  }
0x4f: {  	s9 =	rddreg [dreg:$0xa];
	[sflag:s10] =	ssyncadd.s32 $0xFFFFE0C0  }
0x50: {  	[tilespmem:s13], [sflag:$0x1] =	stream.indirect.gather [hbm4b:s4+s12], $0x40, s9, s12, $0xb8;
	[tilespmem:$0xF280] =	vst v63  }
0x51: {  	_ =	swait.ge [sflag:s16], $0x1F40  }
0x52: {  	[sflag:s16] =	ssyncset.done $0x0  }
0x53: {  	s7 =	rddreg [dreg:$0xb];
	[sflag:s16] =	ssyncadd.s32 $0xFFFFE0C0  }
0x54: {  	[spmem:s2] =	stream.indirect.scatter.add.f32 [tilespmem:s14], [sflag:$0x3], $0x40, s7, s12, $0xb8;
	[tilespmem:$0xF280] =	vst v63  }
0x55: {  	_ =	swait.ge [sflag:s10], $0x1F40  }
0x56: {  	[sflag:s10] =	ssyncset.done $0x0  }
0x57: {  	s8 =	rddreg [dreg:$0xc];
	[sflag:s10] =	ssyncadd.s32 $0xFFFFE0C0  }
0x58: {  	[tilespmem:s14], [sflag:$0x2] =	stream.indirect.gather [hbm4b:s4+s12], $0x40, s8, s12, $0xb8;
	[tilespmem:$0xF280] =	vst v63  }
0x59: {  	_ =	swait.ge [sflag:s15], $0x1F40  }
0x5a: {  	[sflag:s15] =	ssyncset.done $0x0  }
0x5b: {  	s9 =	rddreg [dreg:$0xd];
	[sflag:s15] =	ssyncadd.s32 $0xFFFFE0C0  }
0x5c: {  	[spmem:s2] =	stream.indirect.scatter.add.f32 [tilespmem:s13], [sflag:$0x3], $0x40, s9, s12, $0xb8;
	[tilespmem:$0xF280] =	vst v63  }
0x5d: {  	_ =	swait.ge [sflag:s10], $0x1F40  }
0x5e: {  	[sflag:s10] =	ssyncset.done $0x0  }
0x5f: {  	s7 =	rddreg [dreg:$0xe];
	[sflag:s10] =	ssyncadd.s32 $0xFFFFE0C0  }
0x60: {  	[tilespmem:s13], [sflag:$0x1] =	stream.indirect.gather [hbm4b:s4+s12], $0x40, s7, s12, $0xb8;
	[tilespmem:$0xF280] =	vst v63  }
0x61: {  	_ =	swait.ge [sflag:s16], $0x1F40  }
0x62: {  	[sflag:s16] =	ssyncset.done $0x0  }
0x63: {  	s8 =	rddreg [dreg:$0xf];
	[sflag:s16] =	ssyncadd.s32 $0xFFFFE0C0  }
0x64: {  	[spmem:s2] =	stream.indirect.scatter.add.f32 [tilespmem:s14], [sflag:$0x3], $0x40, s8, s12, $0xb8;
	[tilespmem:$0xF280] =	vst v63  }
0x65: {  	_ =	swait.ge [sflag:s10], $0x1F40  }
0x66: {  	[sflag:s10] =	ssyncset.done $0x0  }
0x67: {  	s9 =	rddreg [dreg:$0x10];
	[sflag:s10] =	ssyncadd.s32 $0xFFFFE0C0  }
0x68: {  	[tilespmem:s14], [sflag:$0x2] =	stream.indirect.gather [hbm4b:s4+s12], $0x40, s9, s12, $0xb8;
	[tilespmem:$0xF280] =	vst v63  }
0x69: {  	_ =	swait.ge [sflag:s15], $0x1F40  }
0x6a: {  	[sflag:s15] =	ssyncset.done $0x0  }
0x6b: {  	s7 =	rddreg [dreg:$0x11];
	[sflag:s15] =	ssyncadd.s32 $0xFFFFE0C0  }
0x6c: {  	[spmem:s2] =	stream.indirect.scatter.add.f32 [tilespmem:s13], [sflag:$0x3], $0x40, s7, s12, $0xb8;
	[tilespmem:$0xF280] =	vst v63  }
0x6d: {  	_ =	swait.ge [sflag:s10], $0x1F40  }
0x6e: {  	[sflag:s10] =	ssyncset.done $0x0  }
0x6f: {  	s8 =	rddreg [dreg:$0x12];
	[sflag:s10] =	ssyncadd.s32 $0xFFFFE0C0  }
0x70: {  	[tilespmem:s13], [sflag:$0x1] =	stream.indirect.gather [hbm4b:s4+s12], $0x40, s8, s12, $0xb8;
	[tilespmem:$0xF280] =	vst v63  }
0x71: {  	_ =	swait.ge [sflag:s16], $0x1F40  }
0x72: {  	[sflag:s16] =	ssyncset.done $0x0  }
0x73: {  	s9 =	rddreg [dreg:$0x13];
	[sflag:s16] =	ssyncadd.s32 $0xFFFFE0C0  }
0x74: {  	[spmem:s2] =	stream.indirect.scatter.add.f32 [tilespmem:s14], [sflag:$0x3], $0x40, s9, s12, $0xb8;
	[tilespmem:$0xF280] =	vst v63  }
0x75: {  	_ =	swait.ge [sflag:s10], $0x1F40  }
0x76: {  	[sflag:s10] =	ssyncset.done $0x0  }
0x77: {  	s7 =	rddreg [dreg:$0x14];
	[sflag:s10] =	ssyncadd.s32 $0xFFFFE0C0  }
0x78: {  	[tilespmem:s14], [sflag:$0x2] =	stream.indirect.gather [hbm4b:s4+s12], $0x40, s7, s12, $0xb8;
	[tilespmem:$0xF280] =	vst v63  }
0x79: {  	_ =	swait.ge [sflag:s15], $0x1F40  }
0x7a: {  	[sflag:s15] =	ssyncset.done $0x0  }
0x7b: {  	s8 =	rddreg [dreg:$0x15];
	[sflag:s15] =	ssyncadd.s32 $0xFFFFE0C0  }
0x7c: {  	[spmem:s2] =	stream.indirect.scatter.add.f32 [tilespmem:s13], [sflag:$0x3], $0x40, s8, s12, $0xb8;
	[tilespmem:$0xF280] =	vst v63  }
0x7d: {  	_ =	swait.ge [sflag:s10], $0x1F40  }
0x7e: {  	[sflag:s10] =	ssyncset.done $0x0  }
0x7f: {  	s9 =	rddreg [dreg:$0x16];
	[sflag:s10] =	ssyncadd.s32 $0xFFFFE0C0  }
0x80: {  	[tilespmem:s13], [sflag:$0x1] =	stream.indirect.gather [hbm4b:s4+s12], $0x40, s9, s12, $0xb8;
	[tilespmem:$0xF280] =	vst v63  }
0x81: {  	_ =	swait.ge [sflag:s16], $0x1F40  }
0x82: {  	[sflag:s16] =	ssyncset.done $0x0  }
0x83: {  	s7 =	rddreg [dreg:$0x17];
	[sflag:s16] =	ssyncadd.s32 $0xFFFFE0C0  }
0x84: {  	[spmem:s2] =	stream.indirect.scatter.add.f32 [tilespmem:s14], [sflag:$0x3], $0x40, s7, s12, $0xb8;
	[tilespmem:$0xF280] =	vst v63  }
0x85: {  	_ =	swait.ge [sflag:s10], $0x1F40  }
0x86: {  	[sflag:s10] =	ssyncset.done $0x0  }
0x87: {  	s8 =	rddreg [dreg:$0x18];
	[sflag:s10] =	ssyncadd.s32 $0xFFFFE0C0  }
0x88: {  	[tilespmem:s14], [sflag:$0x2] =	stream.indirect.gather [hbm4b:s4+s12], $0x40, s8, s12, $0xb8;
	[tilespmem:$0xF280] =	vst v63  }
0x89: {  	_ =	swait.ge [sflag:s15], $0x1F40  }
0x8a: {  	[sflag:s15] =	ssyncset.done $0x0  }
0x8b: {  	s9 =	rddreg [dreg:$0x19];
	[sflag:s15] =	ssyncadd.s32 $0xFFFFE0C0  }
0x8c: {  	[spmem:s2] =	stream.indirect.scatter.add.f32 [tilespmem:s13], [sflag:$0x3], $0x40, s9, s12, $0xb8;
	[tilespmem:$0xF280] =	vst v63  }
0x8d: {  	_ =	swait.ge [sflag:s10], $0x1F40  }
0x8e: {  	[sflag:s10] =	ssyncset.done $0x0  }
0x8f: {  	[sflag:s10] =	ssyncadd.s32 $0xFFFFE0C0  }
0x90: {  	[tilespmem:s13], [sflag:$0x1] =	stream.indirect.gather [hbm4b:s4+s12], $0x40, s17, s12, $0xb8;
	[tilespmem:$0xF280] =	vst v63  }
0x91: {  	_ =	swait.ge [sflag:s16], $0x1F40  }
0x92: {  	[sflag:s16] =	ssyncset.done $0x0  }
0x93: {  	[sflag:s16] =	ssyncadd.s32 $0xFFFFE0C0  }
0x94: {  	[spmem:s2] =	stream.indirect.scatter.add.f32 [tilespmem:s14], [sflag:$0x3], $0x40, s18, s12, $0xb8;
	[tilespmem:$0xF280] =	vst v63  }
0x95: {  	_ =	swait.ge [sflag:s10], $0x1F40  }
0x96: {  	[sflag:s10] =	ssyncset.done $0x0  }
0x97: {  	[sflag:s10] =	ssyncadd.s32 $0xFFFFE0C0  }
0x98: {  	[tilespmem:s14], [sflag:$0x2] =	stream.indirect.gather [hbm4b:s4+s12], $0x40, s19, s12, $0xb8;
	[tilespmem:$0xF280] =	vst v63  }
0x99: {  	_ =	swait.ge [sflag:s15], $0x1F40  }
0x9a: {  	[sflag:s15] =	ssyncset.done $0x0  }
0x9b: {  	[sflag:s15] =	ssyncadd.s32 $0xFFFFE0C0  }
0x9c: {  	[spmem:s2] =	stream.indirect.scatter.add.f32 [tilespmem:s13], [sflag:$0x3], $0x40, s20, s12, $0xb8;
	[tilespmem:$0xF280] =	vst v63  }
0x9d: {  	_ =	swait.ge [sflag:s10], $0x1F40  }
0x9e: {  	[sflag:s10] =	ssyncset.done $0x0  }
0x9f: {  	[sflag:s10] =	ssyncadd.s32 $0xFFFFE0C0  }
0xa0: {  	[tilespmem:s13], [sflag:$0x1] =	stream.indirect.gather [hbm4b:s4+s12], $0x40, s21, s12, $0xb8;
	[tilespmem:$0xF280] =	vst v63  }
0xa1: {  	_ =	swait.ge [sflag:s16], $0x1F40  }
0xa2: {  	[sflag:s16] =	ssyncset.done $0x0  }
0xa3: {  	[sflag:s16] =	ssyncadd.s32 $0xFFFFE0C0  }
0xa4: {  	[spmem:s2] =	stream.indirect.scatter.add.f32 [tilespmem:s14], [sflag:$0x3], $0x40, s22, s12, $0xb8;
	[tilespmem:$0xF280] =	vst v63  }
0xa5: {  	_ =	swait.ge [sflag:s10], $0x1F40  }
0xa6: {  	[sflag:s10] =	ssyncset.done $0x0  }
0xa7: {  	[sflag:s10] =	ssyncadd.s32 $0xFFFFE0C0  }
0xa8: {  	[tilespmem:s14], [sflag:$0x2] =	stream.indirect.gather [hbm4b:s4+s12], $0x40, s23, s12, $0xb8;
	[tilespmem:$0xF280] =	vst v63  }
0xa9: {  	_ =	swait.ge [sflag:s15], $0x1F40  }
0xaa: {  	[sflag:s15] =	ssyncset.done $0x0  }
0xab: {  	[sflag:s15] =	ssyncadd.s32 $0xFFFFE0C0  }
0xac: {  	[spmem:s2] =	stream.indirect.scatter.add.f32 [tilespmem:s13], [sflag:$0x3], $0x40, s24, s12, $0xb8;
	[tilespmem:$0xF280] =	vst v63  }
0xad: {  	_ =	swait.ge [sflag:s10], $0x1F40  }
0xae: {  	[sflag:s10] =	ssyncset.done $0x0  }
0xaf: {  	[sflag:s10] =	ssyncadd.s32 $0xFFFFE0C0  }
0xb0: {  	[tilespmem:s13], [sflag:$0x1] =	stream.indirect.gather [hbm4b:s4+s12], $0x40, s25, s12, $0xb8;
	[tilespmem:$0xF280] =	vst v63  }
0xb1: {  	_ =	swait.ge [sflag:s16], $0x1F40  }
0xb2: {  	[sflag:s16] =	ssyncset.done $0x0  }
0xb3: {  	[sflag:s16] =	ssyncadd.s32 $0xFFFFE0C0  }
0xb4: {  	[spmem:s2] =	stream.indirect.scatter.add.f32 [tilespmem:s14], [sflag:$0x3], $0x40, s26, s12, $0xb8;
	[tilespmem:$0xF280] =	vst v63  }
0xb5: {  	_ =	swait.ge [sflag:s10], $0x1F40  }
0xb6: {  	[sflag:s10] =	ssyncset.done $0x0  }
0xb7: {  	[sflag:s10] =	ssyncadd.s32 $0xFFFFE0C0  }
0xb8: {  	[tilespmem:s14], [sflag:$0x2] =	stream.indirect.gather [hbm4b:s4+s12], $0x40, s28, s12, $0xb8;
	[tilespmem:$0xF280] =	vst v63  }
0xb9: {  	_ =	swait.ge [sflag:s15], $0x1F40  }
0xba: {  	[sflag:s15] =	ssyncset.done $0x0  }
0xbb: {  	[sflag:s15] =	ssyncadd.s32 $0xFFFFE0C0  }
0xbc: {  	[spmem:s2] =	stream.indirect.scatter.add.f32 [tilespmem:s13], [sflag:$0x3], $0x40, s29, s12, $0xb8;
	[tilespmem:$0xF280] =	vst v63  }
0xbd: {  	_ =	swait.ge [sflag:s10], $0x1F40  }
0xbe: {  	[sflag:s10] =	ssyncset.done $0x0  }
0xbf: {  	[sflag:s10] =	ssyncadd.s32 $0xFFFFE0C0  }
0xc0: {  	[tilespmem:s13], [sflag:$0x1] =	stream.indirect.gather [hbm4b:s4+s12], $0x40, s30, s12, $0xb8;
	[tilespmem:$0xF280] =	vst v63  }
0xc1: {  	_ =	swait.ge [sflag:s16], $0x1F40  }
0xc2: {  	[sflag:s16] =	ssyncset.done $0x0  }
0xc3: {  	[sflag:s16] =	ssyncadd.s32 $0xFFFFE0C0  }
0xc4: {  	[spmem:s2] =	stream.indirect.scatter.add.f32 [tilespmem:s14], [sflag:$0x3], $0x40, s31, s12, $0xb8;
	[tilespmem:$0xF280] =	vst v63  }
0xc5: {  	_ =	swait.ge [sflag:s10], $0x1F40  }
0xc6: {  	[sflag:s10] =	ssyncset.done $0x0  }
0xc7: {  	[sflag:s10] =	ssyncadd.s32 $0xFFFFE0C0  }
0xc8: {  	[tilespmem:s14], [sflag:$0x2] =	stream.indirect.gather [hbm4b:s4+s12], $0x40, s1, s12, $0xb8;
	[tilespmem:$0xF280] =	vst v63  }
0xc9: {  	_ =	swait.ge [sflag:s15], $0x1F40  }
0xca: {  	[sflag:s15] =	ssyncset.done $0x0  }
0xcb: {  	[sflag:s15] =	ssyncadd.s32 $0xFFFFE0C0  }
0xcc: {  	[spmem:s2] =	stream.indirect.scatter.add.f32 [tilespmem:s13], [sflag:$0x3], $0x40, s0, s12, $0xb8;
	[tilespmem:$0xF280] =	vst v63  }
0xcd: {  	_ =	swait.ge [sflag:s10], $0x1F40  }
0xce: {  	[sflag:s10] =	ssyncset.done $0x0  }
0xcf: {  	[sflag:s10] =	ssyncadd.s32 $0xFFFFE0C0  }
0xd0: {  	_ =	swait.ge [sflag:s16], $0x1F40  }
0xd1: {  	[sflag:s16] =	ssyncset.done $0x0  }
0xd2: {  	[sflag:s16] =	ssyncadd.s32 $0xFFFFE0C0  }
0xd3: {  	[spmem:s2] =	stream.indirect.scatter.add.f32 [tilespmem:s14], [sflag:$0x3], $0x40, s5, s12, $0xb8;
	[tilespmem:$0xF280] =	vst v63  }
0xd4: {  	s6 =	simm.s32 $0x280;
	_ =	swait.ge [sflag:s10], $0x1F40  }
0xd5: {  	s8 =	simm.s32 $0x140;
	s9 =	rddreg [dreg:$0x4];
	[sflag:s10] =	ssyncset.done $0x0  }
.LBB2_2:
0xd6: {  	[sflag:s10] =	ssyncadd.s32 $0xFFFFE0C0;
	s9 =	sadd.s32 s8, s9  }
0xd7: {  	[tilespmem:s3], [sflag:$0x3] =	stream.linear.gather [hbm4b:s9+s3], $0xA00, $0x38;
	[tilespmem:$0xF280] =	vst v63  }
0xd8: {  	_ =	swait.ge [sflag:s10], $0xA00  }
0xd9: {  	s9 =	rddreg [dreg:$0x3];
	[sflag:s10] =	ssyncset.done $0x0  }
0xda: {  	[sflag:s10] =	ssyncadd.s32 $0xFFFFF600;
	s9 =	sadd.s32 s8, s9  }
0xdb: {  	[tilespmem:s11], [sflag:$0x3] =	stream.linear.gather [hbm4b:s9+s3], $0xA00, $0x38;
	[tilespmem:$0xF280] =	vst v63  }
0xdc: {  	_ =	swait.ge [sflag:s10], $0xA00  }
0xdd: {  	[sflag:s10] =	ssyncset.done $0x0  }
0xde: {  	[sflag:s10] =	ssyncadd.s32 $0xFFFFF600  }
0xdf: {  	[tilespmem:s13], [sflag:$0x1] =	stream.indirect.gather [hbm4b:s4+s12], $0x40, s3, s12, $0xb8;
	[tilespmem:$0xF280] =	vst v63  }
0xe0: {  	s9 =	rddreg [dreg:$0x5]  }
0xe1: {  	[tilespmem:s14], [sflag:$0x2] =	stream.indirect.gather [hbm4b:s4+s12], $0x40, s9, s12, $0xb8;
	[tilespmem:$0xF280] =	vst v63  }
0xe2: {  	_ =	swait.ge [sflag:s15], $0x1F40  }
0xe3: {  	[sflag:s15] =	ssyncset.done $0x0  }
0xe4: {  	[sflag:s15] =	ssyncadd.s32 $0xFFFFE0C0  }
0xe5: {  	[spmem:s2] =	stream.indirect.scatter.add.f32 [tilespmem:s13], [sflag:$0x3], $0x40, s11, s12, $0xb8;
	[tilespmem:$0xF280] =	vst v63  }
0xe6: {  	_ =	swait.ge [sflag:s10], $0x1F40  }
0xe7: {  	[sflag:s10] =	ssyncset.done $0x0  }
0xe8: {  	s9 =	rddreg [dreg:$0x6];
	[sflag:s10] =	ssyncadd.s32 $0xFFFFE0C0  }
0xe9: {  	[tilespmem:s13], [sflag:$0x1] =	stream.indirect.gather [hbm4b:s4+s12], $0x40, s9, s12, $0xb8;
	[tilespmem:$0xF280] =	vst v63  }
0xea: {  	_ =	swait.ge [sflag:s16], $0x1F40  }
0xeb: {  	[sflag:s16] =	ssyncset.done $0x0  }
0xec: {  	s9 =	rddreg [dreg:$0x7];
	[sflag:s16] =	ssyncadd.s32 $0xFFFFE0C0  }
0xed: {  	[spmem:s2] =	stream.indirect.scatter.add.f32 [tilespmem:s14], [sflag:$0x3], $0x40, s9, s12, $0xb8;
	[tilespmem:$0xF280] =	vst v63  }
0xee: {  	_ =	swait.ge [sflag:s10], $0x1F40  }
0xef: {  	[sflag:s10] =	ssyncset.done $0x0  }
0xf0: {  	s9 =	rddreg [dreg:$0x8];
	[sflag:s10] =	ssyncadd.s32 $0xFFFFE0C0  }
0xf1: {  	[tilespmem:s14], [sflag:$0x2] =	stream.indirect.gather [hbm4b:s4+s12], $0x40, s9, s12, $0xb8;
	[tilespmem:$0xF280] =	vst v63  }
0xf2: {  	_ =	swait.ge [sflag:s15], $0x1F40  }
0xf3: {  	[sflag:s15] =	ssyncset.done $0x0  }
0xf4: {  	s9 =	rddreg [dreg:$0x9];
	[sflag:s15] =	ssyncadd.s32 $0xFFFFE0C0  }
0xf5: {  	[spmem:s2] =	stream.indirect.scatter.add.f32 [tilespmem:s13], [sflag:$0x3], $0x40, s9, s12, $0xb8;
	[tilespmem:$0xF280] =	vst v63  }
0xf6: {  	_ =	swait.ge [sflag:s10], $0x1F40  }
0xf7: {  	[sflag:s10] =	ssyncset.done $0x0  }
0xf8: {  	s9 =	rddreg [dreg:$0xa];
	[sflag:s10] =	ssyncadd.s32 $0xFFFFE0C0  }
0xf9: {  	[tilespmem:s13], [sflag:$0x1] =	stream.indirect.gather [hbm4b:s4+s12], $0x40, s9, s12, $0xb8;
	[tilespmem:$0xF280] =	vst v63  }
0xfa: {  	_ =	swait.ge [sflag:s16], $0x1F40  }
0xfb: {  	[sflag:s16] =	ssyncset.done $0x0  }
0xfc: {  	s9 =	rddreg [dreg:$0xb];
	[sflag:s16] =	ssyncadd.s32 $0xFFFFE0C0  }
0xfd: {  	[spmem:s2] =	stream.indirect.scatter.add.f32 [tilespmem:s14], [sflag:$0x3], $0x40, s9, s12, $0xb8;
	[tilespmem:$0xF280] =	vst v63  }
0xfe: {  	_ =	swait.ge [sflag:s10], $0x1F40  }
0xff: {  	[sflag:s10] =	ssyncset.done $0x0  }
0x100: {  	s9 =	rddreg [dreg:$0xc];
	[sflag:s10] =	ssyncadd.s32 $0xFFFFE0C0  }
0x101: {  	[tilespmem:s14], [sflag:$0x2] =	stream.indirect.gather [hbm4b:s4+s12], $0x40, s9, s12, $0xb8;
	[tilespmem:$0xF280] =	vst v63  }
0x102: {  	_ =	swait.ge [sflag:s15], $0x1F40  }
0x103: {  	[sflag:s15] =	ssyncset.done $0x0  }
0x104: {  	s9 =	rddreg [dreg:$0xd];
	[sflag:s15] =	ssyncadd.s32 $0xFFFFE0C0  }
0x105: {  	[spmem:s2] =	stream.indirect.scatter.add.f32 [tilespmem:s13], [sflag:$0x3], $0x40, s9, s12, $0xb8;
	[tilespmem:$0xF280] =	vst v63  }
0x106: {  	_ =	swait.ge [sflag:s10], $0x1F40  }
0x107: {  	[sflag:s10] =	ssyncset.done $0x0  }
0x108: {  	s9 =	rddreg [dreg:$0xe];
	[sflag:s10] =	ssyncadd.s32 $0xFFFFE0C0  }
0x109: {  	[tilespmem:s13], [sflag:$0x1] =	stream.indirect.gather [hbm4b:s4+s12], $0x40, s9, s12, $0xb8;
	[tilespmem:$0xF280] =	vst v63  }
0x10a: {  	_ =	swait.ge [sflag:s16], $0x1F40  }
0x10b: {  	[sflag:s16] =	ssyncset.done $0x0  }
0x10c: {  	s9 =	rddreg [dreg:$0xf];
	[sflag:s16] =	ssyncadd.s32 $0xFFFFE0C0  }
0x10d: {  	[spmem:s2] =	stream.indirect.scatter.add.f32 [tilespmem:s14], [sflag:$0x3], $0x40, s9, s12, $0xb8;
	[tilespmem:$0xF280] =	vst v63  }
0x10e: {  	_ =	swait.ge [sflag:s10], $0x1F40  }
0x10f: {  	[sflag:s10] =	ssyncset.done $0x0  }
0x110: {  	s9 =	rddreg [dreg:$0x10];
	[sflag:s10] =	ssyncadd.s32 $0xFFFFE0C0  }
0x111: {  	[tilespmem:s14], [sflag:$0x2] =	stream.indirect.gather [hbm4b:s4+s12], $0x40, s9, s12, $0xb8;
	[tilespmem:$0xF280] =	vst v63  }
0x112: {  	_ =	swait.ge [sflag:s15], $0x1F40  }
0x113: {  	[sflag:s15] =	ssyncset.done $0x0  }
0x114: {  	s9 =	rddreg [dreg:$0x11];
	[sflag:s15] =	ssyncadd.s32 $0xFFFFE0C0  }
0x115: {  	[spmem:s2] =	stream.indirect.scatter.add.f32 [tilespmem:s13], [sflag:$0x3], $0x40, s9, s12, $0xb8;
	[tilespmem:$0xF280] =	vst v63  }
0x116: {  	_ =	swait.ge [sflag:s10], $0x1F40  }
0x117: {  	[sflag:s10] =	ssyncset.done $0x0  }
0x118: {  	s9 =	rddreg [dreg:$0x12];
	[sflag:s10] =	ssyncadd.s32 $0xFFFFE0C0  }
0x119: {  	[tilespmem:s13], [sflag:$0x1] =	stream.indirect.gather [hbm4b:s4+s12], $0x40, s9, s12, $0xb8;
	[tilespmem:$0xF280] =	vst v63  }
0x11a: {  	_ =	swait.ge [sflag:s16], $0x1F40  }
0x11b: {  	[sflag:s16] =	ssyncset.done $0x0  }
0x11c: {  	s9 =	rddreg [dreg:$0x13];
	[sflag:s16] =	ssyncadd.s32 $0xFFFFE0C0  }
0x11d: {  	[spmem:s2] =	stream.indirect.scatter.add.f32 [tilespmem:s14], [sflag:$0x3], $0x40, s9, s12, $0xb8;
	[tilespmem:$0xF280] =	vst v63  }
0x11e: {  	_ =	swait.ge [sflag:s10], $0x1F40  }
0x11f: {  	[sflag:s10] =	ssyncset.done $0x0  }
0x120: {  	s9 =	rddreg [dreg:$0x14];
	[sflag:s10] =	ssyncadd.s32 $0xFFFFE0C0  }
0x121: {  	[tilespmem:s14], [sflag:$0x2] =	stream.indirect.gather [hbm4b:s4+s12], $0x40, s9, s12, $0xb8;
	[tilespmem:$0xF280] =	vst v63  }
0x122: {  	_ =	swait.ge [sflag:s15], $0x1F40  }
0x123: {  	[sflag:s15] =	ssyncset.done $0x0  }
0x124: {  	s9 =	rddreg [dreg:$0x15];
	[sflag:s15] =	ssyncadd.s32 $0xFFFFE0C0  }
0x125: {  	[spmem:s2] =	stream.indirect.scatter.add.f32 [tilespmem:s13], [sflag:$0x3], $0x40, s9, s12, $0xb8;
	[tilespmem:$0xF280] =	vst v63  }
0x126: {  	_ =	swait.ge [sflag:s10], $0x1F40  }
0x127: {  	[sflag:s10] =	ssyncset.done $0x0  }
0x128: {  	s9 =	rddreg [dreg:$0x16];
	[sflag:s10] =	ssyncadd.s32 $0xFFFFE0C0  }
0x129: {  	[tilespmem:s13], [sflag:$0x1] =	stream.indirect.gather [hbm4b:s4+s12], $0x40, s9, s12, $0xb8;
	[tilespmem:$0xF280] =	vst v63  }
0x12a: {  	_ =	swait.ge [sflag:s16], $0x1F40  }
0x12b: {  	[sflag:s16] =	ssyncset.done $0x0  }
0x12c: {  	s9 =	rddreg [dreg:$0x17];
	[sflag:s16] =	ssyncadd.s32 $0xFFFFE0C0  }
0x12d: {  	[spmem:s2] =	stream.indirect.scatter.add.f32 [tilespmem:s14], [sflag:$0x3], $0x40, s9, s12, $0xb8;
	[tilespmem:$0xF280] =	vst v63  }
0x12e: {  	_ =	swait.ge [sflag:s10], $0x1F40  }
0x12f: {  	[sflag:s10] =	ssyncset.done $0x0  }
0x130: {  	s9 =	rddreg [dreg:$0x18];
	[sflag:s10] =	ssyncadd.s32 $0xFFFFE0C0  }
0x131: {  	[tilespmem:s14], [sflag:$0x2] =	stream.indirect.gather [hbm4b:s4+s12], $0x40, s9, s12, $0xb8;
	[tilespmem:$0xF280] =	vst v63  }
0x132: {  	_ =	swait.ge [sflag:s15], $0x1F40  }
0x133: {  	[sflag:s15] =	ssyncset.done $0x0  }
0x134: {  	s9 =	rddreg [dreg:$0x19];
	[sflag:s15] =	ssyncadd.s32 $0xFFFFE0C0  }
0x135: {  	[spmem:s2] =	stream.indirect.scatter.add.f32 [tilespmem:s13], [sflag:$0x3], $0x40, s9, s12, $0xb8;
	[tilespmem:$0xF280] =	vst v63  }
0x136: {  	_ =	swait.ge [sflag:s10], $0x1F40  }
0x137: {  	[sflag:s10] =	ssyncset.done $0x0  }
0x138: {  	[sflag:s10] =	ssyncadd.s32 $0xFFFFE0C0  }
0x139: {  	[tilespmem:s13], [sflag:$0x1] =	stream.indirect.gather [hbm4b:s4+s12], $0x40, s17, s12, $0xb8;
	[tilespmem:$0xF280] =	vst v63  }
0x13a: {  	_ =	swait.ge [sflag:s16], $0x1F40  }
0x13b: {  	[sflag:s16] =	ssyncset.done $0x0  }
0x13c: {  	[sflag:s16] =	ssyncadd.s32 $0xFFFFE0C0  }
0x13d: {  	[spmem:s2] =	stream.indirect.scatter.add.f32 [tilespmem:s14], [sflag:$0x3], $0x40, s18, s12, $0xb8;
	[tilespmem:$0xF280] =	vst v63  }
0x13e: {  	_ =	swait.ge [sflag:s10], $0x1F40  }
0x13f: {  	[sflag:s10] =	ssyncset.done $0x0  }
0x140: {  	[sflag:s10] =	ssyncadd.s32 $0xFFFFE0C0  }
0x141: {  	[tilespmem:s14], [sflag:$0x2] =	stream.indirect.gather [hbm4b:s4+s12], $0x40, s19, s12, $0xb8;
	[tilespmem:$0xF280] =	vst v63  }
0x142: {  	_ =	swait.ge [sflag:s15], $0x1F40  }
0x143: {  	[sflag:s15] =	ssyncset.done $0x0  }
0x144: {  	[sflag:s15] =	ssyncadd.s32 $0xFFFFE0C0  }
0x145: {  	[spmem:s2] =	stream.indirect.scatter.add.f32 [tilespmem:s13], [sflag:$0x3], $0x40, s20, s12, $0xb8;
	[tilespmem:$0xF280] =	vst v63  }
0x146: {  	_ =	swait.ge [sflag:s10], $0x1F40  }
0x147: {  	[sflag:s10] =	ssyncset.done $0x0  }
0x148: {  	[sflag:s10] =	ssyncadd.s32 $0xFFFFE0C0  }
0x149: {  	[tilespmem:s13], [sflag:$0x1] =	stream.indirect.gather [hbm4b:s4+s12], $0x40, s21, s12, $0xb8;
	[tilespmem:$0xF280] =	vst v63  }
0x14a: {  	_ =	swait.ge [sflag:s16], $0x1F40  }
0x14b: {  	[sflag:s16] =	ssyncset.done $0x0  }
0x14c: {  	[sflag:s16] =	ssyncadd.s32 $0xFFFFE0C0  }
0x14d: {  	[spmem:s2] =	stream.indirect.scatter.add.f32 [tilespmem:s14], [sflag:$0x3], $0x40, s22, s12, $0xb8;
	[tilespmem:$0xF280] =	vst v63  }
0x14e: {  	_ =	swait.ge [sflag:s10], $0x1F40  }
0x14f: {  	[sflag:s10] =	ssyncset.done $0x0  }
0x150: {  	[sflag:s10] =	ssyncadd.s32 $0xFFFFE0C0  }
0x151: {  	[tilespmem:s14], [sflag:$0x2] =	stream.indirect.gather [hbm4b:s4+s12], $0x40, s23, s12, $0xb8;
	[tilespmem:$0xF280] =	vst v63  }
0x152: {  	_ =	swait.ge [sflag:s15], $0x1F40  }
0x153: {  	[sflag:s15] =	ssyncset.done $0x0  }
0x154: {  	[sflag:s15] =	ssyncadd.s32 $0xFFFFE0C0  }
0x155: {  	[spmem:s2] =	stream.indirect.scatter.add.f32 [tilespmem:s13], [sflag:$0x3], $0x40, s24, s12, $0xb8;
	[tilespmem:$0xF280] =	vst v63  }
0x156: {  	_ =	swait.ge [sflag:s10], $0x1F40  }
0x157: {  	[sflag:s10] =	ssyncset.done $0x0  }
0x158: {  	[sflag:s10] =	ssyncadd.s32 $0xFFFFE0C0  }
0x159: {  	[tilespmem:s13], [sflag:$0x1] =	stream.indirect.gather [hbm4b:s4+s12], $0x40, s25, s12, $0xb8;
	[tilespmem:$0xF280] =	vst v63  }
0x15a: {  	_ =	swait.ge [sflag:s16], $0x1F40  }
0x15b: {  	[sflag:s16] =	ssyncset.done $0x0  }
0x15c: {  	[sflag:s16] =	ssyncadd.s32 $0xFFFFE0C0  }
0x15d: {  	[spmem:s2] =	stream.indirect.scatter.add.f32 [tilespmem:s14], [sflag:$0x3], $0x40, s26, s12, $0xb8;
	[tilespmem:$0xF280] =	vst v63  }
0x15e: {  	_ =	swait.ge [sflag:s10], $0x1F40  }
0x15f: {  	[sflag:s10] =	ssyncset.done $0x0  }
0x160: {  	[sflag:s10] =	ssyncadd.s32 $0xFFFFE0C0  }
0x161: {  	[tilespmem:s14], [sflag:$0x2] =	stream.indirect.gather [hbm4b:s4+s12], $0x40, s28, s12, $0xb8;
	[tilespmem:$0xF280] =	vst v63  }
0x162: {  	_ =	swait.ge [sflag:s15], $0x1F40  }
0x163: {  	[sflag:s15] =	ssyncset.done $0x0  }
0x164: {  	[sflag:s15] =	ssyncadd.s32 $0xFFFFE0C0  }
0x165: {  	[spmem:s2] =	stream.indirect.scatter.add.f32 [tilespmem:s13], [sflag:$0x3], $0x40, s29, s12, $0xb8;
	[tilespmem:$0xF280] =	vst v63  }
0x166: {  	_ =	swait.ge [sflag:s10], $0x1F40  }
0x167: {  	[sflag:s10] =	ssyncset.done $0x0  }
0x168: {  	[sflag:s10] =	ssyncadd.s32 $0xFFFFE0C0  }
0x169: {  	[tilespmem:s13], [sflag:$0x1] =	stream.indirect.gather [hbm4b:s4+s12], $0x40, s30, s12, $0xb8;
	[tilespmem:$0xF280] =	vst v63  }
0x16a: {  	_ =	swait.ge [sflag:s16], $0x1F40  }
0x16b: {  	[sflag:s16] =	ssyncset.done $0x0  }
0x16c: {  	[sflag:s16] =	ssyncadd.s32 $0xFFFFE0C0  }
0x16d: {  	[spmem:s2] =	stream.indirect.scatter.add.f32 [tilespmem:s14], [sflag:$0x3], $0x40, s31, s12, $0xb8;
	[tilespmem:$0xF280] =	vst v63  }
0x16e: {  	_ =	swait.ge [sflag:s10], $0x1F40  }
0x16f: {  	[sflag:s10] =	ssyncset.done $0x0  }
0x170: {  	[sflag:s10] =	ssyncadd.s32 $0xFFFFE0C0  }
0x171: {  	[tilespmem:s14], [sflag:$0x2] =	stream.indirect.gather [hbm4b:s4+s12], $0x40, s1, s12, $0xb8;
	[tilespmem:$0xF280] =	vst v63  }
0x172: {  	_ =	swait.ge [sflag:s15], $0x1F40  }
0x173: {  	[sflag:s15] =	ssyncset.done $0x0  }
0x174: {  	[sflag:s15] =	ssyncadd.s32 $0xFFFFE0C0  }
0x175: {  	[spmem:s2] =	stream.indirect.scatter.add.f32 [tilespmem:s13], [sflag:$0x3], $0x40, s0, s12, $0xb8;
	[tilespmem:$0xF280] =	vst v63  }
0x176: {  	_ =	swait.ge [sflag:s10], $0x1F40  }
0x177: {  	[sflag:s10] =	ssyncset.done $0x0  }
0x178: {  	[sflag:s10] =	ssyncadd.s32 $0xFFFFE0C0  }
0x179: {  	p0 =	sne.s32 s6, $0x3C0;
	_ =	swait.ge [sflag:s16], $0x1F40  }
.Ltmp0:
0x17a: {  	[sflag:s16] =	ssyncset.done $0x0;
	(pc) =	sbr.rel @p0 .LBB2_2-.Ltmp0, $4  }
0x17b: {  	[sflag:s16] =	ssyncadd.s32 $0xFFFFE0C0  }
0x17c: {  	[spmem:s2] =	stream.indirect.scatter.add.f32 [tilespmem:s14], [sflag:$0x3], $0x40, s5, s12, $0xb8;
	[tilespmem:$0xF280] =	vst v63  }
0x17d: {  	s7 =	smov.u32 s6;
	s6 =	sadd.s32 $0x140, s6;
	_ =	swait.ge [sflag:s10], $0x1F40  }
0x17e: {  	s8 =	smov.u32 s7;
	s9 =	rddreg [dreg:$0x4];
	[sflag:s10] =	ssyncset.done $0x0  }
0x17f: {  	[sflag:s10] =	ssyncadd.s32 $0xFFFFE0C0;
	s6 =	sadd.s32 s8, s9  }
0x180: {  	[tilespmem:s3], [sflag:$0x3] =	stream.linear.gather [hbm4b:s6+s3], $0xA00, $0x38;
	[tilespmem:$0xF280] =	vst v63  }
0x181: {  	_ =	swait.ge [sflag:s10], $0xA00  }
0x182: {  	s7 =	rddreg [dreg:$0x3];
	[sflag:s10] =	ssyncset.done $0x0  }
0x183: {  	s6 =	sadd.s32 s8, s7;
	[sflag:s10] =	ssyncadd.s32 $0xFFFFF600  }
0x184: {  	[tilespmem:s11], [sflag:$0x3] =	stream.linear.gather [hbm4b:s6+s3], $0xA00, $0x38;
	[tilespmem:$0xF280] =	vst v63  }
0x185: {  	_ =	swait.ge [sflag:s10], $0xA00  }
0x186: {  	[sflag:s10] =	ssyncset.done $0x0  }
0x187: {  	[sflag:s10] =	ssyncadd.s32 $0xFFFFF600  }
0x188: {  	[tilespmem:s13], [sflag:$0x1] =	stream.indirect.gather [hbm4b:s4+s12], $0x40, s3, s12, $0xb8;
	[tilespmem:$0xF280] =	vst v63  }
0x189: {  	s9 =	rddreg [dreg:$0x5]  }
0x18a: {  	[tilespmem:s14], [sflag:$0x2] =	stream.indirect.gather [hbm4b:s4+s12], $0x40, s9, s12, $0xb8;
	[tilespmem:$0xF280] =	vst v63  }
0x18b: {  	_ =	swait.ge [sflag:s15], $0x1F40  }
0x18c: {  	[sflag:s15] =	ssyncset.done $0x0  }
0x18d: {  	[sflag:s15] =	ssyncadd.s32 $0xFFFFE0C0  }
0x18e: {  	[spmem:s2] =	stream.indirect.scatter.add.f32 [tilespmem:s13], [sflag:$0x3], $0x40, s11, s12, $0xb8;
	[tilespmem:$0xF280] =	vst v63  }
0x18f: {  	_ =	swait.ge [sflag:s10], $0x1F40  }
0x190: {  	[sflag:s10] =	ssyncset.done $0x0  }
0x191: {  	s7 =	rddreg [dreg:$0x6];
	[sflag:s10] =	ssyncadd.s32 $0xFFFFE0C0  }
0x192: {  	[tilespmem:s13], [sflag:$0x1] =	stream.indirect.gather [hbm4b:s4+s12], $0x40, s7, s12, $0xb8;
	[tilespmem:$0xF280] =	vst v63  }
0x193: {  	_ =	swait.ge [sflag:s16], $0x1F40  }
0x194: {  	[sflag:s16] =	ssyncset.done $0x0  }
0x195: {  	s8 =	rddreg [dreg:$0x7];
	[sflag:s16] =	ssyncadd.s32 $0xFFFFE0C0  }
0x196: {  	[spmem:s2] =	stream.indirect.scatter.add.f32 [tilespmem:s14], [sflag:$0x3], $0x40, s8, s12, $0xb8;
	[tilespmem:$0xF280] =	vst v63  }
0x197: {  	_ =	swait.ge [sflag:s10], $0x1F40  }
0x198: {  	[sflag:s10] =	ssyncset.done $0x0  }
0x199: {  	s9 =	rddreg [dreg:$0x8];
	[sflag:s10] =	ssyncadd.s32 $0xFFFFE0C0  }
0x19a: {  	[tilespmem:s14], [sflag:$0x2] =	stream.indirect.gather [hbm4b:s4+s12], $0x40, s9, s12, $0xb8;
	[tilespmem:$0xF280] =	vst v63  }
0x19b: {  	_ =	swait.ge [sflag:s15], $0x1F40  }
0x19c: {  	[sflag:s15] =	ssyncset.done $0x0  }
0x19d: {  	s7 =	rddreg [dreg:$0x9];
	[sflag:s15] =	ssyncadd.s32 $0xFFFFE0C0  }
0x19e: {  	[spmem:s2] =	stream.indirect.scatter.add.f32 [tilespmem:s13], [sflag:$0x3], $0x40, s7, s12, $0xb8;
	[tilespmem:$0xF280] =	vst v63  }
0x19f: {  	_ =	swait.ge [sflag:s10], $0x1F40  }
0x1a0: {  	[sflag:s10] =	ssyncset.done $0x0  }
0x1a1: {  	s8 =	rddreg [dreg:$0xa];
	[sflag:s10] =	ssyncadd.s32 $0xFFFFE0C0  }
0x1a2: {  	[tilespmem:s13], [sflag:$0x1] =	stream.indirect.gather [hbm4b:s4+s12], $0x40, s8, s12, $0xb8;
	[tilespmem:$0xF280] =	vst v63  }
0x1a3: {  	_ =	swait.ge [sflag:s16], $0x1F40  }
0x1a4: {  	[sflag:s16] =	ssyncset.done $0x0  }
0x1a5: {  	s9 =	rddreg [dreg:$0xb];
	[sflag:s16] =	ssyncadd.s32 $0xFFFFE0C0  }
0x1a6: {  	[spmem:s2] =	stream.indirect.scatter.add.f32 [tilespmem:s14], [sflag:$0x3], $0x40, s9, s12, $0xb8;
	[tilespmem:$0xF280] =	vst v63  }
0x1a7: {  	_ =	swait.ge [sflag:s10], $0x1F40  }
0x1a8: {  	[sflag:s10] =	ssyncset.done $0x0  }
0x1a9: {  	s7 =	rddreg [dreg:$0xc];
	[sflag:s10] =	ssyncadd.s32 $0xFFFFE0C0  }
0x1aa: {  	[tilespmem:s14], [sflag:$0x2] =	stream.indirect.gather [hbm4b:s4+s12], $0x40, s7, s12, $0xb8;
	[tilespmem:$0xF280] =	vst v63  }
0x1ab: {  	_ =	swait.ge [sflag:s15], $0x1F40  }
0x1ac: {  	[sflag:s15] =	ssyncset.done $0x0  }
0x1ad: {  	s8 =	rddreg [dreg:$0xd];
	[sflag:s15] =	ssyncadd.s32 $0xFFFFE0C0  }
0x1ae: {  	[spmem:s2] =	stream.indirect.scatter.add.f32 [tilespmem:s13], [sflag:$0x3], $0x40, s8, s12, $0xb8;
	[tilespmem:$0xF280] =	vst v63  }
0x1af: {  	_ =	swait.ge [sflag:s10], $0x1F40  }
0x1b0: {  	[sflag:s10] =	ssyncset.done $0x0  }
0x1b1: {  	s9 =	rddreg [dreg:$0xe];
	[sflag:s10] =	ssyncadd.s32 $0xFFFFE0C0  }
0x1b2: {  	[tilespmem:s13], [sflag:$0x1] =	stream.indirect.gather [hbm4b:s4+s12], $0x40, s9, s12, $0xb8;
	[tilespmem:$0xF280] =	vst v63  }
0x1b3: {  	_ =	swait.ge [sflag:s16], $0x1F40  }
0x1b4: {  	[sflag:s16] =	ssyncset.done $0x0  }
0x1b5: {  	s7 =	rddreg [dreg:$0xf];
	[sflag:s16] =	ssyncadd.s32 $0xFFFFE0C0  }
0x1b6: {  	[spmem:s2] =	stream.indirect.scatter.add.f32 [tilespmem:s14], [sflag:$0x3], $0x40, s7, s12, $0xb8;
	[tilespmem:$0xF280] =	vst v63  }
0x1b7: {  	_ =	swait.ge [sflag:s10], $0x1F40  }
0x1b8: {  	[sflag:s10] =	ssyncset.done $0x0  }
0x1b9: {  	s8 =	rddreg [dreg:$0x10];
	[sflag:s10] =	ssyncadd.s32 $0xFFFFE0C0  }
0x1ba: {  	[tilespmem:s14], [sflag:$0x2] =	stream.indirect.gather [hbm4b:s4+s12], $0x40, s8, s12, $0xb8;
	[tilespmem:$0xF280] =	vst v63  }
0x1bb: {  	_ =	swait.ge [sflag:s15], $0x1F40  }
0x1bc: {  	[sflag:s15] =	ssyncset.done $0x0  }
0x1bd: {  	s9 =	rddreg [dreg:$0x11];
	[sflag:s15] =	ssyncadd.s32 $0xFFFFE0C0  }
0x1be: {  	[spmem:s2] =	stream.indirect.scatter.add.f32 [tilespmem:s13], [sflag:$0x3], $0x40, s9, s12, $0xb8;
	[tilespmem:$0xF280] =	vst v63  }
0x1bf: {  	_ =	swait.ge [sflag:s10], $0x1F40  }
0x1c0: {  	[sflag:s10] =	ssyncset.done $0x0  }
0x1c1: {  	s7 =	rddreg [dreg:$0x12];
	[sflag:s10] =	ssyncadd.s32 $0xFFFFE0C0  }
0x1c2: {  	[tilespmem:s13], [sflag:$0x1] =	stream.indirect.gather [hbm4b:s4+s12], $0x40, s7, s12, $0xb8;
	[tilespmem:$0xF280] =	vst v63  }
0x1c3: {  	_ =	swait.ge [sflag:s16], $0x1F40  }
0x1c4: {  	[sflag:s16] =	ssyncset.done $0x0  }
0x1c5: {  	s8 =	rddreg [dreg:$0x13];
	[sflag:s16] =	ssyncadd.s32 $0xFFFFE0C0  }
0x1c6: {  	[spmem:s2] =	stream.indirect.scatter.add.f32 [tilespmem:s14], [sflag:$0x3], $0x40, s8, s12, $0xb8;
	[tilespmem:$0xF280] =	vst v63  }
0x1c7: {  	_ =	swait.ge [sflag:s10], $0x1F40  }
0x1c8: {  	[sflag:s10] =	ssyncset.done $0x0  }
0x1c9: {  	s9 =	rddreg [dreg:$0x14];
	[sflag:s10] =	ssyncadd.s32 $0xFFFFE0C0  }
0x1ca: {  	[tilespmem:s14], [sflag:$0x2] =	stream.indirect.gather [hbm4b:s4+s12], $0x40, s9, s12, $0xb8;
	[tilespmem:$0xF280] =	vst v63  }
0x1cb: {  	_ =	swait.ge [sflag:s15], $0x1F40  }
0x1cc: {  	[sflag:s15] =	ssyncset.done $0x0  }
0x1cd: {  	s7 =	rddreg [dreg:$0x15];
	[sflag:s15] =	ssyncadd.s32 $0xFFFFE0C0  }
0x1ce: {  	[spmem:s2] =	stream.indirect.scatter.add.f32 [tilespmem:s13], [sflag:$0x3], $0x40, s7, s12, $0xb8;
	[tilespmem:$0xF280] =	vst v63  }
0x1cf: {  	_ =	swait.ge [sflag:s10], $0x1F40  }
0x1d0: {  	[sflag:s10] =	ssyncset.done $0x0  }
0x1d1: {  	s8 =	rddreg [dreg:$0x16];
	[sflag:s10] =	ssyncadd.s32 $0xFFFFE0C0  }
0x1d2: {  	[tilespmem:s13], [sflag:$0x1] =	stream.indirect.gather [hbm4b:s4+s12], $0x40, s8, s12, $0xb8;
	[tilespmem:$0xF280] =	vst v63  }
0x1d3: {  	_ =	swait.ge [sflag:s16], $0x1F40  }
0x1d4: {  	[sflag:s16] =	ssyncset.done $0x0  }
0x1d5: {  	s9 =	rddreg [dreg:$0x17];
	[sflag:s16] =	ssyncadd.s32 $0xFFFFE0C0  }
0x1d6: {  	[spmem:s2] =	stream.indirect.scatter.add.f32 [tilespmem:s14], [sflag:$0x3], $0x40, s9, s12, $0xb8;
	[tilespmem:$0xF280] =	vst v63  }
0x1d7: {  	_ =	swait.ge [sflag:s10], $0x1F40  }
0x1d8: {  	[sflag:s10] =	ssyncset.done $0x0  }
0x1d9: {  	s7 =	rddreg [dreg:$0x18];
	[sflag:s10] =	ssyncadd.s32 $0xFFFFE0C0  }
0x1da: {  	[tilespmem:s14], [sflag:$0x2] =	stream.indirect.gather [hbm4b:s4+s12], $0x40, s7, s12, $0xb8;
	[tilespmem:$0xF280] =	vst v63  }
0x1db: {  	_ =	swait.ge [sflag:s15], $0x1F40  }
0x1dc: {  	[sflag:s15] =	ssyncset.done $0x0  }
0x1dd: {  	s8 =	rddreg [dreg:$0x19];
	[sflag:s15] =	ssyncadd.s32 $0xFFFFE0C0  }
0x1de: {  	[spmem:s2] =	stream.indirect.scatter.add.f32 [tilespmem:s13], [sflag:$0x3], $0x40, s8, s12, $0xb8;
	[tilespmem:$0xF280] =	vst v63  }
0x1df: {  	_ =	swait.ge [sflag:s10], $0x1F40  }
0x1e0: {  	[sflag:s10] =	ssyncset.done $0x0  }
0x1e1: {  	[sflag:s10] =	ssyncadd.s32 $0xFFFFE0C0  }
0x1e2: {  	[tilespmem:s13], [sflag:$0x1] =	stream.indirect.gather [hbm4b:s4+s12], $0x40, s17, s12, $0xb8;
	[tilespmem:$0xF280] =	vst v63  }
0x1e3: {  	_ =	swait.ge [sflag:s16], $0x1F40  }
0x1e4: {  	[sflag:s16] =	ssyncset.done $0x0  }
0x1e5: {  	[sflag:s16] =	ssyncadd.s32 $0xFFFFE0C0  }
0x1e6: {  	[spmem:s2] =	stream.indirect.scatter.add.f32 [tilespmem:s14], [sflag:$0x3], $0x40, s18, s12, $0xb8;
	[tilespmem:$0xF280] =	vst v63  }
0x1e7: {  	_ =	swait.ge [sflag:s10], $0x1F40  }
0x1e8: {  	[sflag:s10] =	ssyncset.done $0x0  }
0x1e9: {  	[sflag:s10] =	ssyncadd.s32 $0xFFFFE0C0  }
0x1ea: {  	[tilespmem:s14], [sflag:$0x2] =	stream.indirect.gather [hbm4b:s4+s12], $0x40, s19, s12, $0xb8;
	[tilespmem:$0xF280] =	vst v63  }
0x1eb: {  	_ =	swait.ge [sflag:s15], $0x1F40  }
0x1ec: {  	[sflag:s15] =	ssyncset.done $0x0  }
0x1ed: {  	[sflag:s15] =	ssyncadd.s32 $0xFFFFE0C0  }
0x1ee: {  	[spmem:s2] =	stream.indirect.scatter.add.f32 [tilespmem:s13], [sflag:$0x3], $0x40, s20, s12, $0xb8;
	[tilespmem:$0xF280] =	vst v63  }
0x1ef: {  	_ =	swait.ge [sflag:s10], $0x1F40  }
0x1f0: {  	[sflag:s10] =	ssyncset.done $0x0  }
0x1f1: {  	[sflag:s10] =	ssyncadd.s32 $0xFFFFE0C0  }
0x1f2: {  	[tilespmem:s13], [sflag:$0x1] =	stream.indirect.gather [hbm4b:s4+s12], $0x40, s21, s12, $0xb8;
	[tilespmem:$0xF280] =	vst v63  }
0x1f3: {  	_ =	swait.ge [sflag:s16], $0x1F40  }
0x1f4: {  	[sflag:s16] =	ssyncset.done $0x0  }
0x1f5: {  	[sflag:s16] =	ssyncadd.s32 $0xFFFFE0C0  }
0x1f6: {  	[spmem:s2] =	stream.indirect.scatter.add.f32 [tilespmem:s14], [sflag:$0x3], $0x40, s22, s12, $0xb8;
	[tilespmem:$0xF280] =	vst v63  }
0x1f7: {  	_ =	swait.ge [sflag:s10], $0x1F40  }
0x1f8: {  	[sflag:s10] =	ssyncset.done $0x0  }
0x1f9: {  	[sflag:s10] =	ssyncadd.s32 $0xFFFFE0C0  }
0x1fa: {  	[tilespmem:s14], [sflag:$0x2] =	stream.indirect.gather [hbm4b:s4+s12], $0x40, s23, s12, $0xb8;
	[tilespmem:$0xF280] =	vst v63  }
0x1fb: {  	_ =	swait.ge [sflag:s15], $0x1F40  }
0x1fc: {  	[sflag:s15] =	ssyncset.done $0x0  }
0x1fd: {  	[sflag:s15] =	ssyncadd.s32 $0xFFFFE0C0  }
0x1fe: {  	[spmem:s2] =	stream.indirect.scatter.add.f32 [tilespmem:s13], [sflag:$0x3], $0x40, s24, s12, $0xb8;
	[tilespmem:$0xF280] =	vst v63  }
0x1ff: {  	_ =	swait.ge [sflag:s10], $0x1F40  }
0x200: {  	[sflag:s10] =	ssyncset.done $0x0  }
0x201: {  	[sflag:s10] =	ssyncadd.s32 $0xFFFFE0C0  }
0x202: {  	[tilespmem:s13], [sflag:$0x1] =	stream.indirect.gather [hbm4b:s4+s12], $0x40, s25, s12, $0xb8;
	[tilespmem:$0xF280] =	vst v63  }
0x203: {  	_ =	swait.ge [sflag:s16], $0x1F40  }
0x204: {  	[sflag:s16] =	ssyncset.done $0x0  }
0x205: {  	[sflag:s16] =	ssyncadd.s32 $0xFFFFE0C0  }
0x206: {  	[spmem:s2] =	stream.indirect.scatter.add.f32 [tilespmem:s14], [sflag:$0x3], $0x40, s26, s12, $0xb8;
	[tilespmem:$0xF280] =	vst v63  }
0x207: {  	_ =	swait.ge [sflag:s10], $0x1F40  }
0x208: {  	[sflag:s10] =	ssyncset.done $0x0  }
0x209: {  	[sflag:s10] =	ssyncadd.s32 $0xFFFFE0C0  }
0x20a: {  	[tilespmem:s14], [sflag:$0x2] =	stream.indirect.gather [hbm4b:s4+s12], $0x40, s28, s12, $0xb8;
	[tilespmem:$0xF280] =	vst v63  }
0x20b: {  	_ =	swait.ge [sflag:s15], $0x1F40  }
0x20c: {  	[sflag:s15] =	ssyncset.done $0x0  }
0x20d: {  	[sflag:s15] =	ssyncadd.s32 $0xFFFFE0C0  }
0x20e: {  	[spmem:s2] =	stream.indirect.scatter.add.f32 [tilespmem:s13], [sflag:$0x3], $0x40, s29, s12, $0xb8;
	[tilespmem:$0xF280] =	vst v63  }
0x20f: {  	_ =	swait.ge [sflag:s10], $0x1F40  }
0x210: {  	[sflag:s10] =	ssyncset.done $0x0  }
0x211: {  	[sflag:s10] =	ssyncadd.s32 $0xFFFFE0C0  }
0x212: {  	[tilespmem:s13], [sflag:$0x1] =	stream.indirect.gather [hbm4b:s4+s12], $0x40, s30, s12, $0xb8;
	[tilespmem:$0xF280] =	vst v63  }
0x213: {  	_ =	swait.ge [sflag:s16], $0x1F40  }
0x214: {  	[sflag:s16] =	ssyncset.done $0x0  }
0x215: {  	[sflag:s16] =	ssyncadd.s32 $0xFFFFE0C0  }
0x216: {  	[spmem:s2] =	stream.indirect.scatter.add.f32 [tilespmem:s14], [sflag:$0x3], $0x40, s31, s12, $0xb8;
	[tilespmem:$0xF280] =	vst v63  }
0x217: {  	_ =	swait.ge [sflag:s10], $0x1F40  }
0x218: {  	[sflag:s10] =	ssyncset.done $0x0  }
0x219: {  	[sflag:s10] =	ssyncadd.s32 $0xFFFFE0C0  }
0x21a: {  	[tilespmem:s14], [sflag:$0x2] =	stream.indirect.gather [hbm4b:s4+s12], $0x40, s1, s12, $0xb8;
	[tilespmem:$0xF280] =	vst v63  }
0x21b: {  	_ =	swait.ge [sflag:s15], $0x1F40  }
0x21c: {  	[sflag:s15] =	ssyncset.done $0x0  }
0x21d: {  	[sflag:s15] =	ssyncadd.s32 $0xFFFFE0C0  }
0x21e: {  	[spmem:s2] =	stream.indirect.scatter.add.f32 [tilespmem:s13], [sflag:$0x3], $0x40, s0, s12, $0xb8;
	[tilespmem:$0xF280] =	vst v63  }
0x21f: {  	_ =	swait.ge [sflag:s10], $0x1F40  }
0x220: {  	[sflag:s10] =	ssyncset.done $0x0  }
0x221: {  	[sflag:s10] =	ssyncadd.s32 $0xFFFFE0C0  }
0x222: {  	_ =	swait.ge [sflag:s16], $0x1F40  }
0x223: {  	[sflag:s16] =	ssyncset.done $0x0  }
0x224: {  	[sflag:s16] =	ssyncadd.s32 $0xFFFFE0C0  }
0x225: {  	[spmem:s2] =	stream.indirect.scatter.add.f32 [tilespmem:s14], [sflag:$0x3], $0x40, s5, s12, $0xb8;
	[tilespmem:$0xF280] =	vst v63  }
0x226: {  	_ =	swait.ge [sflag:s10], $0x1F40  }
0x227: {  	[sflag:s10] =	ssyncset.done $0x0  }
0x228: {  	[sflag:s10] =	ssyncadd.s32 $0xFFFFE0C0  }
0x229: {  	[bflag:$0x0] =	sbarrier.arrive $0xFFFF  }
0x22a: {  	s7 =	rddreg [dreg:$0x1b]  }
0x22b: {  	s9 =	rddreg [dreg:$0x1c]  }
0x22c: {  	s8 =	rddreg [dreg:$0x1e]  }
0x22d: {  	[hbm:s9], [sflag:s7] =	dma.local [spmem:s8], $0x1400  }
0x22e: {  	_ =	swait.ge [sflag:s10], $0x1400  }
0x22f: {  	s6 =	rddreg [dreg:$0x1f]  }
0x230: {  	s9 =	sadd.s32 $0x1, s6;
	s6 =	rddreg [dreg:$0x1d]  }
0x231: {  	p0 =	sne.s32 s9, s6  }
.Ltmp1:
0x232: {  	_ = 	snop;
	(pc) =	sbr.rel @p0 .LBB2_1-.Ltmp1, $3  }
0x233: {  	_ =	sdelay $0x1  }
0x234: {  	[sflag:s10] =	ssyncset.done $0x0  }
0x235: {  	[sflag:s10] =	ssyncadd.s32 $0xFFFFEC00  }
0x236: {  	_ =	sfence.sel $0x180000  }
0x237: {  	[bflag:$0x0] =	sbarrier.arrive $0xFFFF  }
0x238: {  	_ =	strace $0x90000053  }
0x239: {  	s0 =	stileid.u32;
	[bflag:$0x2] =	sbarrier.arrive $0xFFFF  }
0x23a: {  	p0 =	sne.s32 s0, $0x0;
	s0 =	rddreg [dreg:$0x2]  }
0x23b: {  	s0 =	sadd.s32 @!p0 $0x100000, s0  }
0x23c: {  	[sflag:s0] =	ssyncadd.tile.s32 @!p0 $0x1;
	_ =	shalt  }
.Lfunc_end2:
_tile_overlayer_lowered:
.L_overlay_start_2:
0x23d: {  	(tag) =	ssettag $0x2  }
0x23e: {  	s0 =	rddreg [dreg:$0x0];
	s2 =	stileid.u32  }
0x23f: {  	s1 =	rddreg [dreg:$0x1];
	p0 =	sne.s32 s2, $0x0  }
0x240: {  	s3 =	rddreg [dreg:$0x2];
	[bflag:$0x3] =	sbarrier.arrive $0xFFFF;
	s2 =	simm.s32 @!p0 $0x1C03  }
0x241: {  	[timem:s3], [sflag:s2] =	dma.local @!p0 [hbm:s0], s1  }
0x242: {  	s0 =	simm.s32 @!p0 $0x3  }
0x243: {  	_ =	swait.ge @!p0 [sflag:s0], s1  }
0x244: {  	s1 =	ssub.s32 @!p0 $0x0, s1;
	[sflag:s0] =	ssyncset.done @!p0 $0x0  }
0x245: {  	[sflag:s0] =	ssyncadd.s32 @!p0 s1  }
0x246: {  	[bflag:$0x3] =	sbarrier.arrive $0xFFFF  }
0x247: {  	_ =	shalt  }

</sc_bundles>
